<compile_context>
chip_gen: v7x
topology: tpu7x:2x2x1
jax: 0.10.2.dev20260603
libtpu: 0.0.44.dev20260713+nightly
codegen_flags: <defaults>
</compile_context>

<pallas_src>
import functools
import math

import jax
import jax.numpy as jnp
import numpy as np
from jax import lax
from jax.experimental import pallas as pl
from jax.experimental.pallas import tpu as pltpu
from jax.experimental.pallas import tpu_sc as plsc

N_ATOMS = 10000
N_EDGES = 320000
D = 128
NF = 128
NRBF = 20
MAXZ = 101
CUTOFF = 5.0

SC_CORES = 2
SC_SUBCORES = 16
EDGES_PER_CORE = N_EDGES // SC_CORES
EDGES_PER_SUB = EDGES_PER_CORE // SC_SUBCORES
BE = 80
NBLK = EDGES_PER_SUB // BE
ROWS_PER_SUB = 624
ROWS_TAIL = N_ATOMS - ROWS_PER_SUB * SC_SUBCORES

BN = 1000
BE_TC = 4000

_HI = jax.lax.Precision.HIGHEST
_DEF = jax.lax.Precision.DEFAULT
_MEGACORE = pltpu.CompilerParams(dimension_semantics=("parallel",))


def _ssp(x):
    return jnp.maximum(x, 0.0) + jnp.log(1.0 + jnp.exp(-jnp.abs(x))) - np.float32(np.log(2.0))


def _embed_body(z_ref, emb_ref, w_ref, x_ref, h_ref):
    z = z_ref[0, 0, :]
    oh = (z[:, None] == lax.broadcasted_iota(jnp.int32, (BN, MAXZ), 1)).astype(jnp.float32)
    x = jnp.dot(oh, emb_ref[...], precision=_HI)
    x_ref[...] = x
    h_ref[...] = jnp.dot(x, w_ref[...], precision=_HI)


def _embed_call(z3, emb, w0):
    grid = (N_ATOMS // BN,)
    return pl.pallas_call(
        _embed_body,
        grid=grid,
        in_specs=[
            pl.BlockSpec((1, 1, BN), lambda i: (i, 0, 0)),
            pl.BlockSpec((MAXZ, D), lambda i: (0, 0)),
            pl.BlockSpec((D, NF), lambda i: (0, 0)),
        ],
        out_specs=[
            pl.BlockSpec((BN, D), lambda i: (i, 0)),
            pl.BlockSpec((BN, NF), lambda i: (i, 0)),
        ],
        out_shape=[
            jax.ShapeDtypeStruct((N_ATOMS, D), jnp.float32),
            jax.ShapeDtypeStruct((N_ATOMS, NF), jnp.float32),
        ],
        compiler_params=_MEGACORE,
    )(z3, emb, w0)


_RCUT_COEF = tuple(np.float32(v) for v in (
    1.0, -4.93480110168457, 4.058694839477539, -1.3351584672927856,
    0.23502980172634125, -0.025358984246850014, 0.0015939107397571206,
))


def _wij_body(r_ref, w1_ref, b1_ref, w2_ref, b2_ref, o_ref):
    r = r_ref[...]
    d2 = jnp.sum(r * r, axis=1, keepdims=True)
    d = jnp.sqrt(d2)
    width = np.float32(np.float32(CUTOFF) / (NRBF - 1))
    coeff = np.float32(-0.5 / (width * width))
    offsets = lax.broadcasted_iota(jnp.int32, (1, NRBF), 1).astype(jnp.float32) * width
    f = jnp.exp(coeff * (d - offsets) ** 2)
    t = _ssp(jnp.dot(f, w1_ref[...], precision=_DEF) + b1_ref[...])
    t = jnp.dot(t, w2_ref[...], precision=_DEF) + b2_ref[...]
    z = d2 * np.float32(1.0 / (CUTOFF * CUTOFF))
    p = jnp.full_like(z, _RCUT_COEF[-1])
    for c in _RCUT_COEF[-2::-1]:
        p = p * z + c
    rcut = 0.5 * (p + 1.0) * (z < 1.0).astype(jnp.float32)
    o_ref[...] = t * rcut


def _wij_call(r_ij, w1, b1, w2, b2):
    grid = (N_EDGES // BE_TC,)
    return pl.pallas_call(
        _wij_body,
        grid=grid,
        in_specs=[
            pl.BlockSpec((BE_TC, 3), lambda i: (i, 0)),
            pl.BlockSpec((NRBF, NF), lambda i: (0, 0)),
            pl.BlockSpec((1, NF), lambda i: (0, 0)),
            pl.BlockSpec((NF, NF), lambda i: (0, 0)),
            pl.BlockSpec((1, NF), lambda i: (0, 0)),
        ],
        out_specs=pl.BlockSpec((BE_TC, NF), lambda i: (i, 0)),
        out_shape=jax.ShapeDtypeStruct((N_EDGES, NF), jnp.float32),
        compiler_params=_MEGACORE,
    )(r_ij, w1, b1.reshape(1, NF), w2, b2.reshape(1, NF))



@functools.lru_cache(maxsize=None)
def _make_sc_fused():
    mesh = plsc.VectorSubcoreMesh(
        core_axis_name="c", subcore_axis_name="s",
        num_cores=SC_CORES, num_subcores=SC_SUBCORES,
    )
    return pl.kernel(
        _sc_fused_body,
        out_type=jax.ShapeDtypeStruct((SC_CORES, N_ATOMS, D), jnp.float32),
        mesh=mesh,
        scratch_types=[
            pltpu.VMEM_SHARED((N_ATOMS, D), jnp.float32),
            pltpu.VMEM((BE,), jnp.int32),
            pltpu.VMEM((BE,), jnp.int32),
            pltpu.VMEM((BE,), jnp.int32),
            pltpu.VMEM((BE,), jnp.int32),
            pltpu.VMEM((BE, D), jnp.float32),
            pltpu.VMEM((BE, D), jnp.float32),
            pltpu.VMEM((BE, D), jnp.float32),
            pltpu.VMEM((BE, D), jnp.float32),
            pltpu.SemaphoreType.DMA,
            pltpu.SemaphoreType.DMA,
            pltpu.SemaphoreType.DMA,
            pltpu.SemaphoreType.DMA,
            pltpu.SemaphoreType.DMA,
            pltpu.SemaphoreType.DMA,
        ],
    )


def _sc_call(h, wij, idx_i, idx_j, zeros):
    wij4 = wij.reshape(SC_CORES, SC_SUBCORES, NBLK, BE, NF)
    idxi4 = idx_i.reshape(SC_CORES, SC_SUBCORES, NBLK, BE)
    idxj4 = idx_j.reshape(SC_CORES, SC_SUBCORES, NBLK, BE)
    return _make_sc_fused()(h, wij4, idxi4, idxj4, zeros)


def _sc_fused_body(h_hbm, wij_hbm, idxi_hbm, idxj_hbm, zero_hbm, out_hbm,
                   agg_sh, idxi0, idxi1, idxj0, idxj1,
                   rows0, rows1, wijb0, wijb1,
                   sg0, sg1, sw0, sw1, si0, si1):
    cid = lax.axis_index("c")
    sid = lax.axis_index("s")
    idxi = (idxi0, idxi1)
    idxj = (idxj0, idxj1)
    rows = (rows0, rows1)
    wijb = (wijb0, wijb1)
    sg = (sg0, sg1)
    sw = (sw0, sw1)
    si = (si0, si1)

    pltpu.sync_copy(zero_hbm, agg_sh.at[pl.ds(sid * ROWS_PER_SUB, ROWS_PER_SUB)])

    @pl.when(sid == SC_SUBCORES - 1)
    def _zero_tail():
        pltpu.sync_copy(zero_hbm.at[pl.ds(0, ROWS_TAIL)],
                        agg_sh.at[pl.ds(SC_SUBCORES * ROWS_PER_SUB, ROWS_TAIL)])

    plsc.subcore_barrier()

    def start_idx(blk, p):
        pltpu.async_copy(idxi_hbm.at[cid, sid, blk], idxi[p], si[p])
        pltpu.async_copy(idxj_hbm.at[cid, sid, blk], idxj[p], si[p])

    def wait_idx(blk, p):
        pltpu.make_async_copy(idxi_hbm.at[cid, sid, blk], idxi[p], si[p]).wait()
        pltpu.make_async_copy(idxj_hbm.at[cid, sid, blk], idxj[p], si[p]).wait()

    def start_gw(blk, p):
        pltpu.async_copy(h_hbm.at[idxj[p]], rows[p], sg[p])
        pltpu.async_copy(wij_hbm.at[cid, sid, blk], wijb[p], sw[p])

    def wait_gw(blk, p):
        pltpu.make_async_copy(h_hbm.at[idxj[p]], rows[p], sg[p]).wait()
        pltpu.make_async_copy(wij_hbm.at[cid, sid, blk], wijb[p], sw[p]).wait()

    def process(blk, p, static_last=False):
        if not static_last:
            @pl.when(blk + 1 < NBLK)
            def _gw_next():
                wait_idx(blk + 1, 1 - p)
                start_gw(blk + 1, 1 - p)

        wait_gw(blk, p)

        @plsc.parallel_loop(0, BE, unroll=4)
        def _row(i):
            for j in range(D // 16):
                sl = (i, pl.ds(j * 16, 16))
                rows[p][sl] = rows[p][sl] * wijb[p][sl]

        pltpu.sync_copy(rows[p], agg_sh.at[idxi[p]], add=True)

        if not static_last:
            @pl.when(blk + 2 < NBLK)
            def _idx_next():
                start_idx(blk + 2, p)

    start_idx(0, 0)
    start_idx(1, 1)
    wait_idx(0, 0)
    start_gw(0, 0)

    @pl.loop(0, NBLK - 1, step=2)
    def _block(b):
        for p in range(2):
            process(b + p, p)

    process(NBLK - 1, 0, static_last=True)
    plsc.subcore_barrier()
    pltpu.sync_copy(
        agg_sh.at[pl.ds(sid * ROWS_PER_SUB, ROWS_PER_SUB)],
        out_hbm.at[cid, pl.ds(sid * ROWS_PER_SUB, ROWS_PER_SUB)],
    )

    @pl.when(sid == SC_SUBCORES - 1)
    def _write_tail():
        pltpu.sync_copy(
            agg_sh.at[pl.ds(SC_SUBCORES * ROWS_PER_SUB, ROWS_TAIL)],
            out_hbm.at[cid, pl.ds(SC_SUBCORES * ROWS_PER_SUB, ROWS_TAIL)],
        )


def _out_body(p_ref, x_ref, w1_ref, b1_ref, w2_ref, b2_ref, wn_ref, xo_ref, ho_ref):
    agg = p_ref[0] + p_ref[1]
    t = _ssp(jnp.dot(agg, w1_ref[...], precision=_HI) + b1_ref[...])
    v = jnp.dot(t, w2_ref[...], precision=_HI) + b2_ref[...]
    xn = x_ref[...] + v
    xo_ref[...] = xn
    ho_ref[...] = jnp.dot(xn, wn_ref[...], precision=_HI)


def _out_last_body(p_ref, x_ref, w1_ref, b1_ref, w2_ref, b2_ref, xo_ref):
    agg = p_ref[0] + p_ref[1]
    t = _ssp(jnp.dot(agg, w1_ref[...], precision=_HI) + b1_ref[...])
    v = jnp.dot(t, w2_ref[...], precision=_HI) + b2_ref[...]
    xo_ref[...] = x_ref[...] + v


def _out_call(partials, x, w1, b1, w2, b2, wn):
    grid = (N_ATOMS // BN,)
    common_in = [
        pl.BlockSpec((SC_CORES, BN, D), lambda i: (0, i, 0)),
        pl.BlockSpec((BN, D), lambda i: (i, 0)),
        pl.BlockSpec((NF, D), lambda i: (0, 0)),
        pl.BlockSpec((1, D), lambda i: (0, 0)),
        pl.BlockSpec((D, D), lambda i: (0, 0)),
        pl.BlockSpec((1, D), lambda i: (0, 0)),
    ]
    if wn is None:
        return pl.pallas_call(
            _out_last_body,
            grid=grid,
            in_specs=common_in,
            out_specs=pl.BlockSpec((BN, D), lambda i: (i, 0)),
            out_shape=jax.ShapeDtypeStruct((N_ATOMS, D), jnp.float32),
            compiler_params=_MEGACORE,
        )(partials, x, w1, b1.reshape(1, D), w2, b2.reshape(1, D))
    return pl.pallas_call(
        _out_body,
        grid=grid,
        in_specs=common_in + [pl.BlockSpec((D, NF), lambda i: (0, 0))],
        out_specs=[
            pl.BlockSpec((BN, D), lambda i: (i, 0)),
            pl.BlockSpec((BN, NF), lambda i: (i, 0)),
        ],
        out_shape=[
            jax.ShapeDtypeStruct((N_ATOMS, D), jnp.float32),
            jax.ShapeDtypeStruct((N_ATOMS, NF), jnp.float32),
        ],
        compiler_params=_MEGACORE,
    )(partials, x, w1, b1.reshape(1, D), w2, b2.reshape(1, D), wn)


def kernel(atomic_numbers, r_ij, idx_i, idx_j, emb,
           W_in2f, W_fn1, b_fn1, W_fn2, b_fn2,
           W_f2o1, b_f2o1, W_f2o2, b_f2o2):
    L = W_in2f.shape[0]
    z3 = atomic_numbers.astype(jnp.int32).reshape(N_ATOMS // BN, 1, BN)
    idx_i = idx_i.astype(jnp.int32)
    idx_j = idx_j.astype(jnp.int32)
    zeros = jnp.zeros((ROWS_PER_SUB, D), jnp.float32)

    x, h = _embed_call(z3, emb, W_in2f[0])
    for l in range(L):
        wij = _wij_call(r_ij, W_fn1[l], b_fn1[l], W_fn2[l], b_fn2[l])
        partials = _sc_call(h, wij, idx_i, idx_j, zeros)
        if l < L - 1:
            x, h = _out_call(partials, x, W_f2o1[l], b_f2o1[l],
                             W_f2o2[l], b_f2o2[l], W_in2f[l + 1])
        else:
            x = _out_call(partials, x, W_f2o1[l], b_f2o1[l],
                          W_f2o2[l], b_f2o2[l], None)
    return x

# --- scband reference (transcript-rebuilt; emitter-appended) ---
"""Pipeline reference for scband-sch-net-67542655697757 (READ-ONLY COPY).

The authoritative reference and input builder live on the scoring server;
editing this copy changes nothing except your own understanding.
"""

import jax, jax.numpy as jnp
import numpy as np

N_ATOMS = 10000
N_EDGES = 320000
D = 128       # n_atom_basis
NF = 128      # n_filters
NRBF = 20
L = 3         # n_interactions
MAXZ = 101
CUTOFF = 5.0


def shifted_softplus(x):
    return jax.nn.softplus(x) - jnp.log(2.0)


def setup_inputs(seed: int = 0) -> dict:
    key = jax.random.key(seed)
    ks = jax.random.split(key, 12)

    atomic_numbers = jax.random.randint(ks[0], (N_ATOMS,), 0, MAXZ)
    r_ij = jax.random.normal(ks[1], (N_EDGES, 3), dtype=jnp.float32)
    idx_i = jnp.sort(jax.random.randint(ks[2], (N_EDGES,), 0, N_ATOMS))
    idx_j = jax.random.randint(ks[3], (N_EDGES,), 0, N_ATOMS)

    def glorot(k, shape):
        fan_in, fan_out = shape[-2], shape[-1]
        s = jnp.sqrt(2.0 / (fan_in + fan_out)).astype(jnp.float32)
        return jax.random.normal(k, shape, dtype=jnp.float32) * s

    emb = jax.random.normal(ks[4], (MAXZ, D), dtype=jnp.float32) * 0.1
    emb = emb.at[0].set(0.0)  # padding_idx=0

    W_in2f = glorot(ks[5], (L, D, NF))
    W_fn1 = glorot(ks[6], (L, NRBF, NF))
    b_fn1 = jnp.zeros((L, NF), dtype=jnp.float32)
    W_fn2 = glorot(ks[7], (L, NF, NF))
    b_fn2 = jnp.zeros((L, NF), dtype=jnp.float32)
    W_f2o1 = glorot(ks[8], (L, NF, D))
    b_f2o1 = jnp.zeros((L, D), dtype=jnp.float32)
    W_f2o2 = glorot(ks[9], (L, D, D))
    b_f2o2 = jnp.zeros((L, D), dtype=jnp.float32)

    return {
        "atomic_numbers": atomic_numbers,
        "r_ij": r_ij,
        "idx_i": idx_i,
        "idx_j": idx_j,
        "emb": emb,
        "W_in2f": W_in2f,
        "W_fn1": W_fn1, "b_fn1": b_fn1,
        "W_fn2": W_fn2, "b_fn2": b_fn2,
        "W_f2o1": W_f2o1, "b_f2o1": b_f2o1,
        "W_f2o2": W_f2o2, "b_f2o2": b_f2o2,
    }


def reference(atomic_numbers, r_ij, idx_i, idx_j, emb,
              W_in2f, W_fn1, b_fn1, W_fn2, b_fn2,
              W_f2o1, b_f2o1, W_f2o2, b_f2o2):
    # distances
    d_ij = jnp.linalg.norm(r_ij, axis=1)

    # GaussianRBF radial basis (schnetpack-style)
    offsets = jnp.linspace(0.0, CUTOFF, NRBF).astype(jnp.float32)
    width = offsets[1] - offsets[0]
    coeff = -0.5 / (width ** 2)
    f_ij = jnp.exp(coeff * (d_ij[:, None] - offsets[None, :]) ** 2)

    # CosineCutoff
    rcut_ij = 0.5 * (jnp.cos(d_ij * jnp.pi / CUTOFF) + 1.0) * (d_ij < CUTOFF).astype(jnp.float32)

    # nuclear embedding
    x = jnp.take(emb, atomic_numbers, axis=0)

    for l in range(L):
        # SchNetInteraction
        h = x @ W_in2f[l]  # in2f, no bias
        Wij = shifted_softplus(f_ij @ W_fn1[l] + b_fn1[l]) @ W_fn2[l] + b_fn2[l]
        Wij = Wij * rcut_ij[:, None]
        x_j = jnp.take(h, idx_j, axis=0)
        x_ij = x_j * Wij
        agg = jax.ops.segment_sum(x_ij, idx_i, num_segments=N_ATOMS)
        v = shifted_softplus(agg @ W_f2o1[l] + b_f2o1[l]) @ W_f2o2[l] + b_f2o2[l]
        x = x + v

    return x  # scalar_representation [N_ATOMS, D]

if __name__ == "__main__":
    import jax
    _d = setup_inputs()
    print(jax.jit(kernel)(*tuple(_d.values())))

</pallas_src>

<mosaic_0001>
#map = affine_map<(d0, d1) -> (0, 0)>
#map1 = affine_map<(d0, d1) -> (0, 0, 0, 0, 0)>
#map2 = affine_map<(d0, d1) -> (0, 0, 0, 0)>
#map3 = affine_map<(d0, d1) -> (0, 0, 0)>
module attributes {stable_mosaic.version = 14 : i64} {
  func.func @_sc_fused_body(%arg0: i32, %arg1: i32, %arg2: memref<10000x128xf32, #tpu.memory_space<hbm>>, %arg3: memref<2x16x125x80x128xf32, #tpu.memory_space<hbm>>, %arg4: memref<2x16x125x80xi32, #tpu.memory_space<hbm>>, %arg5: memref<2x16x125x80xi32, #tpu.memory_space<hbm>>, %arg6: memref<624x128xf32, #tpu.memory_space<hbm>>, %arg7: memref<2x10000x128xf32, #tpu.memory_space<hbm>>, %arg8: memref<10000x128xf32, #tpu.memory_space<vmem_shared>>, %arg9: memref<80xi32, #tpu.memory_space<vmem>>, %arg10: memref<80xi32, #tpu.memory_space<vmem>>, %arg11: memref<80xi32, #tpu.memory_space<vmem>>, %arg12: memref<80xi32, #tpu.memory_space<vmem>>, %arg13: memref<80x128xf32, #tpu.memory_space<vmem>>, %arg14: memref<80x128xf32, #tpu.memory_space<vmem>>, %arg15: memref<80x128xf32, #tpu.memory_space<vmem>>, %arg16: memref<80x128xf32, #tpu.memory_space<vmem>>, %arg17: memref<!tpu.dma_semaphore, #tpu.memory_space<semaphore_mem>>, %arg18: memref<!tpu.dma_semaphore, #tpu.memory_space<semaphore_mem>>, %arg19: memref<!tpu.dma_semaphore, #tpu.memory_space<semaphore_mem>>, %arg20: memref<!tpu.dma_semaphore, #tpu.memory_space<semaphore_mem>>, %arg21: memref<!tpu.dma_semaphore, #tpu.memory_space<semaphore_mem>>, %arg22: memref<!tpu.dma_semaphore, #tpu.memory_space<semaphore_mem>>) attributes {dimension_semantics = [#tpu.dimension_semantics<core_parallel>, #tpu.dimension_semantics<subcore_parallel>], iteration_bounds = array<i64: 2, 16>, scalar_prefetch = 0 : i64, scratch_operands = 15 : i64, tpu.core_type = #tpu.core_type<sc_vector_subcore>, window_params = [{transform_indices = #map}, {transform_indices = #map1}, {transform_indices = #map2}, {transform_indices = #map2}, {transform_indices = #map}, {transform_indices = #map3}]} {
    %mul3A = arith.constant 624 : i32
    %mul3A_0 = arith.muli %arg1, %mul3A : i32
    "tpu.region"() ({
      %run_scoped3A = tpu.sem_alloc : memref<!tpu.dma_semaphore, #tpu.memory_space<semaphore_mem>>
      %dma_start3A_83 = arith.constant 0 : i32
      %dma_start3A_84 = tpu.memref_slice %arg8[%mul3A_0, %dma_start3A_83] : memref<10000x128xf32, #tpu.memory_space<vmem_shared>> -> memref<624x128xf32, #tpu.memory_space<vmem_shared>>
      tpu.enqueue_dma source(%arg6 : memref<624x128xf32, #tpu.memory_space<hbm>>) target(%dma_start3A_84 : memref<624x128xf32, #tpu.memory_space<vmem_shared>>) target_semaphore(%run_scoped3A : memref<!tpu.dma_semaphore, #tpu.memory_space<semaphore_mem>>)
      %dma_wait3A_85 = arith.constant 0 : i32
      %dma_wait3A_86 = tpu.memref_slice %arg8[%mul3A_0, %dma_wait3A_85] : memref<10000x128xf32, #tpu.memory_space<vmem_shared>> -> memref<624x128xf32, #tpu.memory_space<vmem_shared>>
      tpu.wait_dma2 semaphore(%run_scoped3A : memref<!tpu.dma_semaphore, #tpu.memory_space<semaphore_mem>>) src(%arg6 : memref<624x128xf32, #tpu.memory_space<hbm>>) dst(%dma_wait3A_86 : memref<624x128xf32, #tpu.memory_space<vmem_shared>>)
      tpu.yield
    }) : () -> ()
    %eq3A = arith.constant 15 : i32
    %eq3A_1 = arith.cmpi eq, %arg1, %eq3A : i32
    %convert_element_type3A = arith.extui %eq3A_1 : i1 to i32
    %cond3A = arith.constant 0 : i32
    %cond3A_2 = arith.cmpi ne, %convert_element_type3A, %cond3A : i32
    scf.if %cond3A_2 {
      "tpu.region"() ({
        %run_scoped3A = tpu.sem_alloc : memref<!tpu.dma_semaphore, #tpu.memory_space<semaphore_mem>>
        %dma_start3A_83 = arith.constant 9984 : i32
        %dma_start3A_84 = arith.constant 0 : i32
        %dma_start3A_85 = tpu.memref_slice %arg8[%dma_start3A_83, %dma_start3A_84] : memref<10000x128xf32, #tpu.memory_space<vmem_shared>> -> memref<16x128xf32, #tpu.memory_space<vmem_shared>>
        %dma_start3A_86 = arith.constant 0 : i32
        %dma_start3A_87 = arith.constant 0 : i32
        %dma_start3A_88 = tpu.memref_slice %arg6[%dma_start3A_86, %dma_start3A_87] : memref<624x128xf32, #tpu.memory_space<hbm>> -> memref<16x128xf32, #tpu.memory_space<hbm>>
        tpu.enqueue_dma source(%dma_start3A_88 : memref<16x128xf32, #tpu.memory_space<hbm>>) target(%dma_start3A_85 : memref<16x128xf32, #tpu.memory_space<vmem_shared>>) target_semaphore(%run_scoped3A : memref<!tpu.dma_semaphore, #tpu.memory_space<semaphore_mem>>)
        %dma_wait3A_89 = arith.constant 9984 : i32
        %dma_wait3A_90 = arith.constant 0 : i32
        %dma_wait3A_91 = tpu.memref_slice %arg8[%dma_wait3A_89, %dma_wait3A_90] : memref<10000x128xf32, #tpu.memory_space<vmem_shared>> -> memref<16x128xf32, #tpu.memory_space<vmem_shared>>
        %dma_wait3A_92 = arith.constant 0 : i32
        %dma_wait3A_93 = arith.constant 0 : i32
        %dma_wait3A_94 = tpu.memref_slice %arg6[%dma_wait3A_92, %dma_wait3A_93] : memref<624x128xf32, #tpu.memory_space<hbm>> -> memref<16x128xf32, #tpu.memory_space<hbm>>
        tpu.wait_dma2 semaphore(%run_scoped3A : memref<!tpu.dma_semaphore, #tpu.memory_space<semaphore_mem>>) src(%dma_wait3A_94 : memref<16x128xf32, #tpu.memory_space<hbm>>) dst(%dma_wait3A_91 : memref<16x128xf32, #tpu.memory_space<vmem_shared>>)
        tpu.yield
      }) : () -> ()
    } else {
    }
    %barrier3A = arith.constant 0 : index
    tpu.barrier barrier_id(%barrier3A)
    %dma_start3A = arith.constant 0 : i32
    %dma_start3A_3 = arith.constant 0 : i32
    %dma_start3A_4 = tpu.memref_slice %arg4[%arg0, %arg1, %dma_start3A, %dma_start3A_3] : memref<2x16x125x80xi32, #tpu.memory_space<hbm>> -> memref<1x1x1x80xi32, #tpu.memory_space<hbm>>
    %dma_start3A_5 = tpu.memref_squeeze %dma_start3A_4 : memref<1x1x1x80xi32, #tpu.memory_space<hbm>> -> memref<80xi32, #tpu.memory_space<hbm>>
    %dma_start3A_6 = arith.constant 0 : i32
    %dma_start3A_7 = tpu.memref_slice %arg4[%arg0, %arg1, %dma_start3A, %dma_start3A_6] : memref<2x16x125x80xi32, #tpu.memory_space<hbm>> -> memref<1x1x1x80xi32, #tpu.memory_space<hbm>>
    %dma_start3A_8 = tpu.memref_squeeze %dma_start3A_7 : memref<1x1x1x80xi32, #tpu.memory_space<hbm>> -> memref<80xi32, #tpu.memory_space<hbm>>
    tpu.enqueue_dma source(%dma_start3A_8 : memref<80xi32, #tpu.memory_space<hbm>>) target(%arg9 : memref<80xi32, #tpu.memory_space<vmem>>) target_semaphore(%arg21 : memref<!tpu.dma_semaphore, #tpu.memory_space<semaphore_mem>>)
    %dma_start3A_9 = arith.constant 0 : i32
    %dma_start3A_10 = arith.constant 0 : i32
    %dma_start3A_11 = tpu.memref_slice %arg5[%arg0, %arg1, %dma_start3A_9, %dma_start3A_10] : memref<2x16x125x80xi32, #tpu.memory_space<hbm>> -> memref<1x1x1x80xi32, #tpu.memory_space<hbm>>
    %dma_start3A_12 = tpu.memref_squeeze %dma_start3A_11 : memref<1x1x1x80xi32, #tpu.memory_space<hbm>> -> memref<80xi32, #tpu.memory_space<hbm>>
    %dma_start3A_13 = arith.constant 0 : i32
    %dma_start3A_14 = tpu.memref_slice %arg5[%arg0, %arg1, %dma_start3A_9, %dma_start3A_13] : memref<2x16x125x80xi32, #tpu.memory_space<hbm>> -> memref<1x1x1x80xi32, #tpu.memory_space<hbm>>
    %dma_start3A_15 = tpu.memref_squeeze %dma_start3A_14 : memref<1x1x1x80xi32, #tpu.memory_space<hbm>> -> memref<80xi32, #tpu.memory_space<hbm>>
    tpu.enqueue_dma source(%dma_start3A_15 : memref<80xi32, #tpu.memory_space<hbm>>) target(%arg11 : memref<80xi32, #tpu.memory_space<vmem>>) target_semaphore(%arg21 : memref<!tpu.dma_semaphore, #tpu.memory_space<semaphore_mem>>)
    %dma_start3A_16 = arith.constant 1 : i32
    %dma_start3A_17 = arith.constant 0 : i32
    %dma_start3A_18 = tpu.memref_slice %arg4[%arg0, %arg1, %dma_start3A_16, %dma_start3A_17] : memref<2x16x125x80xi32, #tpu.memory_space<hbm>> -> memref<1x1x1x80xi32, #tpu.memory_space<hbm>>
    %dma_start3A_19 = tpu.memref_squeeze %dma_start3A_18 : memref<1x1x1x80xi32, #tpu.memory_space<hbm>> -> memref<80xi32, #tpu.memory_space<hbm>>
    %dma_start3A_20 = arith.constant 0 : i32
    %dma_start3A_21 = tpu.memref_slice %arg4[%arg0, %arg1, %dma_start3A_16, %dma_start3A_20] : memref<2x16x125x80xi32, #tpu.memory_space<hbm>> -> memref<1x1x1x80xi32, #tpu.memory_space<hbm>>
    %dma_start3A_22 = tpu.memref_squeeze %dma_start3A_21 : memref<1x1x1x80xi32, #tpu.memory_space<hbm>> -> memref<80xi32, #tpu.memory_space<hbm>>
    tpu.enqueue_dma source(%dma_start3A_22 : memref<80xi32, #tpu.memory_space<hbm>>) target(%arg10 : memref<80xi32, #tpu.memory_space<vmem>>) target_semaphore(%arg22 : memref<!tpu.dma_semaphore, #tpu.memory_space<semaphore_mem>>)
    %dma_start3A_23 = arith.constant 1 : i32
    %dma_start3A_24 = arith.constant 0 : i32
    %dma_start3A_25 = tpu.memref_slice %arg5[%arg0, %arg1, %dma_start3A_23, %dma_start3A_24] : memref<2x16x125x80xi32, #tpu.memory_space<hbm>> -> memref<1x1x1x80xi32, #tpu.memory_space<hbm>>
    %dma_start3A_26 = tpu.memref_squeeze %dma_start3A_25 : memref<1x1x1x80xi32, #tpu.memory_space<hbm>> -> memref<80xi32, #tpu.memory_space<hbm>>
    %dma_start3A_27 = arith.constant 0 : i32
    %dma_start3A_28 = tpu.memref_slice %arg5[%arg0, %arg1, %dma_start3A_23, %dma_start3A_27] : memref<2x16x125x80xi32, #tpu.memory_space<hbm>> -> memref<1x1x1x80xi32, #tpu.memory_space<hbm>>
    %dma_start3A_29 = tpu.memref_squeeze %dma_start3A_28 : memref<1x1x1x80xi32, #tpu.memory_space<hbm>> -> memref<80xi32, #tpu.memory_space<hbm>>
    tpu.enqueue_dma source(%dma_start3A_29 : memref<80xi32, #tpu.memory_space<hbm>>) target(%arg12 : memref<80xi32, #tpu.memory_space<vmem>>) target_semaphore(%arg22 : memref<!tpu.dma_semaphore, #tpu.memory_space<semaphore_mem>>)
    %dma_wait3A = arith.constant 0 : i32
    %dma_wait3A_30 = arith.constant 0 : i32
    %dma_wait3A_31 = tpu.memref_slice %arg4[%arg0, %arg1, %dma_wait3A, %dma_wait3A_30] : memref<2x16x125x80xi32, #tpu.memory_space<hbm>> -> memref<1x1x1x80xi32, #tpu.memory_space<hbm>>
    %dma_wait3A_32 = tpu.memref_squeeze %dma_wait3A_31 : memref<1x1x1x80xi32, #tpu.memory_space<hbm>> -> memref<80xi32, #tpu.memory_space<hbm>>
    %dma_wait3A_33 = arith.constant 0 : i32
    %dma_wait3A_34 = tpu.memref_slice %arg4[%arg0, %arg1, %dma_wait3A, %dma_wait3A_33] : memref<2x16x125x80xi32, #tpu.memory_space<hbm>> -> memref<1x1x1x80xi32, #tpu.memory_space<hbm>>
    %dma_wait3A_35 = tpu.memref_squeeze %dma_wait3A_34 : memref<1x1x1x80xi32, #tpu.memory_space<hbm>> -> memref<80xi32, #tpu.memory_space<hbm>>
    tpu.wait_dma2 semaphore(%arg21 : memref<!tpu.dma_semaphore, #tpu.memory_space<semaphore_mem>>) src(%dma_wait3A_35 : memref<80xi32, #tpu.memory_space<hbm>>) dst(%arg9 : memref<80xi32, #tpu.memory_space<vmem>>)
    %dma_wait3A_36 = arith.constant 0 : i32
    %dma_wait3A_37 = arith.constant 0 : i32
    %dma_wait3A_38 = tpu.memref_slice %arg5[%arg0, %arg1, %dma_wait3A_36, %dma_wait3A_37] : memref<2x16x125x80xi32, #tpu.memory_space<hbm>> -> memref<1x1x1x80xi32, #tpu.memory_space<hbm>>
    %dma_wait3A_39 = tpu.memref_squeeze %dma_wait3A_38 : memref<1x1x1x80xi32, #tpu.memory_space<hbm>> -> memref<80xi32, #tpu.memory_space<hbm>>
    %dma_wait3A_40 = arith.constant 0 : i32
    %dma_wait3A_41 = tpu.memref_slice %arg5[%arg0, %arg1, %dma_wait3A_36, %dma_wait3A_40] : memref<2x16x125x80xi32, #tpu.memory_space<hbm>> -> memref<1x1x1x80xi32, #tpu.memory_space<hbm>>
    %dma_wait3A_42 = tpu.memref_squeeze %dma_wait3A_41 : memref<1x1x1x80xi32, #tpu.memory_space<hbm>> -> memref<80xi32, #tpu.memory_space<hbm>>
    tpu.wait_dma2 semaphore(%arg21 : memref<!tpu.dma_semaphore, #tpu.memory_space<semaphore_mem>>) src(%dma_wait3A_42 : memref<80xi32, #tpu.memory_space<hbm>>) dst(%arg11 : memref<80xi32, #tpu.memory_space<vmem>>)
    %dma_start3A_43 = arith.constant 0 : i32
    %dma_start3A_44 = arith.constant 0 : i32
    %dma_start3A_45 = tpu.memref_slice %arg2[%dma_start3A_43, %dma_start3A_44] : memref<10000x128xf32, #tpu.memory_space<hbm>> -> memref<10000x128xf32, #tpu.memory_space<hbm>>
    tpu.enqueue_indirect_dma source(%dma_start3A_45 : memref<10000x128xf32, #tpu.memory_space<hbm>>) target(%arg13 : memref<80x128xf32, #tpu.memory_space<vmem>>) offsets(%arg11 : memref<80xi32, #tpu.memory_space<vmem>>) semaphore(%arg17 : memref<!tpu.dma_semaphore, #tpu.memory_space<semaphore_mem>>)
    %dma_start3A_46 = arith.constant 0 : i32
    %dma_start3A_47 = arith.constant 0 : i32
    %dma_start3A_48 = arith.constant 0 : i32
    %dma_start3A_49 = tpu.memref_slice %arg3[%arg0, %arg1, %dma_start3A_46, %dma_start3A_47, %dma_start3A_48] : memref<2x16x125x80x128xf32, #tpu.memory_space<hbm>> -> memref<1x1x1x80x128xf32, #tpu.memory_space<hbm>>
    %dma_start3A_50 = tpu.memref_squeeze %dma_start3A_49 : memref<1x1x1x80x128xf32, #tpu.memory_space<hbm>> -> memref<80x128xf32, #tpu.memory_space<hbm>>
    %dma_start3A_51 = arith.constant 0 : i32
    %dma_start3A_52 = arith.constant 0 : i32
    %dma_start3A_53 = tpu.memref_slice %arg3[%arg0, %arg1, %dma_start3A_46, %dma_start3A_51, %dma_start3A_52] : memref<2x16x125x80x128xf32, #tpu.memory_space<hbm>> -> memref<1x1x1x80x128xf32, #tpu.memory_space<hbm>>
    %dma_start3A_54 = tpu.memref_squeeze %dma_start3A_53 : memref<1x1x1x80x128xf32, #tpu.memory_space<hbm>> -> memref<80x128xf32, #tpu.memory_space<hbm>>
    tpu.enqueue_dma source(%dma_start3A_54 : memref<80x128xf32, #tpu.memory_space<hbm>>) target(%arg15 : memref<80x128xf32, #tpu.memory_space<vmem>>) target_semaphore(%arg19 : memref<!tpu.dma_semaphore, #tpu.memory_space<semaphore_mem>>)
    %scan3A = arith.constant 0 : i32
    %scan3A_55 = arith.constant 62 : i32
    %scan3A_56 = arith.addi %scan3A, %scan3A_55 : i32
    %scan3A_57 = arith.constant 1 : i32
    scf.for %scan3A_83 = %scan3A to %scan3A_56 step %scan3A_57  : i32 {
      %mul3A_84 = arith.constant 2 : i32
      %mul3A_85 = arith.muli %scan3A_83, %mul3A_84 : i32
      %add3A = arith.constant 0 : i32
      %add3A_86 = arith.addi %add3A, %mul3A_85 : i32
      %add3A_87 = arith.constant 0 : i32
      %add3A_88 = arith.addi %add3A_86, %add3A_87 : i32
      %add3A_89 = arith.constant 1 : i32
      %add3A_90 = arith.addi %add3A_88, %add3A_89 : i32
      %lt3A = arith.constant 125 : i32
      %lt3A_91 = arith.cmpi slt, %add3A_90, %lt3A : i32
      %convert_element_type3A_92 = arith.extui %lt3A_91 : i1 to i32
      %cond3A_93 = arith.constant 0 : i32
      %cond3A_94 = arith.cmpi ne, %convert_element_type3A_92, %cond3A_93 : i32
      scf.if %cond3A_94 {
        %add3A_146 = arith.constant 1 : i32
        %add3A_147 = arith.addi %add3A_88, %add3A_146 : i32
        %dma_wait3A_148 = arith.constant 0 : i32
        %dma_wait3A_149 = tpu.memref_slice %arg4[%arg0, %arg1, %add3A_147, %dma_wait3A_148] : memref<2x16x125x80xi32, #tpu.memory_space<hbm>> -> memref<1x1x1x80xi32, #tpu.memory_space<hbm>>
        %dma_wait3A_150 = tpu.memref_squeeze %dma_wait3A_149 : memref<1x1x1x80xi32, #tpu.memory_space<hbm>> -> memref<80xi32, #tpu.memory_space<hbm>>
        %dma_wait3A_151 = arith.constant 0 : i32
        %dma_wait3A_152 = tpu.memref_slice %arg4[%arg0, %arg1, %add3A_147, %dma_wait3A_151] : memref<2x16x125x80xi32, #tpu.memory_space<hbm>> -> memref<1x1x1x80xi32, #tpu.memory_space<hbm>>
        %dma_wait3A_153 = tpu.memref_squeeze %dma_wait3A_152 : memref<1x1x1x80xi32, #tpu.memory_space<hbm>> -> memref<80xi32, #tpu.memory_space<hbm>>
        tpu.wait_dma2 semaphore(%arg22 : memref<!tpu.dma_semaphore, #tpu.memory_space<semaphore_mem>>) src(%dma_wait3A_153 : memref<80xi32, #tpu.memory_space<hbm>>) dst(%arg10 : memref<80xi32, #tpu.memory_space<vmem>>)
        %dma_wait3A_154 = arith.constant 0 : i32
        %dma_wait3A_155 = tpu.memref_slice %arg5[%arg0, %arg1, %add3A_147, %dma_wait3A_154] : memref<2x16x125x80xi32, #tpu.memory_space<hbm>> -> memref<1x1x1x80xi32, #tpu.memory_space<hbm>>
        %dma_wait3A_156 = tpu.memref_squeeze %dma_wait3A_155 : memref<1x1x1x80xi32, #tpu.memory_space<hbm>> -> memref<80xi32, #tpu.memory_space<hbm>>
        %dma_wait3A_157 = arith.constant 0 : i32
        %dma_wait3A_158 = tpu.memref_slice %arg5[%arg0, %arg1, %add3A_147, %dma_wait3A_157] : memref<2x16x125x80xi32, #tpu.memory_space<hbm>> -> memref<1x1x1x80xi32, #tpu.memory_space<hbm>>
        %dma_wait3A_159 = tpu.memref_squeeze %dma_wait3A_158 : memref<1x1x1x80xi32, #tpu.memory_space<hbm>> -> memref<80xi32, #tpu.memory_space<hbm>>
        tpu.wait_dma2 semaphore(%arg22 : memref<!tpu.dma_semaphore, #tpu.memory_space<semaphore_mem>>) src(%dma_wait3A_159 : memref<80xi32, #tpu.memory_space<hbm>>) dst(%arg12 : memref<80xi32, #tpu.memory_space<vmem>>)
        %add3A_160 = arith.constant 1 : i32
        %add3A_161 = arith.addi %add3A_88, %add3A_160 : i32
        %dma_start3A_162 = arith.constant 0 : i32
        %dma_start3A_163 = arith.constant 0 : i32
        %dma_start3A_164 = tpu.memref_slice %arg2[%dma_start3A_162, %dma_start3A_163] : memref<10000x128xf32, #tpu.memory_space<hbm>> -> memref<10000x128xf32, #tpu.memory_space<hbm>>
        tpu.enqueue_indirect_dma source(%dma_start3A_164 : memref<10000x128xf32, #tpu.memory_space<hbm>>) target(%arg14 : memref<80x128xf32, #tpu.memory_space<vmem>>) offsets(%arg12 : memref<80xi32, #tpu.memory_space<vmem>>) semaphore(%arg18 : memref<!tpu.dma_semaphore, #tpu.memory_space<semaphore_mem>>)
        %dma_start3A_165 = arith.constant 0 : i32
        %dma_start3A_166 = arith.constant 0 : i32
        %dma_start3A_167 = tpu.memref_slice %arg3[%arg0, %arg1, %add3A_161, %dma_start3A_165, %dma_start3A_166] : memref<2x16x125x80x128xf32, #tpu.memory_space<hbm>> -> memref<1x1x1x80x128xf32, #tpu.memory_space<hbm>>
        %dma_start3A_168 = tpu.memref_squeeze %dma_start3A_167 : memref<1x1x1x80x128xf32, #tpu.memory_space<hbm>> -> memref<80x128xf32, #tpu.memory_space<hbm>>
        %dma_start3A_169 = arith.constant 0 : i32
        %dma_start3A_170 = arith.constant 0 : i32
        %dma_start3A_171 = tpu.memref_slice %arg3[%arg0, %arg1, %add3A_161, %dma_start3A_169, %dma_start3A_170] : memref<2x16x125x80x128xf32, #tpu.memory_space<hbm>> -> memref<1x1x1x80x128xf32, #tpu.memory_space<hbm>>
        %dma_start3A_172 = tpu.memref_squeeze %dma_start3A_171 : memref<1x1x1x80x128xf32, #tpu.memory_space<hbm>> -> memref<80x128xf32, #tpu.memory_space<hbm>>
        tpu.enqueue_dma source(%dma_start3A_172 : memref<80x128xf32, #tpu.memory_space<hbm>>) target(%arg16 : memref<80x128xf32, #tpu.memory_space<vmem>>) target_semaphore(%arg20 : memref<!tpu.dma_semaphore, #tpu.memory_space<semaphore_mem>>)
      } else {
      }
      %dma_wait3A_95 = arith.constant 0 : i32
      %dma_wait3A_96 = arith.constant 0 : i32
      %dma_wait3A_97 = tpu.memref_slice %arg2[%dma_wait3A_95, %dma_wait3A_96] : memref<10000x128xf32, #tpu.memory_space<hbm>> -> memref<10000x128xf32, #tpu.memory_space<hbm>>
      tpu.wait_indirect_dma semaphore(%arg17 : memref<!tpu.dma_semaphore, #tpu.memory_space<semaphore_mem>>) src(%dma_wait3A_97 : memref<10000x128xf32, #tpu.memory_space<hbm>>) dst(%arg13 : memref<80x128xf32, #tpu.memory_space<vmem>>)
      %dma_wait3A_98 = arith.constant 0 : i32
      %dma_wait3A_99 = arith.constant 0 : i32
      %dma_wait3A_100 = tpu.memref_slice %arg3[%arg0, %arg1, %add3A_88, %dma_wait3A_98, %dma_wait3A_99] : memref<2x16x125x80x128xf32, #tpu.memory_space<hbm>> -> memref<1x1x1x80x128xf32, #tpu.memory_space<hbm>>
      %dma_wait3A_101 = tpu.memref_squeeze %dma_wait3A_100 : memref<1x1x1x80x128xf32, #tpu.memory_space<hbm>> -> memref<80x128xf32, #tpu.memory_space<hbm>>
      %dma_wait3A_102 = arith.constant 0 : i32
      %dma_wait3A_103 = arith.constant 0 : i32
      %dma_wait3A_104 = tpu.memref_slice %arg3[%arg0, %arg1, %add3A_88, %dma_wait3A_102, %dma_wait3A_103] : memref<2x16x125x80x128xf32, #tpu.memory_space<hbm>> -> memref<1x1x1x80x128xf32, #tpu.memory_space<hbm>>
      %dma_wait3A_105 = tpu.memref_squeeze %dma_wait3A_104 : memref<1x1x1x80x128xf32, #tpu.memory_space<hbm>> -> memref<80x128xf32, #tpu.memory_space<hbm>>
      tpu.wait_dma2 semaphore(%arg19 : memref<!tpu.dma_semaphore, #tpu.memory_space<semaphore_mem>>) src(%dma_wait3A_105 : memref<80x128xf32, #tpu.memory_space<hbm>>) dst(%arg15 : memref<80x128xf32, #tpu.memory_space<vmem>>)
      %parallel_loop3A_106 = arith.constant 0 : i32
      %parallel_loop3A_107 = arith.constant 80 : i32
      %parallel_loop3A_108 = arith.constant 1 : i32
      scf.for %parallel_loop3A_146 = %parallel_loop3A_106 to %parallel_loop3A_107 step %parallel_loop3A_108  : i32 {
        %parallel_loop3A_147 = arith.index_cast %parallel_loop3A_146 : i32 to index
        %parallel_loop3A_148 = arith.constant 0 : index
        %parallel_loop3A_149 = tpu.vector_load %arg13[%parallel_loop3A_147, %parallel_loop3A_148] {strides = array<i32>} : memref<80x128xf32, #tpu.memory_space<vmem>>, vector<1x16xf32>,
        %parallel_loop3A_150 = vector.shape_cast %parallel_loop3A_149 : vector<1x16xf32> to vector<16xf32>
        %parallel_loop3A_151 = arith.index_cast %parallel_loop3A_146 : i32 to index
        %parallel_loop3A_152 = arith.constant 0 : index
        %parallel_loop3A_153 = tpu.vector_load %arg15[%parallel_loop3A_151, %parallel_loop3A_152] {strides = array<i32>} : memref<80x128xf32, #tpu.memory_space<vmem>>, vector<1x16xf32>,
        %parallel_loop3A_154 = vector.shape_cast %parallel_loop3A_153 : vector<1x16xf32> to vector<16xf32>
        %parallel_loop3A_155 = arith.mulf %parallel_loop3A_150, %parallel_loop3A_154 : vector<16xf32>
        %parallel_loop3A_156 = arith.index_cast %parallel_loop3A_146 : i32 to index
        %parallel_loop3A_157 = arith.constant 0 : index
        %parallel_loop3A_158 = tpu.vector_load %arg13[%parallel_loop3A_156, %parallel_loop3A_157] {strides = array<i32>} : memref<80x128xf32, #tpu.memory_space<vmem>>, vector<1x16xf32>,
        %parallel_loop3A_159 = vector.shape_cast %parallel_loop3A_158 : vector<1x16xf32> to vector<16xf32>
        %parallel_loop3A_160 = vector.shape_cast %parallel_loop3A_155 : vector<16xf32> to vector<1x16xf32>
        tpu.vector_store %arg13[%parallel_loop3A_156, %parallel_loop3A_157], %parallel_loop3A_160 {strides = array<i32>} : memref<80x128xf32, #tpu.memory_space<vmem>>, vector<1x16xf32>,
        %parallel_loop3A_161 = arith.index_cast %parallel_loop3A_146 : i32 to index
        %parallel_loop3A_162 = arith.constant 16 : index
        %parallel_loop3A_163 = tpu.vector_load %arg13[%parallel_loop3A_161, %parallel_loop3A_162] {strides = array<i32>} : memref<80x128xf32, #tpu.memory_space<vmem>>, vector<1x16xf32>,
        %parallel_loop3A_164 = vector.shape_cast %parallel_loop3A_163 : vector<1x16xf32> to vector<16xf32>
        %parallel_loop3A_165 = arith.index_cast %parallel_loop3A_146 : i32 to index
        %parallel_loop3A_166 = arith.constant 16 : index
        %parallel_loop3A_167 = tpu.vector_load %arg15[%parallel_loop3A_165, %parallel_loop3A_166] {strides = array<i32>} : memref<80x128xf32, #tpu.memory_space<vmem>>, vector<1x16xf32>,
        %parallel_loop3A_168 = vector.shape_cast %parallel_loop3A_167 : vector<1x16xf32> to vector<16xf32>
        %parallel_loop3A_169 = arith.mulf %parallel_loop3A_164, %parallel_loop3A_168 : vector<16xf32>
        %parallel_loop3A_170 = arith.index_cast %parallel_loop3A_146 : i32 to index
        %parallel_loop3A_171 = arith.constant 16 : index
        %parallel_loop3A_172 = tpu.vector_load %arg13[%parallel_loop3A_170, %parallel_loop3A_171] {strides = array<i32>} : memref<80x128xf32, #tpu.memory_space<vmem>>, vector<1x16xf32>,
        %parallel_loop3A_173 = vector.shape_cast %parallel_loop3A_172 : vector<1x16xf32> to vector<16xf32>
        %parallel_loop3A_174 = vector.shape_cast %parallel_loop3A_169 : vector<16xf32> to vector<1x16xf32>
        tpu.vector_store %arg13[%parallel_loop3A_170, %parallel_loop3A_171], %parallel_loop3A_174 {strides = array<i32>} : memref<80x128xf32, #tpu.memory_space<vmem>>, vector<1x16xf32>,
        %parallel_loop3A_175 = arith.index_cast %parallel_loop3A_146 : i32 to index
        %parallel_loop3A_176 = arith.constant 32 : index
        %parallel_loop3A_177 = tpu.vector_load %arg13[%parallel_loop3A_175, %parallel_loop3A_176] {strides = array<i32>} : memref<80x128xf32, #tpu.memory_space<vmem>>, vector<1x16xf32>,
        %parallel_loop3A_178 = vector.shape_cast %parallel_loop3A_177 : vector<1x16xf32> to vector<16xf32>
        %parallel_loop3A_179 = arith.index_cast %parallel_loop3A_146 : i32 to index
        %parallel_loop3A_180 = arith.constant 32 : index
        %parallel_loop3A_181 = tpu.vector_load %arg15[%parallel_loop3A_179, %parallel_loop3A_180] {strides = array<i32>} : memref<80x128xf32, #tpu.memory_space<vmem>>, vector<1x16xf32>,
        %parallel_loop3A_182 = vector.shape_cast %parallel_loop3A_181 : vector<1x16xf32> to vector<16xf32>
        %parallel_loop3A_183 = arith.mulf %parallel_loop3A_178, %parallel_loop3A_182 : vector<16xf32>
        %parallel_loop3A_184 = arith.index_cast %parallel_loop3A_146 : i32 to index
        %parallel_loop3A_185 = arith.constant 32 : index
        %parallel_loop3A_186 = tpu.vector_load %arg13[%parallel_loop3A_184, %parallel_loop3A_185] {strides = array<i32>} : memref<80x128xf32, #tpu.memory_space<vmem>>, vector<1x16xf32>,
        %parallel_loop3A_187 = vector.shape_cast %parallel_loop3A_186 : vector<1x16xf32> to vector<16xf32>
        %parallel_loop3A_188 = vector.shape_cast %parallel_loop3A_183 : vector<16xf32> to vector<1x16xf32>
        tpu.vector_store %arg13[%parallel_loop3A_184, %parallel_loop3A_185], %parallel_loop3A_188 {strides = array<i32>} : memref<80x128xf32, #tpu.memory_space<vmem>>, vector<1x16xf32>,
        %parallel_loop3A_189 = arith.index_cast %parallel_loop3A_146 : i32 to index
        %parallel_loop3A_190 = arith.constant 48 : index
        %parallel_loop3A_191 = tpu.vector_load %arg13[%parallel_loop3A_189, %parallel_loop3A_190] {strides = array<i32>} : memref<80x128xf32, #tpu.memory_space<vmem>>, vector<1x16xf32>,
        %parallel_loop3A_192 = vector.shape_cast %parallel_loop3A_191 : vector<1x16xf32> to vector<16xf32>
        %parallel_loop3A_193 = arith.index_cast %parallel_loop3A_146 : i32 to index
        %parallel_loop3A_194 = arith.constant 48 : index
        %parallel_loop3A_195 = tpu.vector_load %arg15[%parallel_loop3A_193, %parallel_loop3A_194] {strides = array<i32>} : memref<80x128xf32, #tpu.memory_space<vmem>>, vector<1x16xf32>,
        %parallel_loop3A_196 = vector.shape_cast %parallel_loop3A_195 : vector<1x16xf32> to vector<16xf32>
        %parallel_loop3A_197 = arith.mulf %parallel_loop3A_192, %parallel_loop3A_196 : vector<16xf32>
        %parallel_loop3A_198 = arith.index_cast %parallel_loop3A_146 : i32 to index
        %parallel_loop3A_199 = arith.constant 48 : index
        %parallel_loop3A_200 = tpu.vector_load %arg13[%parallel_loop3A_198, %parallel_loop3A_199] {strides = array<i32>} : memref<80x128xf32, #tpu.memory_space<vmem>>, vector<1x16xf32>,
        %parallel_loop3A_201 = vector.shape_cast %parallel_loop3A_200 : vector<1x16xf32> to vector<16xf32>
        %parallel_loop3A_202 = vector.shape_cast %parallel_loop3A_197 : vector<16xf32> to vector<1x16xf32>
        tpu.vector_store %arg13[%parallel_loop3A_198, %parallel_loop3A_199], %parallel_loop3A_202 {strides = array<i32>} : memref<80x128xf32, #tpu.memory_space<vmem>>, vector<1x16xf32>,
        %parallel_loop3A_203 = arith.index_cast %parallel_loop3A_146 : i32 to index
        %parallel_loop3A_204 = arith.constant 64 : index
        %parallel_loop3A_205 = tpu.vector_load %arg13[%parallel_loop3A_203, %parallel_loop3A_204] {strides = array<i32>} : memref<80x128xf32, #tpu.memory_space<vmem>>, vector<1x16xf32>,
        %parallel_loop3A_206 = vector.shape_cast %parallel_loop3A_205 : vector<1x16xf32> to vector<16xf32>
        %parallel_loop3A_207 = arith.index_cast %parallel_loop3A_146 : i32 to index
        %parallel_loop3A_208 = arith.constant 64 : index
        %parallel_loop3A_209 = tpu.vector_load %arg15[%parallel_loop3A_207, %parallel_loop3A_208] {strides = array<i32>} : memref<80x128xf32, #tpu.memory_space<vmem>>, vector<1x16xf32>,
        %parallel_loop3A_210 = vector.shape_cast %parallel_loop3A_209 : vector<1x16xf32> to vector<16xf32>
        %parallel_loop3A_211 = arith.mulf %parallel_loop3A_206, %parallel_loop3A_210 : vector<16xf32>
        %parallel_loop3A_212 = arith.index_cast %parallel_loop3A_146 : i32 to index
        %parallel_loop3A_213 = arith.constant 64 : index
        %parallel_loop3A_214 = tpu.vector_load %arg13[%parallel_loop3A_212, %parallel_loop3A_213] {strides = array<i32>} : memref<80x128xf32, #tpu.memory_space<vmem>>, vector<1x16xf32>,
        %parallel_loop3A_215 = vector.shape_cast %parallel_loop3A_214 : vector<1x16xf32> to vector<16xf32>
        %parallel_loop3A_216 = vector.shape_cast %parallel_loop3A_211 : vector<16xf32> to vector<1x16xf32>
        tpu.vector_store %arg13[%parallel_loop3A_212, %parallel_loop3A_213], %parallel_loop3A_216 {strides = array<i32>} : memref<80x128xf32, #tpu.memory_space<vmem>>, vector<1x16xf32>,
        %parallel_loop3A_217 = arith.index_cast %parallel_loop3A_146 : i32 to index
        %parallel_loop3A_218 = arith.constant 80 : index
        %parallel_loop3A_219 = tpu.vector_load %arg13[%parallel_loop3A_217, %parallel_loop3A_218] {strides = array<i32>} : memref<80x128xf32, #tpu.memory_space<vmem>>, vector<1x16xf32>,
        %parallel_loop3A_220 = vector.shape_cast %parallel_loop3A_219 : vector<1x16xf32> to vector<16xf32>
        %parallel_loop3A_221 = arith.index_cast %parallel_loop3A_146 : i32 to index
        %parallel_loop3A_222 = arith.constant 80 : index
        %parallel_loop3A_223 = tpu.vector_load %arg15[%parallel_loop3A_221, %parallel_loop3A_222] {strides = array<i32>} : memref<80x128xf32, #tpu.memory_space<vmem>>, vector<1x16xf32>,
        %parallel_loop3A_224 = vector.shape_cast %parallel_loop3A_223 : vector<1x16xf32> to vector<16xf32>
        %parallel_loop3A_225 = arith.mulf %parallel_loop3A_220, %parallel_loop3A_224 : vector<16xf32>
        %parallel_loop3A_226 = arith.index_cast %parallel_loop3A_146 : i32 to index
        %parallel_loop3A_227 = arith.constant 80 : index
        %parallel_loop3A_228 = tpu.vector_load %arg13[%parallel_loop3A_226, %parallel_loop3A_227] {strides = array<i32>} : memref<80x128xf32, #tpu.memory_space<vmem>>, vector<1x16xf32>,
        %parallel_loop3A_229 = vector.shape_cast %parallel_loop3A_228 : vector<1x16xf32> to vector<16xf32>
        %parallel_loop3A_230 = vector.shape_cast %parallel_loop3A_225 : vector<16xf32> to vector<1x16xf32>
        tpu.vector_store %arg13[%parallel_loop3A_226, %parallel_loop3A_227], %parallel_loop3A_230 {strides = array<i32>} : memref<80x128xf32, #tpu.memory_space<vmem>>, vector<1x16xf32>,
        %parallel_loop3A_231 = arith.index_cast %parallel_loop3A_146 : i32 to index
        %parallel_loop3A_232 = arith.constant 96 : index
        %parallel_loop3A_233 = tpu.vector_load %arg13[%parallel_loop3A_231, %parallel_loop3A_232] {strides = array<i32>} : memref<80x128xf32, #tpu.memory_space<vmem>>, vector<1x16xf32>,
        %parallel_loop3A_234 = vector.shape_cast %parallel_loop3A_233 : vector<1x16xf32> to vector<16xf32>
        %parallel_loop3A_235 = arith.index_cast %parallel_loop3A_146 : i32 to index
        %parallel_loop3A_236 = arith.constant 96 : index
        %parallel_loop3A_237 = tpu.vector_load %arg15[%parallel_loop3A_235, %parallel_loop3A_236] {strides = array<i32>} : memref<80x128xf32, #tpu.memory_space<vmem>>, vector<1x16xf32>,
        %parallel_loop3A_238 = vector.shape_cast %parallel_loop3A_237 : vector<1x16xf32> to vector<16xf32>
        %parallel_loop3A_239 = arith.mulf %parallel_loop3A_234, %parallel_loop3A_238 : vector<16xf32>
        %parallel_loop3A_240 = arith.index_cast %parallel_loop3A_146 : i32 to index
        %parallel_loop3A_241 = arith.constant 96 : index
        %parallel_loop3A_242 = tpu.vector_load %arg13[%parallel_loop3A_240, %parallel_loop3A_241] {strides = array<i32>} : memref<80x128xf32, #tpu.memory_space<vmem>>, vector<1x16xf32>,
        %parallel_loop3A_243 = vector.shape_cast %parallel_loop3A_242 : vector<1x16xf32> to vector<16xf32>
        %parallel_loop3A_244 = vector.shape_cast %parallel_loop3A_239 : vector<16xf32> to vector<1x16xf32>
        tpu.vector_store %arg13[%parallel_loop3A_240, %parallel_loop3A_241], %parallel_loop3A_244 {strides = array<i32>} : memref<80x128xf32, #tpu.memory_space<vmem>>, vector<1x16xf32>,
        %parallel_loop3A_245 = arith.index_cast %parallel_loop3A_146 : i32 to index
        %parallel_loop3A_246 = arith.constant 112 : index
        %parallel_loop3A_247 = tpu.vector_load %arg13[%parallel_loop3A_245, %parallel_loop3A_246] {strides = array<i32>} : memref<80x128xf32, #tpu.memory_space<vmem>>, vector<1x16xf32>,
        %parallel_loop3A_248 = vector.shape_cast %parallel_loop3A_247 : vector<1x16xf32> to vector<16xf32>
        %parallel_loop3A_249 = arith.index_cast %parallel_loop3A_146 : i32 to index
        %parallel_loop3A_250 = arith.constant 112 : index
        %parallel_loop3A_251 = tpu.vector_load %arg15[%parallel_loop3A_249, %parallel_loop3A_250] {strides = array<i32>} : memref<80x128xf32, #tpu.memory_space<vmem>>, vector<1x16xf32>,
        %parallel_loop3A_252 = vector.shape_cast %parallel_loop3A_251 : vector<1x16xf32> to vector<16xf32>
        %parallel_loop3A_253 = arith.mulf %parallel_loop3A_248, %parallel_loop3A_252 : vector<16xf32>
        %parallel_loop3A_254 = arith.index_cast %parallel_loop3A_146 : i32 to index
        %parallel_loop3A_255 = arith.constant 112 : index
        %parallel_loop3A_256 = tpu.vector_load %arg13[%parallel_loop3A_254, %parallel_loop3A_255] {strides = array<i32>} : memref<80x128xf32, #tpu.memory_space<vmem>>, vector<1x16xf32>,
        %parallel_loop3A_257 = vector.shape_cast %parallel_loop3A_256 : vector<1x16xf32> to vector<16xf32>
        %parallel_loop3A_258 = vector.shape_cast %parallel_loop3A_253 : vector<16xf32> to vector<1x16xf32>
        tpu.vector_store %arg13[%parallel_loop3A_254, %parallel_loop3A_255], %parallel_loop3A_258 {strides = array<i32>} : memref<80x128xf32, #tpu.memory_space<vmem>>, vector<1x16xf32>,
      } {sc.loop_unroll_factor = 4 : i64, sc.parallel_access}
      "tpu.region"() ({
        %run_scoped3A = tpu.sem_alloc : memref<!tpu.dma_semaphore, #tpu.memory_space<semaphore_mem>>
        %dma_start3A_146 = arith.constant 0 : i32
        %dma_start3A_147 = arith.constant 0 : i32
        %dma_start3A_148 = tpu.memref_slice %arg8[%dma_start3A_146, %dma_start3A_147] : memref<10000x128xf32, #tpu.memory_space<vmem_shared>> -> memref<10000x128xf32, #tpu.memory_space<vmem_shared>>
        tpu.enqueue_indirect_dma source(%arg13 : memref<80x128xf32, #tpu.memory_space<vmem>>) target(%dma_start3A_148 : memref<10000x128xf32, #tpu.memory_space<vmem_shared>>) offsets(%arg9 : memref<80xi32, #tpu.memory_space<vmem>>) semaphore(%run_scoped3A : memref<!tpu.dma_semaphore, #tpu.memory_space<semaphore_mem>>) {add = true}
        %dma_wait3A_149 = arith.constant 0 : i32
        %dma_wait3A_150 = arith.constant 0 : i32
        %dma_wait3A_151 = tpu.memref_slice %arg8[%dma_wait3A_149, %dma_wait3A_150] : memref<10000x128xf32, #tpu.memory_space<vmem_shared>> -> memref<10000x128xf32, #tpu.memory_space<vmem_shared>>
        tpu.wait_indirect_dma semaphore(%run_scoped3A : memref<!tpu.dma_semaphore, #tpu.memory_space<semaphore_mem>>) src(%arg13 : memref<80x128xf32, #tpu.memory_space<vmem>>) dst(%dma_wait3A_151 : memref<10000x128xf32, #tpu.memory_space<vmem_shared>>)
        tpu.yield
      }) : () -> ()
      %add3A_109 = arith.constant 2 : i32
      %add3A_110 = arith.addi %add3A_88, %add3A_109 : i32
      %lt3A_111 = arith.constant 125 : i32
      %lt3A_112 = arith.cmpi slt, %add3A_110, %lt3A_111 : i32
      %convert_element_type3A_113 = arith.extui %lt3A_112 : i1 to i32
      %cond3A_114 = arith.constant 0 : i32
      %cond3A_115 = arith.cmpi ne, %convert_element_type3A_113, %cond3A_114 : i32
      scf.if %cond3A_115 {
        %add3A_146 = arith.constant 2 : i32
        %add3A_147 = arith.addi %add3A_88, %add3A_146 : i32
        %dma_start3A_148 = arith.constant 0 : i32
        %dma_start3A_149 = tpu.memref_slice %arg4[%arg0, %arg1, %add3A_147, %dma_start3A_148] : memref<2x16x125x80xi32, #tpu.memory_space<hbm>> -> memref<1x1x1x80xi32, #tpu.memory_space<hbm>>
        %dma_start3A_150 = tpu.memref_squeeze %dma_start3A_149 : memref<1x1x1x80xi32, #tpu.memory_space<hbm>> -> memref<80xi32, #tpu.memory_space<hbm>>
        %dma_start3A_151 = arith.constant 0 : i32
        %dma_start3A_152 = tpu.memref_slice %arg4[%arg0, %arg1, %add3A_147, %dma_start3A_151] : memref<2x16x125x80xi32, #tpu.memory_space<hbm>> -> memref<1x1x1x80xi32, #tpu.memory_space<hbm>>
        %dma_start3A_153 = tpu.memref_squeeze %dma_start3A_152 : memref<1x1x1x80xi32, #tpu.memory_space<hbm>> -> memref<80xi32, #tpu.memory_space<hbm>>
        tpu.enqueue_dma source(%dma_start3A_153 : memref<80xi32, #tpu.memory_space<hbm>>) target(%arg9 : memref<80xi32, #tpu.memory_space<vmem>>) target_semaphore(%arg21 : memref<!tpu.dma_semaphore, #tpu.memory_space<semaphore_mem>>)
        %dma_start3A_154 = arith.constant 0 : i32
        %dma_start3A_155 = tpu.memref_slice %arg5[%arg0, %arg1, %add3A_147, %dma_start3A_154] : memref<2x16x125x80xi32, #tpu.memory_space<hbm>> -> memref<1x1x1x80xi32, #tpu.memory_space<hbm>>
        %dma_start3A_156 = tpu.memref_squeeze %dma_start3A_155 : memref<1x1x1x80xi32, #tpu.memory_space<hbm>> -> memref<80xi32, #tpu.memory_space<hbm>>
        %dma_start3A_157 = arith.constant 0 : i32
        %dma_start3A_158 = tpu.memref_slice %arg5[%arg0, %arg1, %add3A_147, %dma_start3A_157] : memref<2x16x125x80xi32, #tpu.memory_space<hbm>> -> memref<1x1x1x80xi32, #tpu.memory_space<hbm>>
        %dma_start3A_159 = tpu.memref_squeeze %dma_start3A_158 : memref<1x1x1x80xi32, #tpu.memory_space<hbm>> -> memref<80xi32, #tpu.memory_space<hbm>>
        tpu.enqueue_dma source(%dma_start3A_159 : memref<80xi32, #tpu.memory_space<hbm>>) target(%arg11 : memref<80xi32, #tpu.memory_space<vmem>>) target_semaphore(%arg21 : memref<!tpu.dma_semaphore, #tpu.memory_space<semaphore_mem>>)
      } else {
      }
      %add3A_116 = arith.constant 1 : i32
      %add3A_117 = arith.addi %add3A_86, %add3A_116 : i32
      %add3A_118 = arith.constant 1 : i32
      %add3A_119 = arith.addi %add3A_117, %add3A_118 : i32
      %lt3A_120 = arith.constant 125 : i32
      %lt3A_121 = arith.cmpi slt, %add3A_119, %lt3A_120 : i32
      %convert_element_type3A_122 = arith.extui %lt3A_121 : i1 to i32
      %cond3A_123 = arith.constant 0 : i32
      %cond3A_124 = arith.cmpi ne, %convert_element_type3A_122, %cond3A_123 : i32
      scf.if %cond3A_124 {
        %add3A_146 = arith.constant 1 : i32
        %add3A_147 = arith.addi %add3A_117, %add3A_146 : i32
        %dma_wait3A_148 = arith.constant 0 : i32
        %dma_wait3A_149 = tpu.memref_slice %arg4[%arg0, %arg1, %add3A_147, %dma_wait3A_148] : memref<2x16x125x80xi32, #tpu.memory_space<hbm>> -> memref<1x1x1x80xi32, #tpu.memory_space<hbm>>
        %dma_wait3A_150 = tpu.memref_squeeze %dma_wait3A_149 : memref<1x1x1x80xi32, #tpu.memory_space<hbm>> -> memref<80xi32, #tpu.memory_space<hbm>>
        %dma_wait3A_151 = arith.constant 0 : i32
        %dma_wait3A_152 = tpu.memref_slice %arg4[%arg0, %arg1, %add3A_147, %dma_wait3A_151] : memref<2x16x125x80xi32, #tpu.memory_space<hbm>> -> memref<1x1x1x80xi32, #tpu.memory_space<hbm>>
        %dma_wait3A_153 = tpu.memref_squeeze %dma_wait3A_152 : memref<1x1x1x80xi32, #tpu.memory_space<hbm>> -> memref<80xi32, #tpu.memory_space<hbm>>
        tpu.wait_dma2 semaphore(%arg21 : memref<!tpu.dma_semaphore, #tpu.memory_space<semaphore_mem>>) src(%dma_wait3A_153 : memref<80xi32, #tpu.memory_space<hbm>>) dst(%arg9 : memref<80xi32, #tpu.memory_space<vmem>>)
        %dma_wait3A_154 = arith.constant 0 : i32
        %dma_wait3A_155 = tpu.memref_slice %arg5[%arg0, %arg1, %add3A_147, %dma_wait3A_154] : memref<2x16x125x80xi32, #tpu.memory_space<hbm>> -> memref<1x1x1x80xi32, #tpu.memory_space<hbm>>
        %dma_wait3A_156 = tpu.memref_squeeze %dma_wait3A_155 : memref<1x1x1x80xi32, #tpu.memory_space<hbm>> -> memref<80xi32, #tpu.memory_space<hbm>>
        %dma_wait3A_157 = arith.constant 0 : i32
        %dma_wait3A_158 = tpu.memref_slice %arg5[%arg0, %arg1, %add3A_147, %dma_wait3A_157] : memref<2x16x125x80xi32, #tpu.memory_space<hbm>> -> memref<1x1x1x80xi32, #tpu.memory_space<hbm>>
        %dma_wait3A_159 = tpu.memref_squeeze %dma_wait3A_158 : memref<1x1x1x80xi32, #tpu.memory_space<hbm>> -> memref<80xi32, #tpu.memory_space<hbm>>
        tpu.wait_dma2 semaphore(%arg21 : memref<!tpu.dma_semaphore, #tpu.memory_space<semaphore_mem>>) src(%dma_wait3A_159 : memref<80xi32, #tpu.memory_space<hbm>>) dst(%arg11 : memref<80xi32, #tpu.memory_space<vmem>>)
        %add3A_160 = arith.constant 1 : i32
        %add3A_161 = arith.addi %add3A_117, %add3A_160 : i32
        %dma_start3A_162 = arith.constant 0 : i32
        %dma_start3A_163 = arith.constant 0 : i32
        %dma_start3A_164 = tpu.memref_slice %arg2[%dma_start3A_162, %dma_start3A_163] : memref<10000x128xf32, #tpu.memory_space<hbm>> -> memref<10000x128xf32, #tpu.memory_space<hbm>>
        tpu.enqueue_indirect_dma source(%dma_start3A_164 : memref<10000x128xf32, #tpu.memory_space<hbm>>) target(%arg13 : memref<80x128xf32, #tpu.memory_space<vmem>>) offsets(%arg11 : memref<80xi32, #tpu.memory_space<vmem>>) semaphore(%arg17 : memref<!tpu.dma_semaphore, #tpu.memory_space<semaphore_mem>>)
        %dma_start3A_165 = arith.constant 0 : i32
        %dma_start3A_166 = arith.constant 0 : i32
        %dma_start3A_167 = tpu.memref_slice %arg3[%arg0, %arg1, %add3A_161, %dma_start3A_165, %dma_start3A_166] : memref<2x16x125x80x128xf32, #tpu.memory_space<hbm>> -> memref<1x1x1x80x128xf32, #tpu.memory_space<hbm>>
        %dma_start3A_168 = tpu.memref_squeeze %dma_start3A_167 : memref<1x1x1x80x128xf32, #tpu.memory_space<hbm>> -> memref<80x128xf32, #tpu.memory_space<hbm>>
        %dma_start3A_169 = arith.constant 0 : i32
        %dma_start3A_170 = arith.constant 0 : i32
        %dma_start3A_171 = tpu.memref_slice %arg3[%arg0, %arg1, %add3A_161, %dma_start3A_169, %dma_start3A_170] : memref<2x16x125x80x128xf32, #tpu.memory_space<hbm>> -> memref<1x1x1x80x128xf32, #tpu.memory_space<hbm>>
        %dma_start3A_172 = tpu.memref_squeeze %dma_start3A_171 : memref<1x1x1x80x128xf32, #tpu.memory_space<hbm>> -> memref<80x128xf32, #tpu.memory_space<hbm>>
        tpu.enqueue_dma source(%dma_start3A_172 : memref<80x128xf32, #tpu.memory_space<hbm>>) target(%arg15 : memref<80x128xf32, #tpu.memory_space<vmem>>) target_semaphore(%arg19 : memref<!tpu.dma_semaphore, #tpu.memory_space<semaphore_mem>>)
      } else {
      }
      %dma_wait3A_125 = arith.constant 0 : i32
      %dma_wait3A_126 = arith.constant 0 : i32
      %dma_wait3A_127 = tpu.memref_slice %arg2[%dma_wait3A_125, %dma_wait3A_126] : memref<10000x128xf32, #tpu.memory_space<hbm>> -> memref<10000x128xf32, #tpu.memory_space<hbm>>
      tpu.wait_indirect_dma semaphore(%arg18 : memref<!tpu.dma_semaphore, #tpu.memory_space<semaphore_mem>>) src(%dma_wait3A_127 : memref<10000x128xf32, #tpu.memory_space<hbm>>) dst(%arg14 : memref<80x128xf32, #tpu.memory_space<vmem>>)
      %dma_wait3A_128 = arith.constant 0 : i32
      %dma_wait3A_129 = arith.constant 0 : i32
      %dma_wait3A_130 = tpu.memref_slice %arg3[%arg0, %arg1, %add3A_117, %dma_wait3A_128, %dma_wait3A_129] : memref<2x16x125x80x128xf32, #tpu.memory_space<hbm>> -> memref<1x1x1x80x128xf32, #tpu.memory_space<hbm>>
      %dma_wait3A_131 = tpu.memref_squeeze %dma_wait3A_130 : memref<1x1x1x80x128xf32, #tpu.memory_space<hbm>> -> memref<80x128xf32, #tpu.memory_space<hbm>>
      %dma_wait3A_132 = arith.constant 0 : i32
      %dma_wait3A_133 = arith.constant 0 : i32
      %dma_wait3A_134 = tpu.memref_slice %arg3[%arg0, %arg1, %add3A_117, %dma_wait3A_132, %dma_wait3A_133] : memref<2x16x125x80x128xf32, #tpu.memory_space<hbm>> -> memref<1x1x1x80x128xf32, #tpu.memory_space<hbm>>
      %dma_wait3A_135 = tpu.memref_squeeze %dma_wait3A_134 : memref<1x1x1x80x128xf32, #tpu.memory_space<hbm>> -> memref<80x128xf32, #tpu.memory_space<hbm>>
      tpu.wait_dma2 semaphore(%arg20 : memref<!tpu.dma_semaphore, #tpu.memory_space<semaphore_mem>>) src(%dma_wait3A_135 : memref<80x128xf32, #tpu.memory_space<hbm>>) dst(%arg16 : memref<80x128xf32, #tpu.memory_space<vmem>>)
      %parallel_loop3A_136 = arith.constant 0 : i32
      %parallel_loop3A_137 = arith.constant 80 : i32
      %parallel_loop3A_138 = arith.constant 1 : i32
      scf.for %parallel_loop3A_146 = %parallel_loop3A_136 to %parallel_loop3A_137 step %parallel_loop3A_138  : i32 {
        %parallel_loop3A_147 = arith.index_cast %parallel_loop3A_146 : i32 to index
        %parallel_loop3A_148 = arith.constant 0 : index
        %parallel_loop3A_149 = tpu.vector_load %arg14[%parallel_loop3A_147, %parallel_loop3A_148] {strides = array<i32>} : memref<80x128xf32, #tpu.memory_space<vmem>>, vector<1x16xf32>,
        %parallel_loop3A_150 = vector.shape_cast %parallel_loop3A_149 : vector<1x16xf32> to vector<16xf32>
        %parallel_loop3A_151 = arith.index_cast %parallel_loop3A_146 : i32 to index
        %parallel_loop3A_152 = arith.constant 0 : index
        %parallel_loop3A_153 = tpu.vector_load %arg16[%parallel_loop3A_151, %parallel_loop3A_152] {strides = array<i32>} : memref<80x128xf32, #tpu.memory_space<vmem>>, vector<1x16xf32>,
        %parallel_loop3A_154 = vector.shape_cast %parallel_loop3A_153 : vector<1x16xf32> to vector<16xf32>
        %parallel_loop3A_155 = arith.mulf %parallel_loop3A_150, %parallel_loop3A_154 : vector<16xf32>
        %parallel_loop3A_156 = arith.index_cast %parallel_loop3A_146 : i32 to index
        %parallel_loop3A_157 = arith.constant 0 : index
        %parallel_loop3A_158 = tpu.vector_load %arg14[%parallel_loop3A_156, %parallel_loop3A_157] {strides = array<i32>} : memref<80x128xf32, #tpu.memory_space<vmem>>, vector<1x16xf32>,
        %parallel_loop3A_159 = vector.shape_cast %parallel_loop3A_158 : vector<1x16xf32> to vector<16xf32>
        %parallel_loop3A_160 = vector.shape_cast %parallel_loop3A_155 : vector<16xf32> to vector<1x16xf32>
        tpu.vector_store %arg14[%parallel_loop3A_156, %parallel_loop3A_157], %parallel_loop3A_160 {strides = array<i32>} : memref<80x128xf32, #tpu.memory_space<vmem>>, vector<1x16xf32>,
        %parallel_loop3A_161 = arith.index_cast %parallel_loop3A_146 : i32 to index
        %parallel_loop3A_162 = arith.constant 16 : index
        %parallel_loop3A_163 = tpu.vector_load %arg14[%parallel_loop3A_161, %parallel_loop3A_162] {strides = array<i32>} : memref<80x128xf32, #tpu.memory_space<vmem>>, vector<1x16xf32>,
        %parallel_loop3A_164 = vector.shape_cast %parallel_loop3A_163 : vector<1x16xf32> to vector<16xf32>
        %parallel_loop3A_165 = arith.index_cast %parallel_loop3A_146 : i32 to index
        %parallel_loop3A_166 = arith.constant 16 : index
        %parallel_loop3A_167 = tpu.vector_load %arg16[%parallel_loop3A_165, %parallel_loop3A_166] {strides = array<i32>} : memref<80x128xf32, #tpu.memory_space<vmem>>, vector<1x16xf32>,
        %parallel_loop3A_168 = vector.shape_cast %parallel_loop3A_167 : vector<1x16xf32> to vector<16xf32>
        %parallel_loop3A_169 = arith.mulf %parallel_loop3A_164, %parallel_loop3A_168 : vector<16xf32>
        %parallel_loop3A_170 = arith.index_cast %parallel_loop3A_146 : i32 to index
        %parallel_loop3A_171 = arith.constant 16 : index
        %parallel_loop3A_172 = tpu.vector_load %arg14[%parallel_loop3A_170, %parallel_loop3A_171] {strides = array<i32>} : memref<80x128xf32, #tpu.memory_space<vmem>>, vector<1x16xf32>,
        %parallel_loop3A_173 = vector.shape_cast %parallel_loop3A_172 : vector<1x16xf32> to vector<16xf32>
        %parallel_loop3A_174 = vector.shape_cast %parallel_loop3A_169 : vector<16xf32> to vector<1x16xf32>
        tpu.vector_store %arg14[%parallel_loop3A_170, %parallel_loop3A_171], %parallel_loop3A_174 {strides = array<i32>} : memref<80x128xf32, #tpu.memory_space<vmem>>, vector<1x16xf32>,
        %parallel_loop3A_175 = arith.index_cast %parallel_loop3A_146 : i32 to index
        %parallel_loop3A_176 = arith.constant 32 : index
        %parallel_loop3A_177 = tpu.vector_load %arg14[%parallel_loop3A_175, %parallel_loop3A_176] {strides = array<i32>} : memref<80x128xf32, #tpu.memory_space<vmem>>, vector<1x16xf32>,
        %parallel_loop3A_178 = vector.shape_cast %parallel_loop3A_177 : vector<1x16xf32> to vector<16xf32>
        %parallel_loop3A_179 = arith.index_cast %parallel_loop3A_146 : i32 to index
        %parallel_loop3A_180 = arith.constant 32 : index
        %parallel_loop3A_181 = tpu.vector_load %arg16[%parallel_loop3A_179, %parallel_loop3A_180] {strides = array<i32>} : memref<80x128xf32, #tpu.memory_space<vmem>>, vector<1x16xf32>,
        %parallel_loop3A_182 = vector.shape_cast %parallel_loop3A_181 : vector<1x16xf32> to vector<16xf32>
        %parallel_loop3A_183 = arith.mulf %parallel_loop3A_178, %parallel_loop3A_182 : vector<16xf32>
        %parallel_loop3A_184 = arith.index_cast %parallel_loop3A_146 : i32 to index
        %parallel_loop3A_185 = arith.constant 32 : index
        %parallel_loop3A_186 = tpu.vector_load %arg14[%parallel_loop3A_184, %parallel_loop3A_185] {strides = array<i32>} : memref<80x128xf32, #tpu.memory_space<vmem>>, vector<1x16xf32>,
        %parallel_loop3A_187 = vector.shape_cast %parallel_loop3A_186 : vector<1x16xf32> to vector<16xf32>
        %parallel_loop3A_188 = vector.shape_cast %parallel_loop3A_183 : vector<16xf32> to vector<1x16xf32>
        tpu.vector_store %arg14[%parallel_loop3A_184, %parallel_loop3A_185], %parallel_loop3A_188 {strides = array<i32>} : memref<80x128xf32, #tpu.memory_space<vmem>>, vector<1x16xf32>,
        %parallel_loop3A_189 = arith.index_cast %parallel_loop3A_146 : i32 to index
        %parallel_loop3A_190 = arith.constant 48 : index
        %parallel_loop3A_191 = tpu.vector_load %arg14[%parallel_loop3A_189, %parallel_loop3A_190] {strides = array<i32>} : memref<80x128xf32, #tpu.memory_space<vmem>>, vector<1x16xf32>,
        %parallel_loop3A_192 = vector.shape_cast %parallel_loop3A_191 : vector<1x16xf32> to vector<16xf32>
        %parallel_loop3A_193 = arith.index_cast %parallel_loop3A_146 : i32 to index
        %parallel_loop3A_194 = arith.constant 48 : index
        %parallel_loop3A_195 = tpu.vector_load %arg16[%parallel_loop3A_193, %parallel_loop3A_194] {strides = array<i32>} : memref<80x128xf32, #tpu.memory_space<vmem>>, vector<1x16xf32>,
        %parallel_loop3A_196 = vector.shape_cast %parallel_loop3A_195 : vector<1x16xf32> to vector<16xf32>
        %parallel_loop3A_197 = arith.mulf %parallel_loop3A_192, %parallel_loop3A_196 : vector<16xf32>
        %parallel_loop3A_198 = arith.index_cast %parallel_loop3A_146 : i32 to index
        %parallel_loop3A_199 = arith.constant 48 : index
        %parallel_loop3A_200 = tpu.vector_load %arg14[%parallel_loop3A_198, %parallel_loop3A_199] {strides = array<i32>} : memref<80x128xf32, #tpu.memory_space<vmem>>, vector<1x16xf32>,
        %parallel_loop3A_201 = vector.shape_cast %parallel_loop3A_200 : vector<1x16xf32> to vector<16xf32>
        %parallel_loop3A_202 = vector.shape_cast %parallel_loop3A_197 : vector<16xf32> to vector<1x16xf32>
        tpu.vector_store %arg14[%parallel_loop3A_198, %parallel_loop3A_199], %parallel_loop3A_202 {strides = array<i32>} : memref<80x128xf32, #tpu.memory_space<vmem>>, vector<1x16xf32>,
        %parallel_loop3A_203 = arith.index_cast %parallel_loop3A_146 : i32 to index
        %parallel_loop3A_204 = arith.constant 64 : index
        %parallel_loop3A_205 = tpu.vector_load %arg14[%parallel_loop3A_203, %parallel_loop3A_204] {strides = array<i32>} : memref<80x128xf32, #tpu.memory_space<vmem>>, vector<1x16xf32>,
        %parallel_loop3A_206 = vector.shape_cast %parallel_loop3A_205 : vector<1x16xf32> to vector<16xf32>
        %parallel_loop3A_207 = arith.index_cast %parallel_loop3A_146 : i32 to index
        %parallel_loop3A_208 = arith.constant 64 : index
        %parallel_loop3A_209 = tpu.vector_load %arg16[%parallel_loop3A_207, %parallel_loop3A_208] {strides = array<i32>} : memref<80x128xf32, #tpu.memory_space<vmem>>, vector<1x16xf32>,
        %parallel_loop3A_210 = vector.shape_cast %parallel_loop3A_209 : vector<1x16xf32> to vector<16xf32>
        %parallel_loop3A_211 = arith.mulf %parallel_loop3A_206, %parallel_loop3A_210 : vector<16xf32>
        %parallel_loop3A_212 = arith.index_cast %parallel_loop3A_146 : i32 to index
        %parallel_loop3A_213 = arith.constant 64 : index
        %parallel_loop3A_214 = tpu.vector_load %arg14[%parallel_loop3A_212, %parallel_loop3A_213] {strides = array<i32>} : memref<80x128xf32, #tpu.memory_space<vmem>>, vector<1x16xf32>,
        %parallel_loop3A_215 = vector.shape_cast %parallel_loop3A_214 : vector<1x16xf32> to vector<16xf32>
        %parallel_loop3A_216 = vector.shape_cast %parallel_loop3A_211 : vector<16xf32> to vector<1x16xf32>
        tpu.vector_store %arg14[%parallel_loop3A_212, %parallel_loop3A_213], %parallel_loop3A_216 {strides = array<i32>} : memref<80x128xf32, #tpu.memory_space<vmem>>, vector<1x16xf32>,
        %parallel_loop3A_217 = arith.index_cast %parallel_loop3A_146 : i32 to index
        %parallel_loop3A_218 = arith.constant 80 : index
        %parallel_loop3A_219 = tpu.vector_load %arg14[%parallel_loop3A_217, %parallel_loop3A_218] {strides = array<i32>} : memref<80x128xf32, #tpu.memory_space<vmem>>, vector<1x16xf32>,
        %parallel_loop3A_220 = vector.shape_cast %parallel_loop3A_219 : vector<1x16xf32> to vector<16xf32>
        %parallel_loop3A_221 = arith.index_cast %parallel_loop3A_146 : i32 to index
        %parallel_loop3A_222 = arith.constant 80 : index
        %parallel_loop3A_223 = tpu.vector_load %arg16[%parallel_loop3A_221, %parallel_loop3A_222] {strides = array<i32>} : memref<80x128xf32, #tpu.memory_space<vmem>>, vector<1x16xf32>,
        %parallel_loop3A_224 = vector.shape_cast %parallel_loop3A_223 : vector<1x16xf32> to vector<16xf32>
        %parallel_loop3A_225 = arith.mulf %parallel_loop3A_220, %parallel_loop3A_224 : vector<16xf32>
        %parallel_loop3A_226 = arith.index_cast %parallel_loop3A_146 : i32 to index
        %parallel_loop3A_227 = arith.constant 80 : index
        %parallel_loop3A_228 = tpu.vector_load %arg14[%parallel_loop3A_226, %parallel_loop3A_227] {strides = array<i32>} : memref<80x128xf32, #tpu.memory_space<vmem>>, vector<1x16xf32>,
        %parallel_loop3A_229 = vector.shape_cast %parallel_loop3A_228 : vector<1x16xf32> to vector<16xf32>
        %parallel_loop3A_230 = vector.shape_cast %parallel_loop3A_225 : vector<16xf32> to vector<1x16xf32>
        tpu.vector_store %arg14[%parallel_loop3A_226, %parallel_loop3A_227], %parallel_loop3A_230 {strides = array<i32>} : memref<80x128xf32, #tpu.memory_space<vmem>>, vector<1x16xf32>,
        %parallel_loop3A_231 = arith.index_cast %parallel_loop3A_146 : i32 to index
        %parallel_loop3A_232 = arith.constant 96 : index
        %parallel_loop3A_233 = tpu.vector_load %arg14[%parallel_loop3A_231, %parallel_loop3A_232] {strides = array<i32>} : memref<80x128xf32, #tpu.memory_space<vmem>>, vector<1x16xf32>,
        %parallel_loop3A_234 = vector.shape_cast %parallel_loop3A_233 : vector<1x16xf32> to vector<16xf32>
        %parallel_loop3A_235 = arith.index_cast %parallel_loop3A_146 : i32 to index
        %parallel_loop3A_236 = arith.constant 96 : index
        %parallel_loop3A_237 = tpu.vector_load %arg16[%parallel_loop3A_235, %parallel_loop3A_236] {strides = array<i32>} : memref<80x128xf32, #tpu.memory_space<vmem>>, vector<1x16xf32>,
        %parallel_loop3A_238 = vector.shape_cast %parallel_loop3A_237 : vector<1x16xf32> to vector<16xf32>
        %parallel_loop3A_239 = arith.mulf %parallel_loop3A_234, %parallel_loop3A_238 : vector<16xf32>
        %parallel_loop3A_240 = arith.index_cast %parallel_loop3A_146 : i32 to index
        %parallel_loop3A_241 = arith.constant 96 : index
        %parallel_loop3A_242 = tpu.vector_load %arg14[%parallel_loop3A_240, %parallel_loop3A_241] {strides = array<i32>} : memref<80x128xf32, #tpu.memory_space<vmem>>, vector<1x16xf32>,
        %parallel_loop3A_243 = vector.shape_cast %parallel_loop3A_242 : vector<1x16xf32> to vector<16xf32>
        %parallel_loop3A_244 = vector.shape_cast %parallel_loop3A_239 : vector<16xf32> to vector<1x16xf32>
        tpu.vector_store %arg14[%parallel_loop3A_240, %parallel_loop3A_241], %parallel_loop3A_244 {strides = array<i32>} : memref<80x128xf32, #tpu.memory_space<vmem>>, vector<1x16xf32>,
        %parallel_loop3A_245 = arith.index_cast %parallel_loop3A_146 : i32 to index
        %parallel_loop3A_246 = arith.constant 112 : index
        %parallel_loop3A_247 = tpu.vector_load %arg14[%parallel_loop3A_245, %parallel_loop3A_246] {strides = array<i32>} : memref<80x128xf32, #tpu.memory_space<vmem>>, vector<1x16xf32>,
        %parallel_loop3A_248 = vector.shape_cast %parallel_loop3A_247 : vector<1x16xf32> to vector<16xf32>
        %parallel_loop3A_249 = arith.index_cast %parallel_loop3A_146 : i32 to index
        %parallel_loop3A_250 = arith.constant 112 : index
        %parallel_loop3A_251 = tpu.vector_load %arg16[%parallel_loop3A_249, %parallel_loop3A_250] {strides = array<i32>} : memref<80x128xf32, #tpu.memory_space<vmem>>, vector<1x16xf32>,
        %parallel_loop3A_252 = vector.shape_cast %parallel_loop3A_251 : vector<1x16xf32> to vector<16xf32>
        %parallel_loop3A_253 = arith.mulf %parallel_loop3A_248, %parallel_loop3A_252 : vector<16xf32>
        %parallel_loop3A_254 = arith.index_cast %parallel_loop3A_146 : i32 to index
        %parallel_loop3A_255 = arith.constant 112 : index
        %parallel_loop3A_256 = tpu.vector_load %arg14[%parallel_loop3A_254, %parallel_loop3A_255] {strides = array<i32>} : memref<80x128xf32, #tpu.memory_space<vmem>>, vector<1x16xf32>,
        %parallel_loop3A_257 = vector.shape_cast %parallel_loop3A_256 : vector<1x16xf32> to vector<16xf32>
        %parallel_loop3A_258 = vector.shape_cast %parallel_loop3A_253 : vector<16xf32> to vector<1x16xf32>
        tpu.vector_store %arg14[%parallel_loop3A_254, %parallel_loop3A_255], %parallel_loop3A_258 {strides = array<i32>} : memref<80x128xf32, #tpu.memory_space<vmem>>, vector<1x16xf32>,
      } {sc.loop_unroll_factor = 4 : i64, sc.parallel_access}
      "tpu.region"() ({
        %run_scoped3A = tpu.sem_alloc : memref<!tpu.dma_semaphore, #tpu.memory_space<semaphore_mem>>
        %dma_start3A_146 = arith.constant 0 : i32
        %dma_start3A_147 = arith.constant 0 : i32
        %dma_start3A_148 = tpu.memref_slice %arg8[%dma_start3A_146, %dma_start3A_147] : memref<10000x128xf32, #tpu.memory_space<vmem_shared>> -> memref<10000x128xf32, #tpu.memory_space<vmem_shared>>
        tpu.enqueue_indirect_dma source(%arg14 : memref<80x128xf32, #tpu.memory_space<vmem>>) target(%dma_start3A_148 : memref<10000x128xf32, #tpu.memory_space<vmem_shared>>) offsets(%arg10 : memref<80xi32, #tpu.memory_space<vmem>>) semaphore(%run_scoped3A : memref<!tpu.dma_semaphore, #tpu.memory_space<semaphore_mem>>) {add = true}
        %dma_wait3A_149 = arith.constant 0 : i32
        %dma_wait3A_150 = arith.constant 0 : i32
        %dma_wait3A_151 = tpu.memref_slice %arg8[%dma_wait3A_149, %dma_wait3A_150] : memref<10000x128xf32, #tpu.memory_space<vmem_shared>> -> memref<10000x128xf32, #tpu.memory_space<vmem_shared>>
        tpu.wait_indirect_dma semaphore(%run_scoped3A : memref<!tpu.dma_semaphore, #tpu.memory_space<semaphore_mem>>) src(%arg14 : memref<80x128xf32, #tpu.memory_space<vmem>>) dst(%dma_wait3A_151 : memref<10000x128xf32, #tpu.memory_space<vmem_shared>>)
        tpu.yield
      }) : () -> ()
      %add3A_139 = arith.constant 2 : i32
      %add3A_140 = arith.addi %add3A_117, %add3A_139 : i32
      %lt3A_141 = arith.constant 125 : i32
      %lt3A_142 = arith.cmpi slt, %add3A_140, %lt3A_141 : i32
      %convert_element_type3A_143 = arith.extui %lt3A_142 : i1 to i32
      %cond3A_144 = arith.constant 0 : i32
      %cond3A_145 = arith.cmpi ne, %convert_element_type3A_143, %cond3A_144 : i32
      scf.if %cond3A_145 {
        %add3A_146 = arith.constant 2 : i32
        %add3A_147 = arith.addi %add3A_117, %add3A_146 : i32
        %dma_start3A_148 = arith.constant 0 : i32
        %dma_start3A_149 = tpu.memref_slice %arg4[%arg0, %arg1, %add3A_147, %dma_start3A_148] : memref<2x16x125x80xi32, #tpu.memory_space<hbm>> -> memref<1x1x1x80xi32, #tpu.memory_space<hbm>>
        %dma_start3A_150 = tpu.memref_squeeze %dma_start3A_149 : memref<1x1x1x80xi32, #tpu.memory_space<hbm>> -> memref<80xi32, #tpu.memory_space<hbm>>
        %dma_start3A_151 = arith.constant 0 : i32
        %dma_start3A_152 = tpu.memref_slice %arg4[%arg0, %arg1, %add3A_147, %dma_start3A_151] : memref<2x16x125x80xi32, #tpu.memory_space<hbm>> -> memref<1x1x1x80xi32, #tpu.memory_space<hbm>>
        %dma_start3A_153 = tpu.memref_squeeze %dma_start3A_152 : memref<1x1x1x80xi32, #tpu.memory_space<hbm>> -> memref<80xi32, #tpu.memory_space<hbm>>
        tpu.enqueue_dma source(%dma_start3A_153 : memref<80xi32, #tpu.memory_space<hbm>>) target(%arg10 : memref<80xi32, #tpu.memory_space<vmem>>) target_semaphore(%arg22 : memref<!tpu.dma_semaphore, #tpu.memory_space<semaphore_mem>>)
        %dma_start3A_154 = arith.constant 0 : i32
        %dma_start3A_155 = tpu.memref_slice %arg5[%arg0, %arg1, %add3A_147, %dma_start3A_154] : memref<2x16x125x80xi32, #tpu.memory_space<hbm>> -> memref<1x1x1x80xi32, #tpu.memory_space<hbm>>
        %dma_start3A_156 = tpu.memref_squeeze %dma_start3A_155 : memref<1x1x1x80xi32, #tpu.memory_space<hbm>> -> memref<80xi32, #tpu.memory_space<hbm>>
        %dma_start3A_157 = arith.constant 0 : i32
        %dma_start3A_158 = tpu.memref_slice %arg5[%arg0, %arg1, %add3A_147, %dma_start3A_157] : memref<2x16x125x80xi32, #tpu.memory_space<hbm>> -> memref<1x1x1x80xi32, #tpu.memory_space<hbm>>
        %dma_start3A_159 = tpu.memref_squeeze %dma_start3A_158 : memref<1x1x1x80xi32, #tpu.memory_space<hbm>> -> memref<80xi32, #tpu.memory_space<hbm>>
        tpu.enqueue_dma source(%dma_start3A_159 : memref<80xi32, #tpu.memory_space<hbm>>) target(%arg12 : memref<80xi32, #tpu.memory_space<vmem>>) target_semaphore(%arg22 : memref<!tpu.dma_semaphore, #tpu.memory_space<semaphore_mem>>)
      } else {
      }
    }
    %scan3A_58 = arith.constant 62 : i32
    %dma_wait3A_59 = arith.constant 0 : i32
    %dma_wait3A_60 = arith.constant 0 : i32
    %dma_wait3A_61 = tpu.memref_slice %arg2[%dma_wait3A_59, %dma_wait3A_60] : memref<10000x128xf32, #tpu.memory_space<hbm>> -> memref<10000x128xf32, #tpu.memory_space<hbm>>
    tpu.wait_indirect_dma semaphore(%arg17 : memref<!tpu.dma_semaphore, #tpu.memory_space<semaphore_mem>>) src(%dma_wait3A_61 : memref<10000x128xf32, #tpu.memory_space<hbm>>) dst(%arg13 : memref<80x128xf32, #tpu.memory_space<vmem>>)
    %dma_wait3A_62 = arith.constant 124 : i32
    %dma_wait3A_63 = arith.constant 0 : i32
    %dma_wait3A_64 = arith.constant 0 : i32
    %dma_wait3A_65 = tpu.memref_slice %arg3[%arg0, %arg1, %dma_wait3A_62, %dma_wait3A_63, %dma_wait3A_64] : memref<2x16x125x80x128xf32, #tpu.memory_space<hbm>> -> memref<1x1x1x80x128xf32, #tpu.memory_space<hbm>>
    %dma_wait3A_66 = tpu.memref_squeeze %dma_wait3A_65 : memref<1x1x1x80x128xf32, #tpu.memory_space<hbm>> -> memref<80x128xf32, #tpu.memory_space<hbm>>
    %dma_wait3A_67 = arith.constant 0 : i32
    %dma_wait3A_68 = arith.constant 0 : i32
    %dma_wait3A_69 = tpu.memref_slice %arg3[%arg0, %arg1, %dma_wait3A_62, %dma_wait3A_67, %dma_wait3A_68] : memref<2x16x125x80x128xf32, #tpu.memory_space<hbm>> -> memref<1x1x1x80x128xf32, #tpu.memory_space<hbm>>
    %dma_wait3A_70 = tpu.memref_squeeze %dma_wait3A_69 : memref<1x1x1x80x128xf32, #tpu.memory_space<hbm>> -> memref<80x128xf32, #tpu.memory_space<hbm>>
    tpu.wait_dma2 semaphore(%arg19 : memref<!tpu.dma_semaphore, #tpu.memory_space<semaphore_mem>>) src(%dma_wait3A_70 : memref<80x128xf32, #tpu.memory_space<hbm>>) dst(%arg15 : memref<80x128xf32, #tpu.memory_space<vmem>>)
    %parallel_loop3A = arith.constant 0 : i32
    %parallel_loop3A_71 = arith.constant 80 : i32
    %parallel_loop3A_72 = arith.constant 1 : i32
    scf.for %parallel_loop3A_83 = %parallel_loop3A to %parallel_loop3A_71 step %parallel_loop3A_72  : i32 {
      %parallel_loop3A_84 = arith.index_cast %parallel_loop3A_83 : i32 to index
      %parallel_loop3A_85 = arith.constant 0 : index
      %parallel_loop3A_86 = tpu.vector_load %arg13[%parallel_loop3A_84, %parallel_loop3A_85] {strides = array<i32>} : memref<80x128xf32, #tpu.memory_space<vmem>>, vector<1x16xf32>,
      %parallel_loop3A_87 = vector.shape_cast %parallel_loop3A_86 : vector<1x16xf32> to vector<16xf32>
      %parallel_loop3A_88 = arith.index_cast %parallel_loop3A_83 : i32 to index
      %parallel_loop3A_89 = arith.constant 0 : index
      %parallel_loop3A_90 = tpu.vector_load %arg15[%parallel_loop3A_88, %parallel_loop3A_89] {strides = array<i32>} : memref<80x128xf32, #tpu.memory_space<vmem>>, vector<1x16xf32>,
      %parallel_loop3A_91 = vector.shape_cast %parallel_loop3A_90 : vector<1x16xf32> to vector<16xf32>
      %parallel_loop3A_92 = arith.mulf %parallel_loop3A_87, %parallel_loop3A_91 : vector<16xf32>
      %parallel_loop3A_93 = arith.index_cast %parallel_loop3A_83 : i32 to index
      %parallel_loop3A_94 = arith.constant 0 : index
      %parallel_loop3A_95 = tpu.vector_load %arg13[%parallel_loop3A_93, %parallel_loop3A_94] {strides = array<i32>} : memref<80x128xf32, #tpu.memory_space<vmem>>, vector<1x16xf32>,
      %parallel_loop3A_96 = vector.shape_cast %parallel_loop3A_95 : vector<1x16xf32> to vector<16xf32>
      %parallel_loop3A_97 = vector.shape_cast %parallel_loop3A_92 : vector<16xf32> to vector<1x16xf32>
      tpu.vector_store %arg13[%parallel_loop3A_93, %parallel_loop3A_94], %parallel_loop3A_97 {strides = array<i32>} : memref<80x128xf32, #tpu.memory_space<vmem>>, vector<1x16xf32>,
      %parallel_loop3A_98 = arith.index_cast %parallel_loop3A_83 : i32 to index
      %parallel_loop3A_99 = arith.constant 16 : index
      %parallel_loop3A_100 = tpu.vector_load %arg13[%parallel_loop3A_98, %parallel_loop3A_99] {strides = array<i32>} : memref<80x128xf32, #tpu.memory_space<vmem>>, vector<1x16xf32>,
      %parallel_loop3A_101 = vector.shape_cast %parallel_loop3A_100 : vector<1x16xf32> to vector<16xf32>
      %parallel_loop3A_102 = arith.index_cast %parallel_loop3A_83 : i32 to index
      %parallel_loop3A_103 = arith.constant 16 : index
      %parallel_loop3A_104 = tpu.vector_load %arg15[%parallel_loop3A_102, %parallel_loop3A_103] {strides = array<i32>} : memref<80x128xf32, #tpu.memory_space<vmem>>, vector<1x16xf32>,
      %parallel_loop3A_105 = vector.shape_cast %parallel_loop3A_104 : vector<1x16xf32> to vector<16xf32>
      %parallel_loop3A_106 = arith.mulf %parallel_loop3A_101, %parallel_loop3A_105 : vector<16xf32>
      %parallel_loop3A_107 = arith.index_cast %parallel_loop3A_83 : i32 to index
      %parallel_loop3A_108 = arith.constant 16 : index
      %parallel_loop3A_109 = tpu.vector_load %arg13[%parallel_loop3A_107, %parallel_loop3A_108] {strides = array<i32>} : memref<80x128xf32, #tpu.memory_space<vmem>>, vector<1x16xf32>,
      %parallel_loop3A_110 = vector.shape_cast %parallel_loop3A_109 : vector<1x16xf32> to vector<16xf32>
      %parallel_loop3A_111 = vector.shape_cast %parallel_loop3A_106 : vector<16xf32> to vector<1x16xf32>
      tpu.vector_store %arg13[%parallel_loop3A_107, %parallel_loop3A_108], %parallel_loop3A_111 {strides = array<i32>} : memref<80x128xf32, #tpu.memory_space<vmem>>, vector<1x16xf32>,
      %parallel_loop3A_112 = arith.index_cast %parallel_loop3A_83 : i32 to index
      %parallel_loop3A_113 = arith.constant 32 : index
      %parallel_loop3A_114 = tpu.vector_load %arg13[%parallel_loop3A_112, %parallel_loop3A_113] {strides = array<i32>} : memref<80x128xf32, #tpu.memory_space<vmem>>, vector<1x16xf32>,
      %parallel_loop3A_115 = vector.shape_cast %parallel_loop3A_114 : vector<1x16xf32> to vector<16xf32>
      %parallel_loop3A_116 = arith.index_cast %parallel_loop3A_83 : i32 to index
      %parallel_loop3A_117 = arith.constant 32 : index
      %parallel_loop3A_118 = tpu.vector_load %arg15[%parallel_loop3A_116, %parallel_loop3A_117] {strides = array<i32>} : memref<80x128xf32, #tpu.memory_space<vmem>>, vector<1x16xf32>,
      %parallel_loop3A_119 = vector.shape_cast %parallel_loop3A_118 : vector<1x16xf32> to vector<16xf32>
      %parallel_loop3A_120 = arith.mulf %parallel_loop3A_115, %parallel_loop3A_119 : vector<16xf32>
      %parallel_loop3A_121 = arith.index_cast %parallel_loop3A_83 : i32 to index
      %parallel_loop3A_122 = arith.constant 32 : index
      %parallel_loop3A_123 = tpu.vector_load %arg13[%parallel_loop3A_121, %parallel_loop3A_122] {strides = array<i32>} : memref<80x128xf32, #tpu.memory_space<vmem>>, vector<1x16xf32>,
      %parallel_loop3A_124 = vector.shape_cast %parallel_loop3A_123 : vector<1x16xf32> to vector<16xf32>
      %parallel_loop3A_125 = vector.shape_cast %parallel_loop3A_120 : vector<16xf32> to vector<1x16xf32>
      tpu.vector_store %arg13[%parallel_loop3A_121, %parallel_loop3A_122], %parallel_loop3A_125 {strides = array<i32>} : memref<80x128xf32, #tpu.memory_space<vmem>>, vector<1x16xf32>,
      %parallel_loop3A_126 = arith.index_cast %parallel_loop3A_83 : i32 to index
      %parallel_loop3A_127 = arith.constant 48 : index
      %parallel_loop3A_128 = tpu.vector_load %arg13[%parallel_loop3A_126, %parallel_loop3A_127] {strides = array<i32>} : memref<80x128xf32, #tpu.memory_space<vmem>>, vector<1x16xf32>,
      %parallel_loop3A_129 = vector.shape_cast %parallel_loop3A_128 : vector<1x16xf32> to vector<16xf32>
      %parallel_loop3A_130 = arith.index_cast %parallel_loop3A_83 : i32 to index
      %parallel_loop3A_131 = arith.constant 48 : index
      %parallel_loop3A_132 = tpu.vector_load %arg15[%parallel_loop3A_130, %parallel_loop3A_131] {strides = array<i32>} : memref<80x128xf32, #tpu.memory_space<vmem>>, vector<1x16xf32>,
      %parallel_loop3A_133 = vector.shape_cast %parallel_loop3A_132 : vector<1x16xf32> to vector<16xf32>
      %parallel_loop3A_134 = arith.mulf %parallel_loop3A_129, %parallel_loop3A_133 : vector<16xf32>
      %parallel_loop3A_135 = arith.index_cast %parallel_loop3A_83 : i32 to index
      %parallel_loop3A_136 = arith.constant 48 : index
      %parallel_loop3A_137 = tpu.vector_load %arg13[%parallel_loop3A_135, %parallel_loop3A_136] {strides = array<i32>} : memref<80x128xf32, #tpu.memory_space<vmem>>, vector<1x16xf32>,
      %parallel_loop3A_138 = vector.shape_cast %parallel_loop3A_137 : vector<1x16xf32> to vector<16xf32>
      %parallel_loop3A_139 = vector.shape_cast %parallel_loop3A_134 : vector<16xf32> to vector<1x16xf32>
      tpu.vector_store %arg13[%parallel_loop3A_135, %parallel_loop3A_136], %parallel_loop3A_139 {strides = array<i32>} : memref<80x128xf32, #tpu.memory_space<vmem>>, vector<1x16xf32>,
      %parallel_loop3A_140 = arith.index_cast %parallel_loop3A_83 : i32 to index
      %parallel_loop3A_141 = arith.constant 64 : index
      %parallel_loop3A_142 = tpu.vector_load %arg13[%parallel_loop3A_140, %parallel_loop3A_141] {strides = array<i32>} : memref<80x128xf32, #tpu.memory_space<vmem>>, vector<1x16xf32>,
      %parallel_loop3A_143 = vector.shape_cast %parallel_loop3A_142 : vector<1x16xf32> to vector<16xf32>
      %parallel_loop3A_144 = arith.index_cast %parallel_loop3A_83 : i32 to index
      %parallel_loop3A_145 = arith.constant 64 : index
      %parallel_loop3A_146 = tpu.vector_load %arg15[%parallel_loop3A_144, %parallel_loop3A_145] {strides = array<i32>} : memref<80x128xf32, #tpu.memory_space<vmem>>, vector<1x16xf32>,
      %parallel_loop3A_147 = vector.shape_cast %parallel_loop3A_146 : vector<1x16xf32> to vector<16xf32>
      %parallel_loop3A_148 = arith.mulf %parallel_loop3A_143, %parallel_loop3A_147 : vector<16xf32>
      %parallel_loop3A_149 = arith.index_cast %parallel_loop3A_83 : i32 to index
      %parallel_loop3A_150 = arith.constant 64 : index
      %parallel_loop3A_151 = tpu.vector_load %arg13[%parallel_loop3A_149, %parallel_loop3A_150] {strides = array<i32>} : memref<80x128xf32, #tpu.memory_space<vmem>>, vector<1x16xf32>,
      %parallel_loop3A_152 = vector.shape_cast %parallel_loop3A_151 : vector<1x16xf32> to vector<16xf32>
      %parallel_loop3A_153 = vector.shape_cast %parallel_loop3A_148 : vector<16xf32> to vector<1x16xf32>
      tpu.vector_store %arg13[%parallel_loop3A_149, %parallel_loop3A_150], %parallel_loop3A_153 {strides = array<i32>} : memref<80x128xf32, #tpu.memory_space<vmem>>, vector<1x16xf32>,
      %parallel_loop3A_154 = arith.index_cast %parallel_loop3A_83 : i32 to index
      %parallel_loop3A_155 = arith.constant 80 : index
      %parallel_loop3A_156 = tpu.vector_load %arg13[%parallel_loop3A_154, %parallel_loop3A_155] {strides = array<i32>} : memref<80x128xf32, #tpu.memory_space<vmem>>, vector<1x16xf32>,
      %parallel_loop3A_157 = vector.shape_cast %parallel_loop3A_156 : vector<1x16xf32> to vector<16xf32>
      %parallel_loop3A_158 = arith.index_cast %parallel_loop3A_83 : i32 to index
      %parallel_loop3A_159 = arith.constant 80 : index
      %parallel_loop3A_160 = tpu.vector_load %arg15[%parallel_loop3A_158, %parallel_loop3A_159] {strides = array<i32>} : memref<80x128xf32, #tpu.memory_space<vmem>>, vector<1x16xf32>,
      %parallel_loop3A_161 = vector.shape_cast %parallel_loop3A_160 : vector<1x16xf32> to vector<16xf32>
      %parallel_loop3A_162 = arith.mulf %parallel_loop3A_157, %parallel_loop3A_161 : vector<16xf32>
      %parallel_loop3A_163 = arith.index_cast %parallel_loop3A_83 : i32 to index
      %parallel_loop3A_164 = arith.constant 80 : index
      %parallel_loop3A_165 = tpu.vector_load %arg13[%parallel_loop3A_163, %parallel_loop3A_164] {strides = array<i32>} : memref<80x128xf32, #tpu.memory_space<vmem>>, vector<1x16xf32>,
      %parallel_loop3A_166 = vector.shape_cast %parallel_loop3A_165 : vector<1x16xf32> to vector<16xf32>
      %parallel_loop3A_167 = vector.shape_cast %parallel_loop3A_162 : vector<16xf32> to vector<1x16xf32>
      tpu.vector_store %arg13[%parallel_loop3A_163, %parallel_loop3A_164], %parallel_loop3A_167 {strides = array<i32>} : memref<80x128xf32, #tpu.memory_space<vmem>>, vector<1x16xf32>,
      %parallel_loop3A_168 = arith.index_cast %parallel_loop3A_83 : i32 to index
      %parallel_loop3A_169 = arith.constant 96 : index
      %parallel_loop3A_170 = tpu.vector_load %arg13[%parallel_loop3A_168, %parallel_loop3A_169] {strides = array<i32>} : memref<80x128xf32, #tpu.memory_space<vmem>>, vector<1x16xf32>,
      %parallel_loop3A_171 = vector.shape_cast %parallel_loop3A_170 : vector<1x16xf32> to vector<16xf32>
      %parallel_loop3A_172 = arith.index_cast %parallel_loop3A_83 : i32 to index
      %parallel_loop3A_173 = arith.constant 96 : index
      %parallel_loop3A_174 = tpu.vector_load %arg15[%parallel_loop3A_172, %parallel_loop3A_173] {strides = array<i32>} : memref<80x128xf32, #tpu.memory_space<vmem>>, vector<1x16xf32>,
      %parallel_loop3A_175 = vector.shape_cast %parallel_loop3A_174 : vector<1x16xf32> to vector<16xf32>
      %parallel_loop3A_176 = arith.mulf %parallel_loop3A_171, %parallel_loop3A_175 : vector<16xf32>
      %parallel_loop3A_177 = arith.index_cast %parallel_loop3A_83 : i32 to index
      %parallel_loop3A_178 = arith.constant 96 : index
      %parallel_loop3A_179 = tpu.vector_load %arg13[%parallel_loop3A_177, %parallel_loop3A_178] {strides = array<i32>} : memref<80x128xf32, #tpu.memory_space<vmem>>, vector<1x16xf32>,
      %parallel_loop3A_180 = vector.shape_cast %parallel_loop3A_179 : vector<1x16xf32> to vector<16xf32>
      %parallel_loop3A_181 = vector.shape_cast %parallel_loop3A_176 : vector<16xf32> to vector<1x16xf32>
      tpu.vector_store %arg13[%parallel_loop3A_177, %parallel_loop3A_178], %parallel_loop3A_181 {strides = array<i32>} : memref<80x128xf32, #tpu.memory_space<vmem>>, vector<1x16xf32>,
      %parallel_loop3A_182 = arith.index_cast %parallel_loop3A_83 : i32 to index
      %parallel_loop3A_183 = arith.constant 112 : index
      %parallel_loop3A_184 = tpu.vector_load %arg13[%parallel_loop3A_182, %parallel_loop3A_183] {strides = array<i32>} : memref<80x128xf32, #tpu.memory_space<vmem>>, vector<1x16xf32>,
      %parallel_loop3A_185 = vector.shape_cast %parallel_loop3A_184 : vector<1x16xf32> to vector<16xf32>
      %parallel_loop3A_186 = arith.index_cast %parallel_loop3A_83 : i32 to index
      %parallel_loop3A_187 = arith.constant 112 : index
      %parallel_loop3A_188 = tpu.vector_load %arg15[%parallel_loop3A_186, %parallel_loop3A_187] {strides = array<i32>} : memref<80x128xf32, #tpu.memory_space<vmem>>, vector<1x16xf32>,
      %parallel_loop3A_189 = vector.shape_cast %parallel_loop3A_188 : vector<1x16xf32> to vector<16xf32>
      %parallel_loop3A_190 = arith.mulf %parallel_loop3A_185, %parallel_loop3A_189 : vector<16xf32>
      %parallel_loop3A_191 = arith.index_cast %parallel_loop3A_83 : i32 to index
      %parallel_loop3A_192 = arith.constant 112 : index
      %parallel_loop3A_193 = tpu.vector_load %arg13[%parallel_loop3A_191, %parallel_loop3A_192] {strides = array<i32>} : memref<80x128xf32, #tpu.memory_space<vmem>>, vector<1x16xf32>,
      %parallel_loop3A_194 = vector.shape_cast %parallel_loop3A_193 : vector<1x16xf32> to vector<16xf32>
      %parallel_loop3A_195 = vector.shape_cast %parallel_loop3A_190 : vector<16xf32> to vector<1x16xf32>
      tpu.vector_store %arg13[%parallel_loop3A_191, %parallel_loop3A_192], %parallel_loop3A_195 {strides = array<i32>} : memref<80x128xf32, #tpu.memory_space<vmem>>, vector<1x16xf32>,
    } {sc.loop_unroll_factor = 4 : i64, sc.parallel_access}
    "tpu.region"() ({
      %run_scoped3A = tpu.sem_alloc : memref<!tpu.dma_semaphore, #tpu.memory_space<semaphore_mem>>
      %dma_start3A_83 = arith.constant 0 : i32
      %dma_start3A_84 = arith.constant 0 : i32
      %dma_start3A_85 = tpu.memref_slice %arg8[%dma_start3A_83, %dma_start3A_84] : memref<10000x128xf32, #tpu.memory_space<vmem_shared>> -> memref<10000x128xf32, #tpu.memory_space<vmem_shared>>
      tpu.enqueue_indirect_dma source(%arg13 : memref<80x128xf32, #tpu.memory_space<vmem>>) target(%dma_start3A_85 : memref<10000x128xf32, #tpu.memory_space<vmem_shared>>) offsets(%arg9 : memref<80xi32, #tpu.memory_space<vmem>>) semaphore(%run_scoped3A : memref<!tpu.dma_semaphore, #tpu.memory_space<semaphore_mem>>) {add = true}
      %dma_wait3A_86 = arith.constant 0 : i32
      %dma_wait3A_87 = arith.constant 0 : i32
      %dma_wait3A_88 = tpu.memref_slice %arg8[%dma_wait3A_86, %dma_wait3A_87] : memref<10000x128xf32, #tpu.memory_space<vmem_shared>> -> memref<10000x128xf32, #tpu.memory_space<vmem_shared>>
      tpu.wait_indirect_dma semaphore(%run_scoped3A : memref<!tpu.dma_semaphore, #tpu.memory_space<semaphore_mem>>) src(%arg13 : memref<80x128xf32, #tpu.memory_space<vmem>>) dst(%dma_wait3A_88 : memref<10000x128xf32, #tpu.memory_space<vmem_shared>>)
      tpu.yield
    }) : () -> ()
    %barrier3A_73 = arith.constant 0 : index
    tpu.barrier barrier_id(%barrier3A_73)
    %mul3A_74 = arith.constant 624 : i32
    %mul3A_75 = arith.muli %arg1, %mul3A_74 : i32
    %mul3A_76 = arith.constant 624 : i32
    %mul3A_77 = arith.muli %arg1, %mul3A_76 : i32
    "tpu.region"() ({
      %run_scoped3A = tpu.sem_alloc : memref<!tpu.dma_semaphore, #tpu.memory_space<semaphore_mem>>
      %dma_start3A_83 = arith.constant 0 : i32
      %dma_start3A_84 = tpu.memref_slice %arg7[%arg0, %mul3A_77, %dma_start3A_83] : memref<2x10000x128xf32, #tpu.memory_space<hbm>> -> memref<1x624x128xf32, #tpu.memory_space<hbm>>
      %dma_start3A_85 = tpu.memref_squeeze %dma_start3A_84 : memref<1x624x128xf32, #tpu.memory_space<hbm>> -> memref<624x128xf32, #tpu.memory_space<hbm>>
      %dma_start3A_86 = arith.constant 0 : i32
      %dma_start3A_87 = tpu.memref_slice %arg8[%mul3A_75, %dma_start3A_86] : memref<10000x128xf32, #tpu.memory_space<vmem_shared>> -> memref<624x128xf32, #tpu.memory_space<vmem_shared>>
      tpu.enqueue_dma source(%dma_start3A_87 : memref<624x128xf32, #tpu.memory_space<vmem_shared>>) target(%dma_start3A_85 : memref<624x128xf32, #tpu.memory_space<hbm>>) target_semaphore(%run_scoped3A : memref<!tpu.dma_semaphore, #tpu.memory_space<semaphore_mem>>)
      %dma_wait3A_88 = arith.constant 0 : i32
      %dma_wait3A_89 = tpu.memref_slice %arg7[%arg0, %mul3A_77, %dma_wait3A_88] : memref<2x10000x128xf32, #tpu.memory_space<hbm>> -> memref<1x624x128xf32, #tpu.memory_space<hbm>>
      %dma_wait3A_90 = tpu.memref_squeeze %dma_wait3A_89 : memref<1x624x128xf32, #tpu.memory_space<hbm>> -> memref<624x128xf32, #tpu.memory_space<hbm>>
      %dma_wait3A_91 = arith.constant 0 : i32
      %dma_wait3A_92 = tpu.memref_slice %arg8[%mul3A_75, %dma_wait3A_91] : memref<10000x128xf32, #tpu.memory_space<vmem_shared>> -> memref<624x128xf32, #tpu.memory_space<vmem_shared>>
      tpu.wait_dma2 semaphore(%run_scoped3A : memref<!tpu.dma_semaphore, #tpu.memory_space<semaphore_mem>>) src(%dma_wait3A_92 : memref<624x128xf32, #tpu.memory_space<vmem_shared>>) dst(%dma_wait3A_90 : memref<624x128xf32, #tpu.memory_space<hbm>>)
      tpu.yield
    }) : () -> ()
    %eq3A_78 = arith.constant 15 : i32
    %eq3A_79 = arith.cmpi eq, %arg1, %eq3A_78 : i32
    %convert_element_type3A_80 = arith.extui %eq3A_79 : i1 to i32
    %cond3A_81 = arith.constant 0 : i32
    %cond3A_82 = arith.cmpi ne, %convert_element_type3A_80, %cond3A_81 : i32
    scf.if %cond3A_82 {
      "tpu.region"() ({
        %run_scoped3A = tpu.sem_alloc : memref<!tpu.dma_semaphore, #tpu.memory_space<semaphore_mem>>
        %dma_start3A_83 = arith.constant 9984 : i32
        %dma_start3A_84 = arith.constant 0 : i32
        %dma_start3A_85 = tpu.memref_slice %arg7[%arg0, %dma_start3A_83, %dma_start3A_84] : memref<2x10000x128xf32, #tpu.memory_space<hbm>> -> memref<1x16x128xf32, #tpu.memory_space<hbm>>
        %dma_start3A_86 = tpu.memref_squeeze %dma_start3A_85 : memref<1x16x128xf32, #tpu.memory_space<hbm>> -> memref<16x128xf32, #tpu.memory_space<hbm>>
        %dma_start3A_87 = arith.constant 9984 : i32
        %dma_start3A_88 = arith.constant 0 : i32
        %dma_start3A_89 = tpu.memref_slice %arg8[%dma_start3A_87, %dma_start3A_88] : memref<10000x128xf32, #tpu.memory_space<vmem_shared>> -> memref<16x128xf32, #tpu.memory_space<vmem_shared>>
        tpu.enqueue_dma source(%dma_start3A_89 : memref<16x128xf32, #tpu.memory_space<vmem_shared>>) target(%dma_start3A_86 : memref<16x128xf32, #tpu.memory_space<hbm>>) target_semaphore(%run_scoped3A : memref<!tpu.dma_semaphore, #tpu.memory_space<semaphore_mem>>)
        %dma_wait3A_90 = arith.constant 9984 : i32
        %dma_wait3A_91 = arith.constant 0 : i32
        %dma_wait3A_92 = tpu.memref_slice %arg7[%arg0, %dma_wait3A_90, %dma_wait3A_91] : memref<2x10000x128xf32, #tpu.memory_space<hbm>> -> memref<1x16x128xf32, #tpu.memory_space<hbm>>
        %dma_wait3A_93 = tpu.memref_squeeze %dma_wait3A_92 : memref<1x16x128xf32, #tpu.memory_space<hbm>> -> memref<16x128xf32, #tpu.memory_space<hbm>>
        %dma_wait3A_94 = arith.constant 9984 : i32
        %dma_wait3A_95 = arith.constant 0 : i32
        %dma_wait3A_96 = tpu.memref_slice %arg8[%dma_wait3A_94, %dma_wait3A_95] : memref<10000x128xf32, #tpu.memory_space<vmem_shared>> -> memref<16x128xf32, #tpu.memory_space<vmem_shared>>
        tpu.wait_dma2 semaphore(%run_scoped3A : memref<!tpu.dma_semaphore, #tpu.memory_space<semaphore_mem>>) src(%dma_wait3A_96 : memref<16x128xf32, #tpu.memory_space<vmem_shared>>) dst(%dma_wait3A_93 : memref<16x128xf32, #tpu.memory_space<hbm>>)
        tpu.yield
      }) : () -> ()
    } else {
    }
    return
  }
}

#map = affine_map<(d0, d1) -> (0, 0)>
#map1 = affine_map<(d0, d1) -> (0, 0, 0, 0, 0)>
#map2 = affine_map<(d0, d1) -> (0, 0, 0, 0)>
#map3 = affine_map<(d0, d1) -> (0, 0, 0)>
module attributes {stable_mosaic.version = 14 : i64} {
  func.func @_sc_fused_body(%arg0: i32, %arg1: i32, %arg2: memref<10000x128xf32, #tpu.memory_space<hbm>>, %arg3: memref<2x16x125x80x128xf32, #tpu.memory_space<hbm>>, %arg4: memref<2x16x125x80xi32, #tpu.memory_space<hbm>>, %arg5: memref<2x16x125x80xi32, #tpu.memory_space<hbm>>, %arg6: memref<624x128xf32, #tpu.memory_space<hbm>>, %arg7: memref<2x10000x128xf32, #tpu.memory_space<hbm>>, %arg8: memref<10000x128xf32, #tpu.memory_space<vmem_shared>>, %arg9: memref<80xi32, #tpu.memory_space<vmem>>, %arg10: memref<80xi32, #tpu.memory_space<vmem>>, %arg11: memref<80xi32, #tpu.memory_space<vmem>>, %arg12: memref<80xi32, #tpu.memory_space<vmem>>, %arg13: memref<80x128xf32, #tpu.memory_space<vmem>>, %arg14: memref<80x128xf32, #tpu.memory_space<vmem>>, %arg15: memref<80x128xf32, #tpu.memory_space<vmem>>, %arg16: memref<80x128xf32, #tpu.memory_space<vmem>>, %arg17: memref<!tpu.dma_semaphore, #tpu.memory_space<semaphore_mem>>, %arg18: memref<!tpu.dma_semaphore, #tpu.memory_space<semaphore_mem>>, %arg19: memref<!tpu.dma_semaphore, #tpu.memory_space<semaphore_mem>>, %arg20: memref<!tpu.dma_semaphore, #tpu.memory_space<semaphore_mem>>, %arg21: memref<!tpu.dma_semaphore, #tpu.memory_space<semaphore_mem>>, %arg22: memref<!tpu.dma_semaphore, #tpu.memory_space<semaphore_mem>>) attributes {dimension_semantics = [#tpu.dimension_semantics<core_parallel>, #tpu.dimension_semantics<subcore_parallel>], iteration_bounds = array<i64: 2, 16>, scalar_prefetch = 0 : i64, scratch_operands = 15 : i64, tpu.core_type = #tpu.core_type<sc_vector_subcore>, window_params = [{transform_indices = #map}, {transform_indices = #map1}, {transform_indices = #map2}, {transform_indices = #map2}, {transform_indices = #map}, {transform_indices = #map3}]} {
    %mul3A = arith.constant 624 : i32
    %mul3A_0 = arith.muli %arg1, %mul3A : i32
    "tpu.region"() ({
      %run_scoped3A = tpu.sem_alloc : memref<!tpu.dma_semaphore, #tpu.memory_space<semaphore_mem>>
      %dma_start3A_83 = arith.constant 0 : i32
      %dma_start3A_84 = tpu.memref_slice %arg8[%mul3A_0, %dma_start3A_83] : memref<10000x128xf32, #tpu.memory_space<vmem_shared>> -> memref<624x128xf32, #tpu.memory_space<vmem_shared>>
      tpu.enqueue_dma source(%arg6 : memref<624x128xf32, #tpu.memory_space<hbm>>) target(%dma_start3A_84 : memref<624x128xf32, #tpu.memory_space<vmem_shared>>) target_semaphore(%run_scoped3A : memref<!tpu.dma_semaphore, #tpu.memory_space<semaphore_mem>>)
      %dma_wait3A_85 = arith.constant 0 : i32
      %dma_wait3A_86 = tpu.memref_slice %arg8[%mul3A_0, %dma_wait3A_85] : memref<10000x128xf32, #tpu.memory_space<vmem_shared>> -> memref<624x128xf32, #tpu.memory_space<vmem_shared>>
      tpu.wait_dma2 semaphore(%run_scoped3A : memref<!tpu.dma_semaphore, #tpu.memory_space<semaphore_mem>>) src(%arg6 : memref<624x128xf32, #tpu.memory_space<hbm>>) dst(%dma_wait3A_86 : memref<624x128xf32, #tpu.memory_space<vmem_shared>>)
      tpu.yield
    }) : () -> ()
    %eq3A = arith.constant 15 : i32
    %eq3A_1 = arith.cmpi eq, %arg1, %eq3A : i32
    %convert_element_type3A = arith.extui %eq3A_1 : i1 to i32
    %cond3A = arith.constant 0 : i32
    %cond3A_2 = arith.cmpi ne, %convert_element_type3A, %cond3A : i32
    scf.if %cond3A_2 {
      "tpu.region"() ({
        %run_scoped3A = tpu.sem_alloc : memref<!tpu.dma_semaphore, #tpu.memory_space<semaphore_mem>>
        %dma_start3A_83 = arith.constant 9984 : i32
        %dma_start3A_84 = arith.constant 0 : i32
        %dma_start3A_85 = tpu.memref_slice %arg8[%dma_start3A_83, %dma_start3A_84] : memref<10000x128xf32, #tpu.memory_space<vmem_shared>> -> memref<16x128xf32, #tpu.memory_space<vmem_shared>>
        %dma_start3A_86 = arith.constant 0 : i32
        %dma_start3A_87 = arith.constant 0 : i32
        %dma_start3A_88 = tpu.memref_slice %arg6[%dma_start3A_86, %dma_start3A_87] : memref<624x128xf32, #tpu.memory_space<hbm>> -> memref<16x128xf32, #tpu.memory_space<hbm>>
        tpu.enqueue_dma source(%dma_start3A_88 : memref<16x128xf32, #tpu.memory_space<hbm>>) target(%dma_start3A_85 : memref<16x128xf32, #tpu.memory_space<vmem_shared>>) target_semaphore(%run_scoped3A : memref<!tpu.dma_semaphore, #tpu.memory_space<semaphore_mem>>)
        %dma_wait3A_89 = arith.constant 9984 : i32
        %dma_wait3A_90 = arith.constant 0 : i32
        %dma_wait3A_91 = tpu.memref_slice %arg8[%dma_wait3A_89, %dma_wait3A_90] : memref<10000x128xf32, #tpu.memory_space<vmem_shared>> -> memref<16x128xf32, #tpu.memory_space<vmem_shared>>
        %dma_wait3A_92 = arith.constant 0 : i32
        %dma_wait3A_93 = arith.constant 0 : i32
        %dma_wait3A_94 = tpu.memref_slice %arg6[%dma_wait3A_92, %dma_wait3A_93] : memref<624x128xf32, #tpu.memory_space<hbm>> -> memref<16x128xf32, #tpu.memory_space<hbm>>
        tpu.wait_dma2 semaphore(%run_scoped3A : memref<!tpu.dma_semaphore, #tpu.memory_space<semaphore_mem>>) src(%dma_wait3A_94 : memref<16x128xf32, #tpu.memory_space<hbm>>) dst(%dma_wait3A_91 : memref<16x128xf32, #tpu.memory_space<vmem_shared>>)
        tpu.yield
      }) : () -> ()
    } else {
    }
    %barrier3A = arith.constant 0 : index
    tpu.barrier barrier_id(%barrier3A)
    %dma_start3A = arith.constant 0 : i32
    %dma_start3A_3 = arith.constant 0 : i32
    %dma_start3A_4 = tpu.memref_slice %arg4[%arg0, %arg1, %dma_start3A, %dma_start3A_3] : memref<2x16x125x80xi32, #tpu.memory_space<hbm>> -> memref<1x1x1x80xi32, #tpu.memory_space<hbm>>
    %dma_start3A_5 = tpu.memref_squeeze %dma_start3A_4 : memref<1x1x1x80xi32, #tpu.memory_space<hbm>> -> memref<80xi32, #tpu.memory_space<hbm>>
    %dma_start3A_6 = arith.constant 0 : i32
    %dma_start3A_7 = tpu.memref_slice %arg4[%arg0, %arg1, %dma_start3A, %dma_start3A_6] : memref<2x16x125x80xi32, #tpu.memory_space<hbm>> -> memref<1x1x1x80xi32, #tpu.memory_space<hbm>>
    %dma_start3A_8 = tpu.memref_squeeze %dma_start3A_7 : memref<1x1x1x80xi32, #tpu.memory_space<hbm>> -> memref<80xi32, #tpu.memory_space<hbm>>
    tpu.enqueue_dma source(%dma_start3A_8 : memref<80xi32, #tpu.memory_space<hbm>>) target(%arg9 : memref<80xi32, #tpu.memory_space<vmem>>) target_semaphore(%arg21 : memref<!tpu.dma_semaphore, #tpu.memory_space<semaphore_mem>>)
    %dma_start3A_9 = arith.constant 0 : i32
    %dma_start3A_10 = arith.constant 0 : i32
    %dma_start3A_11 = tpu.memref_slice %arg5[%arg0, %arg1, %dma_start3A_9, %dma_start3A_10] : memref<2x16x125x80xi32, #tpu.memory_space<hbm>> -> memref<1x1x1x80xi32, #tpu.memory_space<hbm>>
    %dma_start3A_12 = tpu.memref_squeeze %dma_start3A_11 : memref<1x1x1x80xi32, #tpu.memory_space<hbm>> -> memref<80xi32, #tpu.memory_space<hbm>>
    %dma_start3A_13 = arith.constant 0 : i32
    %dma_start3A_14 = tpu.memref_slice %arg5[%arg0, %arg1, %dma_start3A_9, %dma_start3A_13] : memref<2x16x125x80xi32, #tpu.memory_space<hbm>> -> memref<1x1x1x80xi32, #tpu.memory_space<hbm>>
    %dma_start3A_15 = tpu.memref_squeeze %dma_start3A_14 : memref<1x1x1x80xi32, #tpu.memory_space<hbm>> -> memref<80xi32, #tpu.memory_space<hbm>>
    tpu.enqueue_dma source(%dma_start3A_15 : memref<80xi32, #tpu.memory_space<hbm>>) target(%arg11 : memref<80xi32, #tpu.memory_space<vmem>>) target_semaphore(%arg21 : memref<!tpu.dma_semaphore, #tpu.memory_space<semaphore_mem>>)
    %dma_start3A_16 = arith.constant 1 : i32
    %dma_start3A_17 = arith.constant 0 : i32
    %dma_start3A_18 = tpu.memref_slice %arg4[%arg0, %arg1, %dma_start3A_16, %dma_start3A_17] : memref<2x16x125x80xi32, #tpu.memory_space<hbm>> -> memref<1x1x1x80xi32, #tpu.memory_space<hbm>>
    %dma_start3A_19 = tpu.memref_squeeze %dma_start3A_18 : memref<1x1x1x80xi32, #tpu.memory_space<hbm>> -> memref<80xi32, #tpu.memory_space<hbm>>
    %dma_start3A_20 = arith.constant 0 : i32
    %dma_start3A_21 = tpu.memref_slice %arg4[%arg0, %arg1, %dma_start3A_16, %dma_start3A_20] : memref<2x16x125x80xi32, #tpu.memory_space<hbm>> -> memref<1x1x1x80xi32, #tpu.memory_space<hbm>>
    %dma_start3A_22 = tpu.memref_squeeze %dma_start3A_21 : memref<1x1x1x80xi32, #tpu.memory_space<hbm>> -> memref<80xi32, #tpu.memory_space<hbm>>
    tpu.enqueue_dma source(%dma_start3A_22 : memref<80xi32, #tpu.memory_space<hbm>>) target(%arg10 : memref<80xi32, #tpu.memory_space<vmem>>) target_semaphore(%arg22 : memref<!tpu.dma_semaphore, #tpu.memory_space<semaphore_mem>>)
    %dma_start3A_23 = arith.constant 1 : i32
    %dma_start3A_24 = arith.constant 0 : i32
    %dma_start3A_25 = tpu.memref_slice %arg5[%arg0, %arg1, %dma_start3A_23, %dma_start3A_24] : memref<2x16x125x80xi32, #tpu.memory_space<hbm>> -> memref<1x1x1x80xi32, #tpu.memory_space<hbm>>
    %dma_start3A_26 = tpu.memref_squeeze %dma_start3A_25 : memref<1x1x1x80xi32, #tpu.memory_space<hbm>> -> memref<80xi32, #tpu.memory_space<hbm>>
    %dma_start3A_27 = arith.constant 0 : i32
    %dma_start3A_28 = tpu.memref_slice %arg5[%arg0, %arg1, %dma_start3A_23, %dma_start3A_27] : memref<2x16x125x80xi32, #tpu.memory_space<hbm>> -> memref<1x1x1x80xi32, #tpu.memory_space<hbm>>
    %dma_start3A_29 = tpu.memref_squeeze %dma_start3A_28 : memref<1x1x1x80xi32, #tpu.memory_space<hbm>> -> memref<80xi32, #tpu.memory_space<hbm>>
    tpu.enqueue_dma source(%dma_start3A_29 : memref<80xi32, #tpu.memory_space<hbm>>) target(%arg12 : memref<80xi32, #tpu.memory_space<vmem>>) target_semaphore(%arg22 : memref<!tpu.dma_semaphore, #tpu.memory_space<semaphore_mem>>)
    %dma_wait3A = arith.constant 0 : i32
    %dma_wait3A_30 = arith.constant 0 : i32
    %dma_wait3A_31 = tpu.memref_slice %arg4[%arg0, %arg1, %dma_wait3A, %dma_wait3A_30] : memref<2x16x125x80xi32, #tpu.memory_space<hbm>> -> memref<1x1x1x80xi32, #tpu.memory_space<hbm>>
    %dma_wait3A_32 = tpu.memref_squeeze %dma_wait3A_31 : memref<1x1x1x80xi32, #tpu.memory_space<hbm>> -> memref<80xi32, #tpu.memory_space<hbm>>
    %dma_wait3A_33 = arith.constant 0 : i32
    %dma_wait3A_34 = tpu.memref_slice %arg4[%arg0, %arg1, %dma_wait3A, %dma_wait3A_33] : memref<2x16x125x80xi32, #tpu.memory_space<hbm>> -> memref<1x1x1x80xi32, #tpu.memory_space<hbm>>
    %dma_wait3A_35 = tpu.memref_squeeze %dma_wait3A_34 : memref<1x1x1x80xi32, #tpu.memory_space<hbm>> -> memref<80xi32, #tpu.memory_space<hbm>>
    tpu.wait_dma2 semaphore(%arg21 : memref<!tpu.dma_semaphore, #tpu.memory_space<semaphore_mem>>) src(%dma_wait3A_35 : memref<80xi32, #tpu.memory_space<hbm>>) dst(%arg9 : memref<80xi32, #tpu.memory_space<vmem>>)
    %dma_wait3A_36 = arith.constant 0 : i32
    %dma_wait3A_37 = arith.constant 0 : i32
    %dma_wait3A_38 = tpu.memref_slice %arg5[%arg0, %arg1, %dma_wait3A_36, %dma_wait3A_37] : memref<2x16x125x80xi32, #tpu.memory_space<hbm>> -> memref<1x1x1x80xi32, #tpu.memory_space<hbm>>
    %dma_wait3A_39 = tpu.memref_squeeze %dma_wait3A_38 : memref<1x1x1x80xi32, #tpu.memory_space<hbm>> -> memref<80xi32, #tpu.memory_space<hbm>>
    %dma_wait3A_40 = arith.constant 0 : i32
    %dma_wait3A_41 = tpu.memref_slice %arg5[%arg0, %arg1, %dma_wait3A_36, %dma_wait3A_40] : memref<2x16x125x80xi32, #tpu.memory_space<hbm>> -> memref<1x1x1x80xi32, #tpu.memory_space<hbm>>
    %dma_wait3A_42 = tpu.memref_squeeze %dma_wait3A_41 : memref<1x1x1x80xi32, #tpu.memory_space<hbm>> -> memref<80xi32, #tpu.memory_space<hbm>>
    tpu.wait_dma2 semaphore(%arg21 : memref<!tpu.dma_semaphore, #tpu.memory_space<semaphore_mem>>) src(%dma_wait3A_42 : memref<80xi32, #tpu.memory_space<hbm>>) dst(%arg11 : memref<80xi32, #tpu.memory_space<vmem>>)
    %dma_start3A_43 = arith.constant 0 : i32
    %dma_start3A_44 = arith.constant 0 : i32
    %dma_start3A_45 = tpu.memref_slice %arg2[%dma_start3A_43, %dma_start3A_44] : memref<10000x128xf32, #tpu.memory_space<hbm>> -> memref<10000x128xf32, #tpu.memory_space<hbm>>
    tpu.enqueue_indirect_dma source(%dma_start3A_45 : memref<10000x128xf32, #tpu.memory_space<hbm>>) target(%arg13 : memref<80x128xf32, #tpu.memory_space<vmem>>) offsets(%arg11 : memref<80xi32, #tpu.memory_space<vmem>>) semaphore(%arg17 : memref<!tpu.dma_semaphore, #tpu.memory_space<semaphore_mem>>)
    %dma_start3A_46 = arith.constant 0 : i32
    %dma_start3A_47 = arith.constant 0 : i32
    %dma_start3A_48 = arith.constant 0 : i32
    %dma_start3A_49 = tpu.memref_slice %arg3[%arg0, %arg1, %dma_start3A_46, %dma_start3A_47, %dma_start3A_48] : memref<2x16x125x80x128xf32, #tpu.memory_space<hbm>> -> memref<1x1x1x80x128xf32, #tpu.memory_space<hbm>>
    %dma_start3A_50 = tpu.memref_squeeze %dma_start3A_49 : memref<1x1x1x80x128xf32, #tpu.memory_space<hbm>> -> memref<80x128xf32, #tpu.memory_space<hbm>>
    %dma_start3A_51 = arith.constant 0 : i32
    %dma_start3A_52 = arith.constant 0 : i32
    %dma_start3A_53 = tpu.memref_slice %arg3[%arg0, %arg1, %dma_start3A_46, %dma_start3A_51, %dma_start3A_52] : memref<2x16x125x80x128xf32, #tpu.memory_space<hbm>> -> memref<1x1x1x80x128xf32, #tpu.memory_space<hbm>>
    %dma_start3A_54 = tpu.memref_squeeze %dma_start3A_53 : memref<1x1x1x80x128xf32, #tpu.memory_space<hbm>> -> memref<80x128xf32, #tpu.memory_space<hbm>>
    tpu.enqueue_dma source(%dma_start3A_54 : memref<80x128xf32, #tpu.memory_space<hbm>>) target(%arg15 : memref<80x128xf32, #tpu.memory_space<vmem>>) target_semaphore(%arg19 : memref<!tpu.dma_semaphore, #tpu.memory_space<semaphore_mem>>)
    %scan3A = arith.constant 0 : i32
    %scan3A_55 = arith.constant 62 : i32
    %scan3A_56 = arith.addi %scan3A, %scan3A_55 : i32
    %scan3A_57 = arith.constant 1 : i32
    scf.for %scan3A_83 = %scan3A to %scan3A_56 step %scan3A_57  : i32 {
      %mul3A_84 = arith.constant 2 : i32
      %mul3A_85 = arith.muli %scan3A_83, %mul3A_84 : i32
      %add3A = arith.constant 0 : i32
      %add3A_86 = arith.addi %add3A, %mul3A_85 : i32
      %add3A_87 = arith.constant 0 : i32
      %add3A_88 = arith.addi %add3A_86, %add3A_87 : i32
      %add3A_89 = arith.constant 1 : i32
      %add3A_90 = arith.addi %add3A_88, %add3A_89 : i32
      %lt3A = arith.constant 125 : i32
      %lt3A_91 = arith.cmpi slt, %add3A_90, %lt3A : i32
      %convert_element_type3A_92 = arith.extui %lt3A_91 : i1 to i32
      %cond3A_93 = arith.constant 0 : i32
      %cond3A_94 = arith.cmpi ne, %convert_element_type3A_92, %cond3A_93 : i32
      scf.if %cond3A_94 {
        %add3A_146 = arith.constant 1 : i32
        %add3A_147 = arith.addi %add3A_88, %add3A_146 : i32
        %dma_wait3A_148 = arith.constant 0 : i32
        %dma_wait3A_149 = tpu.memref_slice %arg4[%arg0, %arg1, %add3A_147, %dma_wait3A_148] : memref<2x16x125x80xi32, #tpu.memory_space<hbm>> -> memref<1x1x1x80xi32, #tpu.memory_space<hbm>>
        %dma_wait3A_150 = tpu.memref_squeeze %dma_wait3A_149 : memref<1x1x1x80xi32, #tpu.memory_space<hbm>> -> memref<80xi32, #tpu.memory_space<hbm>>
        %dma_wait3A_151 = arith.constant 0 : i32
        %dma_wait3A_152 = tpu.memref_slice %arg4[%arg0, %arg1, %add3A_147, %dma_wait3A_151] : memref<2x16x125x80xi32, #tpu.memory_space<hbm>> -> memref<1x1x1x80xi32, #tpu.memory_space<hbm>>
        %dma_wait3A_153 = tpu.memref_squeeze %dma_wait3A_152 : memref<1x1x1x80xi32, #tpu.memory_space<hbm>> -> memref<80xi32, #tpu.memory_space<hbm>>
        tpu.wait_dma2 semaphore(%arg22 : memref<!tpu.dma_semaphore, #tpu.memory_space<semaphore_mem>>) src(%dma_wait3A_153 : memref<80xi32, #tpu.memory_space<hbm>>) dst(%arg10 : memref<80xi32, #tpu.memory_space<vmem>>)
        %dma_wait3A_154 = arith.constant 0 : i32
        %dma_wait3A_155 = tpu.memref_slice %arg5[%arg0, %arg1, %add3A_147, %dma_wait3A_154] : memref<2x16x125x80xi32, #tpu.memory_space<hbm>> -> memref<1x1x1x80xi32, #tpu.memory_space<hbm>>
        %dma_wait3A_156 = tpu.memref_squeeze %dma_wait3A_155 : memref<1x1x1x80xi32, #tpu.memory_space<hbm>> -> memref<80xi32, #tpu.memory_space<hbm>>
        %dma_wait3A_157 = arith.constant 0 : i32
        %dma_wait3A_158 = tpu.memref_slice %arg5[%arg0, %arg1, %add3A_147, %dma_wait3A_157] : memref<2x16x125x80xi32, #tpu.memory_space<hbm>> -> memref<1x1x1x80xi32, #tpu.memory_space<hbm>>
        %dma_wait3A_159 = tpu.memref_squeeze %dma_wait3A_158 : memref<1x1x1x80xi32, #tpu.memory_space<hbm>> -> memref<80xi32, #tpu.memory_space<hbm>>
        tpu.wait_dma2 semaphore(%arg22 : memref<!tpu.dma_semaphore, #tpu.memory_space<semaphore_mem>>) src(%dma_wait3A_159 : memref<80xi32, #tpu.memory_space<hbm>>) dst(%arg12 : memref<80xi32, #tpu.memory_space<vmem>>)
        %add3A_160 = arith.constant 1 : i32
        %add3A_161 = arith.addi %add3A_88, %add3A_160 : i32
        %dma_start3A_162 = arith.constant 0 : i32
        %dma_start3A_163 = arith.constant 0 : i32
        %dma_start3A_164 = tpu.memref_slice %arg2[%dma_start3A_162, %dma_start3A_163] : memref<10000x128xf32, #tpu.memory_space<hbm>> -> memref<10000x128xf32, #tpu.memory_space<hbm>>
        tpu.enqueue_indirect_dma source(%dma_start3A_164 : memref<10000x128xf32, #tpu.memory_space<hbm>>) target(%arg14 : memref<80x128xf32, #tpu.memory_space<vmem>>) offsets(%arg12 : memref<80xi32, #tpu.memory_space<vmem>>) semaphore(%arg18 : memref<!tpu.dma_semaphore, #tpu.memory_space<semaphore_mem>>)
        %dma_start3A_165 = arith.constant 0 : i32
        %dma_start3A_166 = arith.constant 0 : i32
        %dma_start3A_167 = tpu.memref_slice %arg3[%arg0, %arg1, %add3A_161, %dma_start3A_165, %dma_start3A_166] : memref<2x16x125x80x128xf32, #tpu.memory_space<hbm>> -> memref<1x1x1x80x128xf32, #tpu.memory_space<hbm>>
        %dma_start3A_168 = tpu.memref_squeeze %dma_start3A_167 : memref<1x1x1x80x128xf32, #tpu.memory_space<hbm>> -> memref<80x128xf32, #tpu.memory_space<hbm>>
        %dma_start3A_169 = arith.constant 0 : i32
        %dma_start3A_170 = arith.constant 0 : i32
        %dma_start3A_171 = tpu.memref_slice %arg3[%arg0, %arg1, %add3A_161, %dma_start3A_169, %dma_start3A_170] : memref<2x16x125x80x128xf32, #tpu.memory_space<hbm>> -> memref<1x1x1x80x128xf32, #tpu.memory_space<hbm>>
        %dma_start3A_172 = tpu.memref_squeeze %dma_start3A_171 : memref<1x1x1x80x128xf32, #tpu.memory_space<hbm>> -> memref<80x128xf32, #tpu.memory_space<hbm>>
        tpu.enqueue_dma source(%dma_start3A_172 : memref<80x128xf32, #tpu.memory_space<hbm>>) target(%arg16 : memref<80x128xf32, #tpu.memory_space<vmem>>) target_semaphore(%arg20 : memref<!tpu.dma_semaphore, #tpu.memory_space<semaphore_mem>>)
      } else {
      }
      %dma_wait3A_95 = arith.constant 0 : i32
      %dma_wait3A_96 = arith.constant 0 : i32
      %dma_wait3A_97 = tpu.memref_slice %arg2[%dma_wait3A_95, %dma_wait3A_96] : memref<10000x128xf32, #tpu.memory_space<hbm>> -> memref<10000x128xf32, #tpu.memory_space<hbm>>
      tpu.wait_indirect_dma semaphore(%arg17 : memref<!tpu.dma_semaphore, #tpu.memory_space<semaphore_mem>>) src(%dma_wait3A_97 : memref<10000x128xf32, #tpu.memory_space<hbm>>) dst(%arg13 : memref<80x128xf32, #tpu.memory_space<vmem>>)
      %dma_wait3A_98 = arith.constant 0 : i32
      %dma_wait3A_99 = arith.constant 0 : i32
      %dma_wait3A_100 = tpu.memref_slice %arg3[%arg0, %arg1, %add3A_88, %dma_wait3A_98, %dma_wait3A_99] : memref<2x16x125x80x128xf32, #tpu.memory_space<hbm>> -> memref<1x1x1x80x128xf32, #tpu.memory_space<hbm>>
      %dma_wait3A_101 = tpu.memref_squeeze %dma_wait3A_100 : memref<1x1x1x80x128xf32, #tpu.memory_space<hbm>> -> memref<80x128xf32, #tpu.memory_space<hbm>>
      %dma_wait3A_102 = arith.constant 0 : i32
      %dma_wait3A_103 = arith.constant 0 : i32
      %dma_wait3A_104 = tpu.memref_slice %arg3[%arg0, %arg1, %add3A_88, %dma_wait3A_102, %dma_wait3A_103] : memref<2x16x125x80x128xf32, #tpu.memory_space<hbm>> -> memref<1x1x1x80x128xf32, #tpu.memory_space<hbm>>
      %dma_wait3A_105 = tpu.memref_squeeze %dma_wait3A_104 : memref<1x1x1x80x128xf32, #tpu.memory_space<hbm>> -> memref<80x128xf32, #tpu.memory_space<hbm>>
      tpu.wait_dma2 semaphore(%arg19 : memref<!tpu.dma_semaphore, #tpu.memory_space<semaphore_mem>>) src(%dma_wait3A_105 : memref<80x128xf32, #tpu.memory_space<hbm>>) dst(%arg15 : memref<80x128xf32, #tpu.memory_space<vmem>>)
      %parallel_loop3A_106 = arith.constant 0 : i32
      %parallel_loop3A_107 = arith.constant 80 : i32
      %parallel_loop3A_108 = arith.constant 1 : i32
      scf.for %parallel_loop3A_146 = %parallel_loop3A_106 to %parallel_loop3A_107 step %parallel_loop3A_108  : i32 {
        %parallel_loop3A_147 = arith.index_cast %parallel_loop3A_146 : i32 to index
        %parallel_loop3A_148 = arith.constant 0 : index
        %parallel_loop3A_149 = tpu.vector_load %arg13[%parallel_loop3A_147, %parallel_loop3A_148] {strides = array<i32>} : memref<80x128xf32, #tpu.memory_space<vmem>>, vector<1x16xf32>,
        %parallel_loop3A_150 = vector.shape_cast %parallel_loop3A_149 : vector<1x16xf32> to vector<16xf32>
        %parallel_loop3A_151 = arith.index_cast %parallel_loop3A_146 : i32 to index
        %parallel_loop3A_152 = arith.constant 0 : index
        %parallel_loop3A_153 = tpu.vector_load %arg15[%parallel_loop3A_151, %parallel_loop3A_152] {strides = array<i32>} : memref<80x128xf32, #tpu.memory_space<vmem>>, vector<1x16xf32>,
        %parallel_loop3A_154 = vector.shape_cast %parallel_loop3A_153 : vector<1x16xf32> to vector<16xf32>
        %parallel_loop3A_155 = arith.mulf %parallel_loop3A_150, %parallel_loop3A_154 : vector<16xf32>
        %parallel_loop3A_156 = arith.index_cast %parallel_loop3A_146 : i32 to index
        %parallel_loop3A_157 = arith.constant 0 : index
        %parallel_loop3A_158 = tpu.vector_load %arg13[%parallel_loop3A_156, %parallel_loop3A_157] {strides = array<i32>} : memref<80x128xf32, #tpu.memory_space<vmem>>, vector<1x16xf32>,
        %parallel_loop3A_159 = vector.shape_cast %parallel_loop3A_158 : vector<1x16xf32> to vector<16xf32>
        %parallel_loop3A_160 = vector.shape_cast %parallel_loop3A_155 : vector<16xf32> to vector<1x16xf32>
        tpu.vector_store %arg13[%parallel_loop3A_156, %parallel_loop3A_157], %parallel_loop3A_160 {strides = array<i32>} : memref<80x128xf32, #tpu.memory_space<vmem>>, vector<1x16xf32>,
        %parallel_loop3A_161 = arith.index_cast %parallel_loop3A_146 : i32 to index
        %parallel_loop3A_162 = arith.constant 16 : index
        %parallel_loop3A_163 = tpu.vector_load %arg13[%parallel_loop3A_161, %parallel_loop3A_162] {strides = array<i32>} : memref<80x128xf32, #tpu.memory_space<vmem>>, vector<1x16xf32>,
        %parallel_loop3A_164 = vector.shape_cast %parallel_loop3A_163 : vector<1x16xf32> to vector<16xf32>
        %parallel_loop3A_165 = arith.index_cast %parallel_loop3A_146 : i32 to index
        %parallel_loop3A_166 = arith.constant 16 : index
        %parallel_loop3A_167 = tpu.vector_load %arg15[%parallel_loop3A_165, %parallel_loop3A_166] {strides = array<i32>} : memref<80x128xf32, #tpu.memory_space<vmem>>, vector<1x16xf32>,
        %parallel_loop3A_168 = vector.shape_cast %parallel_loop3A_167 : vector<1x16xf32> to vector<16xf32>
        %parallel_loop3A_169 = arith.mulf %parallel_loop3A_164, %parallel_loop3A_168 : vector<16xf32>
        %parallel_loop3A_170 = arith.index_cast %parallel_loop3A_146 : i32 to index
        %parallel_loop3A_171 = arith.constant 16 : index
        %parallel_loop3A_172 = tpu.vector_load %arg13[%parallel_loop3A_170, %parallel_loop3A_171] {strides = array<i32>} : memref<80x128xf32, #tpu.memory_space<vmem>>, vector<1x16xf32>,
        %parallel_loop3A_173 = vector.shape_cast %parallel_loop3A_172 : vector<1x16xf32> to vector<16xf32>
        %parallel_loop3A_174 = vector.shape_cast %parallel_loop3A_169 : vector<16xf32> to vector<1x16xf32>
        tpu.vector_store %arg13[%parallel_loop3A_170, %parallel_loop3A_171], %parallel_loop3A_174 {strides = array<i32>} : memref<80x128xf32, #tpu.memory_space<vmem>>, vector<1x16xf32>,
        %parallel_loop3A_175 = arith.index_cast %parallel_loop3A_146 : i32 to index
        %parallel_loop3A_176 = arith.constant 32 : index
        %parallel_loop3A_177 = tpu.vector_load %arg13[%parallel_loop3A_175, %parallel_loop3A_176] {strides = array<i32>} : memref<80x128xf32, #tpu.memory_space<vmem>>, vector<1x16xf32>,
        %parallel_loop3A_178 = vector.shape_cast %parallel_loop3A_177 : vector<1x16xf32> to vector<16xf32>
        %parallel_loop3A_179 = arith.index_cast %parallel_loop3A_146 : i32 to index
        %parallel_loop3A_180 = arith.constant 32 : index
        %parallel_loop3A_181 = tpu.vector_load %arg15[%parallel_loop3A_179, %parallel_loop3A_180] {strides = array<i32>} : memref<80x128xf32, #tpu.memory_space<vmem>>, vector<1x16xf32>,
        %parallel_loop3A_182 = vector.shape_cast %parallel_loop3A_181 : vector<1x16xf32> to vector<16xf32>
        %parallel_loop3A_183 = arith.mulf %parallel_loop3A_178, %parallel_loop3A_182 : vector<16xf32>
        %parallel_loop3A_184 = arith.index_cast %parallel_loop3A_146 : i32 to index
        %parallel_loop3A_185 = arith.constant 32 : index
        %parallel_loop3A_186 = tpu.vector_load %arg13[%parallel_loop3A_184, %parallel_loop3A_185] {strides = array<i32>} : memref<80x128xf32, #tpu.memory_space<vmem>>, vector<1x16xf32>,
        %parallel_loop3A_187 = vector.shape_cast %parallel_loop3A_186 : vector<1x16xf32> to vector<16xf32>
        %parallel_loop3A_188 = vector.shape_cast %parallel_loop3A_183 : vector<16xf32> to vector<1x16xf32>
        tpu.vector_store %arg13[%parallel_loop3A_184, %parallel_loop3A_185], %parallel_loop3A_188 {strides = array<i32>} : memref<80x128xf32, #tpu.memory_space<vmem>>, vector<1x16xf32>,
        %parallel_loop3A_189 = arith.index_cast %parallel_loop3A_146 : i32 to index
        %parallel_loop3A_190 = arith.constant 48 : index
        %parallel_loop3A_191 = tpu.vector_load %arg13[%parallel_loop3A_189, %parallel_loop3A_190] {strides = array<i32>} : memref<80x128xf32, #tpu.memory_space<vmem>>, vector<1x16xf32>,
        %parallel_loop3A_192 = vector.shape_cast %parallel_loop3A_191 : vector<1x16xf32> to vector<16xf32>
        %parallel_loop3A_193 = arith.index_cast %parallel_loop3A_146 : i32 to index
        %parallel_loop3A_194 = arith.constant 48 : index
        %parallel_loop3A_195 = tpu.vector_load %arg15[%parallel_loop3A_193, %parallel_loop3A_194] {strides = array<i32>} : memref<80x128xf32, #tpu.memory_space<vmem>>, vector<1x16xf32>,
        %parallel_loop3A_196 = vector.shape_cast %parallel_loop3A_195 : vector<1x16xf32> to vector<16xf32>
        %parallel_loop3A_197 = arith.mulf %parallel_loop3A_192, %parallel_loop3A_196 : vector<16xf32>
        %parallel_loop3A_198 = arith.index_cast %parallel_loop3A_146 : i32 to index
        %parallel_loop3A_199 = arith.constant 48 : index
        %parallel_loop3A_200 = tpu.vector_load %arg13[%parallel_loop3A_198, %parallel_loop3A_199] {strides = array<i32>} : memref<80x128xf32, #tpu.memory_space<vmem>>, vector<1x16xf32>,
        %parallel_loop3A_201 = vector.shape_cast %parallel_loop3A_200 : vector<1x16xf32> to vector<16xf32>
        %parallel_loop3A_202 = vector.shape_cast %parallel_loop3A_197 : vector<16xf32> to vector<1x16xf32>
        tpu.vector_store %arg13[%parallel_loop3A_198, %parallel_loop3A_199], %parallel_loop3A_202 {strides = array<i32>} : memref<80x128xf32, #tpu.memory_space<vmem>>, vector<1x16xf32>,
        %parallel_loop3A_203 = arith.index_cast %parallel_loop3A_146 : i32 to index
        %parallel_loop3A_204 = arith.constant 64 : index
        %parallel_loop3A_205 = tpu.vector_load %arg13[%parallel_loop3A_203, %parallel_loop3A_204] {strides = array<i32>} : memref<80x128xf32, #tpu.memory_space<vmem>>, vector<1x16xf32>,
        %parallel_loop3A_206 = vector.shape_cast %parallel_loop3A_205 : vector<1x16xf32> to vector<16xf32>
        %parallel_loop3A_207 = arith.index_cast %parallel_loop3A_146 : i32 to index
        %parallel_loop3A_208 = arith.constant 64 : index
        %parallel_loop3A_209 = tpu.vector_load %arg15[%parallel_loop3A_207, %parallel_loop3A_208] {strides = array<i32>} : memref<80x128xf32, #tpu.memory_space<vmem>>, vector<1x16xf32>,
        %parallel_loop3A_210 = vector.shape_cast %parallel_loop3A_209 : vector<1x16xf32> to vector<16xf32>
        %parallel_loop3A_211 = arith.mulf %parallel_loop3A_206, %parallel_loop3A_210 : vector<16xf32>
        %parallel_loop3A_212 = arith.index_cast %parallel_loop3A_146 : i32 to index
        %parallel_loop3A_213 = arith.constant 64 : index
        %parallel_loop3A_214 = tpu.vector_load %arg13[%parallel_loop3A_212, %parallel_loop3A_213] {strides = array<i32>} : memref<80x128xf32, #tpu.memory_space<vmem>>, vector<1x16xf32>,
        %parallel_loop3A_215 = vector.shape_cast %parallel_loop3A_214 : vector<1x16xf32> to vector<16xf32>
        %parallel_loop3A_216 = vector.shape_cast %parallel_loop3A_211 : vector<16xf32> to vector<1x16xf32>
        tpu.vector_store %arg13[%parallel_loop3A_212, %parallel_loop3A_213], %parallel_loop3A_216 {strides = array<i32>} : memref<80x128xf32, #tpu.memory_space<vmem>>, vector<1x16xf32>,
        %parallel_loop3A_217 = arith.index_cast %parallel_loop3A_146 : i32 to index
        %parallel_loop3A_218 = arith.constant 80 : index
        %parallel_loop3A_219 = tpu.vector_load %arg13[%parallel_loop3A_217, %parallel_loop3A_218] {strides = array<i32>} : memref<80x128xf32, #tpu.memory_space<vmem>>, vector<1x16xf32>,
        %parallel_loop3A_220 = vector.shape_cast %parallel_loop3A_219 : vector<1x16xf32> to vector<16xf32>
        %parallel_loop3A_221 = arith.index_cast %parallel_loop3A_146 : i32 to index
        %parallel_loop3A_222 = arith.constant 80 : index
        %parallel_loop3A_223 = tpu.vector_load %arg15[%parallel_loop3A_221, %parallel_loop3A_222] {strides = array<i32>} : memref<80x128xf32, #tpu.memory_space<vmem>>, vector<1x16xf32>,
        %parallel_loop3A_224 = vector.shape_cast %parallel_loop3A_223 : vector<1x16xf32> to vector<16xf32>
        %parallel_loop3A_225 = arith.mulf %parallel_loop3A_220, %parallel_loop3A_224 : vector<16xf32>
        %parallel_loop3A_226 = arith.index_cast %parallel_loop3A_146 : i32 to index
        %parallel_loop3A_227 = arith.constant 80 : index
        %parallel_loop3A_228 = tpu.vector_load %arg13[%parallel_loop3A_226, %parallel_loop3A_227] {strides = array<i32>} : memref<80x128xf32, #tpu.memory_space<vmem>>, vector<1x16xf32>,
        %parallel_loop3A_229 = vector.shape_cast %parallel_loop3A_228 : vector<1x16xf32> to vector<16xf32>
        %parallel_loop3A_230 = vector.shape_cast %parallel_loop3A_225 : vector<16xf32> to vector<1x16xf32>
        tpu.vector_store %arg13[%parallel_loop3A_226, %parallel_loop3A_227], %parallel_loop3A_230 {strides = array<i32>} : memref<80x128xf32, #tpu.memory_space<vmem>>, vector<1x16xf32>,
        %parallel_loop3A_231 = arith.index_cast %parallel_loop3A_146 : i32 to index
        %parallel_loop3A_232 = arith.constant 96 : index
        %parallel_loop3A_233 = tpu.vector_load %arg13[%parallel_loop3A_231, %parallel_loop3A_232] {strides = array<i32>} : memref<80x128xf32, #tpu.memory_space<vmem>>, vector<1x16xf32>,
        %parallel_loop3A_234 = vector.shape_cast %parallel_loop3A_233 : vector<1x16xf32> to vector<16xf32>
        %parallel_loop3A_235 = arith.index_cast %parallel_loop3A_146 : i32 to index
        %parallel_loop3A_236 = arith.constant 96 : index
        %parallel_loop3A_237 = tpu.vector_load %arg15[%parallel_loop3A_235, %parallel_loop3A_236] {strides = array<i32>} : memref<80x128xf32, #tpu.memory_space<vmem>>, vector<1x16xf32>,
        %parallel_loop3A_238 = vector.shape_cast %parallel_loop3A_237 : vector<1x16xf32> to vector<16xf32>
        %parallel_loop3A_239 = arith.mulf %parallel_loop3A_234, %parallel_loop3A_238 : vector<16xf32>
        %parallel_loop3A_240 = arith.index_cast %parallel_loop3A_146 : i32 to index
        %parallel_loop3A_241 = arith.constant 96 : index
        %parallel_loop3A_242 = tpu.vector_load %arg13[%parallel_loop3A_240, %parallel_loop3A_241] {strides = array<i32>} : memref<80x128xf32, #tpu.memory_space<vmem>>, vector<1x16xf32>,
        %parallel_loop3A_243 = vector.shape_cast %parallel_loop3A_242 : vector<1x16xf32> to vector<16xf32>
        %parallel_loop3A_244 = vector.shape_cast %parallel_loop3A_239 : vector<16xf32> to vector<1x16xf32>
        tpu.vector_store %arg13[%parallel_loop3A_240, %parallel_loop3A_241], %parallel_loop3A_244 {strides = array<i32>} : memref<80x128xf32, #tpu.memory_space<vmem>>, vector<1x16xf32>,
        %parallel_loop3A_245 = arith.index_cast %parallel_loop3A_146 : i32 to index
        %parallel_loop3A_246 = arith.constant 112 : index
        %parallel_loop3A_247 = tpu.vector_load %arg13[%parallel_loop3A_245, %parallel_loop3A_246] {strides = array<i32>} : memref<80x128xf32, #tpu.memory_space<vmem>>, vector<1x16xf32>,
        %parallel_loop3A_248 = vector.shape_cast %parallel_loop3A_247 : vector<1x16xf32> to vector<16xf32>
        %parallel_loop3A_249 = arith.index_cast %parallel_loop3A_146 : i32 to index
        %parallel_loop3A_250 = arith.constant 112 : index
        %parallel_loop3A_251 = tpu.vector_load %arg15[%parallel_loop3A_249, %parallel_loop3A_250] {strides = array<i32>} : memref<80x128xf32, #tpu.memory_space<vmem>>, vector<1x16xf32>,
        %parallel_loop3A_252 = vector.shape_cast %parallel_loop3A_251 : vector<1x16xf32> to vector<16xf32>
        %parallel_loop3A_253 = arith.mulf %parallel_loop3A_248, %parallel_loop3A_252 : vector<16xf32>
        %parallel_loop3A_254 = arith.index_cast %parallel_loop3A_146 : i32 to index
        %parallel_loop3A_255 = arith.constant 112 : index
        %parallel_loop3A_256 = tpu.vector_load %arg13[%parallel_loop3A_254, %parallel_loop3A_255] {strides = array<i32>} : memref<80x128xf32, #tpu.memory_space<vmem>>, vector<1x16xf32>,
        %parallel_loop3A_257 = vector.shape_cast %parallel_loop3A_256 : vector<1x16xf32> to vector<16xf32>
        %parallel_loop3A_258 = vector.shape_cast %parallel_loop3A_253 : vector<16xf32> to vector<1x16xf32>
        tpu.vector_store %arg13[%parallel_loop3A_254, %parallel_loop3A_255], %parallel_loop3A_258 {strides = array<i32>} : memref<80x128xf32, #tpu.memory_space<vmem>>, vector<1x16xf32>,
      } {sc.loop_unroll_factor = 4 : i64, sc.parallel_access}
      "tpu.region"() ({
        %run_scoped3A = tpu.sem_alloc : memref<!tpu.dma_semaphore, #tpu.memory_space<semaphore_mem>>
        %dma_start3A_146 = arith.constant 0 : i32
        %dma_start3A_147 = arith.constant 0 : i32
        %dma_start3A_148 = tpu.memref_slice %arg8[%dma_start3A_146, %dma_start3A_147] : memref<10000x128xf32, #tpu.memory_space<vmem_shared>> -> memref<10000x128xf32, #tpu.memory_space<vmem_shared>>
        tpu.enqueue_indirect_dma source(%arg13 : memref<80x128xf32, #tpu.memory_space<vmem>>) target(%dma_start3A_148 : memref<10000x128xf32, #tpu.memory_space<vmem_shared>>) offsets(%arg9 : memref<80xi32, #tpu.memory_space<vmem>>) semaphore(%run_scoped3A : memref<!tpu.dma_semaphore, #tpu.memory_space<semaphore_mem>>) {add = true}
        %dma_wait3A_149 = arith.constant 0 : i32
        %dma_wait3A_150 = arith.constant 0 : i32
        %dma_wait3A_151 = tpu.memref_slice %arg8[%dma_wait3A_149, %dma_wait3A_150] : memref<10000x128xf32, #tpu.memory_space<vmem_shared>> -> memref<10000x128xf32, #tpu.memory_space<vmem_shared>>
        tpu.wait_indirect_dma semaphore(%run_scoped3A : memref<!tpu.dma_semaphore, #tpu.memory_space<semaphore_mem>>) src(%arg13 : memref<80x128xf32, #tpu.memory_space<vmem>>) dst(%dma_wait3A_151 : memref<10000x128xf32, #tpu.memory_space<vmem_shared>>)
        tpu.yield
      }) : () -> ()
      %add3A_109 = arith.constant 2 : i32
      %add3A_110 = arith.addi %add3A_88, %add3A_109 : i32
      %lt3A_111 = arith.constant 125 : i32
      %lt3A_112 = arith.cmpi slt, %add3A_110, %lt3A_111 : i32
      %convert_element_type3A_113 = arith.extui %lt3A_112 : i1 to i32
      %cond3A_114 = arith.constant 0 : i32
      %cond3A_115 = arith.cmpi ne, %convert_element_type3A_113, %cond3A_114 : i32
      scf.if %cond3A_115 {
        %add3A_146 = arith.constant 2 : i32
        %add3A_147 = arith.addi %add3A_88, %add3A_146 : i32
        %dma_start3A_148 = arith.constant 0 : i32
        %dma_start3A_149 = tpu.memref_slice %arg4[%arg0, %arg1, %add3A_147, %dma_start3A_148] : memref<2x16x125x80xi32, #tpu.memory_space<hbm>> -> memref<1x1x1x80xi32, #tpu.memory_space<hbm>>
        %dma_start3A_150 = tpu.memref_squeeze %dma_start3A_149 : memref<1x1x1x80xi32, #tpu.memory_space<hbm>> -> memref<80xi32, #tpu.memory_space<hbm>>
        %dma_start3A_151 = arith.constant 0 : i32
        %dma_start3A_152 = tpu.memref_slice %arg4[%arg0, %arg1, %add3A_147, %dma_start3A_151] : memref<2x16x125x80xi32, #tpu.memory_space<hbm>> -> memref<1x1x1x80xi32, #tpu.memory_space<hbm>>
        %dma_start3A_153 = tpu.memref_squeeze %dma_start3A_152 : memref<1x1x1x80xi32, #tpu.memory_space<hbm>> -> memref<80xi32, #tpu.memory_space<hbm>>
        tpu.enqueue_dma source(%dma_start3A_153 : memref<80xi32, #tpu.memory_space<hbm>>) target(%arg9 : memref<80xi32, #tpu.memory_space<vmem>>) target_semaphore(%arg21 : memref<!tpu.dma_semaphore, #tpu.memory_space<semaphore_mem>>)
        %dma_start3A_154 = arith.constant 0 : i32
        %dma_start3A_155 = tpu.memref_slice %arg5[%arg0, %arg1, %add3A_147, %dma_start3A_154] : memref<2x16x125x80xi32, #tpu.memory_space<hbm>> -> memref<1x1x1x80xi32, #tpu.memory_space<hbm>>
        %dma_start3A_156 = tpu.memref_squeeze %dma_start3A_155 : memref<1x1x1x80xi32, #tpu.memory_space<hbm>> -> memref<80xi32, #tpu.memory_space<hbm>>
        %dma_start3A_157 = arith.constant 0 : i32
        %dma_start3A_158 = tpu.memref_slice %arg5[%arg0, %arg1, %add3A_147, %dma_start3A_157] : memref<2x16x125x80xi32, #tpu.memory_space<hbm>> -> memref<1x1x1x80xi32, #tpu.memory_space<hbm>>
        %dma_start3A_159 = tpu.memref_squeeze %dma_start3A_158 : memref<1x1x1x80xi32, #tpu.memory_space<hbm>> -> memref<80xi32, #tpu.memory_space<hbm>>
        tpu.enqueue_dma source(%dma_start3A_159 : memref<80xi32, #tpu.memory_space<hbm>>) target(%arg11 : memref<80xi32, #tpu.memory_space<vmem>>) target_semaphore(%arg21 : memref<!tpu.dma_semaphore, #tpu.memory_space<semaphore_mem>>)
      } else {
      }
      %add3A_116 = arith.constant 1 : i32
      %add3A_117 = arith.addi %add3A_86, %add3A_116 : i32
      %add3A_118 = arith.constant 1 : i32
      %add3A_119 = arith.addi %add3A_117, %add3A_118 : i32
      %lt3A_120 = arith.constant 125 : i32
      %lt3A_121 = arith.cmpi slt, %add3A_119, %lt3A_120 : i32
      %convert_element_type3A_122 = arith.extui %lt3A_121 : i1 to i32
      %cond3A_123 = arith.constant 0 : i32
      %cond3A_124 = arith.cmpi ne, %convert_element_type3A_122, %cond3A_123 : i32
      scf.if %cond3A_124 {
        %add3A_146 = arith.constant 1 : i32
        %add3A_147 = arith.addi %add3A_117, %add3A_146 : i32
        %dma_wait3A_148 = arith.constant 0 : i32
        %dma_wait3A_149 = tpu.memref_slice %arg4[%arg0, %arg1, %add3A_147, %dma_wait3A_148] : memref<2x16x125x80xi32, #tpu.memory_space<hbm>> -> memref<1x1x1x80xi32, #tpu.memory_space<hbm>>
        %dma_wait3A_150 = tpu.memref_squeeze %dma_wait3A_149 : memref<1x1x1x80xi32, #tpu.memory_space<hbm>> -> memref<80xi32, #tpu.memory_space<hbm>>
        %dma_wait3A_151 = arith.constant 0 : i32
        %dma_wait3A_152 = tpu.memref_slice %arg4[%arg0, %arg1, %add3A_147, %dma_wait3A_151] : memref<2x16x125x80xi32, #tpu.memory_space<hbm>> -> memref<1x1x1x80xi32, #tpu.memory_space<hbm>>
        %dma_wait3A_153 = tpu.memref_squeeze %dma_wait3A_152 : memref<1x1x1x80xi32, #tpu.memory_space<hbm>> -> memref<80xi32, #tpu.memory_space<hbm>>
        tpu.wait_dma2 semaphore(%arg21 : memref<!tpu.dma_semaphore, #tpu.memory_space<semaphore_mem>>) src(%dma_wait3A_153 : memref<80xi32, #tpu.memory_space<hbm>>) dst(%arg9 : memref<80xi32, #tpu.memory_space<vmem>>)
        %dma_wait3A_154 = arith.constant 0 : i32
        %dma_wait3A_155 = tpu.memref_slice %arg5[%arg0, %arg1, %add3A_147, %dma_wait3A_154] : memref<2x16x125x80xi32, #tpu.memory_space<hbm>> -> memref<1x1x1x80xi32, #tpu.memory_space<hbm>>
        %dma_wait3A_156 = tpu.memref_squeeze %dma_wait3A_155 : memref<1x1x1x80xi32, #tpu.memory_space<hbm>> -> memref<80xi32, #tpu.memory_space<hbm>>
        %dma_wait3A_157 = arith.constant 0 : i32
        %dma_wait3A_158 = tpu.memref_slice %arg5[%arg0, %arg1, %add3A_147, %dma_wait3A_157] : memref<2x16x125x80xi32, #tpu.memory_space<hbm>> -> memref<1x1x1x80xi32, #tpu.memory_space<hbm>>
        %dma_wait3A_159 = tpu.memref_squeeze %dma_wait3A_158 : memref<1x1x1x80xi32, #tpu.memory_space<hbm>> -> memref<80xi32, #tpu.memory_space<hbm>>
        tpu.wait_dma2 semaphore(%arg21 : memref<!tpu.dma_semaphore, #tpu.memory_space<semaphore_mem>>) src(%dma_wait3A_159 : memref<80xi32, #tpu.memory_space<hbm>>) dst(%arg11 : memref<80xi32, #tpu.memory_space<vmem>>)
        %add3A_160 = arith.constant 1 : i32
        %add3A_161 = arith.addi %add3A_117, %add3A_160 : i32
        %dma_start3A_162 = arith.constant 0 : i32
        %dma_start3A_163 = arith.constant 0 : i32
        %dma_start3A_164 = tpu.memref_slice %arg2[%dma_start3A_162, %dma_start3A_163] : memref<10000x128xf32, #tpu.memory_space<hbm>> -> memref<10000x128xf32, #tpu.memory_space<hbm>>
        tpu.enqueue_indirect_dma source(%dma_start3A_164 : memref<10000x128xf32, #tpu.memory_space<hbm>>) target(%arg13 : memref<80x128xf32, #tpu.memory_space<vmem>>) offsets(%arg11 : memref<80xi32, #tpu.memory_space<vmem>>) semaphore(%arg17 : memref<!tpu.dma_semaphore, #tpu.memory_space<semaphore_mem>>)
        %dma_start3A_165 = arith.constant 0 : i32
        %dma_start3A_166 = arith.constant 0 : i32
        %dma_start3A_167 = tpu.memref_slice %arg3[%arg0, %arg1, %add3A_161, %dma_start3A_165, %dma_start3A_166] : memref<2x16x125x80x128xf32, #tpu.memory_space<hbm>> -> memref<1x1x1x80x128xf32, #tpu.memory_space<hbm>>
        %dma_start3A_168 = tpu.memref_squeeze %dma_start3A_167 : memref<1x1x1x80x128xf32, #tpu.memory_space<hbm>> -> memref<80x128xf32, #tpu.memory_space<hbm>>
        %dma_start3A_169 = arith.constant 0 : i32
        %dma_start3A_170 = arith.constant 0 : i32
        %dma_start3A_171 = tpu.memref_slice %arg3[%arg0, %arg1, %add3A_161, %dma_start3A_169, %dma_start3A_170] : memref<2x16x125x80x128xf32, #tpu.memory_space<hbm>> -> memref<1x1x1x80x128xf32, #tpu.memory_space<hbm>>
        %dma_start3A_172 = tpu.memref_squeeze %dma_start3A_171 : memref<1x1x1x80x128xf32, #tpu.memory_space<hbm>> -> memref<80x128xf32, #tpu.memory_space<hbm>>
        tpu.enqueue_dma source(%dma_start3A_172 : memref<80x128xf32, #tpu.memory_space<hbm>>) target(%arg15 : memref<80x128xf32, #tpu.memory_space<vmem>>) target_semaphore(%arg19 : memref<!tpu.dma_semaphore, #tpu.memory_space<semaphore_mem>>)
      } else {
      }
      %dma_wait3A_125 = arith.constant 0 : i32
      %dma_wait3A_126 = arith.constant 0 : i32
      %dma_wait3A_127 = tpu.memref_slice %arg2[%dma_wait3A_125, %dma_wait3A_126] : memref<10000x128xf32, #tpu.memory_space<hbm>> -> memref<10000x128xf32, #tpu.memory_space<hbm>>
      tpu.wait_indirect_dma semaphore(%arg18 : memref<!tpu.dma_semaphore, #tpu.memory_space<semaphore_mem>>) src(%dma_wait3A_127 : memref<10000x128xf32, #tpu.memory_space<hbm>>) dst(%arg14 : memref<80x128xf32, #tpu.memory_space<vmem>>)
      %dma_wait3A_128 = arith.constant 0 : i32
      %dma_wait3A_129 = arith.constant 0 : i32
      %dma_wait3A_130 = tpu.memref_slice %arg3[%arg0, %arg1, %add3A_117, %dma_wait3A_128, %dma_wait3A_129] : memref<2x16x125x80x128xf32, #tpu.memory_space<hbm>> -> memref<1x1x1x80x128xf32, #tpu.memory_space<hbm>>
      %dma_wait3A_131 = tpu.memref_squeeze %dma_wait3A_130 : memref<1x1x1x80x128xf32, #tpu.memory_space<hbm>> -> memref<80x128xf32, #tpu.memory_space<hbm>>
      %dma_wait3A_132 = arith.constant 0 : i32
      %dma_wait3A_133 = arith.constant 0 : i32
      %dma_wait3A_134 = tpu.memref_slice %arg3[%arg0, %arg1, %add3A_117, %dma_wait3A_132, %dma_wait3A_133] : memref<2x16x125x80x128xf32, #tpu.memory_space<hbm>> -> memref<1x1x1x80x128xf32, #tpu.memory_space<hbm>>
      %dma_wait3A_135 = tpu.memref_squeeze %dma_wait3A_134 : memref<1x1x1x80x128xf32, #tpu.memory_space<hbm>> -> memref<80x128xf32, #tpu.memory_space<hbm>>
      tpu.wait_dma2 semaphore(%arg20 : memref<!tpu.dma_semaphore, #tpu.memory_space<semaphore_mem>>) src(%dma_wait3A_135 : memref<80x128xf32, #tpu.memory_space<hbm>>) dst(%arg16 : memref<80x128xf32, #tpu.memory_space<vmem>>)
      %parallel_loop3A_136 = arith.constant 0 : i32
      %parallel_loop3A_137 = arith.constant 80 : i32
      %parallel_loop3A_138 = arith.constant 1 : i32
      scf.for %parallel_loop3A_146 = %parallel_loop3A_136 to %parallel_loop3A_137 step %parallel_loop3A_138  : i32 {
        %parallel_loop3A_147 = arith.index_cast %parallel_loop3A_146 : i32 to index
        %parallel_loop3A_148 = arith.constant 0 : index
        %parallel_loop3A_149 = tpu.vector_load %arg14[%parallel_loop3A_147, %parallel_loop3A_148] {strides = array<i32>} : memref<80x128xf32, #tpu.memory_space<vmem>>, vector<1x16xf32>,
        %parallel_loop3A_150 = vector.shape_cast %parallel_loop3A_149 : vector<1x16xf32> to vector<16xf32>
        %parallel_loop3A_151 = arith.index_cast %parallel_loop3A_146 : i32 to index
        %parallel_loop3A_152 = arith.constant 0 : index
        %parallel_loop3A_153 = tpu.vector_load %arg16[%parallel_loop3A_151, %parallel_loop3A_152] {strides = array<i32>} : memref<80x128xf32, #tpu.memory_space<vmem>>, vector<1x16xf32>,
        %parallel_loop3A_154 = vector.shape_cast %parallel_loop3A_153 : vector<1x16xf32> to vector<16xf32>
        %parallel_loop3A_155 = arith.mulf %parallel_loop3A_150, %parallel_loop3A_154 : vector<16xf32>
        %parallel_loop3A_156 = arith.index_cast %parallel_loop3A_146 : i32 to index
        %parallel_loop3A_157 = arith.constant 0 : index
        %parallel_loop3A_158 = tpu.vector_load %arg14[%parallel_loop3A_156, %parallel_loop3A_157] {strides = array<i32>} : memref<80x128xf32, #tpu.memory_space<vmem>>, vector<1x16xf32>,
        %parallel_loop3A_159 = vector.shape_cast %parallel_loop3A_158 : vector<1x16xf32> to vector<16xf32>
        %parallel_loop3A_160 = vector.shape_cast %parallel_loop3A_155 : vector<16xf32> to vector<1x16xf32>
        tpu.vector_store %arg14[%parallel_loop3A_156, %parallel_loop3A_157], %parallel_loop3A_160 {strides = array<i32>} : memref<80x128xf32, #tpu.memory_space<vmem>>, vector<1x16xf32>,
        %parallel_loop3A_161 = arith.index_cast %parallel_loop3A_146 : i32 to index
        %parallel_loop3A_162 = arith.constant 16 : index
        %parallel_loop3A_163 = tpu.vector_load %arg14[%parallel_loop3A_161, %parallel_loop3A_162] {strides = array<i32>} : memref<80x128xf32, #tpu.memory_space<vmem>>, vector<1x16xf32>,
        %parallel_loop3A_164 = vector.shape_cast %parallel_loop3A_163 : vector<1x16xf32> to vector<16xf32>
        %parallel_loop3A_165 = arith.index_cast %parallel_loop3A_146 : i32 to index
        %parallel_loop3A_166 = arith.constant 16 : index
        %parallel_loop3A_167 = tpu.vector_load %arg16[%parallel_loop3A_165, %parallel_loop3A_166] {strides = array<i32>} : memref<80x128xf32, #tpu.memory_space<vmem>>, vector<1x16xf32>,
        %parallel_loop3A_168 = vector.shape_cast %parallel_loop3A_167 : vector<1x16xf32> to vector<16xf32>
        %parallel_loop3A_169 = arith.mulf %parallel_loop3A_164, %parallel_loop3A_168 : vector<16xf32>
        %parallel_loop3A_170 = arith.index_cast %parallel_loop3A_146 : i32 to index
        %parallel_loop3A_171 = arith.constant 16 : index
        %parallel_loop3A_172 = tpu.vector_load %arg14[%parallel_loop3A_170, %parallel_loop3A_171] {strides = array<i32>} : memref<80x128xf32, #tpu.memory_space<vmem>>, vector<1x16xf32>,
        %parallel_loop3A_173 = vector.shape_cast %parallel_loop3A_172 : vector<1x16xf32> to vector<16xf32>
        %parallel_loop3A_174 = vector.shape_cast %parallel_loop3A_169 : vector<16xf32> to vector<1x16xf32>
        tpu.vector_store %arg14[%parallel_loop3A_170, %parallel_loop3A_171], %parallel_loop3A_174 {strides = array<i32>} : memref<80x128xf32, #tpu.memory_space<vmem>>, vector<1x16xf32>,
        %parallel_loop3A_175 = arith.index_cast %parallel_loop3A_146 : i32 to index
        %parallel_loop3A_176 = arith.constant 32 : index
        %parallel_loop3A_177 = tpu.vector_load %arg14[%parallel_loop3A_175, %parallel_loop3A_176] {strides = array<i32>} : memref<80x128xf32, #tpu.memory_space<vmem>>, vector<1x16xf32>,
        %parallel_loop3A_178 = vector.shape_cast %parallel_loop3A_177 : vector<1x16xf32> to vector<16xf32>
        %parallel_loop3A_179 = arith.index_cast %parallel_loop3A_146 : i32 to index
        %parallel_loop3A_180 = arith.constant 32 : index
        %parallel_loop3A_181 = tpu.vector_load %arg16[%parallel_loop3A_179, %parallel_loop3A_180] {strides = array<i32>} : memref<80x128xf32, #tpu.memory_space<vmem>>, vector<1x16xf32>,
        %parallel_loop3A_182 = vector.shape_cast %parallel_loop3A_181 : vector<1x16xf32> to vector<16xf32>
        %parallel_loop3A_183 = arith.mulf %parallel_loop3A_178, %parallel_loop3A_182 : vector<16xf32>
        %parallel_loop3A_184 = arith.index_cast %parallel_loop3A_146 : i32 to index
        %parallel_loop3A_185 = arith.constant 32 : index
        %parallel_loop3A_186 = tpu.vector_load %arg14[%parallel_loop3A_184, %parallel_loop3A_185] {strides = array<i32>} : memref<80x128xf32, #tpu.memory_space<vmem>>, vector<1x16xf32>,
        %parallel_loop3A_187 = vector.shape_cast %parallel_loop3A_186 : vector<1x16xf32> to vector<16xf32>
        %parallel_loop3A_188 = vector.shape_cast %parallel_loop3A_183 : vector<16xf32> to vector<1x16xf32>
        tpu.vector_store %arg14[%parallel_loop3A_184, %parallel_loop3A_185], %parallel_loop3A_188 {strides = array<i32>} : memref<80x128xf32, #tpu.memory_space<vmem>>, vector<1x16xf32>,
        %parallel_loop3A_189 = arith.index_cast %parallel_loop3A_146 : i32 to index
        %parallel_loop3A_190 = arith.constant 48 : index
        %parallel_loop3A_191 = tpu.vector_load %arg14[%parallel_loop3A_189, %parallel_loop3A_190] {strides = array<i32>} : memref<80x128xf32, #tpu.memory_space<vmem>>, vector<1x16xf32>,
        %parallel_loop3A_192 = vector.shape_cast %parallel_loop3A_191 : vector<1x16xf32> to vector<16xf32>
        %parallel_loop3A_193 = arith.index_cast %parallel_loop3A_146 : i32 to index
        %parallel_loop3A_194 = arith.constant 48 : index
        %parallel_loop3A_195 = tpu.vector_load %arg16[%parallel_loop3A_193, %parallel_loop3A_194] {strides = array<i32>} : memref<80x128xf32, #tpu.memory_space<vmem>>, vector<1x16xf32>,
        %parallel_loop3A_196 = vector.shape_cast %parallel_loop3A_195 : vector<1x16xf32> to vector<16xf32>
        %parallel_loop3A_197 = arith.mulf %parallel_loop3A_192, %parallel_loop3A_196 : vector<16xf32>
        %parallel_loop3A_198 = arith.index_cast %parallel_loop3A_146 : i32 to index
        %parallel_loop3A_199 = arith.constant 48 : index
        %parallel_loop3A_200 = tpu.vector_load %arg14[%parallel_loop3A_198, %parallel_loop3A_199] {strides = array<i32>} : memref<80x128xf32, #tpu.memory_space<vmem>>, vector<1x16xf32>,
        %parallel_loop3A_201 = vector.shape_cast %parallel_loop3A_200 : vector<1x16xf32> to vector<16xf32>
        %parallel_loop3A_202 = vector.shape_cast %parallel_loop3A_197 : vector<16xf32> to vector<1x16xf32>
        tpu.vector_store %arg14[%parallel_loop3A_198, %parallel_loop3A_199], %parallel_loop3A_202 {strides = array<i32>} : memref<80x128xf32, #tpu.memory_space<vmem>>, vector<1x16xf32>,
        %parallel_loop3A_203 = arith.index_cast %parallel_loop3A_146 : i32 to index
        %parallel_loop3A_204 = arith.constant 64 : index
        %parallel_loop3A_205 = tpu.vector_load %arg14[%parallel_loop3A_203, %parallel_loop3A_204] {strides = array<i32>} : memref<80x128xf32, #tpu.memory_space<vmem>>, vector<1x16xf32>,
        %parallel_loop3A_206 = vector.shape_cast %parallel_loop3A_205 : vector<1x16xf32> to vector<16xf32>
        %parallel_loop3A_207 = arith.index_cast %parallel_loop3A_146 : i32 to index
        %parallel_loop3A_208 = arith.constant 64 : index
        %parallel_loop3A_209 = tpu.vector_load %arg16[%parallel_loop3A_207, %parallel_loop3A_208] {strides = array<i32>} : memref<80x128xf32, #tpu.memory_space<vmem>>, vector<1x16xf32>,
        %parallel_loop3A_210 = vector.shape_cast %parallel_loop3A_209 : vector<1x16xf32> to vector<16xf32>
        %parallel_loop3A_211 = arith.mulf %parallel_loop3A_206, %parallel_loop3A_210 : vector<16xf32>
        %parallel_loop3A_212 = arith.index_cast %parallel_loop3A_146 : i32 to index
        %parallel_loop3A_213 = arith.constant 64 : index
        %parallel_loop3A_214 = tpu.vector_load %arg14[%parallel_loop3A_212, %parallel_loop3A_213] {strides = array<i32>} : memref<80x128xf32, #tpu.memory_space<vmem>>, vector<1x16xf32>,
        %parallel_loop3A_215 = vector.shape_cast %parallel_loop3A_214 : vector<1x16xf32> to vector<16xf32>
        %parallel_loop3A_216 = vector.shape_cast %parallel_loop3A_211 : vector<16xf32> to vector<1x16xf32>
        tpu.vector_store %arg14[%parallel_loop3A_212, %parallel_loop3A_213], %parallel_loop3A_216 {strides = array<i32>} : memref<80x128xf32, #tpu.memory_space<vmem>>, vector<1x16xf32>,
        %parallel_loop3A_217 = arith.index_cast %parallel_loop3A_146 : i32 to index
        %parallel_loop3A_218 = arith.constant 80 : index
        %parallel_loop3A_219 = tpu.vector_load %arg14[%parallel_loop3A_217, %parallel_loop3A_218] {strides = array<i32>} : memref<80x128xf32, #tpu.memory_space<vmem>>, vector<1x16xf32>,
        %parallel_loop3A_220 = vector.shape_cast %parallel_loop3A_219 : vector<1x16xf32> to vector<16xf32>
        %parallel_loop3A_221 = arith.index_cast %parallel_loop3A_146 : i32 to index
        %parallel_loop3A_222 = arith.constant 80 : index
        %parallel_loop3A_223 = tpu.vector_load %arg16[%parallel_loop3A_221, %parallel_loop3A_222] {strides = array<i32>} : memref<80x128xf32, #tpu.memory_space<vmem>>, vector<1x16xf32>,
        %parallel_loop3A_224 = vector.shape_cast %parallel_loop3A_223 : vector<1x16xf32> to vector<16xf32>
        %parallel_loop3A_225 = arith.mulf %parallel_loop3A_220, %parallel_loop3A_224 : vector<16xf32>
        %parallel_loop3A_226 = arith.index_cast %parallel_loop3A_146 : i32 to index
        %parallel_loop3A_227 = arith.constant 80 : index
        %parallel_loop3A_228 = tpu.vector_load %arg14[%parallel_loop3A_226, %parallel_loop3A_227] {strides = array<i32>} : memref<80x128xf32, #tpu.memory_space<vmem>>, vector<1x16xf32>,
        %parallel_loop3A_229 = vector.shape_cast %parallel_loop3A_228 : vector<1x16xf32> to vector<16xf32>
        %parallel_loop3A_230 = vector.shape_cast %parallel_loop3A_225 : vector<16xf32> to vector<1x16xf32>
        tpu.vector_store %arg14[%parallel_loop3A_226, %parallel_loop3A_227], %parallel_loop3A_230 {strides = array<i32>} : memref<80x128xf32, #tpu.memory_space<vmem>>, vector<1x16xf32>,
        %parallel_loop3A_231 = arith.index_cast %parallel_loop3A_146 : i32 to index
        %parallel_loop3A_232 = arith.constant 96 : index
        %parallel_loop3A_233 = tpu.vector_load %arg14[%parallel_loop3A_231, %parallel_loop3A_232] {strides = array<i32>} : memref<80x128xf32, #tpu.memory_space<vmem>>, vector<1x16xf32>,
        %parallel_loop3A_234 = vector.shape_cast %parallel_loop3A_233 : vector<1x16xf32> to vector<16xf32>
        %parallel_loop3A_235 = arith.index_cast %parallel_loop3A_146 : i32 to index
        %parallel_loop3A_236 = arith.constant 96 : index
        %parallel_loop3A_237 = tpu.vector_load %arg16[%parallel_loop3A_235, %parallel_loop3A_236] {strides = array<i32>} : memref<80x128xf32, #tpu.memory_space<vmem>>, vector<1x16xf32>,
        %parallel_loop3A_238 = vector.shape_cast %parallel_loop3A_237 : vector<1x16xf32> to vector<16xf32>
        %parallel_loop3A_239 = arith.mulf %parallel_loop3A_234, %parallel_loop3A_238 : vector<16xf32>
        %parallel_loop3A_240 = arith.index_cast %parallel_loop3A_146 : i32 to index
        %parallel_loop3A_241 = arith.constant 96 : index
        %parallel_loop3A_242 = tpu.vector_load %arg14[%parallel_loop3A_240, %parallel_loop3A_241] {strides = array<i32>} : memref<80x128xf32, #tpu.memory_space<vmem>>, vector<1x16xf32>,
        %parallel_loop3A_243 = vector.shape_cast %parallel_loop3A_242 : vector<1x16xf32> to vector<16xf32>
        %parallel_loop3A_244 = vector.shape_cast %parallel_loop3A_239 : vector<16xf32> to vector<1x16xf32>
        tpu.vector_store %arg14[%parallel_loop3A_240, %parallel_loop3A_241], %parallel_loop3A_244 {strides = array<i32>} : memref<80x128xf32, #tpu.memory_space<vmem>>, vector<1x16xf32>,
        %parallel_loop3A_245 = arith.index_cast %parallel_loop3A_146 : i32 to index
        %parallel_loop3A_246 = arith.constant 112 : index
        %parallel_loop3A_247 = tpu.vector_load %arg14[%parallel_loop3A_245, %parallel_loop3A_246] {strides = array<i32>} : memref<80x128xf32, #tpu.memory_space<vmem>>, vector<1x16xf32>,
        %parallel_loop3A_248 = vector.shape_cast %parallel_loop3A_247 : vector<1x16xf32> to vector<16xf32>
        %parallel_loop3A_249 = arith.index_cast %parallel_loop3A_146 : i32 to index
        %parallel_loop3A_250 = arith.constant 112 : index
        %parallel_loop3A_251 = tpu.vector_load %arg16[%parallel_loop3A_249, %parallel_loop3A_250] {strides = array<i32>} : memref<80x128xf32, #tpu.memory_space<vmem>>, vector<1x16xf32>,
        %parallel_loop3A_252 = vector.shape_cast %parallel_loop3A_251 : vector<1x16xf32> to vector<16xf32>
        %parallel_loop3A_253 = arith.mulf %parallel_loop3A_248, %parallel_loop3A_252 : vector<16xf32>
        %parallel_loop3A_254 = arith.index_cast %parallel_loop3A_146 : i32 to index
        %parallel_loop3A_255 = arith.constant 112 : index
        %parallel_loop3A_256 = tpu.vector_load %arg14[%parallel_loop3A_254, %parallel_loop3A_255] {strides = array<i32>} : memref<80x128xf32, #tpu.memory_space<vmem>>, vector<1x16xf32>,
        %parallel_loop3A_257 = vector.shape_cast %parallel_loop3A_256 : vector<1x16xf32> to vector<16xf32>
        %parallel_loop3A_258 = vector.shape_cast %parallel_loop3A_253 : vector<16xf32> to vector<1x16xf32>
        tpu.vector_store %arg14[%parallel_loop3A_254, %parallel_loop3A_255], %parallel_loop3A_258 {strides = array<i32>} : memref<80x128xf32, #tpu.memory_space<vmem>>, vector<1x16xf32>,
      } {sc.loop_unroll_factor = 4 : i64, sc.parallel_access}
      "tpu.region"() ({
        %run_scoped3A = tpu.sem_alloc : memref<!tpu.dma_semaphore, #tpu.memory_space<semaphore_mem>>
        %dma_start3A_146 = arith.constant 0 : i32
        %dma_start3A_147 = arith.constant 0 : i32
        %dma_start3A_148 = tpu.memref_slice %arg8[%dma_start3A_146, %dma_start3A_147] : memref<10000x128xf32, #tpu.memory_space<vmem_shared>> -> memref<10000x128xf32, #tpu.memory_space<vmem_shared>>
        tpu.enqueue_indirect_dma source(%arg14 : memref<80x128xf32, #tpu.memory_space<vmem>>) target(%dma_start3A_148 : memref<10000x128xf32, #tpu.memory_space<vmem_shared>>) offsets(%arg10 : memref<80xi32, #tpu.memory_space<vmem>>) semaphore(%run_scoped3A : memref<!tpu.dma_semaphore, #tpu.memory_space<semaphore_mem>>) {add = true}
        %dma_wait3A_149 = arith.constant 0 : i32
        %dma_wait3A_150 = arith.constant 0 : i32
        %dma_wait3A_151 = tpu.memref_slice %arg8[%dma_wait3A_149, %dma_wait3A_150] : memref<10000x128xf32, #tpu.memory_space<vmem_shared>> -> memref<10000x128xf32, #tpu.memory_space<vmem_shared>>
        tpu.wait_indirect_dma semaphore(%run_scoped3A : memref<!tpu.dma_semaphore, #tpu.memory_space<semaphore_mem>>) src(%arg14 : memref<80x128xf32, #tpu.memory_space<vmem>>) dst(%dma_wait3A_151 : memref<10000x128xf32, #tpu.memory_space<vmem_shared>>)
        tpu.yield
      }) : () -> ()
      %add3A_139 = arith.constant 2 : i32
      %add3A_140 = arith.addi %add3A_117, %add3A_139 : i32
      %lt3A_141 = arith.constant 125 : i32
      %lt3A_142 = arith.cmpi slt, %add3A_140, %lt3A_141 : i32
      %convert_element_type3A_143 = arith.extui %lt3A_142 : i1 to i32
      %cond3A_144 = arith.constant 0 : i32
      %cond3A_145 = arith.cmpi ne, %convert_element_type3A_143, %cond3A_144 : i32
      scf.if %cond3A_145 {
        %add3A_146 = arith.constant 2 : i32
        %add3A_147 = arith.addi %add3A_117, %add3A_146 : i32
        %dma_start3A_148 = arith.constant 0 : i32
        %dma_start3A_149 = tpu.memref_slice %arg4[%arg0, %arg1, %add3A_147, %dma_start3A_148] : memref<2x16x125x80xi32, #tpu.memory_space<hbm>> -> memref<1x1x1x80xi32, #tpu.memory_space<hbm>>
        %dma_start3A_150 = tpu.memref_squeeze %dma_start3A_149 : memref<1x1x1x80xi32, #tpu.memory_space<hbm>> -> memref<80xi32, #tpu.memory_space<hbm>>
        %dma_start3A_151 = arith.constant 0 : i32
        %dma_start3A_152 = tpu.memref_slice %arg4[%arg0, %arg1, %add3A_147, %dma_start3A_151] : memref<2x16x125x80xi32, #tpu.memory_space<hbm>> -> memref<1x1x1x80xi32, #tpu.memory_space<hbm>>
        %dma_start3A_153 = tpu.memref_squeeze %dma_start3A_152 : memref<1x1x1x80xi32, #tpu.memory_space<hbm>> -> memref<80xi32, #tpu.memory_space<hbm>>
        tpu.enqueue_dma source(%dma_start3A_153 : memref<80xi32, #tpu.memory_space<hbm>>) target(%arg10 : memref<80xi32, #tpu.memory_space<vmem>>) target_semaphore(%arg22 : memref<!tpu.dma_semaphore, #tpu.memory_space<semaphore_mem>>)
        %dma_start3A_154 = arith.constant 0 : i32
        %dma_start3A_155 = tpu.memref_slice %arg5[%arg0, %arg1, %add3A_147, %dma_start3A_154] : memref<2x16x125x80xi32, #tpu.memory_space<hbm>> -> memref<1x1x1x80xi32, #tpu.memory_space<hbm>>
        %dma_start3A_156 = tpu.memref_squeeze %dma_start3A_155 : memref<1x1x1x80xi32, #tpu.memory_space<hbm>> -> memref<80xi32, #tpu.memory_space<hbm>>
        %dma_start3A_157 = arith.constant 0 : i32
        %dma_start3A_158 = tpu.memref_slice %arg5[%arg0, %arg1, %add3A_147, %dma_start3A_157] : memref<2x16x125x80xi32, #tpu.memory_space<hbm>> -> memref<1x1x1x80xi32, #tpu.memory_space<hbm>>
        %dma_start3A_159 = tpu.memref_squeeze %dma_start3A_158 : memref<1x1x1x80xi32, #tpu.memory_space<hbm>> -> memref<80xi32, #tpu.memory_space<hbm>>
        tpu.enqueue_dma source(%dma_start3A_159 : memref<80xi32, #tpu.memory_space<hbm>>) target(%arg12 : memref<80xi32, #tpu.memory_space<vmem>>) target_semaphore(%arg22 : memref<!tpu.dma_semaphore, #tpu.memory_space<semaphore_mem>>)
      } else {
      }
    }
    %scan3A_58 = arith.constant 62 : i32
    %dma_wait3A_59 = arith.constant 0 : i32
    %dma_wait3A_60 = arith.constant 0 : i32
    %dma_wait3A_61 = tpu.memref_slice %arg2[%dma_wait3A_59, %dma_wait3A_60] : memref<10000x128xf32, #tpu.memory_space<hbm>> -> memref<10000x128xf32, #tpu.memory_space<hbm>>
    tpu.wait_indirect_dma semaphore(%arg17 : memref<!tpu.dma_semaphore, #tpu.memory_space<semaphore_mem>>) src(%dma_wait3A_61 : memref<10000x128xf32, #tpu.memory_space<hbm>>) dst(%arg13 : memref<80x128xf32, #tpu.memory_space<vmem>>)
    %dma_wait3A_62 = arith.constant 124 : i32
    %dma_wait3A_63 = arith.constant 0 : i32
    %dma_wait3A_64 = arith.constant 0 : i32
    %dma_wait3A_65 = tpu.memref_slice %arg3[%arg0, %arg1, %dma_wait3A_62, %dma_wait3A_63, %dma_wait3A_64] : memref<2x16x125x80x128xf32, #tpu.memory_space<hbm>> -> memref<1x1x1x80x128xf32, #tpu.memory_space<hbm>>
    %dma_wait3A_66 = tpu.memref_squeeze %dma_wait3A_65 : memref<1x1x1x80x128xf32, #tpu.memory_space<hbm>> -> memref<80x128xf32, #tpu.memory_space<hbm>>
    %dma_wait3A_67 = arith.constant 0 : i32
    %dma_wait3A_68 = arith.constant 0 : i32
    %dma_wait3A_69 = tpu.memref_slice %arg3[%arg0, %arg1, %dma_wait3A_62, %dma_wait3A_67, %dma_wait3A_68] : memref<2x16x125x80x128xf32, #tpu.memory_space<hbm>> -> memref<1x1x1x80x128xf32, #tpu.memory_space<hbm>>
    %dma_wait3A_70 = tpu.memref_squeeze %dma_wait3A_69 : memref<1x1x1x80x128xf32, #tpu.memory_space<hbm>> -> memref<80x128xf32, #tpu.memory_space<hbm>>
    tpu.wait_dma2 semaphore(%arg19 : memref<!tpu.dma_semaphore, #tpu.memory_space<semaphore_mem>>) src(%dma_wait3A_70 : memref<80x128xf32, #tpu.memory_space<hbm>>) dst(%arg15 : memref<80x128xf32, #tpu.memory_space<vmem>>)
    %parallel_loop3A = arith.constant 0 : i32
    %parallel_loop3A_71 = arith.constant 80 : i32
    %parallel_loop3A_72 = arith.constant 1 : i32
    scf.for %parallel_loop3A_83 = %parallel_loop3A to %parallel_loop3A_71 step %parallel_loop3A_72  : i32 {
      %parallel_loop3A_84 = arith.index_cast %parallel_loop3A_83 : i32 to index
      %parallel_loop3A_85 = arith.constant 0 : index
      %parallel_loop3A_86 = tpu.vector_load %arg13[%parallel_loop3A_84, %parallel_loop3A_85] {strides = array<i32>} : memref<80x128xf32, #tpu.memory_space<vmem>>, vector<1x16xf32>,
      %parallel_loop3A_87 = vector.shape_cast %parallel_loop3A_86 : vector<1x16xf32> to vector<16xf32>
      %parallel_loop3A_88 = arith.index_cast %parallel_loop3A_83 : i32 to index
      %parallel_loop3A_89 = arith.constant 0 : index
      %parallel_loop3A_90 = tpu.vector_load %arg15[%parallel_loop3A_88, %parallel_loop3A_89] {strides = array<i32>} : memref<80x128xf32, #tpu.memory_space<vmem>>, vector<1x16xf32>,
      %parallel_loop3A_91 = vector.shape_cast %parallel_loop3A_90 : vector<1x16xf32> to vector<16xf32>
      %parallel_loop3A_92 = arith.mulf %parallel_loop3A_87, %parallel_loop3A_91 : vector<16xf32>
      %parallel_loop3A_93 = arith.index_cast %parallel_loop3A_83 : i32 to index
      %parallel_loop3A_94 = arith.constant 0 : index
      %parallel_loop3A_95 = tpu.vector_load %arg13[%parallel_loop3A_93, %parallel_loop3A_94] {strides = array<i32>} : memref<80x128xf32, #tpu.memory_space<vmem>>, vector<1x16xf32>,
      %parallel_loop3A_96 = vector.shape_cast %parallel_loop3A_95 : vector<1x16xf32> to vector<16xf32>
      %parallel_loop3A_97 = vector.shape_cast %parallel_loop3A_92 : vector<16xf32> to vector<1x16xf32>
      tpu.vector_store %arg13[%parallel_loop3A_93, %parallel_loop3A_94], %parallel_loop3A_97 {strides = array<i32>} : memref<80x128xf32, #tpu.memory_space<vmem>>, vector<1x16xf32>,
      %parallel_loop3A_98 = arith.index_cast %parallel_loop3A_83 : i32 to index
      %parallel_loop3A_99 = arith.constant 16 : index
      %parallel_loop3A_100 = tpu.vector_load %arg13[%parallel_loop3A_98, %parallel_loop3A_99] {strides = array<i32>} : memref<80x128xf32, #tpu.memory_space<vmem>>, vector<1x16xf32>,
      %parallel_loop3A_101 = vector.shape_cast %parallel_loop3A_100 : vector<1x16xf32> to vector<16xf32>
      %parallel_loop3A_102 = arith.index_cast %parallel_loop3A_83 : i32 to index
      %parallel_loop3A_103 = arith.constant 16 : index
      %parallel_loop3A_104 = tpu.vector_load %arg15[%parallel_loop3A_102, %parallel_loop3A_103] {strides = array<i32>} : memref<80x128xf32, #tpu.memory_space<vmem>>, vector<1x16xf32>,
      %parallel_loop3A_105 = vector.shape_cast %parallel_loop3A_104 : vector<1x16xf32> to vector<16xf32>
      %parallel_loop3A_106 = arith.mulf %parallel_loop3A_101, %parallel_loop3A_105 : vector<16xf32>
      %parallel_loop3A_107 = arith.index_cast %parallel_loop3A_83 : i32 to index
      %parallel_loop3A_108 = arith.constant 16 : index
      %parallel_loop3A_109 = tpu.vector_load %arg13[%parallel_loop3A_107, %parallel_loop3A_108] {strides = array<i32>} : memref<80x128xf32, #tpu.memory_space<vmem>>, vector<1x16xf32>,
      %parallel_loop3A_110 = vector.shape_cast %parallel_loop3A_109 : vector<1x16xf32> to vector<16xf32>
      %parallel_loop3A_111 = vector.shape_cast %parallel_loop3A_106 : vector<16xf32> to vector<1x16xf32>
      tpu.vector_store %arg13[%parallel_loop3A_107, %parallel_loop3A_108], %parallel_loop3A_111 {strides = array<i32>} : memref<80x128xf32, #tpu.memory_space<vmem>>, vector<1x16xf32>,
      %parallel_loop3A_112 = arith.index_cast %parallel_loop3A_83 : i32 to index
      %parallel_loop3A_113 = arith.constant 32 : index
      %parallel_loop3A_114 = tpu.vector_load %arg13[%parallel_loop3A_112, %parallel_loop3A_113] {strides = array<i32>} : memref<80x128xf32, #tpu.memory_space<vmem>>, vector<1x16xf32>,
      %parallel_loop3A_115 = vector.shape_cast %parallel_loop3A_114 : vector<1x16xf32> to vector<16xf32>
      %parallel_loop3A_116 = arith.index_cast %parallel_loop3A_83 : i32 to index
      %parallel_loop3A_117 = arith.constant 32 : index
      %parallel_loop3A_118 = tpu.vector_load %arg15[%parallel_loop3A_116, %parallel_loop3A_117] {strides = array<i32>} : memref<80x128xf32, #tpu.memory_space<vmem>>, vector<1x16xf32>,
      %parallel_loop3A_119 = vector.shape_cast %parallel_loop3A_118 : vector<1x16xf32> to vector<16xf32>
      %parallel_loop3A_120 = arith.mulf %parallel_loop3A_115, %parallel_loop3A_119 : vector<16xf32>
      %parallel_loop3A_121 = arith.index_cast %parallel_loop3A_83 : i32 to index
      %parallel_loop3A_122 = arith.constant 32 : index
      %parallel_loop3A_123 = tpu.vector_load %arg13[%parallel_loop3A_121, %parallel_loop3A_122] {strides = array<i32>} : memref<80x128xf32, #tpu.memory_space<vmem>>, vector<1x16xf32>,
      %parallel_loop3A_124 = vector.shape_cast %parallel_loop3A_123 : vector<1x16xf32> to vector<16xf32>
      %parallel_loop3A_125 = vector.shape_cast %parallel_loop3A_120 : vector<16xf32> to vector<1x16xf32>
      tpu.vector_store %arg13[%parallel_loop3A_121, %parallel_loop3A_122], %parallel_loop3A_125 {strides = array<i32>} : memref<80x128xf32, #tpu.memory_space<vmem>>, vector<1x16xf32>,
      %parallel_loop3A_126 = arith.index_cast %parallel_loop3A_83 : i32 to index
      %parallel_loop3A_127 = arith.constant 48 : index
      %parallel_loop3A_128 = tpu.vector_load %arg13[%parallel_loop3A_126, %parallel_loop3A_127] {strides = array<i32>} : memref<80x128xf32, #tpu.memory_space<vmem>>, vector<1x16xf32>,
      %parallel_loop3A_129 = vector.shape_cast %parallel_loop3A_128 : vector<1x16xf32> to vector<16xf32>
      %parallel_loop3A_130 = arith.index_cast %parallel_loop3A_83 : i32 to index
      %parallel_loop3A_131 = arith.constant 48 : index
      %parallel_loop3A_132 = tpu.vector_load %arg15[%parallel_loop3A_130, %parallel_loop3A_131] {strides = array<i32>} : memref<80x128xf32, #tpu.memory_space<vmem>>, vector<1x16xf32>,
      %parallel_loop3A_133 = vector.shape_cast %parallel_loop3A_132 : vector<1x16xf32> to vector<16xf32>
      %parallel_loop3A_134 = arith.mulf %parallel_loop3A_129, %parallel_loop3A_133 : vector<16xf32>
      %parallel_loop3A_135 = arith.index_cast %parallel_loop3A_83 : i32 to index
      %parallel_loop3A_136 = arith.constant 48 : index
      %parallel_loop3A_137 = tpu.vector_load %arg13[%parallel_loop3A_135, %parallel_loop3A_136] {strides = array<i32>} : memref<80x128xf32, #tpu.memory_space<vmem>>, vector<1x16xf32>,
      %parallel_loop3A_138 = vector.shape_cast %parallel_loop3A_137 : vector<1x16xf32> to vector<16xf32>
      %parallel_loop3A_139 = vector.shape_cast %parallel_loop3A_134 : vector<16xf32> to vector<1x16xf32>
      tpu.vector_store %arg13[%parallel_loop3A_135, %parallel_loop3A_136], %parallel_loop3A_139 {strides = array<i32>} : memref<80x128xf32, #tpu.memory_space<vmem>>, vector<1x16xf32>,
      %parallel_loop3A_140 = arith.index_cast %parallel_loop3A_83 : i32 to index
      %parallel_loop3A_141 = arith.constant 64 : index
      %parallel_loop3A_142 = tpu.vector_load %arg13[%parallel_loop3A_140, %parallel_loop3A_141] {strides = array<i32>} : memref<80x128xf32, #tpu.memory_space<vmem>>, vector<1x16xf32>,
      %parallel_loop3A_143 = vector.shape_cast %parallel_loop3A_142 : vector<1x16xf32> to vector<16xf32>
      %parallel_loop3A_144 = arith.index_cast %parallel_loop3A_83 : i32 to index
      %parallel_loop3A_145 = arith.constant 64 : index
      %parallel_loop3A_146 = tpu.vector_load %arg15[%parallel_loop3A_144, %parallel_loop3A_145] {strides = array<i32>} : memref<80x128xf32, #tpu.memory_space<vmem>>, vector<1x16xf32>,
      %parallel_loop3A_147 = vector.shape_cast %parallel_loop3A_146 : vector<1x16xf32> to vector<16xf32>
      %parallel_loop3A_148 = arith.mulf %parallel_loop3A_143, %parallel_loop3A_147 : vector<16xf32>
      %parallel_loop3A_149 = arith.index_cast %parallel_loop3A_83 : i32 to index
      %parallel_loop3A_150 = arith.constant 64 : index
      %parallel_loop3A_151 = tpu.vector_load %arg13[%parallel_loop3A_149, %parallel_loop3A_150] {strides = array<i32>} : memref<80x128xf32, #tpu.memory_space<vmem>>, vector<1x16xf32>,
      %parallel_loop3A_152 = vector.shape_cast %parallel_loop3A_151 : vector<1x16xf32> to vector<16xf32>
      %parallel_loop3A_153 = vector.shape_cast %parallel_loop3A_148 : vector<16xf32> to vector<1x16xf32>
      tpu.vector_store %arg13[%parallel_loop3A_149, %parallel_loop3A_150], %parallel_loop3A_153 {strides = array<i32>} : memref<80x128xf32, #tpu.memory_space<vmem>>, vector<1x16xf32>,
      %parallel_loop3A_154 = arith.index_cast %parallel_loop3A_83 : i32 to index
      %parallel_loop3A_155 = arith.constant 80 : index
      %parallel_loop3A_156 = tpu.vector_load %arg13[%parallel_loop3A_154, %parallel_loop3A_155] {strides = array<i32>} : memref<80x128xf32, #tpu.memory_space<vmem>>, vector<1x16xf32>,
      %parallel_loop3A_157 = vector.shape_cast %parallel_loop3A_156 : vector<1x16xf32> to vector<16xf32>
      %parallel_loop3A_158 = arith.index_cast %parallel_loop3A_83 : i32 to index
      %parallel_loop3A_159 = arith.constant 80 : index
      %parallel_loop3A_160 = tpu.vector_load %arg15[%parallel_loop3A_158, %parallel_loop3A_159] {strides = array<i32>} : memref<80x128xf32, #tpu.memory_space<vmem>>, vector<1x16xf32>,
      %parallel_loop3A_161 = vector.shape_cast %parallel_loop3A_160 : vector<1x16xf32> to vector<16xf32>
      %parallel_loop3A_162 = arith.mulf %parallel_loop3A_157, %parallel_loop3A_161 : vector<16xf32>
      %parallel_loop3A_163 = arith.index_cast %parallel_loop3A_83 : i32 to index
      %parallel_loop3A_164 = arith.constant 80 : index
      %parallel_loop3A_165 = tpu.vector_load %arg13[%parallel_loop3A_163, %parallel_loop3A_164] {strides = array<i32>} : memref<80x128xf32, #tpu.memory_space<vmem>>, vector<1x16xf32>,
      %parallel_loop3A_166 = vector.shape_cast %parallel_loop3A_165 : vector<1x16xf32> to vector<16xf32>
      %parallel_loop3A_167 = vector.shape_cast %parallel_loop3A_162 : vector<16xf32> to vector<1x16xf32>
      tpu.vector_store %arg13[%parallel_loop3A_163, %parallel_loop3A_164], %parallel_loop3A_167 {strides = array<i32>} : memref<80x128xf32, #tpu.memory_space<vmem>>, vector<1x16xf32>,
      %parallel_loop3A_168 = arith.index_cast %parallel_loop3A_83 : i32 to index
      %parallel_loop3A_169 = arith.constant 96 : index
      %parallel_loop3A_170 = tpu.vector_load %arg13[%parallel_loop3A_168, %parallel_loop3A_169] {strides = array<i32>} : memref<80x128xf32, #tpu.memory_space<vmem>>, vector<1x16xf32>,
      %parallel_loop3A_171 = vector.shape_cast %parallel_loop3A_170 : vector<1x16xf32> to vector<16xf32>
      %parallel_loop3A_172 = arith.index_cast %parallel_loop3A_83 : i32 to index
      %parallel_loop3A_173 = arith.constant 96 : index
      %parallel_loop3A_174 = tpu.vector_load %arg15[%parallel_loop3A_172, %parallel_loop3A_173] {strides = array<i32>} : memref<80x128xf32, #tpu.memory_space<vmem>>, vector<1x16xf32>,
      %parallel_loop3A_175 = vector.shape_cast %parallel_loop3A_174 : vector<1x16xf32> to vector<16xf32>
      %parallel_loop3A_176 = arith.mulf %parallel_loop3A_171, %parallel_loop3A_175 : vector<16xf32>
      %parallel_loop3A_177 = arith.index_cast %parallel_loop3A_83 : i32 to index
      %parallel_loop3A_178 = arith.constant 96 : index
      %parallel_loop3A_179 = tpu.vector_load %arg13[%parallel_loop3A_177, %parallel_loop3A_178] {strides = array<i32>} : memref<80x128xf32, #tpu.memory_space<vmem>>, vector<1x16xf32>,
      %parallel_loop3A_180 = vector.shape_cast %parallel_loop3A_179 : vector<1x16xf32> to vector<16xf32>
      %parallel_loop3A_181 = vector.shape_cast %parallel_loop3A_176 : vector<16xf32> to vector<1x16xf32>
      tpu.vector_store %arg13[%parallel_loop3A_177, %parallel_loop3A_178], %parallel_loop3A_181 {strides = array<i32>} : memref<80x128xf32, #tpu.memory_space<vmem>>, vector<1x16xf32>,
      %parallel_loop3A_182 = arith.index_cast %parallel_loop3A_83 : i32 to index
      %parallel_loop3A_183 = arith.constant 112 : index
      %parallel_loop3A_184 = tpu.vector_load %arg13[%parallel_loop3A_182, %parallel_loop3A_183] {strides = array<i32>} : memref<80x128xf32, #tpu.memory_space<vmem>>, vector<1x16xf32>,
      %parallel_loop3A_185 = vector.shape_cast %parallel_loop3A_184 : vector<1x16xf32> to vector<16xf32>
      %parallel_loop3A_186 = arith.index_cast %parallel_loop3A_83 : i32 to index
      %parallel_loop3A_187 = arith.constant 112 : index
      %parallel_loop3A_188 = tpu.vector_load %arg15[%parallel_loop3A_186, %parallel_loop3A_187] {strides = array<i32>} : memref<80x128xf32, #tpu.memory_space<vmem>>, vector<1x16xf32>,
      %parallel_loop3A_189 = vector.shape_cast %parallel_loop3A_188 : vector<1x16xf32> to vector<16xf32>
      %parallel_loop3A_190 = arith.mulf %parallel_loop3A_185, %parallel_loop3A_189 : vector<16xf32>
      %parallel_loop3A_191 = arith.index_cast %parallel_loop3A_83 : i32 to index
      %parallel_loop3A_192 = arith.constant 112 : index
      %parallel_loop3A_193 = tpu.vector_load %arg13[%parallel_loop3A_191, %parallel_loop3A_192] {strides = array<i32>} : memref<80x128xf32, #tpu.memory_space<vmem>>, vector<1x16xf32>,
      %parallel_loop3A_194 = vector.shape_cast %parallel_loop3A_193 : vector<1x16xf32> to vector<16xf32>
      %parallel_loop3A_195 = vector.shape_cast %parallel_loop3A_190 : vector<16xf32> to vector<1x16xf32>
      tpu.vector_store %arg13[%parallel_loop3A_191, %parallel_loop3A_192], %parallel_loop3A_195 {strides = array<i32>} : memref<80x128xf32, #tpu.memory_space<vmem>>, vector<1x16xf32>,
    } {sc.loop_unroll_factor = 4 : i64, sc.parallel_access}
    "tpu.region"() ({
      %run_scoped3A = tpu.sem_alloc : memref<!tpu.dma_semaphore, #tpu.memory_space<semaphore_mem>>
      %dma_start3A_83 = arith.constant 0 : i32
      %dma_start3A_84 = arith.constant 0 : i32
      %dma_start3A_85 = tpu.memref_slice %arg8[%dma_start3A_83, %dma_start3A_84] : memref<10000x128xf32, #tpu.memory_space<vmem_shared>> -> memref<10000x128xf32, #tpu.memory_space<vmem_shared>>
      tpu.enqueue_indirect_dma source(%arg13 : memref<80x128xf32, #tpu.memory_space<vmem>>) target(%dma_start3A_85 : memref<10000x128xf32, #tpu.memory_space<vmem_shared>>) offsets(%arg9 : memref<80xi32, #tpu.memory_space<vmem>>) semaphore(%run_scoped3A : memref<!tpu.dma_semaphore, #tpu.memory_space<semaphore_mem>>) {add = true}
      %dma_wait3A_86 = arith.constant 0 : i32
      %dma_wait3A_87 = arith.constant 0 : i32
      %dma_wait3A_88 = tpu.memref_slice %arg8[%dma_wait3A_86, %dma_wait3A_87] : memref<10000x128xf32, #tpu.memory_space<vmem_shared>> -> memref<10000x128xf32, #tpu.memory_space<vmem_shared>>
      tpu.wait_indirect_dma semaphore(%run_scoped3A : memref<!tpu.dma_semaphore, #tpu.memory_space<semaphore_mem>>) src(%arg13 : memref<80x128xf32, #tpu.memory_space<vmem>>) dst(%dma_wait3A_88 : memref<10000x128xf32, #tpu.memory_space<vmem_shared>>)
      tpu.yield
    }) : () -> ()
    %barrier3A_73 = arith.constant 0 : index
    tpu.barrier barrier_id(%barrier3A_73)
    %mul3A_74 = arith.constant 624 : i32
    %mul3A_75 = arith.muli %arg1, %mul3A_74 : i32
    %mul3A_76 = arith.constant 624 : i32
    %mul3A_77 = arith.muli %arg1, %mul3A_76 : i32
    "tpu.region"() ({
      %run_scoped3A = tpu.sem_alloc : memref<!tpu.dma_semaphore, #tpu.memory_space<semaphore_mem>>
      %dma_start3A_83 = arith.constant 0 : i32
      %dma_start3A_84 = tpu.memref_slice %arg7[%arg0, %mul3A_77, %dma_start3A_83] : memref<2x10000x128xf32, #tpu.memory_space<hbm>> -> memref<1x624x128xf32, #tpu.memory_space<hbm>>
      %dma_start3A_85 = tpu.memref_squeeze %dma_start3A_84 : memref<1x624x128xf32, #tpu.memory_space<hbm>> -> memref<624x128xf32, #tpu.memory_space<hbm>>
      %dma_start3A_86 = arith.constant 0 : i32
      %dma_start3A_87 = tpu.memref_slice %arg8[%mul3A_75, %dma_start3A_86] : memref<10000x128xf32, #tpu.memory_space<vmem_shared>> -> memref<624x128xf32, #tpu.memory_space<vmem_shared>>
      tpu.enqueue_dma source(%dma_start3A_87 : memref<624x128xf32, #tpu.memory_space<vmem_shared>>) target(%dma_start3A_85 : memref<624x128xf32, #tpu.memory_space<hbm>>) target_semaphore(%run_scoped3A : memref<!tpu.dma_semaphore, #tpu.memory_space<semaphore_mem>>)
      %dma_wait3A_88 = arith.constant 0 : i32
      %dma_wait3A_89 = tpu.memref_slice %arg7[%arg0, %mul3A_77, %dma_wait3A_88] : memref<2x10000x128xf32, #tpu.memory_space<hbm>> -> memref<1x624x128xf32, #tpu.memory_space<hbm>>
      %dma_wait3A_90 = tpu.memref_squeeze %dma_wait3A_89 : memref<1x624x128xf32, #tpu.memory_space<hbm>> -> memref<624x128xf32, #tpu.memory_space<hbm>>
      %dma_wait3A_91 = arith.constant 0 : i32
      %dma_wait3A_92 = tpu.memref_slice %arg8[%mul3A_75, %dma_wait3A_91] : memref<10000x128xf32, #tpu.memory_space<vmem_shared>> -> memref<624x128xf32, #tpu.memory_space<vmem_shared>>
      tpu.wait_dma2 semaphore(%run_scoped3A : memref<!tpu.dma_semaphore, #tpu.memory_space<semaphore_mem>>) src(%dma_wait3A_92 : memref<624x128xf32, #tpu.memory_space<vmem_shared>>) dst(%dma_wait3A_90 : memref<624x128xf32, #tpu.memory_space<hbm>>)
      tpu.yield
    }) : () -> ()
    %eq3A_78 = arith.constant 15 : i32
    %eq3A_79 = arith.cmpi eq, %arg1, %eq3A_78 : i32
    %convert_element_type3A_80 = arith.extui %eq3A_79 : i1 to i32
    %cond3A_81 = arith.constant 0 : i32
    %cond3A_82 = arith.cmpi ne, %convert_element_type3A_80, %cond3A_81 : i32
    scf.if %cond3A_82 {
      "tpu.region"() ({
        %run_scoped3A = tpu.sem_alloc : memref<!tpu.dma_semaphore, #tpu.memory_space<semaphore_mem>>
        %dma_start3A_83 = arith.constant 9984 : i32
        %dma_start3A_84 = arith.constant 0 : i32
        %dma_start3A_85 = tpu.memref_slice %arg7[%arg0, %dma_start3A_83, %dma_start3A_84] : memref<2x10000x128xf32, #tpu.memory_space<hbm>> -> memref<1x16x128xf32, #tpu.memory_space<hbm>>
        %dma_start3A_86 = tpu.memref_squeeze %dma_start3A_85 : memref<1x16x128xf32, #tpu.memory_space<hbm>> -> memref<16x128xf32, #tpu.memory_space<hbm>>
        %dma_start3A_87 = arith.constant 9984 : i32
        %dma_start3A_88 = arith.constant 0 : i32
        %dma_start3A_89 = tpu.memref_slice %arg8[%dma_start3A_87, %dma_start3A_88] : memref<10000x128xf32, #tpu.memory_space<vmem_shared>> -> memref<16x128xf32, #tpu.memory_space<vmem_shared>>
        tpu.enqueue_dma source(%dma_start3A_89 : memref<16x128xf32, #tpu.memory_space<vmem_shared>>) target(%dma_start3A_86 : memref<16x128xf32, #tpu.memory_space<hbm>>) target_semaphore(%run_scoped3A : memref<!tpu.dma_semaphore, #tpu.memory_space<semaphore_mem>>)
        %dma_wait3A_90 = arith.constant 9984 : i32
        %dma_wait3A_91 = arith.constant 0 : i32
        %dma_wait3A_92 = tpu.memref_slice %arg7[%arg0, %dma_wait3A_90, %dma_wait3A_91] : memref<2x10000x128xf32, #tpu.memory_space<hbm>> -> memref<1x16x128xf32, #tpu.memory_space<hbm>>
        %dma_wait3A_93 = tpu.memref_squeeze %dma_wait3A_92 : memref<1x16x128xf32, #tpu.memory_space<hbm>> -> memref<16x128xf32, #tpu.memory_space<hbm>>
        %dma_wait3A_94 = arith.constant 9984 : i32
        %dma_wait3A_95 = arith.constant 0 : i32
        %dma_wait3A_96 = tpu.memref_slice %arg8[%dma_wait3A_94, %dma_wait3A_95] : memref<10000x128xf32, #tpu.memory_space<vmem_shared>> -> memref<16x128xf32, #tpu.memory_space<vmem_shared>>
        tpu.wait_dma2 semaphore(%run_scoped3A : memref<!tpu.dma_semaphore, #tpu.memory_space<semaphore_mem>>) src(%dma_wait3A_96 : memref<16x128xf32, #tpu.memory_space<vmem_shared>>) dst(%dma_wait3A_93 : memref<16x128xf32, #tpu.memory_space<hbm>>)
        tpu.yield
      }) : () -> ()
    } else {
    }
    return
  }
}

#map = affine_map<(d0, d1) -> (0, 0)>
#map1 = affine_map<(d0, d1) -> (0, 0, 0, 0, 0)>
#map2 = affine_map<(d0, d1) -> (0, 0, 0, 0)>
#map3 = affine_map<(d0, d1) -> (0, 0, 0)>
module attributes {stable_mosaic.version = 14 : i64} {
  func.func @_sc_fused_body(%arg0: i32, %arg1: i32, %arg2: memref<10000x128xf32, #tpu.memory_space<hbm>>, %arg3: memref<2x16x125x80x128xf32, #tpu.memory_space<hbm>>, %arg4: memref<2x16x125x80xi32, #tpu.memory_space<hbm>>, %arg5: memref<2x16x125x80xi32, #tpu.memory_space<hbm>>, %arg6: memref<624x128xf32, #tpu.memory_space<hbm>>, %arg7: memref<2x10000x128xf32, #tpu.memory_space<hbm>>, %arg8: memref<10000x128xf32, #tpu.memory_space<vmem_shared>>, %arg9: memref<80xi32, #tpu.memory_space<vmem>>, %arg10: memref<80xi32, #tpu.memory_space<vmem>>, %arg11: memref<80xi32, #tpu.memory_space<vmem>>, %arg12: memref<80xi32, #tpu.memory_space<vmem>>, %arg13: memref<80x128xf32, #tpu.memory_space<vmem>>, %arg14: memref<80x128xf32, #tpu.memory_space<vmem>>, %arg15: memref<80x128xf32, #tpu.memory_space<vmem>>, %arg16: memref<80x128xf32, #tpu.memory_space<vmem>>, %arg17: memref<!tpu.dma_semaphore, #tpu.memory_space<semaphore_mem>>, %arg18: memref<!tpu.dma_semaphore, #tpu.memory_space<semaphore_mem>>, %arg19: memref<!tpu.dma_semaphore, #tpu.memory_space<semaphore_mem>>, %arg20: memref<!tpu.dma_semaphore, #tpu.memory_space<semaphore_mem>>, %arg21: memref<!tpu.dma_semaphore, #tpu.memory_space<semaphore_mem>>, %arg22: memref<!tpu.dma_semaphore, #tpu.memory_space<semaphore_mem>>) attributes {dimension_semantics = [#tpu.dimension_semantics<core_parallel>, #tpu.dimension_semantics<subcore_parallel>], iteration_bounds = array<i64: 2, 16>, scalar_prefetch = 0 : i64, scratch_operands = 15 : i64, tpu.core_type = #tpu.core_type<sc_vector_subcore>, window_params = [{transform_indices = #map}, {transform_indices = #map1}, {transform_indices = #map2}, {transform_indices = #map2}, {transform_indices = #map}, {transform_indices = #map3}]} {
    %mul3A = arith.constant 624 : i32
    %mul3A_0 = arith.muli %arg1, %mul3A : i32
    "tpu.region"() ({
      %run_scoped3A = tpu.sem_alloc : memref<!tpu.dma_semaphore, #tpu.memory_space<semaphore_mem>>
      %dma_start3A_83 = arith.constant 0 : i32
      %dma_start3A_84 = tpu.memref_slice %arg8[%mul3A_0, %dma_start3A_83] : memref<10000x128xf32, #tpu.memory_space<vmem_shared>> -> memref<624x128xf32, #tpu.memory_space<vmem_shared>>
      tpu.enqueue_dma source(%arg6 : memref<624x128xf32, #tpu.memory_space<hbm>>) target(%dma_start3A_84 : memref<624x128xf32, #tpu.memory_space<vmem_shared>>) target_semaphore(%run_scoped3A : memref<!tpu.dma_semaphore, #tpu.memory_space<semaphore_mem>>)
      %dma_wait3A_85 = arith.constant 0 : i32
      %dma_wait3A_86 = tpu.memref_slice %arg8[%mul3A_0, %dma_wait3A_85] : memref<10000x128xf32, #tpu.memory_space<vmem_shared>> -> memref<624x128xf32, #tpu.memory_space<vmem_shared>>
      tpu.wait_dma2 semaphore(%run_scoped3A : memref<!tpu.dma_semaphore, #tpu.memory_space<semaphore_mem>>) src(%arg6 : memref<624x128xf32, #tpu.memory_space<hbm>>) dst(%dma_wait3A_86 : memref<624x128xf32, #tpu.memory_space<vmem_shared>>)
      tpu.yield
    }) : () -> ()
    %eq3A = arith.constant 15 : i32
    %eq3A_1 = arith.cmpi eq, %arg1, %eq3A : i32
    %convert_element_type3A = arith.extui %eq3A_1 : i1 to i32
    %cond3A = arith.constant 0 : i32
    %cond3A_2 = arith.cmpi ne, %convert_element_type3A, %cond3A : i32
    scf.if %cond3A_2 {
      "tpu.region"() ({
        %run_scoped3A = tpu.sem_alloc : memref<!tpu.dma_semaphore, #tpu.memory_space<semaphore_mem>>
        %dma_start3A_83 = arith.constant 9984 : i32
        %dma_start3A_84 = arith.constant 0 : i32
        %dma_start3A_85 = tpu.memref_slice %arg8[%dma_start3A_83, %dma_start3A_84] : memref<10000x128xf32, #tpu.memory_space<vmem_shared>> -> memref<16x128xf32, #tpu.memory_space<vmem_shared>>
        %dma_start3A_86 = arith.constant 0 : i32
        %dma_start3A_87 = arith.constant 0 : i32
        %dma_start3A_88 = tpu.memref_slice %arg6[%dma_start3A_86, %dma_start3A_87] : memref<624x128xf32, #tpu.memory_space<hbm>> -> memref<16x128xf32, #tpu.memory_space<hbm>>
        tpu.enqueue_dma source(%dma_start3A_88 : memref<16x128xf32, #tpu.memory_space<hbm>>) target(%dma_start3A_85 : memref<16x128xf32, #tpu.memory_space<vmem_shared>>) target_semaphore(%run_scoped3A : memref<!tpu.dma_semaphore, #tpu.memory_space<semaphore_mem>>)
        %dma_wait3A_89 = arith.constant 9984 : i32
        %dma_wait3A_90 = arith.constant 0 : i32
        %dma_wait3A_91 = tpu.memref_slice %arg8[%dma_wait3A_89, %dma_wait3A_90] : memref<10000x128xf32, #tpu.memory_space<vmem_shared>> -> memref<16x128xf32, #tpu.memory_space<vmem_shared>>
        %dma_wait3A_92 = arith.constant 0 : i32
        %dma_wait3A_93 = arith.constant 0 : i32
        %dma_wait3A_94 = tpu.memref_slice %arg6[%dma_wait3A_92, %dma_wait3A_93] : memref<624x128xf32, #tpu.memory_space<hbm>> -> memref<16x128xf32, #tpu.memory_space<hbm>>
        tpu.wait_dma2 semaphore(%run_scoped3A : memref<!tpu.dma_semaphore, #tpu.memory_space<semaphore_mem>>) src(%dma_wait3A_94 : memref<16x128xf32, #tpu.memory_space<hbm>>) dst(%dma_wait3A_91 : memref<16x128xf32, #tpu.memory_space<vmem_shared>>)
        tpu.yield
      }) : () -> ()
    } else {
    }
    %barrier3A = arith.constant 0 : index
    tpu.barrier barrier_id(%barrier3A)
    %dma_start3A = arith.constant 0 : i32
    %dma_start3A_3 = arith.constant 0 : i32
    %dma_start3A_4 = tpu.memref_slice %arg4[%arg0, %arg1, %dma_start3A, %dma_start3A_3] : memref<2x16x125x80xi32, #tpu.memory_space<hbm>> -> memref<1x1x1x80xi32, #tpu.memory_space<hbm>>
    %dma_start3A_5 = tpu.memref_squeeze %dma_start3A_4 : memref<1x1x1x80xi32, #tpu.memory_space<hbm>> -> memref<80xi32, #tpu.memory_space<hbm>>
    %dma_start3A_6 = arith.constant 0 : i32
    %dma_start3A_7 = tpu.memref_slice %arg4[%arg0, %arg1, %dma_start3A, %dma_start3A_6] : memref<2x16x125x80xi32, #tpu.memory_space<hbm>> -> memref<1x1x1x80xi32, #tpu.memory_space<hbm>>
    %dma_start3A_8 = tpu.memref_squeeze %dma_start3A_7 : memref<1x1x1x80xi32, #tpu.memory_space<hbm>> -> memref<80xi32, #tpu.memory_space<hbm>>
    tpu.enqueue_dma source(%dma_start3A_8 : memref<80xi32, #tpu.memory_space<hbm>>) target(%arg9 : memref<80xi32, #tpu.memory_space<vmem>>) target_semaphore(%arg21 : memref<!tpu.dma_semaphore, #tpu.memory_space<semaphore_mem>>)
    %dma_start3A_9 = arith.constant 0 : i32
    %dma_start3A_10 = arith.constant 0 : i32
    %dma_start3A_11 = tpu.memref_slice %arg5[%arg0, %arg1, %dma_start3A_9, %dma_start3A_10] : memref<2x16x125x80xi32, #tpu.memory_space<hbm>> -> memref<1x1x1x80xi32, #tpu.memory_space<hbm>>
    %dma_start3A_12 = tpu.memref_squeeze %dma_start3A_11 : memref<1x1x1x80xi32, #tpu.memory_space<hbm>> -> memref<80xi32, #tpu.memory_space<hbm>>
    %dma_start3A_13 = arith.constant 0 : i32
    %dma_start3A_14 = tpu.memref_slice %arg5[%arg0, %arg1, %dma_start3A_9, %dma_start3A_13] : memref<2x16x125x80xi32, #tpu.memory_space<hbm>> -> memref<1x1x1x80xi32, #tpu.memory_space<hbm>>
    %dma_start3A_15 = tpu.memref_squeeze %dma_start3A_14 : memref<1x1x1x80xi32, #tpu.memory_space<hbm>> -> memref<80xi32, #tpu.memory_space<hbm>>
    tpu.enqueue_dma source(%dma_start3A_15 : memref<80xi32, #tpu.memory_space<hbm>>) target(%arg11 : memref<80xi32, #tpu.memory_space<vmem>>) target_semaphore(%arg21 : memref<!tpu.dma_semaphore, #tpu.memory_space<semaphore_mem>>)
    %dma_start3A_16 = arith.constant 1 : i32
    %dma_start3A_17 = arith.constant 0 : i32
    %dma_start3A_18 = tpu.memref_slice %arg4[%arg0, %arg1, %dma_start3A_16, %dma_start3A_17] : memref<2x16x125x80xi32, #tpu.memory_space<hbm>> -> memref<1x1x1x80xi32, #tpu.memory_space<hbm>>
    %dma_start3A_19 = tpu.memref_squeeze %dma_start3A_18 : memref<1x1x1x80xi32, #tpu.memory_space<hbm>> -> memref<80xi32, #tpu.memory_space<hbm>>
    %dma_start3A_20 = arith.constant 0 : i32
    %dma_start3A_21 = tpu.memref_slice %arg4[%arg0, %arg1, %dma_start3A_16, %dma_start3A_20] : memref<2x16x125x80xi32, #tpu.memory_space<hbm>> -> memref<1x1x1x80xi32, #tpu.memory_space<hbm>>
    %dma_start3A_22 = tpu.memref_squeeze %dma_start3A_21 : memref<1x1x1x80xi32, #tpu.memory_space<hbm>> -> memref<80xi32, #tpu.memory_space<hbm>>
    tpu.enqueue_dma source(%dma_start3A_22 : memref<80xi32, #tpu.memory_space<hbm>>) target(%arg10 : memref<80xi32, #tpu.memory_space<vmem>>) target_semaphore(%arg22 : memref<!tpu.dma_semaphore, #tpu.memory_space<semaphore_mem>>)
    %dma_start3A_23 = arith.constant 1 : i32
    %dma_start3A_24 = arith.constant 0 : i32
    %dma_start3A_25 = tpu.memref_slice %arg5[%arg0, %arg1, %dma_start3A_23, %dma_start3A_24] : memref<2x16x125x80xi32, #tpu.memory_space<hbm>> -> memref<1x1x1x80xi32, #tpu.memory_space<hbm>>
    %dma_start3A_26 = tpu.memref_squeeze %dma_start3A_25 : memref<1x1x1x80xi32, #tpu.memory_space<hbm>> -> memref<80xi32, #tpu.memory_space<hbm>>
    %dma_start3A_27 = arith.constant 0 : i32
    %dma_start3A_28 = tpu.memref_slice %arg5[%arg0, %arg1, %dma_start3A_23, %dma_start3A_27] : memref<2x16x125x80xi32, #tpu.memory_space<hbm>> -> memref<1x1x1x80xi32, #tpu.memory_space<hbm>>
    %dma_start3A_29 = tpu.memref_squeeze %dma_start3A_28 : memref<1x1x1x80xi32, #tpu.memory_space<hbm>> -> memref<80xi32, #tpu.memory_space<hbm>>
    tpu.enqueue_dma source(%dma_start3A_29 : memref<80xi32, #tpu.memory_space<hbm>>) target(%arg12 : memref<80xi32, #tpu.memory_space<vmem>>) target_semaphore(%arg22 : memref<!tpu.dma_semaphore, #tpu.memory_space<semaphore_mem>>)
    %dma_wait3A = arith.constant 0 : i32
    %dma_wait3A_30 = arith.constant 0 : i32
    %dma_wait3A_31 = tpu.memref_slice %arg4[%arg0, %arg1, %dma_wait3A, %dma_wait3A_30] : memref<2x16x125x80xi32, #tpu.memory_space<hbm>> -> memref<1x1x1x80xi32, #tpu.memory_space<hbm>>
    %dma_wait3A_32 = tpu.memref_squeeze %dma_wait3A_31 : memref<1x1x1x80xi32, #tpu.memory_space<hbm>> -> memref<80xi32, #tpu.memory_space<hbm>>
    %dma_wait3A_33 = arith.constant 0 : i32
    %dma_wait3A_34 = tpu.memref_slice %arg4[%arg0, %arg1, %dma_wait3A, %dma_wait3A_33] : memref<2x16x125x80xi32, #tpu.memory_space<hbm>> -> memref<1x1x1x80xi32, #tpu.memory_space<hbm>>
    %dma_wait3A_35 = tpu.memref_squeeze %dma_wait3A_34 : memref<1x1x1x80xi32, #tpu.memory_space<hbm>> -> memref<80xi32, #tpu.memory_space<hbm>>
    tpu.wait_dma2 semaphore(%arg21 : memref<!tpu.dma_semaphore, #tpu.memory_space<semaphore_mem>>) src(%dma_wait3A_35 : memref<80xi32, #tpu.memory_space<hbm>>) dst(%arg9 : memref<80xi32, #tpu.memory_space<vmem>>)
    %dma_wait3A_36 = arith.constant 0 : i32
    %dma_wait3A_37 = arith.constant 0 : i32
    %dma_wait3A_38 = tpu.memref_slice %arg5[%arg0, %arg1, %dma_wait3A_36, %dma_wait3A_37] : memref<2x16x125x80xi32, #tpu.memory_space<hbm>> -> memref<1x1x1x80xi32, #tpu.memory_space<hbm>>
    %dma_wait3A_39 = tpu.memref_squeeze %dma_wait3A_38 : memref<1x1x1x80xi32, #tpu.memory_space<hbm>> -> memref<80xi32, #tpu.memory_space<hbm>>
    %dma_wait3A_40 = arith.constant 0 : i32
    %dma_wait3A_41 = tpu.memref_slice %arg5[%arg0, %arg1, %dma_wait3A_36, %dma_wait3A_40] : memref<2x16x125x80xi32, #tpu.memory_space<hbm>> -> memref<1x1x1x80xi32, #tpu.memory_space<hbm>>
    %dma_wait3A_42 = tpu.memref_squeeze %dma_wait3A_41 : memref<1x1x1x80xi32, #tpu.memory_space<hbm>> -> memref<80xi32, #tpu.memory_space<hbm>>
    tpu.wait_dma2 semaphore(%arg21 : memref<!tpu.dma_semaphore, #tpu.memory_space<semaphore_mem>>) src(%dma_wait3A_42 : memref<80xi32, #tpu.memory_space<hbm>>) dst(%arg11 : memref<80xi32, #tpu.memory_space<vmem>>)
    %dma_start3A_43 = arith.constant 0 : i32
    %dma_start3A_44 = arith.constant 0 : i32
    %dma_start3A_45 = tpu.memref_slice %arg2[%dma_start3A_43, %dma_start3A_44] : memref<10000x128xf32, #tpu.memory_space<hbm>> -> memref<10000x128xf32, #tpu.memory_space<hbm>>
    tpu.enqueue_indirect_dma source(%dma_start3A_45 : memref<10000x128xf32, #tpu.memory_space<hbm>>) target(%arg13 : memref<80x128xf32, #tpu.memory_space<vmem>>) offsets(%arg11 : memref<80xi32, #tpu.memory_space<vmem>>) semaphore(%arg17 : memref<!tpu.dma_semaphore, #tpu.memory_space<semaphore_mem>>)
    %dma_start3A_46 = arith.constant 0 : i32
    %dma_start3A_47 = arith.constant 0 : i32
    %dma_start3A_48 = arith.constant 0 : i32
    %dma_start3A_49 = tpu.memref_slice %arg3[%arg0, %arg1, %dma_start3A_46, %dma_start3A_47, %dma_start3A_48] : memref<2x16x125x80x128xf32, #tpu.memory_space<hbm>> -> memref<1x1x1x80x128xf32, #tpu.memory_space<hbm>>
    %dma_start3A_50 = tpu.memref_squeeze %dma_start3A_49 : memref<1x1x1x80x128xf32, #tpu.memory_space<hbm>> -> memref<80x128xf32, #tpu.memory_space<hbm>>
    %dma_start3A_51 = arith.constant 0 : i32
    %dma_start3A_52 = arith.constant 0 : i32
    %dma_start3A_53 = tpu.memref_slice %arg3[%arg0, %arg1, %dma_start3A_46, %dma_start3A_51, %dma_start3A_52] : memref<2x16x125x80x128xf32, #tpu.memory_space<hbm>> -> memref<1x1x1x80x128xf32, #tpu.memory_space<hbm>>
    %dma_start3A_54 = tpu.memref_squeeze %dma_start3A_53 : memref<1x1x1x80x128xf32, #tpu.memory_space<hbm>> -> memref<80x128xf32, #tpu.memory_space<hbm>>
    tpu.enqueue_dma source(%dma_start3A_54 : memref<80x128xf32, #tpu.memory_space<hbm>>) target(%arg15 : memref<80x128xf32, #tpu.memory_space<vmem>>) target_semaphore(%arg19 : memref<!tpu.dma_semaphore, #tpu.memory_space<semaphore_mem>>)
    %scan3A = arith.constant 0 : i32
    %scan3A_55 = arith.constant 62 : i32
    %scan3A_56 = arith.addi %scan3A, %scan3A_55 : i32
    %scan3A_57 = arith.constant 1 : i32
    scf.for %scan3A_83 = %scan3A to %scan3A_56 step %scan3A_57  : i32 {
      %mul3A_84 = arith.constant 2 : i32
      %mul3A_85 = arith.muli %scan3A_83, %mul3A_84 : i32
      %add3A = arith.constant 0 : i32
      %add3A_86 = arith.addi %add3A, %mul3A_85 : i32
      %add3A_87 = arith.constant 0 : i32
      %add3A_88 = arith.addi %add3A_86, %add3A_87 : i32
      %add3A_89 = arith.constant 1 : i32
      %add3A_90 = arith.addi %add3A_88, %add3A_89 : i32
      %lt3A = arith.constant 125 : i32
      %lt3A_91 = arith.cmpi slt, %add3A_90, %lt3A : i32
      %convert_element_type3A_92 = arith.extui %lt3A_91 : i1 to i32
      %cond3A_93 = arith.constant 0 : i32
      %cond3A_94 = arith.cmpi ne, %convert_element_type3A_92, %cond3A_93 : i32
      scf.if %cond3A_94 {
        %add3A_146 = arith.constant 1 : i32
        %add3A_147 = arith.addi %add3A_88, %add3A_146 : i32
        %dma_wait3A_148 = arith.constant 0 : i32
        %dma_wait3A_149 = tpu.memref_slice %arg4[%arg0, %arg1, %add3A_147, %dma_wait3A_148] : memref<2x16x125x80xi32, #tpu.memory_space<hbm>> -> memref<1x1x1x80xi32, #tpu.memory_space<hbm>>
        %dma_wait3A_150 = tpu.memref_squeeze %dma_wait3A_149 : memref<1x1x1x80xi32, #tpu.memory_space<hbm>> -> memref<80xi32, #tpu.memory_space<hbm>>
        %dma_wait3A_151 = arith.constant 0 : i32
        %dma_wait3A_152 = tpu.memref_slice %arg4[%arg0, %arg1, %add3A_147, %dma_wait3A_151] : memref<2x16x125x80xi32, #tpu.memory_space<hbm>> -> memref<1x1x1x80xi32, #tpu.memory_space<hbm>>
        %dma_wait3A_153 = tpu.memref_squeeze %dma_wait3A_152 : memref<1x1x1x80xi32, #tpu.memory_space<hbm>> -> memref<80xi32, #tpu.memory_space<hbm>>
        tpu.wait_dma2 semaphore(%arg22 : memref<!tpu.dma_semaphore, #tpu.memory_space<semaphore_mem>>) src(%dma_wait3A_153 : memref<80xi32, #tpu.memory_space<hbm>>) dst(%arg10 : memref<80xi32, #tpu.memory_space<vmem>>)
        %dma_wait3A_154 = arith.constant 0 : i32
        %dma_wait3A_155 = tpu.memref_slice %arg5[%arg0, %arg1, %add3A_147, %dma_wait3A_154] : memref<2x16x125x80xi32, #tpu.memory_space<hbm>> -> memref<1x1x1x80xi32, #tpu.memory_space<hbm>>
        %dma_wait3A_156 = tpu.memref_squeeze %dma_wait3A_155 : memref<1x1x1x80xi32, #tpu.memory_space<hbm>> -> memref<80xi32, #tpu.memory_space<hbm>>
        %dma_wait3A_157 = arith.constant 0 : i32
        %dma_wait3A_158 = tpu.memref_slice %arg5[%arg0, %arg1, %add3A_147, %dma_wait3A_157] : memref<2x16x125x80xi32, #tpu.memory_space<hbm>> -> memref<1x1x1x80xi32, #tpu.memory_space<hbm>>
        %dma_wait3A_159 = tpu.memref_squeeze %dma_wait3A_158 : memref<1x1x1x80xi32, #tpu.memory_space<hbm>> -> memref<80xi32, #tpu.memory_space<hbm>>
        tpu.wait_dma2 semaphore(%arg22 : memref<!tpu.dma_semaphore, #tpu.memory_space<semaphore_mem>>) src(%dma_wait3A_159 : memref<80xi32, #tpu.memory_space<hbm>>) dst(%arg12 : memref<80xi32, #tpu.memory_space<vmem>>)
        %add3A_160 = arith.constant 1 : i32
        %add3A_161 = arith.addi %add3A_88, %add3A_160 : i32
        %dma_start3A_162 = arith.constant 0 : i32
        %dma_start3A_163 = arith.constant 0 : i32
        %dma_start3A_164 = tpu.memref_slice %arg2[%dma_start3A_162, %dma_start3A_163] : memref<10000x128xf32, #tpu.memory_space<hbm>> -> memref<10000x128xf32, #tpu.memory_space<hbm>>
        tpu.enqueue_indirect_dma source(%dma_start3A_164 : memref<10000x128xf32, #tpu.memory_space<hbm>>) target(%arg14 : memref<80x128xf32, #tpu.memory_space<vmem>>) offsets(%arg12 : memref<80xi32, #tpu.memory_space<vmem>>) semaphore(%arg18 : memref<!tpu.dma_semaphore, #tpu.memory_space<semaphore_mem>>)
        %dma_start3A_165 = arith.constant 0 : i32
        %dma_start3A_166 = arith.constant 0 : i32
        %dma_start3A_167 = tpu.memref_slice %arg3[%arg0, %arg1, %add3A_161, %dma_start3A_165, %dma_start3A_166] : memref<2x16x125x80x128xf32, #tpu.memory_space<hbm>> -> memref<1x1x1x80x128xf32, #tpu.memory_space<hbm>>
        %dma_start3A_168 = tpu.memref_squeeze %dma_start3A_167 : memref<1x1x1x80x128xf32, #tpu.memory_space<hbm>> -> memref<80x128xf32, #tpu.memory_space<hbm>>
        %dma_start3A_169 = arith.constant 0 : i32
        %dma_start3A_170 = arith.constant 0 : i32
        %dma_start3A_171 = tpu.memref_slice %arg3[%arg0, %arg1, %add3A_161, %dma_start3A_169, %dma_start3A_170] : memref<2x16x125x80x128xf32, #tpu.memory_space<hbm>> -> memref<1x1x1x80x128xf32, #tpu.memory_space<hbm>>
        %dma_start3A_172 = tpu.memref_squeeze %dma_start3A_171 : memref<1x1x1x80x128xf32, #tpu.memory_space<hbm>> -> memref<80x128xf32, #tpu.memory_space<hbm>>
        tpu.enqueue_dma source(%dma_start3A_172 : memref<80x128xf32, #tpu.memory_space<hbm>>) target(%arg16 : memref<80x128xf32, #tpu.memory_space<vmem>>) target_semaphore(%arg20 : memref<!tpu.dma_semaphore, #tpu.memory_space<semaphore_mem>>)
      } else {
      }
      %dma_wait3A_95 = arith.constant 0 : i32
      %dma_wait3A_96 = arith.constant 0 : i32
      %dma_wait3A_97 = tpu.memref_slice %arg2[%dma_wait3A_95, %dma_wait3A_96] : memref<10000x128xf32, #tpu.memory_space<hbm>> -> memref<10000x128xf32, #tpu.memory_space<hbm>>
      tpu.wait_indirect_dma semaphore(%arg17 : memref<!tpu.dma_semaphore, #tpu.memory_space<semaphore_mem>>) src(%dma_wait3A_97 : memref<10000x128xf32, #tpu.memory_space<hbm>>) dst(%arg13 : memref<80x128xf32, #tpu.memory_space<vmem>>)
      %dma_wait3A_98 = arith.constant 0 : i32
      %dma_wait3A_99 = arith.constant 0 : i32
      %dma_wait3A_100 = tpu.memref_slice %arg3[%arg0, %arg1, %add3A_88, %dma_wait3A_98, %dma_wait3A_99] : memref<2x16x125x80x128xf32, #tpu.memory_space<hbm>> -> memref<1x1x1x80x128xf32, #tpu.memory_space<hbm>>
      %dma_wait3A_101 = tpu.memref_squeeze %dma_wait3A_100 : memref<1x1x1x80x128xf32, #tpu.memory_space<hbm>> -> memref<80x128xf32, #tpu.memory_space<hbm>>
      %dma_wait3A_102 = arith.constant 0 : i32
      %dma_wait3A_103 = arith.constant 0 : i32
      %dma_wait3A_104 = tpu.memref_slice %arg3[%arg0, %arg1, %add3A_88, %dma_wait3A_102, %dma_wait3A_103] : memref<2x16x125x80x128xf32, #tpu.memory_space<hbm>> -> memref<1x1x1x80x128xf32, #tpu.memory_space<hbm>>
      %dma_wait3A_105 = tpu.memref_squeeze %dma_wait3A_104 : memref<1x1x1x80x128xf32, #tpu.memory_space<hbm>> -> memref<80x128xf32, #tpu.memory_space<hbm>>
      tpu.wait_dma2 semaphore(%arg19 : memref<!tpu.dma_semaphore, #tpu.memory_space<semaphore_mem>>) src(%dma_wait3A_105 : memref<80x128xf32, #tpu.memory_space<hbm>>) dst(%arg15 : memref<80x128xf32, #tpu.memory_space<vmem>>)
      %parallel_loop3A_106 = arith.constant 0 : i32
      %parallel_loop3A_107 = arith.constant 80 : i32
      %parallel_loop3A_108 = arith.constant 1 : i32
      scf.for %parallel_loop3A_146 = %parallel_loop3A_106 to %parallel_loop3A_107 step %parallel_loop3A_108  : i32 {
        %parallel_loop3A_147 = arith.index_cast %parallel_loop3A_146 : i32 to index
        %parallel_loop3A_148 = arith.constant 0 : index
        %parallel_loop3A_149 = tpu.vector_load %arg13[%parallel_loop3A_147, %parallel_loop3A_148] {strides = array<i32>} : memref<80x128xf32, #tpu.memory_space<vmem>>, vector<1x16xf32>,
        %parallel_loop3A_150 = vector.shape_cast %parallel_loop3A_149 : vector<1x16xf32> to vector<16xf32>
        %parallel_loop3A_151 = arith.index_cast %parallel_loop3A_146 : i32 to index
        %parallel_loop3A_152 = arith.constant 0 : index
        %parallel_loop3A_153 = tpu.vector_load %arg15[%parallel_loop3A_151, %parallel_loop3A_152] {strides = array<i32>} : memref<80x128xf32, #tpu.memory_space<vmem>>, vector<1x16xf32>,
        %parallel_loop3A_154 = vector.shape_cast %parallel_loop3A_153 : vector<1x16xf32> to vector<16xf32>
        %parallel_loop3A_155 = arith.mulf %parallel_loop3A_150, %parallel_loop3A_154 : vector<16xf32>
        %parallel_loop3A_156 = arith.index_cast %parallel_loop3A_146 : i32 to index
        %parallel_loop3A_157 = arith.constant 0 : index
        %parallel_loop3A_158 = tpu.vector_load %arg13[%parallel_loop3A_156, %parallel_loop3A_157] {strides = array<i32>} : memref<80x128xf32, #tpu.memory_space<vmem>>, vector<1x16xf32>,
        %parallel_loop3A_159 = vector.shape_cast %parallel_loop3A_158 : vector<1x16xf32> to vector<16xf32>
        %parallel_loop3A_160 = vector.shape_cast %parallel_loop3A_155 : vector<16xf32> to vector<1x16xf32>
        tpu.vector_store %arg13[%parallel_loop3A_156, %parallel_loop3A_157], %parallel_loop3A_160 {strides = array<i32>} : memref<80x128xf32, #tpu.memory_space<vmem>>, vector<1x16xf32>,
        %parallel_loop3A_161 = arith.index_cast %parallel_loop3A_146 : i32 to index
        %parallel_loop3A_162 = arith.constant 16 : index
        %parallel_loop3A_163 = tpu.vector_load %arg13[%parallel_loop3A_161, %parallel_loop3A_162] {strides = array<i32>} : memref<80x128xf32, #tpu.memory_space<vmem>>, vector<1x16xf32>,
        %parallel_loop3A_164 = vector.shape_cast %parallel_loop3A_163 : vector<1x16xf32> to vector<16xf32>
        %parallel_loop3A_165 = arith.index_cast %parallel_loop3A_146 : i32 to index
        %parallel_loop3A_166 = arith.constant 16 : index
        %parallel_loop3A_167 = tpu.vector_load %arg15[%parallel_loop3A_165, %parallel_loop3A_166] {strides = array<i32>} : memref<80x128xf32, #tpu.memory_space<vmem>>, vector<1x16xf32>,
        %parallel_loop3A_168 = vector.shape_cast %parallel_loop3A_167 : vector<1x16xf32> to vector<16xf32>
        %parallel_loop3A_169 = arith.mulf %parallel_loop3A_164, %parallel_loop3A_168 : vector<16xf32>
        %parallel_loop3A_170 = arith.index_cast %parallel_loop3A_146 : i32 to index
        %parallel_loop3A_171 = arith.constant 16 : index
        %parallel_loop3A_172 = tpu.vector_load %arg13[%parallel_loop3A_170, %parallel_loop3A_171] {strides = array<i32>} : memref<80x128xf32, #tpu.memory_space<vmem>>, vector<1x16xf32>,
        %parallel_loop3A_173 = vector.shape_cast %parallel_loop3A_172 : vector<1x16xf32> to vector<16xf32>
        %parallel_loop3A_174 = vector.shape_cast %parallel_loop3A_169 : vector<16xf32> to vector<1x16xf32>
        tpu.vector_store %arg13[%parallel_loop3A_170, %parallel_loop3A_171], %parallel_loop3A_174 {strides = array<i32>} : memref<80x128xf32, #tpu.memory_space<vmem>>, vector<1x16xf32>,
        %parallel_loop3A_175 = arith.index_cast %parallel_loop3A_146 : i32 to index
        %parallel_loop3A_176 = arith.constant 32 : index
        %parallel_loop3A_177 = tpu.vector_load %arg13[%parallel_loop3A_175, %parallel_loop3A_176] {strides = array<i32>} : memref<80x128xf32, #tpu.memory_space<vmem>>, vector<1x16xf32>,
        %parallel_loop3A_178 = vector.shape_cast %parallel_loop3A_177 : vector<1x16xf32> to vector<16xf32>
        %parallel_loop3A_179 = arith.index_cast %parallel_loop3A_146 : i32 to index
        %parallel_loop3A_180 = arith.constant 32 : index
        %parallel_loop3A_181 = tpu.vector_load %arg15[%parallel_loop3A_179, %parallel_loop3A_180] {strides = array<i32>} : memref<80x128xf32, #tpu.memory_space<vmem>>, vector<1x16xf32>,
        %parallel_loop3A_182 = vector.shape_cast %parallel_loop3A_181 : vector<1x16xf32> to vector<16xf32>
        %parallel_loop3A_183 = arith.mulf %parallel_loop3A_178, %parallel_loop3A_182 : vector<16xf32>
        %parallel_loop3A_184 = arith.index_cast %parallel_loop3A_146 : i32 to index
        %parallel_loop3A_185 = arith.constant 32 : index
        %parallel_loop3A_186 = tpu.vector_load %arg13[%parallel_loop3A_184, %parallel_loop3A_185] {strides = array<i32>} : memref<80x128xf32, #tpu.memory_space<vmem>>, vector<1x16xf32>,
        %parallel_loop3A_187 = vector.shape_cast %parallel_loop3A_186 : vector<1x16xf32> to vector<16xf32>
        %parallel_loop3A_188 = vector.shape_cast %parallel_loop3A_183 : vector<16xf32> to vector<1x16xf32>
        tpu.vector_store %arg13[%parallel_loop3A_184, %parallel_loop3A_185], %parallel_loop3A_188 {strides = array<i32>} : memref<80x128xf32, #tpu.memory_space<vmem>>, vector<1x16xf32>,
        %parallel_loop3A_189 = arith.index_cast %parallel_loop3A_146 : i32 to index
        %parallel_loop3A_190 = arith.constant 48 : index
        %parallel_loop3A_191 = tpu.vector_load %arg13[%parallel_loop3A_189, %parallel_loop3A_190] {strides = array<i32>} : memref<80x128xf32, #tpu.memory_space<vmem>>, vector<1x16xf32>,
        %parallel_loop3A_192 = vector.shape_cast %parallel_loop3A_191 : vector<1x16xf32> to vector<16xf32>
        %parallel_loop3A_193 = arith.index_cast %parallel_loop3A_146 : i32 to index
        %parallel_loop3A_194 = arith.constant 48 : index
        %parallel_loop3A_195 = tpu.vector_load %arg15[%parallel_loop3A_193, %parallel_loop3A_194] {strides = array<i32>} : memref<80x128xf32, #tpu.memory_space<vmem>>, vector<1x16xf32>,
        %parallel_loop3A_196 = vector.shape_cast %parallel_loop3A_195 : vector<1x16xf32> to vector<16xf32>
        %parallel_loop3A_197 = arith.mulf %parallel_loop3A_192, %parallel_loop3A_196 : vector<16xf32>
        %parallel_loop3A_198 = arith.index_cast %parallel_loop3A_146 : i32 to index
        %parallel_loop3A_199 = arith.constant 48 : index
        %parallel_loop3A_200 = tpu.vector_load %arg13[%parallel_loop3A_198, %parallel_loop3A_199] {strides = array<i32>} : memref<80x128xf32, #tpu.memory_space<vmem>>, vector<1x16xf32>,
        %parallel_loop3A_201 = vector.shape_cast %parallel_loop3A_200 : vector<1x16xf32> to vector<16xf32>
        %parallel_loop3A_202 = vector.shape_cast %parallel_loop3A_197 : vector<16xf32> to vector<1x16xf32>
        tpu.vector_store %arg13[%parallel_loop3A_198, %parallel_loop3A_199], %parallel_loop3A_202 {strides = array<i32>} : memref<80x128xf32, #tpu.memory_space<vmem>>, vector<1x16xf32>,
        %parallel_loop3A_203 = arith.index_cast %parallel_loop3A_146 : i32 to index
        %parallel_loop3A_204 = arith.constant 64 : index
        %parallel_loop3A_205 = tpu.vector_load %arg13[%parallel_loop3A_203, %parallel_loop3A_204] {strides = array<i32>} : memref<80x128xf32, #tpu.memory_space<vmem>>, vector<1x16xf32>,
        %parallel_loop3A_206 = vector.shape_cast %parallel_loop3A_205 : vector<1x16xf32> to vector<16xf32>
        %parallel_loop3A_207 = arith.index_cast %parallel_loop3A_146 : i32 to index
        %parallel_loop3A_208 = arith.constant 64 : index
        %parallel_loop3A_209 = tpu.vector_load %arg15[%parallel_loop3A_207, %parallel_loop3A_208] {strides = array<i32>} : memref<80x128xf32, #tpu.memory_space<vmem>>, vector<1x16xf32>,
        %parallel_loop3A_210 = vector.shape_cast %parallel_loop3A_209 : vector<1x16xf32> to vector<16xf32>
        %parallel_loop3A_211 = arith.mulf %parallel_loop3A_206, %parallel_loop3A_210 : vector<16xf32>
        %parallel_loop3A_212 = arith.index_cast %parallel_loop3A_146 : i32 to index
        %parallel_loop3A_213 = arith.constant 64 : index
        %parallel_loop3A_214 = tpu.vector_load %arg13[%parallel_loop3A_212, %parallel_loop3A_213] {strides = array<i32>} : memref<80x128xf32, #tpu.memory_space<vmem>>, vector<1x16xf32>,
        %parallel_loop3A_215 = vector.shape_cast %parallel_loop3A_214 : vector<1x16xf32> to vector<16xf32>
        %parallel_loop3A_216 = vector.shape_cast %parallel_loop3A_211 : vector<16xf32> to vector<1x16xf32>
        tpu.vector_store %arg13[%parallel_loop3A_212, %parallel_loop3A_213], %parallel_loop3A_216 {strides = array<i32>} : memref<80x128xf32, #tpu.memory_space<vmem>>, vector<1x16xf32>,
        %parallel_loop3A_217 = arith.index_cast %parallel_loop3A_146 : i32 to index
        %parallel_loop3A_218 = arith.constant 80 : index
        %parallel_loop3A_219 = tpu.vector_load %arg13[%parallel_loop3A_217, %parallel_loop3A_218] {strides = array<i32>} : memref<80x128xf32, #tpu.memory_space<vmem>>, vector<1x16xf32>,
        %parallel_loop3A_220 = vector.shape_cast %parallel_loop3A_219 : vector<1x16xf32> to vector<16xf32>
        %parallel_loop3A_221 = arith.index_cast %parallel_loop3A_146 : i32 to index
        %parallel_loop3A_222 = arith.constant 80 : index
        %parallel_loop3A_223 = tpu.vector_load %arg15[%parallel_loop3A_221, %parallel_loop3A_222] {strides = array<i32>} : memref<80x128xf32, #tpu.memory_space<vmem>>, vector<1x16xf32>,
        %parallel_loop3A_224 = vector.shape_cast %parallel_loop3A_223 : vector<1x16xf32> to vector<16xf32>
        %parallel_loop3A_225 = arith.mulf %parallel_loop3A_220, %parallel_loop3A_224 : vector<16xf32>
        %parallel_loop3A_226 = arith.index_cast %parallel_loop3A_146 : i32 to index
        %parallel_loop3A_227 = arith.constant 80 : index
        %parallel_loop3A_228 = tpu.vector_load %arg13[%parallel_loop3A_226, %parallel_loop3A_227] {strides = array<i32>} : memref<80x128xf32, #tpu.memory_space<vmem>>, vector<1x16xf32>,
        %parallel_loop3A_229 = vector.shape_cast %parallel_loop3A_228 : vector<1x16xf32> to vector<16xf32>
        %parallel_loop3A_230 = vector.shape_cast %parallel_loop3A_225 : vector<16xf32> to vector<1x16xf32>
        tpu.vector_store %arg13[%parallel_loop3A_226, %parallel_loop3A_227], %parallel_loop3A_230 {strides = array<i32>} : memref<80x128xf32, #tpu.memory_space<vmem>>, vector<1x16xf32>,
        %parallel_loop3A_231 = arith.index_cast %parallel_loop3A_146 : i32 to index
        %parallel_loop3A_232 = arith.constant 96 : index
        %parallel_loop3A_233 = tpu.vector_load %arg13[%parallel_loop3A_231, %parallel_loop3A_232] {strides = array<i32>} : memref<80x128xf32, #tpu.memory_space<vmem>>, vector<1x16xf32>,
        %parallel_loop3A_234 = vector.shape_cast %parallel_loop3A_233 : vector<1x16xf32> to vector<16xf32>
        %parallel_loop3A_235 = arith.index_cast %parallel_loop3A_146 : i32 to index
        %parallel_loop3A_236 = arith.constant 96 : index
        %parallel_loop3A_237 = tpu.vector_load %arg15[%parallel_loop3A_235, %parallel_loop3A_236] {strides = array<i32>} : memref<80x128xf32, #tpu.memory_space<vmem>>, vector<1x16xf32>,
        %parallel_loop3A_238 = vector.shape_cast %parallel_loop3A_237 : vector<1x16xf32> to vector<16xf32>
        %parallel_loop3A_239 = arith.mulf %parallel_loop3A_234, %parallel_loop3A_238 : vector<16xf32>
        %parallel_loop3A_240 = arith.index_cast %parallel_loop3A_146 : i32 to index
        %parallel_loop3A_241 = arith.constant 96 : index
        %parallel_loop3A_242 = tpu.vector_load %arg13[%parallel_loop3A_240, %parallel_loop3A_241] {strides = array<i32>} : memref<80x128xf32, #tpu.memory_space<vmem>>, vector<1x16xf32>,
        %parallel_loop3A_243 = vector.shape_cast %parallel_loop3A_242 : vector<1x16xf32> to vector<16xf32>
        %parallel_loop3A_244 = vector.shape_cast %parallel_loop3A_239 : vector<16xf32> to vector<1x16xf32>
        tpu.vector_store %arg13[%parallel_loop3A_240, %parallel_loop3A_241], %parallel_loop3A_244 {strides = array<i32>} : memref<80x128xf32, #tpu.memory_space<vmem>>, vector<1x16xf32>,
        %parallel_loop3A_245 = arith.index_cast %parallel_loop3A_146 : i32 to index
        %parallel_loop3A_246 = arith.constant 112 : index
        %parallel_loop3A_247 = tpu.vector_load %arg13[%parallel_loop3A_245, %parallel_loop3A_246] {strides = array<i32>} : memref<80x128xf32, #tpu.memory_space<vmem>>, vector<1x16xf32>,
        %parallel_loop3A_248 = vector.shape_cast %parallel_loop3A_247 : vector<1x16xf32> to vector<16xf32>
        %parallel_loop3A_249 = arith.index_cast %parallel_loop3A_146 : i32 to index
        %parallel_loop3A_250 = arith.constant 112 : index
        %parallel_loop3A_251 = tpu.vector_load %arg15[%parallel_loop3A_249, %parallel_loop3A_250] {strides = array<i32>} : memref<80x128xf32, #tpu.memory_space<vmem>>, vector<1x16xf32>,
        %parallel_loop3A_252 = vector.shape_cast %parallel_loop3A_251 : vector<1x16xf32> to vector<16xf32>
        %parallel_loop3A_253 = arith.mulf %parallel_loop3A_248, %parallel_loop3A_252 : vector<16xf32>
        %parallel_loop3A_254 = arith.index_cast %parallel_loop3A_146 : i32 to index
        %parallel_loop3A_255 = arith.constant 112 : index
        %parallel_loop3A_256 = tpu.vector_load %arg13[%parallel_loop3A_254, %parallel_loop3A_255] {strides = array<i32>} : memref<80x128xf32, #tpu.memory_space<vmem>>, vector<1x16xf32>,
        %parallel_loop3A_257 = vector.shape_cast %parallel_loop3A_256 : vector<1x16xf32> to vector<16xf32>
        %parallel_loop3A_258 = vector.shape_cast %parallel_loop3A_253 : vector<16xf32> to vector<1x16xf32>
        tpu.vector_store %arg13[%parallel_loop3A_254, %parallel_loop3A_255], %parallel_loop3A_258 {strides = array<i32>} : memref<80x128xf32, #tpu.memory_space<vmem>>, vector<1x16xf32>,
      } {sc.loop_unroll_factor = 4 : i64, sc.parallel_access}
      "tpu.region"() ({
        %run_scoped3A = tpu.sem_alloc : memref<!tpu.dma_semaphore, #tpu.memory_space<semaphore_mem>>
        %dma_start3A_146 = arith.constant 0 : i32
        %dma_start3A_147 = arith.constant 0 : i32
        %dma_start3A_148 = tpu.memref_slice %arg8[%dma_start3A_146, %dma_start3A_147] : memref<10000x128xf32, #tpu.memory_space<vmem_shared>> -> memref<10000x128xf32, #tpu.memory_space<vmem_shared>>
        tpu.enqueue_indirect_dma source(%arg13 : memref<80x128xf32, #tpu.memory_space<vmem>>) target(%dma_start3A_148 : memref<10000x128xf32, #tpu.memory_space<vmem_shared>>) offsets(%arg9 : memref<80xi32, #tpu.memory_space<vmem>>) semaphore(%run_scoped3A : memref<!tpu.dma_semaphore, #tpu.memory_space<semaphore_mem>>) {add = true}
        %dma_wait3A_149 = arith.constant 0 : i32
        %dma_wait3A_150 = arith.constant 0 : i32
        %dma_wait3A_151 = tpu.memref_slice %arg8[%dma_wait3A_149, %dma_wait3A_150] : memref<10000x128xf32, #tpu.memory_space<vmem_shared>> -> memref<10000x128xf32, #tpu.memory_space<vmem_shared>>
        tpu.wait_indirect_dma semaphore(%run_scoped3A : memref<!tpu.dma_semaphore, #tpu.memory_space<semaphore_mem>>) src(%arg13 : memref<80x128xf32, #tpu.memory_space<vmem>>) dst(%dma_wait3A_151 : memref<10000x128xf32, #tpu.memory_space<vmem_shared>>)
        tpu.yield
      }) : () -> ()
      %add3A_109 = arith.constant 2 : i32
      %add3A_110 = arith.addi %add3A_88, %add3A_109 : i32
      %lt3A_111 = arith.constant 125 : i32
      %lt3A_112 = arith.cmpi slt, %add3A_110, %lt3A_111 : i32
      %convert_element_type3A_113 = arith.extui %lt3A_112 : i1 to i32
      %cond3A_114 = arith.constant 0 : i32
      %cond3A_115 = arith.cmpi ne, %convert_element_type3A_113, %cond3A_114 : i32
      scf.if %cond3A_115 {
        %add3A_146 = arith.constant 2 : i32
        %add3A_147 = arith.addi %add3A_88, %add3A_146 : i32
        %dma_start3A_148 = arith.constant 0 : i32
        %dma_start3A_149 = tpu.memref_slice %arg4[%arg0, %arg1, %add3A_147, %dma_start3A_148] : memref<2x16x125x80xi32, #tpu.memory_space<hbm>> -> memref<1x1x1x80xi32, #tpu.memory_space<hbm>>
        %dma_start3A_150 = tpu.memref_squeeze %dma_start3A_149 : memref<1x1x1x80xi32, #tpu.memory_space<hbm>> -> memref<80xi32, #tpu.memory_space<hbm>>
        %dma_start3A_151 = arith.constant 0 : i32
        %dma_start3A_152 = tpu.memref_slice %arg4[%arg0, %arg1, %add3A_147, %dma_start3A_151] : memref<2x16x125x80xi32, #tpu.memory_space<hbm>> -> memref<1x1x1x80xi32, #tpu.memory_space<hbm>>
        %dma_start3A_153 = tpu.memref_squeeze %dma_start3A_152 : memref<1x1x1x80xi32, #tpu.memory_space<hbm>> -> memref<80xi32, #tpu.memory_space<hbm>>
        tpu.enqueue_dma source(%dma_start3A_153 : memref<80xi32, #tpu.memory_space<hbm>>) target(%arg9 : memref<80xi32, #tpu.memory_space<vmem>>) target_semaphore(%arg21 : memref<!tpu.dma_semaphore, #tpu.memory_space<semaphore_mem>>)
        %dma_start3A_154 = arith.constant 0 : i32
        %dma_start3A_155 = tpu.memref_slice %arg5[%arg0, %arg1, %add3A_147, %dma_start3A_154] : memref<2x16x125x80xi32, #tpu.memory_space<hbm>> -> memref<1x1x1x80xi32, #tpu.memory_space<hbm>>
        %dma_start3A_156 = tpu.memref_squeeze %dma_start3A_155 : memref<1x1x1x80xi32, #tpu.memory_space<hbm>> -> memref<80xi32, #tpu.memory_space<hbm>>
        %dma_start3A_157 = arith.constant 0 : i32
        %dma_start3A_158 = tpu.memref_slice %arg5[%arg0, %arg1, %add3A_147, %dma_start3A_157] : memref<2x16x125x80xi32, #tpu.memory_space<hbm>> -> memref<1x1x1x80xi32, #tpu.memory_space<hbm>>
        %dma_start3A_159 = tpu.memref_squeeze %dma_start3A_158 : memref<1x1x1x80xi32, #tpu.memory_space<hbm>> -> memref<80xi32, #tpu.memory_space<hbm>>
        tpu.enqueue_dma source(%dma_start3A_159 : memref<80xi32, #tpu.memory_space<hbm>>) target(%arg11 : memref<80xi32, #tpu.memory_space<vmem>>) target_semaphore(%arg21 : memref<!tpu.dma_semaphore, #tpu.memory_space<semaphore_mem>>)
      } else {
      }
      %add3A_116 = arith.constant 1 : i32
      %add3A_117 = arith.addi %add3A_86, %add3A_116 : i32
      %add3A_118 = arith.constant 1 : i32
      %add3A_119 = arith.addi %add3A_117, %add3A_118 : i32
      %lt3A_120 = arith.constant 125 : i32
      %lt3A_121 = arith.cmpi slt, %add3A_119, %lt3A_120 : i32
      %convert_element_type3A_122 = arith.extui %lt3A_121 : i1 to i32
      %cond3A_123 = arith.constant 0 : i32
      %cond3A_124 = arith.cmpi ne, %convert_element_type3A_122, %cond3A_123 : i32
      scf.if %cond3A_124 {
        %add3A_146 = arith.constant 1 : i32
        %add3A_147 = arith.addi %add3A_117, %add3A_146 : i32
        %dma_wait3A_148 = arith.constant 0 : i32
        %dma_wait3A_149 = tpu.memref_slice %arg4[%arg0, %arg1, %add3A_147, %dma_wait3A_148] : memref<2x16x125x80xi32, #tpu.memory_space<hbm>> -> memref<1x1x1x80xi32, #tpu.memory_space<hbm>>
        %dma_wait3A_150 = tpu.memref_squeeze %dma_wait3A_149 : memref<1x1x1x80xi32, #tpu.memory_space<hbm>> -> memref<80xi32, #tpu.memory_space<hbm>>
        %dma_wait3A_151 = arith.constant 0 : i32
        %dma_wait3A_152 = tpu.memref_slice %arg4[%arg0, %arg1, %add3A_147, %dma_wait3A_151] : memref<2x16x125x80xi32, #tpu.memory_space<hbm>> -> memref<1x1x1x80xi32, #tpu.memory_space<hbm>>
        %dma_wait3A_153 = tpu.memref_squeeze %dma_wait3A_152 : memref<1x1x1x80xi32, #tpu.memory_space<hbm>> -> memref<80xi32, #tpu.memory_space<hbm>>
        tpu.wait_dma2 semaphore(%arg21 : memref<!tpu.dma_semaphore, #tpu.memory_space<semaphore_mem>>) src(%dma_wait3A_153 : memref<80xi32, #tpu.memory_space<hbm>>) dst(%arg9 : memref<80xi32, #tpu.memory_space<vmem>>)
        %dma_wait3A_154 = arith.constant 0 : i32
        %dma_wait3A_155 = tpu.memref_slice %arg5[%arg0, %arg1, %add3A_147, %dma_wait3A_154] : memref<2x16x125x80xi32, #tpu.memory_space<hbm>> -> memref<1x1x1x80xi32, #tpu.memory_space<hbm>>
        %dma_wait3A_156 = tpu.memref_squeeze %dma_wait3A_155 : memref<1x1x1x80xi32, #tpu.memory_space<hbm>> -> memref<80xi32, #tpu.memory_space<hbm>>
        %dma_wait3A_157 = arith.constant 0 : i32
        %dma_wait3A_158 = tpu.memref_slice %arg5[%arg0, %arg1, %add3A_147, %dma_wait3A_157] : memref<2x16x125x80xi32, #tpu.memory_space<hbm>> -> memref<1x1x1x80xi32, #tpu.memory_space<hbm>>
        %dma_wait3A_159 = tpu.memref_squeeze %dma_wait3A_158 : memref<1x1x1x80xi32, #tpu.memory_space<hbm>> -> memref<80xi32, #tpu.memory_space<hbm>>
        tpu.wait_dma2 semaphore(%arg21 : memref<!tpu.dma_semaphore, #tpu.memory_space<semaphore_mem>>) src(%dma_wait3A_159 : memref<80xi32, #tpu.memory_space<hbm>>) dst(%arg11 : memref<80xi32, #tpu.memory_space<vmem>>)
        %add3A_160 = arith.constant 1 : i32
        %add3A_161 = arith.addi %add3A_117, %add3A_160 : i32
        %dma_start3A_162 = arith.constant 0 : i32
        %dma_start3A_163 = arith.constant 0 : i32
        %dma_start3A_164 = tpu.memref_slice %arg2[%dma_start3A_162, %dma_start3A_163] : memref<10000x128xf32, #tpu.memory_space<hbm>> -> memref<10000x128xf32, #tpu.memory_space<hbm>>
        tpu.enqueue_indirect_dma source(%dma_start3A_164 : memref<10000x128xf32, #tpu.memory_space<hbm>>) target(%arg13 : memref<80x128xf32, #tpu.memory_space<vmem>>) offsets(%arg11 : memref<80xi32, #tpu.memory_space<vmem>>) semaphore(%arg17 : memref<!tpu.dma_semaphore, #tpu.memory_space<semaphore_mem>>)
        %dma_start3A_165 = arith.constant 0 : i32
        %dma_start3A_166 = arith.constant 0 : i32
        %dma_start3A_167 = tpu.memref_slice %arg3[%arg0, %arg1, %add3A_161, %dma_start3A_165, %dma_start3A_166] : memref<2x16x125x80x128xf32, #tpu.memory_space<hbm>> -> memref<1x1x1x80x128xf32, #tpu.memory_space<hbm>>
        %dma_start3A_168 = tpu.memref_squeeze %dma_start3A_167 : memref<1x1x1x80x128xf32, #tpu.memory_space<hbm>> -> memref<80x128xf32, #tpu.memory_space<hbm>>
        %dma_start3A_169 = arith.constant 0 : i32
        %dma_start3A_170 = arith.constant 0 : i32
        %dma_start3A_171 = tpu.memref_slice %arg3[%arg0, %arg1, %add3A_161, %dma_start3A_169, %dma_start3A_170] : memref<2x16x125x80x128xf32, #tpu.memory_space<hbm>> -> memref<1x1x1x80x128xf32, #tpu.memory_space<hbm>>
        %dma_start3A_172 = tpu.memref_squeeze %dma_start3A_171 : memref<1x1x1x80x128xf32, #tpu.memory_space<hbm>> -> memref<80x128xf32, #tpu.memory_space<hbm>>
        tpu.enqueue_dma source(%dma_start3A_172 : memref<80x128xf32, #tpu.memory_space<hbm>>) target(%arg15 : memref<80x128xf32, #tpu.memory_space<vmem>>) target_semaphore(%arg19 : memref<!tpu.dma_semaphore, #tpu.memory_space<semaphore_mem>>)
      } else {
      }
      %dma_wait3A_125 = arith.constant 0 : i32
      %dma_wait3A_126 = arith.constant 0 : i32
      %dma_wait3A_127 = tpu.memref_slice %arg2[%dma_wait3A_125, %dma_wait3A_126] : memref<10000x128xf32, #tpu.memory_space<hbm>> -> memref<10000x128xf32, #tpu.memory_space<hbm>>
      tpu.wait_indirect_dma semaphore(%arg18 : memref<!tpu.dma_semaphore, #tpu.memory_space<semaphore_mem>>) src(%dma_wait3A_127 : memref<10000x128xf32, #tpu.memory_space<hbm>>) dst(%arg14 : memref<80x128xf32, #tpu.memory_space<vmem>>)
      %dma_wait3A_128 = arith.constant 0 : i32
      %dma_wait3A_129 = arith.constant 0 : i32
      %dma_wait3A_130 = tpu.memref_slice %arg3[%arg0, %arg1, %add3A_117, %dma_wait3A_128, %dma_wait3A_129] : memref<2x16x125x80x128xf32, #tpu.memory_space<hbm>> -> memref<1x1x1x80x128xf32, #tpu.memory_space<hbm>>
      %dma_wait3A_131 = tpu.memref_squeeze %dma_wait3A_130 : memref<1x1x1x80x128xf32, #tpu.memory_space<hbm>> -> memref<80x128xf32, #tpu.memory_space<hbm>>
      %dma_wait3A_132 = arith.constant 0 : i32
      %dma_wait3A_133 = arith.constant 0 : i32
      %dma_wait3A_134 = tpu.memref_slice %arg3[%arg0, %arg1, %add3A_117, %dma_wait3A_132, %dma_wait3A_133] : memref<2x16x125x80x128xf32, #tpu.memory_space<hbm>> -> memref<1x1x1x80x128xf32, #tpu.memory_space<hbm>>
      %dma_wait3A_135 = tpu.memref_squeeze %dma_wait3A_134 : memref<1x1x1x80x128xf32, #tpu.memory_space<hbm>> -> memref<80x128xf32, #tpu.memory_space<hbm>>
      tpu.wait_dma2 semaphore(%arg20 : memref<!tpu.dma_semaphore, #tpu.memory_space<semaphore_mem>>) src(%dma_wait3A_135 : memref<80x128xf32, #tpu.memory_space<hbm>>) dst(%arg16 : memref<80x128xf32, #tpu.memory_space<vmem>>)
      %parallel_loop3A_136 = arith.constant 0 : i32
      %parallel_loop3A_137 = arith.constant 80 : i32
      %parallel_loop3A_138 = arith.constant 1 : i32
      scf.for %parallel_loop3A_146 = %parallel_loop3A_136 to %parallel_loop3A_137 step %parallel_loop3A_138  : i32 {
        %parallel_loop3A_147 = arith.index_cast %parallel_loop3A_146 : i32 to index
        %parallel_loop3A_148 = arith.constant 0 : index
        %parallel_loop3A_149 = tpu.vector_load %arg14[%parallel_loop3A_147, %parallel_loop3A_148] {strides = array<i32>} : memref<80x128xf32, #tpu.memory_space<vmem>>, vector<1x16xf32>,
        %parallel_loop3A_150 = vector.shape_cast %parallel_loop3A_149 : vector<1x16xf32> to vector<16xf32>
        %parallel_loop3A_151 = arith.index_cast %parallel_loop3A_146 : i32 to index
        %parallel_loop3A_152 = arith.constant 0 : index
        %parallel_loop3A_153 = tpu.vector_load %arg16[%parallel_loop3A_151, %parallel_loop3A_152] {strides = array<i32>} : memref<80x128xf32, #tpu.memory_space<vmem>>, vector<1x16xf32>,
        %parallel_loop3A_154 = vector.shape_cast %parallel_loop3A_153 : vector<1x16xf32> to vector<16xf32>
        %parallel_loop3A_155 = arith.mulf %parallel_loop3A_150, %parallel_loop3A_154 : vector<16xf32>
        %parallel_loop3A_156 = arith.index_cast %parallel_loop3A_146 : i32 to index
        %parallel_loop3A_157 = arith.constant 0 : index
        %parallel_loop3A_158 = tpu.vector_load %arg14[%parallel_loop3A_156, %parallel_loop3A_157] {strides = array<i32>} : memref<80x128xf32, #tpu.memory_space<vmem>>, vector<1x16xf32>,
        %parallel_loop3A_159 = vector.shape_cast %parallel_loop3A_158 : vector<1x16xf32> to vector<16xf32>
        %parallel_loop3A_160 = vector.shape_cast %parallel_loop3A_155 : vector<16xf32> to vector<1x16xf32>
        tpu.vector_store %arg14[%parallel_loop3A_156, %parallel_loop3A_157], %parallel_loop3A_160 {strides = array<i32>} : memref<80x128xf32, #tpu.memory_space<vmem>>, vector<1x16xf32>,
        %parallel_loop3A_161 = arith.index_cast %parallel_loop3A_146 : i32 to index
        %parallel_loop3A_162 = arith.constant 16 : index
        %parallel_loop3A_163 = tpu.vector_load %arg14[%parallel_loop3A_161, %parallel_loop3A_162] {strides = array<i32>} : memref<80x128xf32, #tpu.memory_space<vmem>>, vector<1x16xf32>,
        %parallel_loop3A_164 = vector.shape_cast %parallel_loop3A_163 : vector<1x16xf32> to vector<16xf32>
        %parallel_loop3A_165 = arith.index_cast %parallel_loop3A_146 : i32 to index
        %parallel_loop3A_166 = arith.constant 16 : index
        %parallel_loop3A_167 = tpu.vector_load %arg16[%parallel_loop3A_165, %parallel_loop3A_166] {strides = array<i32>} : memref<80x128xf32, #tpu.memory_space<vmem>>, vector<1x16xf32>,
        %parallel_loop3A_168 = vector.shape_cast %parallel_loop3A_167 : vector<1x16xf32> to vector<16xf32>
        %parallel_loop3A_169 = arith.mulf %parallel_loop3A_164, %parallel_loop3A_168 : vector<16xf32>
        %parallel_loop3A_170 = arith.index_cast %parallel_loop3A_146 : i32 to index
        %parallel_loop3A_171 = arith.constant 16 : index
        %parallel_loop3A_172 = tpu.vector_load %arg14[%parallel_loop3A_170, %parallel_loop3A_171] {strides = array<i32>} : memref<80x128xf32, #tpu.memory_space<vmem>>, vector<1x16xf32>,
        %parallel_loop3A_173 = vector.shape_cast %parallel_loop3A_172 : vector<1x16xf32> to vector<16xf32>
        %parallel_loop3A_174 = vector.shape_cast %parallel_loop3A_169 : vector<16xf32> to vector<1x16xf32>
        tpu.vector_store %arg14[%parallel_loop3A_170, %parallel_loop3A_171], %parallel_loop3A_174 {strides = array<i32>} : memref<80x128xf32, #tpu.memory_space<vmem>>, vector<1x16xf32>,
        %parallel_loop3A_175 = arith.index_cast %parallel_loop3A_146 : i32 to index
        %parallel_loop3A_176 = arith.constant 32 : index
        %parallel_loop3A_177 = tpu.vector_load %arg14[%parallel_loop3A_175, %parallel_loop3A_176] {strides = array<i32>} : memref<80x128xf32, #tpu.memory_space<vmem>>, vector<1x16xf32>,
        %parallel_loop3A_178 = vector.shape_cast %parallel_loop3A_177 : vector<1x16xf32> to vector<16xf32>
        %parallel_loop3A_179 = arith.index_cast %parallel_loop3A_146 : i32 to index
        %parallel_loop3A_180 = arith.constant 32 : index
        %parallel_loop3A_181 = tpu.vector_load %arg16[%parallel_loop3A_179, %parallel_loop3A_180] {strides = array<i32>} : memref<80x128xf32, #tpu.memory_space<vmem>>, vector<1x16xf32>,
        %parallel_loop3A_182 = vector.shape_cast %parallel_loop3A_181 : vector<1x16xf32> to vector<16xf32>
        %parallel_loop3A_183 = arith.mulf %parallel_loop3A_178, %parallel_loop3A_182 : vector<16xf32>
        %parallel_loop3A_184 = arith.index_cast %parallel_loop3A_146 : i32 to index
        %parallel_loop3A_185 = arith.constant 32 : index
        %parallel_loop3A_186 = tpu.vector_load %arg14[%parallel_loop3A_184, %parallel_loop3A_185] {strides = array<i32>} : memref<80x128xf32, #tpu.memory_space<vmem>>, vector<1x16xf32>,
        %parallel_loop3A_187 = vector.shape_cast %parallel_loop3A_186 : vector<1x16xf32> to vector<16xf32>
        %parallel_loop3A_188 = vector.shape_cast %parallel_loop3A_183 : vector<16xf32> to vector<1x16xf32>
        tpu.vector_store %arg14[%parallel_loop3A_184, %parallel_loop3A_185], %parallel_loop3A_188 {strides = array<i32>} : memref<80x128xf32, #tpu.memory_space<vmem>>, vector<1x16xf32>,
        %parallel_loop3A_189 = arith.index_cast %parallel_loop3A_146 : i32 to index
        %parallel_loop3A_190 = arith.constant 48 : index
        %parallel_loop3A_191 = tpu.vector_load %arg14[%parallel_loop3A_189, %parallel_loop3A_190] {strides = array<i32>} : memref<80x128xf32, #tpu.memory_space<vmem>>, vector<1x16xf32>,
        %parallel_loop3A_192 = vector.shape_cast %parallel_loop3A_191 : vector<1x16xf32> to vector<16xf32>
        %parallel_loop3A_193 = arith.index_cast %parallel_loop3A_146 : i32 to index
        %parallel_loop3A_194 = arith.constant 48 : index
        %parallel_loop3A_195 = tpu.vector_load %arg16[%parallel_loop3A_193, %parallel_loop3A_194] {strides = array<i32>} : memref<80x128xf32, #tpu.memory_space<vmem>>, vector<1x16xf32>,
        %parallel_loop3A_196 = vector.shape_cast %parallel_loop3A_195 : vector<1x16xf32> to vector<16xf32>
        %parallel_loop3A_197 = arith.mulf %parallel_loop3A_192, %parallel_loop3A_196 : vector<16xf32>
        %parallel_loop3A_198 = arith.index_cast %parallel_loop3A_146 : i32 to index
        %parallel_loop3A_199 = arith.constant 48 : index
        %parallel_loop3A_200 = tpu.vector_load %arg14[%parallel_loop3A_198, %parallel_loop3A_199] {strides = array<i32>} : memref<80x128xf32, #tpu.memory_space<vmem>>, vector<1x16xf32>,
        %parallel_loop3A_201 = vector.shape_cast %parallel_loop3A_200 : vector<1x16xf32> to vector<16xf32>
        %parallel_loop3A_202 = vector.shape_cast %parallel_loop3A_197 : vector<16xf32> to vector<1x16xf32>
        tpu.vector_store %arg14[%parallel_loop3A_198, %parallel_loop3A_199], %parallel_loop3A_202 {strides = array<i32>} : memref<80x128xf32, #tpu.memory_space<vmem>>, vector<1x16xf32>,
        %parallel_loop3A_203 = arith.index_cast %parallel_loop3A_146 : i32 to index
        %parallel_loop3A_204 = arith.constant 64 : index
        %parallel_loop3A_205 = tpu.vector_load %arg14[%parallel_loop3A_203, %parallel_loop3A_204] {strides = array<i32>} : memref<80x128xf32, #tpu.memory_space<vmem>>, vector<1x16xf32>,
        %parallel_loop3A_206 = vector.shape_cast %parallel_loop3A_205 : vector<1x16xf32> to vector<16xf32>
        %parallel_loop3A_207 = arith.index_cast %parallel_loop3A_146 : i32 to index
        %parallel_loop3A_208 = arith.constant 64 : index
        %parallel_loop3A_209 = tpu.vector_load %arg16[%parallel_loop3A_207, %parallel_loop3A_208] {strides = array<i32>} : memref<80x128xf32, #tpu.memory_space<vmem>>, vector<1x16xf32>,
        %parallel_loop3A_210 = vector.shape_cast %parallel_loop3A_209 : vector<1x16xf32> to vector<16xf32>
        %parallel_loop3A_211 = arith.mulf %parallel_loop3A_206, %parallel_loop3A_210 : vector<16xf32>
        %parallel_loop3A_212 = arith.index_cast %parallel_loop3A_146 : i32 to index
        %parallel_loop3A_213 = arith.constant 64 : index
        %parallel_loop3A_214 = tpu.vector_load %arg14[%parallel_loop3A_212, %parallel_loop3A_213] {strides = array<i32>} : memref<80x128xf32, #tpu.memory_space<vmem>>, vector<1x16xf32>,
        %parallel_loop3A_215 = vector.shape_cast %parallel_loop3A_214 : vector<1x16xf32> to vector<16xf32>
        %parallel_loop3A_216 = vector.shape_cast %parallel_loop3A_211 : vector<16xf32> to vector<1x16xf32>
        tpu.vector_store %arg14[%parallel_loop3A_212, %parallel_loop3A_213], %parallel_loop3A_216 {strides = array<i32>} : memref<80x128xf32, #tpu.memory_space<vmem>>, vector<1x16xf32>,
        %parallel_loop3A_217 = arith.index_cast %parallel_loop3A_146 : i32 to index
        %parallel_loop3A_218 = arith.constant 80 : index
        %parallel_loop3A_219 = tpu.vector_load %arg14[%parallel_loop3A_217, %parallel_loop3A_218] {strides = array<i32>} : memref<80x128xf32, #tpu.memory_space<vmem>>, vector<1x16xf32>,
        %parallel_loop3A_220 = vector.shape_cast %parallel_loop3A_219 : vector<1x16xf32> to vector<16xf32>
        %parallel_loop3A_221 = arith.index_cast %parallel_loop3A_146 : i32 to index
        %parallel_loop3A_222 = arith.constant 80 : index
        %parallel_loop3A_223 = tpu.vector_load %arg16[%parallel_loop3A_221, %parallel_loop3A_222] {strides = array<i32>} : memref<80x128xf32, #tpu.memory_space<vmem>>, vector<1x16xf32>,
        %parallel_loop3A_224 = vector.shape_cast %parallel_loop3A_223 : vector<1x16xf32> to vector<16xf32>
        %parallel_loop3A_225 = arith.mulf %parallel_loop3A_220, %parallel_loop3A_224 : vector<16xf32>
        %parallel_loop3A_226 = arith.index_cast %parallel_loop3A_146 : i32 to index
        %parallel_loop3A_227 = arith.constant 80 : index
        %parallel_loop3A_228 = tpu.vector_load %arg14[%parallel_loop3A_226, %parallel_loop3A_227] {strides = array<i32>} : memref<80x128xf32, #tpu.memory_space<vmem>>, vector<1x16xf32>,
        %parallel_loop3A_229 = vector.shape_cast %parallel_loop3A_228 : vector<1x16xf32> to vector<16xf32>
        %parallel_loop3A_230 = vector.shape_cast %parallel_loop3A_225 : vector<16xf32> to vector<1x16xf32>
        tpu.vector_store %arg14[%parallel_loop3A_226, %parallel_loop3A_227], %parallel_loop3A_230 {strides = array<i32>} : memref<80x128xf32, #tpu.memory_space<vmem>>, vector<1x16xf32>,
        %parallel_loop3A_231 = arith.index_cast %parallel_loop3A_146 : i32 to index
        %parallel_loop3A_232 = arith.constant 96 : index
        %parallel_loop3A_233 = tpu.vector_load %arg14[%parallel_loop3A_231, %parallel_loop3A_232] {strides = array<i32>} : memref<80x128xf32, #tpu.memory_space<vmem>>, vector<1x16xf32>,
        %parallel_loop3A_234 = vector.shape_cast %parallel_loop3A_233 : vector<1x16xf32> to vector<16xf32>
        %parallel_loop3A_235 = arith.index_cast %parallel_loop3A_146 : i32 to index
        %parallel_loop3A_236 = arith.constant 96 : index
        %parallel_loop3A_237 = tpu.vector_load %arg16[%parallel_loop3A_235, %parallel_loop3A_236] {strides = array<i32>} : memref<80x128xf32, #tpu.memory_space<vmem>>, vector<1x16xf32>,
        %parallel_loop3A_238 = vector.shape_cast %parallel_loop3A_237 : vector<1x16xf32> to vector<16xf32>
        %parallel_loop3A_239 = arith.mulf %parallel_loop3A_234, %parallel_loop3A_238 : vector<16xf32>
        %parallel_loop3A_240 = arith.index_cast %parallel_loop3A_146 : i32 to index
        %parallel_loop3A_241 = arith.constant 96 : index
        %parallel_loop3A_242 = tpu.vector_load %arg14[%parallel_loop3A_240, %parallel_loop3A_241] {strides = array<i32>} : memref<80x128xf32, #tpu.memory_space<vmem>>, vector<1x16xf32>,
        %parallel_loop3A_243 = vector.shape_cast %parallel_loop3A_242 : vector<1x16xf32> to vector<16xf32>
        %parallel_loop3A_244 = vector.shape_cast %parallel_loop3A_239 : vector<16xf32> to vector<1x16xf32>
        tpu.vector_store %arg14[%parallel_loop3A_240, %parallel_loop3A_241], %parallel_loop3A_244 {strides = array<i32>} : memref<80x128xf32, #tpu.memory_space<vmem>>, vector<1x16xf32>,
        %parallel_loop3A_245 = arith.index_cast %parallel_loop3A_146 : i32 to index
        %parallel_loop3A_246 = arith.constant 112 : index
        %parallel_loop3A_247 = tpu.vector_load %arg14[%parallel_loop3A_245, %parallel_loop3A_246] {strides = array<i32>} : memref<80x128xf32, #tpu.memory_space<vmem>>, vector<1x16xf32>,
        %parallel_loop3A_248 = vector.shape_cast %parallel_loop3A_247 : vector<1x16xf32> to vector<16xf32>
        %parallel_loop3A_249 = arith.index_cast %parallel_loop3A_146 : i32 to index
        %parallel_loop3A_250 = arith.constant 112 : index
        %parallel_loop3A_251 = tpu.vector_load %arg16[%parallel_loop3A_249, %parallel_loop3A_250] {strides = array<i32>} : memref<80x128xf32, #tpu.memory_space<vmem>>, vector<1x16xf32>,
        %parallel_loop3A_252 = vector.shape_cast %parallel_loop3A_251 : vector<1x16xf32> to vector<16xf32>
        %parallel_loop3A_253 = arith.mulf %parallel_loop3A_248, %parallel_loop3A_252 : vector<16xf32>
        %parallel_loop3A_254 = arith.index_cast %parallel_loop3A_146 : i32 to index
        %parallel_loop3A_255 = arith.constant 112 : index
        %parallel_loop3A_256 = tpu.vector_load %arg14[%parallel_loop3A_254, %parallel_loop3A_255] {strides = array<i32>} : memref<80x128xf32, #tpu.memory_space<vmem>>, vector<1x16xf32>,
        %parallel_loop3A_257 = vector.shape_cast %parallel_loop3A_256 : vector<1x16xf32> to vector<16xf32>
        %parallel_loop3A_258 = vector.shape_cast %parallel_loop3A_253 : vector<16xf32> to vector<1x16xf32>
        tpu.vector_store %arg14[%parallel_loop3A_254, %parallel_loop3A_255], %parallel_loop3A_258 {strides = array<i32>} : memref<80x128xf32, #tpu.memory_space<vmem>>, vector<1x16xf32>,
      } {sc.loop_unroll_factor = 4 : i64, sc.parallel_access}
      "tpu.region"() ({
        %run_scoped3A = tpu.sem_alloc : memref<!tpu.dma_semaphore, #tpu.memory_space<semaphore_mem>>
        %dma_start3A_146 = arith.constant 0 : i32
        %dma_start3A_147 = arith.constant 0 : i32
        %dma_start3A_148 = tpu.memref_slice %arg8[%dma_start3A_146, %dma_start3A_147] : memref<10000x128xf32, #tpu.memory_space<vmem_shared>> -> memref<10000x128xf32, #tpu.memory_space<vmem_shared>>
        tpu.enqueue_indirect_dma source(%arg14 : memref<80x128xf32, #tpu.memory_space<vmem>>) target(%dma_start3A_148 : memref<10000x128xf32, #tpu.memory_space<vmem_shared>>) offsets(%arg10 : memref<80xi32, #tpu.memory_space<vmem>>) semaphore(%run_scoped3A : memref<!tpu.dma_semaphore, #tpu.memory_space<semaphore_mem>>) {add = true}
        %dma_wait3A_149 = arith.constant 0 : i32
        %dma_wait3A_150 = arith.constant 0 : i32
        %dma_wait3A_151 = tpu.memref_slice %arg8[%dma_wait3A_149, %dma_wait3A_150] : memref<10000x128xf32, #tpu.memory_space<vmem_shared>> -> memref<10000x128xf32, #tpu.memory_space<vmem_shared>>
        tpu.wait_indirect_dma semaphore(%run_scoped3A : memref<!tpu.dma_semaphore, #tpu.memory_space<semaphore_mem>>) src(%arg14 : memref<80x128xf32, #tpu.memory_space<vmem>>) dst(%dma_wait3A_151 : memref<10000x128xf32, #tpu.memory_space<vmem_shared>>)
        tpu.yield
      }) : () -> ()
      %add3A_139 = arith.constant 2 : i32
      %add3A_140 = arith.addi %add3A_117, %add3A_139 : i32
      %lt3A_141 = arith.constant 125 : i32
      %lt3A_142 = arith.cmpi slt, %add3A_140, %lt3A_141 : i32
      %convert_element_type3A_143 = arith.extui %lt3A_142 : i1 to i32
      %cond3A_144 = arith.constant 0 : i32
      %cond3A_145 = arith.cmpi ne, %convert_element_type3A_143, %cond3A_144 : i32
      scf.if %cond3A_145 {
        %add3A_146 = arith.constant 2 : i32
        %add3A_147 = arith.addi %add3A_117, %add3A_146 : i32
        %dma_start3A_148 = arith.constant 0 : i32
        %dma_start3A_149 = tpu.memref_slice %arg4[%arg0, %arg1, %add3A_147, %dma_start3A_148] : memref<2x16x125x80xi32, #tpu.memory_space<hbm>> -> memref<1x1x1x80xi32, #tpu.memory_space<hbm>>
        %dma_start3A_150 = tpu.memref_squeeze %dma_start3A_149 : memref<1x1x1x80xi32, #tpu.memory_space<hbm>> -> memref<80xi32, #tpu.memory_space<hbm>>
        %dma_start3A_151 = arith.constant 0 : i32
        %dma_start3A_152 = tpu.memref_slice %arg4[%arg0, %arg1, %add3A_147, %dma_start3A_151] : memref<2x16x125x80xi32, #tpu.memory_space<hbm>> -> memref<1x1x1x80xi32, #tpu.memory_space<hbm>>
        %dma_start3A_153 = tpu.memref_squeeze %dma_start3A_152 : memref<1x1x1x80xi32, #tpu.memory_space<hbm>> -> memref<80xi32, #tpu.memory_space<hbm>>
        tpu.enqueue_dma source(%dma_start3A_153 : memref<80xi32, #tpu.memory_space<hbm>>) target(%arg10 : memref<80xi32, #tpu.memory_space<vmem>>) target_semaphore(%arg22 : memref<!tpu.dma_semaphore, #tpu.memory_space<semaphore_mem>>)
        %dma_start3A_154 = arith.constant 0 : i32
        %dma_start3A_155 = tpu.memref_slice %arg5[%arg0, %arg1, %add3A_147, %dma_start3A_154] : memref<2x16x125x80xi32, #tpu.memory_space<hbm>> -> memref<1x1x1x80xi32, #tpu.memory_space<hbm>>
        %dma_start3A_156 = tpu.memref_squeeze %dma_start3A_155 : memref<1x1x1x80xi32, #tpu.memory_space<hbm>> -> memref<80xi32, #tpu.memory_space<hbm>>
        %dma_start3A_157 = arith.constant 0 : i32
        %dma_start3A_158 = tpu.memref_slice %arg5[%arg0, %arg1, %add3A_147, %dma_start3A_157] : memref<2x16x125x80xi32, #tpu.memory_space<hbm>> -> memref<1x1x1x80xi32, #tpu.memory_space<hbm>>
        %dma_start3A_159 = tpu.memref_squeeze %dma_start3A_158 : memref<1x1x1x80xi32, #tpu.memory_space<hbm>> -> memref<80xi32, #tpu.memory_space<hbm>>
        tpu.enqueue_dma source(%dma_start3A_159 : memref<80xi32, #tpu.memory_space<hbm>>) target(%arg12 : memref<80xi32, #tpu.memory_space<vmem>>) target_semaphore(%arg22 : memref<!tpu.dma_semaphore, #tpu.memory_space<semaphore_mem>>)
      } else {
      }
    }
    %scan3A_58 = arith.constant 62 : i32
    %dma_wait3A_59 = arith.constant 0 : i32
    %dma_wait3A_60 = arith.constant 0 : i32
    %dma_wait3A_61 = tpu.memref_slice %arg2[%dma_wait3A_59, %dma_wait3A_60] : memref<10000x128xf32, #tpu.memory_space<hbm>> -> memref<10000x128xf32, #tpu.memory_space<hbm>>
    tpu.wait_indirect_dma semaphore(%arg17 : memref<!tpu.dma_semaphore, #tpu.memory_space<semaphore_mem>>) src(%dma_wait3A_61 : memref<10000x128xf32, #tpu.memory_space<hbm>>) dst(%arg13 : memref<80x128xf32, #tpu.memory_space<vmem>>)
    %dma_wait3A_62 = arith.constant 124 : i32
    %dma_wait3A_63 = arith.constant 0 : i32
    %dma_wait3A_64 = arith.constant 0 : i32
    %dma_wait3A_65 = tpu.memref_slice %arg3[%arg0, %arg1, %dma_wait3A_62, %dma_wait3A_63, %dma_wait3A_64] : memref<2x16x125x80x128xf32, #tpu.memory_space<hbm>> -> memref<1x1x1x80x128xf32, #tpu.memory_space<hbm>>
    %dma_wait3A_66 = tpu.memref_squeeze %dma_wait3A_65 : memref<1x1x1x80x128xf32, #tpu.memory_space<hbm>> -> memref<80x128xf32, #tpu.memory_space<hbm>>
    %dma_wait3A_67 = arith.constant 0 : i32
    %dma_wait3A_68 = arith.constant 0 : i32
    %dma_wait3A_69 = tpu.memref_slice %arg3[%arg0, %arg1, %dma_wait3A_62, %dma_wait3A_67, %dma_wait3A_68] : memref<2x16x125x80x128xf32, #tpu.memory_space<hbm>> -> memref<1x1x1x80x128xf32, #tpu.memory_space<hbm>>
    %dma_wait3A_70 = tpu.memref_squeeze %dma_wait3A_69 : memref<1x1x1x80x128xf32, #tpu.memory_space<hbm>> -> memref<80x128xf32, #tpu.memory_space<hbm>>
    tpu.wait_dma2 semaphore(%arg19 : memref<!tpu.dma_semaphore, #tpu.memory_space<semaphore_mem>>) src(%dma_wait3A_70 : memref<80x128xf32, #tpu.memory_space<hbm>>) dst(%arg15 : memref<80x128xf32, #tpu.memory_space<vmem>>)
    %parallel_loop3A = arith.constant 0 : i32
    %parallel_loop3A_71 = arith.constant 80 : i32
    %parallel_loop3A_72 = arith.constant 1 : i32
    scf.for %parallel_loop3A_83 = %parallel_loop3A to %parallel_loop3A_71 step %parallel_loop3A_72  : i32 {
      %parallel_loop3A_84 = arith.index_cast %parallel_loop3A_83 : i32 to index
      %parallel_loop3A_85 = arith.constant 0 : index
      %parallel_loop3A_86 = tpu.vector_load %arg13[%parallel_loop3A_84, %parallel_loop3A_85] {strides = array<i32>} : memref<80x128xf32, #tpu.memory_space<vmem>>, vector<1x16xf32>,
      %parallel_loop3A_87 = vector.shape_cast %parallel_loop3A_86 : vector<1x16xf32> to vector<16xf32>
      %parallel_loop3A_88 = arith.index_cast %parallel_loop3A_83 : i32 to index
      %parallel_loop3A_89 = arith.constant 0 : index
      %parallel_loop3A_90 = tpu.vector_load %arg15[%parallel_loop3A_88, %parallel_loop3A_89] {strides = array<i32>} : memref<80x128xf32, #tpu.memory_space<vmem>>, vector<1x16xf32>,
      %parallel_loop3A_91 = vector.shape_cast %parallel_loop3A_90 : vector<1x16xf32> to vector<16xf32>
      %parallel_loop3A_92 = arith.mulf %parallel_loop3A_87, %parallel_loop3A_91 : vector<16xf32>
      %parallel_loop3A_93 = arith.index_cast %parallel_loop3A_83 : i32 to index
      %parallel_loop3A_94 = arith.constant 0 : index
      %parallel_loop3A_95 = tpu.vector_load %arg13[%parallel_loop3A_93, %parallel_loop3A_94] {strides = array<i32>} : memref<80x128xf32, #tpu.memory_space<vmem>>, vector<1x16xf32>,
      %parallel_loop3A_96 = vector.shape_cast %parallel_loop3A_95 : vector<1x16xf32> to vector<16xf32>
      %parallel_loop3A_97 = vector.shape_cast %parallel_loop3A_92 : vector<16xf32> to vector<1x16xf32>
      tpu.vector_store %arg13[%parallel_loop3A_93, %parallel_loop3A_94], %parallel_loop3A_97 {strides = array<i32>} : memref<80x128xf32, #tpu.memory_space<vmem>>, vector<1x16xf32>,
      %parallel_loop3A_98 = arith.index_cast %parallel_loop3A_83 : i32 to index
      %parallel_loop3A_99 = arith.constant 16 : index
      %parallel_loop3A_100 = tpu.vector_load %arg13[%parallel_loop3A_98, %parallel_loop3A_99] {strides = array<i32>} : memref<80x128xf32, #tpu.memory_space<vmem>>, vector<1x16xf32>,
      %parallel_loop3A_101 = vector.shape_cast %parallel_loop3A_100 : vector<1x16xf32> to vector<16xf32>
      %parallel_loop3A_102 = arith.index_cast %parallel_loop3A_83 : i32 to index
      %parallel_loop3A_103 = arith.constant 16 : index
      %parallel_loop3A_104 = tpu.vector_load %arg15[%parallel_loop3A_102, %parallel_loop3A_103] {strides = array<i32>} : memref<80x128xf32, #tpu.memory_space<vmem>>, vector<1x16xf32>,
      %parallel_loop3A_105 = vector.shape_cast %parallel_loop3A_104 : vector<1x16xf32> to vector<16xf32>
      %parallel_loop3A_106 = arith.mulf %parallel_loop3A_101, %parallel_loop3A_105 : vector<16xf32>
      %parallel_loop3A_107 = arith.index_cast %parallel_loop3A_83 : i32 to index
      %parallel_loop3A_108 = arith.constant 16 : index
      %parallel_loop3A_109 = tpu.vector_load %arg13[%parallel_loop3A_107, %parallel_loop3A_108] {strides = array<i32>} : memref<80x128xf32, #tpu.memory_space<vmem>>, vector<1x16xf32>,
      %parallel_loop3A_110 = vector.shape_cast %parallel_loop3A_109 : vector<1x16xf32> to vector<16xf32>
      %parallel_loop3A_111 = vector.shape_cast %parallel_loop3A_106 : vector<16xf32> to vector<1x16xf32>
      tpu.vector_store %arg13[%parallel_loop3A_107, %parallel_loop3A_108], %parallel_loop3A_111 {strides = array<i32>} : memref<80x128xf32, #tpu.memory_space<vmem>>, vector<1x16xf32>,
      %parallel_loop3A_112 = arith.index_cast %parallel_loop3A_83 : i32 to index
      %parallel_loop3A_113 = arith.constant 32 : index
      %parallel_loop3A_114 = tpu.vector_load %arg13[%parallel_loop3A_112, %parallel_loop3A_113] {strides = array<i32>} : memref<80x128xf32, #tpu.memory_space<vmem>>, vector<1x16xf32>,
      %parallel_loop3A_115 = vector.shape_cast %parallel_loop3A_114 : vector<1x16xf32> to vector<16xf32>
      %parallel_loop3A_116 = arith.index_cast %parallel_loop3A_83 : i32 to index
      %parallel_loop3A_117 = arith.constant 32 : index
      %parallel_loop3A_118 = tpu.vector_load %arg15[%parallel_loop3A_116, %parallel_loop3A_117] {strides = array<i32>} : memref<80x128xf32, #tpu.memory_space<vmem>>, vector<1x16xf32>,
      %parallel_loop3A_119 = vector.shape_cast %parallel_loop3A_118 : vector<1x16xf32> to vector<16xf32>
      %parallel_loop3A_120 = arith.mulf %parallel_loop3A_115, %parallel_loop3A_119 : vector<16xf32>
      %parallel_loop3A_121 = arith.index_cast %parallel_loop3A_83 : i32 to index
      %parallel_loop3A_122 = arith.constant 32 : index
      %parallel_loop3A_123 = tpu.vector_load %arg13[%parallel_loop3A_121, %parallel_loop3A_122] {strides = array<i32>} : memref<80x128xf32, #tpu.memory_space<vmem>>, vector<1x16xf32>,
      %parallel_loop3A_124 = vector.shape_cast %parallel_loop3A_123 : vector<1x16xf32> to vector<16xf32>
      %parallel_loop3A_125 = vector.shape_cast %parallel_loop3A_120 : vector<16xf32> to vector<1x16xf32>
      tpu.vector_store %arg13[%parallel_loop3A_121, %parallel_loop3A_122], %parallel_loop3A_125 {strides = array<i32>} : memref<80x128xf32, #tpu.memory_space<vmem>>, vector<1x16xf32>,
      %parallel_loop3A_126 = arith.index_cast %parallel_loop3A_83 : i32 to index
      %parallel_loop3A_127 = arith.constant 48 : index
      %parallel_loop3A_128 = tpu.vector_load %arg13[%parallel_loop3A_126, %parallel_loop3A_127] {strides = array<i32>} : memref<80x128xf32, #tpu.memory_space<vmem>>, vector<1x16xf32>,
      %parallel_loop3A_129 = vector.shape_cast %parallel_loop3A_128 : vector<1x16xf32> to vector<16xf32>
      %parallel_loop3A_130 = arith.index_cast %parallel_loop3A_83 : i32 to index
      %parallel_loop3A_131 = arith.constant 48 : index
      %parallel_loop3A_132 = tpu.vector_load %arg15[%parallel_loop3A_130, %parallel_loop3A_131] {strides = array<i32>} : memref<80x128xf32, #tpu.memory_space<vmem>>, vector<1x16xf32>,
      %parallel_loop3A_133 = vector.shape_cast %parallel_loop3A_132 : vector<1x16xf32> to vector<16xf32>
      %parallel_loop3A_134 = arith.mulf %parallel_loop3A_129, %parallel_loop3A_133 : vector<16xf32>
      %parallel_loop3A_135 = arith.index_cast %parallel_loop3A_83 : i32 to index
      %parallel_loop3A_136 = arith.constant 48 : index
      %parallel_loop3A_137 = tpu.vector_load %arg13[%parallel_loop3A_135, %parallel_loop3A_136] {strides = array<i32>} : memref<80x128xf32, #tpu.memory_space<vmem>>, vector<1x16xf32>,
      %parallel_loop3A_138 = vector.shape_cast %parallel_loop3A_137 : vector<1x16xf32> to vector<16xf32>
      %parallel_loop3A_139 = vector.shape_cast %parallel_loop3A_134 : vector<16xf32> to vector<1x16xf32>
      tpu.vector_store %arg13[%parallel_loop3A_135, %parallel_loop3A_136], %parallel_loop3A_139 {strides = array<i32>} : memref<80x128xf32, #tpu.memory_space<vmem>>, vector<1x16xf32>,
      %parallel_loop3A_140 = arith.index_cast %parallel_loop3A_83 : i32 to index
      %parallel_loop3A_141 = arith.constant 64 : index
      %parallel_loop3A_142 = tpu.vector_load %arg13[%parallel_loop3A_140, %parallel_loop3A_141] {strides = array<i32>} : memref<80x128xf32, #tpu.memory_space<vmem>>, vector<1x16xf32>,
      %parallel_loop3A_143 = vector.shape_cast %parallel_loop3A_142 : vector<1x16xf32> to vector<16xf32>
      %parallel_loop3A_144 = arith.index_cast %parallel_loop3A_83 : i32 to index
      %parallel_loop3A_145 = arith.constant 64 : index
      %parallel_loop3A_146 = tpu.vector_load %arg15[%parallel_loop3A_144, %parallel_loop3A_145] {strides = array<i32>} : memref<80x128xf32, #tpu.memory_space<vmem>>, vector<1x16xf32>,
      %parallel_loop3A_147 = vector.shape_cast %parallel_loop3A_146 : vector<1x16xf32> to vector<16xf32>
      %parallel_loop3A_148 = arith.mulf %parallel_loop3A_143, %parallel_loop3A_147 : vector<16xf32>
      %parallel_loop3A_149 = arith.index_cast %parallel_loop3A_83 : i32 to index
      %parallel_loop3A_150 = arith.constant 64 : index
      %parallel_loop3A_151 = tpu.vector_load %arg13[%parallel_loop3A_149, %parallel_loop3A_150] {strides = array<i32>} : memref<80x128xf32, #tpu.memory_space<vmem>>, vector<1x16xf32>,
      %parallel_loop3A_152 = vector.shape_cast %parallel_loop3A_151 : vector<1x16xf32> to vector<16xf32>
      %parallel_loop3A_153 = vector.shape_cast %parallel_loop3A_148 : vector<16xf32> to vector<1x16xf32>
      tpu.vector_store %arg13[%parallel_loop3A_149, %parallel_loop3A_150], %parallel_loop3A_153 {strides = array<i32>} : memref<80x128xf32, #tpu.memory_space<vmem>>, vector<1x16xf32>,
      %parallel_loop3A_154 = arith.index_cast %parallel_loop3A_83 : i32 to index
      %parallel_loop3A_155 = arith.constant 80 : index
      %parallel_loop3A_156 = tpu.vector_load %arg13[%parallel_loop3A_154, %parallel_loop3A_155] {strides = array<i32>} : memref<80x128xf32, #tpu.memory_space<vmem>>, vector<1x16xf32>,
      %parallel_loop3A_157 = vector.shape_cast %parallel_loop3A_156 : vector<1x16xf32> to vector<16xf32>
      %parallel_loop3A_158 = arith.index_cast %parallel_loop3A_83 : i32 to index
      %parallel_loop3A_159 = arith.constant 80 : index
      %parallel_loop3A_160 = tpu.vector_load %arg15[%parallel_loop3A_158, %parallel_loop3A_159] {strides = array<i32>} : memref<80x128xf32, #tpu.memory_space<vmem>>, vector<1x16xf32>,
      %parallel_loop3A_161 = vector.shape_cast %parallel_loop3A_160 : vector<1x16xf32> to vector<16xf32>
      %parallel_loop3A_162 = arith.mulf %parallel_loop3A_157, %parallel_loop3A_161 : vector<16xf32>
      %parallel_loop3A_163 = arith.index_cast %parallel_loop3A_83 : i32 to index
      %parallel_loop3A_164 = arith.constant 80 : index
      %parallel_loop3A_165 = tpu.vector_load %arg13[%parallel_loop3A_163, %parallel_loop3A_164] {strides = array<i32>} : memref<80x128xf32, #tpu.memory_space<vmem>>, vector<1x16xf32>,
      %parallel_loop3A_166 = vector.shape_cast %parallel_loop3A_165 : vector<1x16xf32> to vector<16xf32>
      %parallel_loop3A_167 = vector.shape_cast %parallel_loop3A_162 : vector<16xf32> to vector<1x16xf32>
      tpu.vector_store %arg13[%parallel_loop3A_163, %parallel_loop3A_164], %parallel_loop3A_167 {strides = array<i32>} : memref<80x128xf32, #tpu.memory_space<vmem>>, vector<1x16xf32>,
      %parallel_loop3A_168 = arith.index_cast %parallel_loop3A_83 : i32 to index
      %parallel_loop3A_169 = arith.constant 96 : index
      %parallel_loop3A_170 = tpu.vector_load %arg13[%parallel_loop3A_168, %parallel_loop3A_169] {strides = array<i32>} : memref<80x128xf32, #tpu.memory_space<vmem>>, vector<1x16xf32>,
      %parallel_loop3A_171 = vector.shape_cast %parallel_loop3A_170 : vector<1x16xf32> to vector<16xf32>
      %parallel_loop3A_172 = arith.index_cast %parallel_loop3A_83 : i32 to index
      %parallel_loop3A_173 = arith.constant 96 : index
      %parallel_loop3A_174 = tpu.vector_load %arg15[%parallel_loop3A_172, %parallel_loop3A_173] {strides = array<i32>} : memref<80x128xf32, #tpu.memory_space<vmem>>, vector<1x16xf32>,
      %parallel_loop3A_175 = vector.shape_cast %parallel_loop3A_174 : vector<1x16xf32> to vector<16xf32>
      %parallel_loop3A_176 = arith.mulf %parallel_loop3A_171, %parallel_loop3A_175 : vector<16xf32>
      %parallel_loop3A_177 = arith.index_cast %parallel_loop3A_83 : i32 to index
      %parallel_loop3A_178 = arith.constant 96 : index
      %parallel_loop3A_179 = tpu.vector_load %arg13[%parallel_loop3A_177, %parallel_loop3A_178] {strides = array<i32>} : memref<80x128xf32, #tpu.memory_space<vmem>>, vector<1x16xf32>,
      %parallel_loop3A_180 = vector.shape_cast %parallel_loop3A_179 : vector<1x16xf32> to vector<16xf32>
      %parallel_loop3A_181 = vector.shape_cast %parallel_loop3A_176 : vector<16xf32> to vector<1x16xf32>
      tpu.vector_store %arg13[%parallel_loop3A_177, %parallel_loop3A_178], %parallel_loop3A_181 {strides = array<i32>} : memref<80x128xf32, #tpu.memory_space<vmem>>, vector<1x16xf32>,
      %parallel_loop3A_182 = arith.index_cast %parallel_loop3A_83 : i32 to index
      %parallel_loop3A_183 = arith.constant 112 : index
      %parallel_loop3A_184 = tpu.vector_load %arg13[%parallel_loop3A_182, %parallel_loop3A_183] {strides = array<i32>} : memref<80x128xf32, #tpu.memory_space<vmem>>, vector<1x16xf32>,
      %parallel_loop3A_185 = vector.shape_cast %parallel_loop3A_184 : vector<1x16xf32> to vector<16xf32>
      %parallel_loop3A_186 = arith.index_cast %parallel_loop3A_83 : i32 to index
      %parallel_loop3A_187 = arith.constant 112 : index
      %parallel_loop3A_188 = tpu.vector_load %arg15[%parallel_loop3A_186, %parallel_loop3A_187] {strides = array<i32>} : memref<80x128xf32, #tpu.memory_space<vmem>>, vector<1x16xf32>,
      %parallel_loop3A_189 = vector.shape_cast %parallel_loop3A_188 : vector<1x16xf32> to vector<16xf32>
      %parallel_loop3A_190 = arith.mulf %parallel_loop3A_185, %parallel_loop3A_189 : vector<16xf32>
      %parallel_loop3A_191 = arith.index_cast %parallel_loop3A_83 : i32 to index
      %parallel_loop3A_192 = arith.constant 112 : index
      %parallel_loop3A_193 = tpu.vector_load %arg13[%parallel_loop3A_191, %parallel_loop3A_192] {strides = array<i32>} : memref<80x128xf32, #tpu.memory_space<vmem>>, vector<1x16xf32>,
      %parallel_loop3A_194 = vector.shape_cast %parallel_loop3A_193 : vector<1x16xf32> to vector<16xf32>
      %parallel_loop3A_195 = vector.shape_cast %parallel_loop3A_190 : vector<16xf32> to vector<1x16xf32>
      tpu.vector_store %arg13[%parallel_loop3A_191, %parallel_loop3A_192], %parallel_loop3A_195 {strides = array<i32>} : memref<80x128xf32, #tpu.memory_space<vmem>>, vector<1x16xf32>,
    } {sc.loop_unroll_factor = 4 : i64, sc.parallel_access}
    "tpu.region"() ({
      %run_scoped3A = tpu.sem_alloc : memref<!tpu.dma_semaphore, #tpu.memory_space<semaphore_mem>>
      %dma_start3A_83 = arith.constant 0 : i32
      %dma_start3A_84 = arith.constant 0 : i32
      %dma_start3A_85 = tpu.memref_slice %arg8[%dma_start3A_83, %dma_start3A_84] : memref<10000x128xf32, #tpu.memory_space<vmem_shared>> -> memref<10000x128xf32, #tpu.memory_space<vmem_shared>>
      tpu.enqueue_indirect_dma source(%arg13 : memref<80x128xf32, #tpu.memory_space<vmem>>) target(%dma_start3A_85 : memref<10000x128xf32, #tpu.memory_space<vmem_shared>>) offsets(%arg9 : memref<80xi32, #tpu.memory_space<vmem>>) semaphore(%run_scoped3A : memref<!tpu.dma_semaphore, #tpu.memory_space<semaphore_mem>>) {add = true}
      %dma_wait3A_86 = arith.constant 0 : i32
      %dma_wait3A_87 = arith.constant 0 : i32
      %dma_wait3A_88 = tpu.memref_slice %arg8[%dma_wait3A_86, %dma_wait3A_87] : memref<10000x128xf32, #tpu.memory_space<vmem_shared>> -> memref<10000x128xf32, #tpu.memory_space<vmem_shared>>
      tpu.wait_indirect_dma semaphore(%run_scoped3A : memref<!tpu.dma_semaphore, #tpu.memory_space<semaphore_mem>>) src(%arg13 : memref<80x128xf32, #tpu.memory_space<vmem>>) dst(%dma_wait3A_88 : memref<10000x128xf32, #tpu.memory_space<vmem_shared>>)
      tpu.yield
    }) : () -> ()
    %barrier3A_73 = arith.constant 0 : index
    tpu.barrier barrier_id(%barrier3A_73)
    %mul3A_74 = arith.constant 624 : i32
    %mul3A_75 = arith.muli %arg1, %mul3A_74 : i32
    %mul3A_76 = arith.constant 624 : i32
    %mul3A_77 = arith.muli %arg1, %mul3A_76 : i32
    "tpu.region"() ({
      %run_scoped3A = tpu.sem_alloc : memref<!tpu.dma_semaphore, #tpu.memory_space<semaphore_mem>>
      %dma_start3A_83 = arith.constant 0 : i32
      %dma_start3A_84 = tpu.memref_slice %arg7[%arg0, %mul3A_77, %dma_start3A_83] : memref<2x10000x128xf32, #tpu.memory_space<hbm>> -> memref<1x624x128xf32, #tpu.memory_space<hbm>>
      %dma_start3A_85 = tpu.memref_squeeze %dma_start3A_84 : memref<1x624x128xf32, #tpu.memory_space<hbm>> -> memref<624x128xf32, #tpu.memory_space<hbm>>
      %dma_start3A_86 = arith.constant 0 : i32
      %dma_start3A_87 = tpu.memref_slice %arg8[%mul3A_75, %dma_start3A_86] : memref<10000x128xf32, #tpu.memory_space<vmem_shared>> -> memref<624x128xf32, #tpu.memory_space<vmem_shared>>
      tpu.enqueue_dma source(%dma_start3A_87 : memref<624x128xf32, #tpu.memory_space<vmem_shared>>) target(%dma_start3A_85 : memref<624x128xf32, #tpu.memory_space<hbm>>) target_semaphore(%run_scoped3A : memref<!tpu.dma_semaphore, #tpu.memory_space<semaphore_mem>>)
      %dma_wait3A_88 = arith.constant 0 : i32
      %dma_wait3A_89 = tpu.memref_slice %arg7[%arg0, %mul3A_77, %dma_wait3A_88] : memref<2x10000x128xf32, #tpu.memory_space<hbm>> -> memref<1x624x128xf32, #tpu.memory_space<hbm>>
      %dma_wait3A_90 = tpu.memref_squeeze %dma_wait3A_89 : memref<1x624x128xf32, #tpu.memory_space<hbm>> -> memref<624x128xf32, #tpu.memory_space<hbm>>
      %dma_wait3A_91 = arith.constant 0 : i32
      %dma_wait3A_92 = tpu.memref_slice %arg8[%mul3A_75, %dma_wait3A_91] : memref<10000x128xf32, #tpu.memory_space<vmem_shared>> -> memref<624x128xf32, #tpu.memory_space<vmem_shared>>
      tpu.wait_dma2 semaphore(%run_scoped3A : memref<!tpu.dma_semaphore, #tpu.memory_space<semaphore_mem>>) src(%dma_wait3A_92 : memref<624x128xf32, #tpu.memory_space<vmem_shared>>) dst(%dma_wait3A_90 : memref<624x128xf32, #tpu.memory_space<hbm>>)
      tpu.yield
    }) : () -> ()
    %eq3A_78 = arith.constant 15 : i32
    %eq3A_79 = arith.cmpi eq, %arg1, %eq3A_78 : i32
    %convert_element_type3A_80 = arith.extui %eq3A_79 : i1 to i32
    %cond3A_81 = arith.constant 0 : i32
    %cond3A_82 = arith.cmpi ne, %convert_element_type3A_80, %cond3A_81 : i32
    scf.if %cond3A_82 {
      "tpu.region"() ({
        %run_scoped3A = tpu.sem_alloc : memref<!tpu.dma_semaphore, #tpu.memory_space<semaphore_mem>>
        %dma_start3A_83 = arith.constant 9984 : i32
        %dma_start3A_84 = arith.constant 0 : i32
        %dma_start3A_85 = tpu.memref_slice %arg7[%arg0, %dma_start3A_83, %dma_start3A_84] : memref<2x10000x128xf32, #tpu.memory_space<hbm>> -> memref<1x16x128xf32, #tpu.memory_space<hbm>>
        %dma_start3A_86 = tpu.memref_squeeze %dma_start3A_85 : memref<1x16x128xf32, #tpu.memory_space<hbm>> -> memref<16x128xf32, #tpu.memory_space<hbm>>
        %dma_start3A_87 = arith.constant 9984 : i32
        %dma_start3A_88 = arith.constant 0 : i32
        %dma_start3A_89 = tpu.memref_slice %arg8[%dma_start3A_87, %dma_start3A_88] : memref<10000x128xf32, #tpu.memory_space<vmem_shared>> -> memref<16x128xf32, #tpu.memory_space<vmem_shared>>
        tpu.enqueue_dma source(%dma_start3A_89 : memref<16x128xf32, #tpu.memory_space<vmem_shared>>) target(%dma_start3A_86 : memref<16x128xf32, #tpu.memory_space<hbm>>) target_semaphore(%run_scoped3A : memref<!tpu.dma_semaphore, #tpu.memory_space<semaphore_mem>>)
        %dma_wait3A_90 = arith.constant 9984 : i32
        %dma_wait3A_91 = arith.constant 0 : i32
        %dma_wait3A_92 = tpu.memref_slice %arg7[%arg0, %dma_wait3A_90, %dma_wait3A_91] : memref<2x10000x128xf32, #tpu.memory_space<hbm>> -> memref<1x16x128xf32, #tpu.memory_space<hbm>>
        %dma_wait3A_93 = tpu.memref_squeeze %dma_wait3A_92 : memref<1x16x128xf32, #tpu.memory_space<hbm>> -> memref<16x128xf32, #tpu.memory_space<hbm>>
        %dma_wait3A_94 = arith.constant 9984 : i32
        %dma_wait3A_95 = arith.constant 0 : i32
        %dma_wait3A_96 = tpu.memref_slice %arg8[%dma_wait3A_94, %dma_wait3A_95] : memref<10000x128xf32, #tpu.memory_space<vmem_shared>> -> memref<16x128xf32, #tpu.memory_space<vmem_shared>>
        tpu.wait_dma2 semaphore(%run_scoped3A : memref<!tpu.dma_semaphore, #tpu.memory_space<semaphore_mem>>) src(%dma_wait3A_96 : memref<16x128xf32, #tpu.memory_space<vmem_shared>>) dst(%dma_wait3A_93 : memref<16x128xf32, #tpu.memory_space<hbm>>)
        tpu.yield
      }) : () -> ()
    } else {
    }
    return
  }
}

module attributes {stable_mosaic.version = 14 : i64} {
  func.func @_embed_body(%arg0: i32, %arg1: memref<1x1x1000xi32, #tpu.memory_space<vmem>>, %arg2: memref<101x128xf32, #tpu.memory_space<vmem>>, %arg3: memref<128x128xf32, #tpu.memory_space<vmem>>, %arg4: memref<1000x128xf32, #tpu.memory_space<vmem>>, %arg5: memref<1000x128xf32, #tpu.memory_space<vmem>>) attributes {dimension_semantics = [#tpu.dimension_semantics<parallel>], iteration_bounds = array<i64: 10>, scalar_prefetch = 0 : i64, scratch_operands = 0 : i64, tpu.core_type = #tpu.core_type<tc>, window_params = [{transform_indices = @transform_0, window_bounds = array<i64: 1, 1, 1000>}, {pipeline_mode = #tpu.pipeline_mode<synchronous>, transform_indices = @transform_1, window_bounds = array<i64: 101, 128>}, {pipeline_mode = #tpu.pipeline_mode<synchronous>, transform_indices = @transform_2, window_bounds = array<i64: 128, 128>}, {transform_indices = @transform_3, window_bounds = array<i64: 1000, 128>}, {transform_indices = @transform_4, window_bounds = array<i64: 1000, 128>}]} {
    %get3A = arith.constant 0 : index
    %get3A_0 = arith.constant 0 : index
    %get3A_1 = arith.constant 0 : index
    %get3A_2 = vector.load %arg1[%get3A, %get3A_0, %get3A_1] : memref<1x1x1000xi32, #tpu.memory_space<vmem>>, vector<1x1x1000xi32>
    %get3A_3 = vector.shape_cast %get3A_2 : vector<1x1x1000xi32> to vector<1000xi32>
    %broadcast_in_dim3A = vector.shape_cast %get3A_3 : vector<1000xi32> to vector<1000x1xi32>
    %iota3A = tpu.iota {dimensions = array<i32: 1>} : vector<1000x101xi32>
    %eq3A = vector.broadcast %broadcast_in_dim3A : vector<1000x1xi32> to vector<1000x101xi32>
    %eq3A_4 = arith.cmpi eq, %eq3A, %iota3A : vector<1000x101xi32>
    %convert_element_type3A = arith.extui %eq3A_4 : vector<1000x101xi1> to vector<1000x101xi32>
    %convert_element_type3A_5 = arith.sitofp %convert_element_type3A : vector<1000x101xi32> to vector<1000x101xf32>
    %get3A_6 = arith.constant 0 : index
    %get3A_7 = arith.constant 0 : index
    %get3A_8 = vector.load %arg2[%get3A_6, %get3A_7] : memref<101x128xf32, #tpu.memory_space<vmem>>, vector<101x128xf32>
    %dot_general3A = arith.constant dense<0.000000e+00> : vector<1000x128xf32>
    %dot_general3A_9 = tpu.matmul %convert_element_type3A_5, %get3A_8, %dot_general3A {dimension_numbers = #tpu.dot_dimension_numbers<[1], [0], [0], [1], [0, 0, 1, 1], [], []>, precision = #tpu.contract_precision<fp32>, transpose_lhs_hint = false} : vector<1000x101xf32>, vector<101x128xf32>, vector<1000x128xf32> -> vector<1000x128xf32>
    %swap3A = arith.constant 0 : index
    %swap3A_10 = arith.constant 0 : index
    %swap3A_11 = vector.load %arg4[%swap3A, %swap3A_10] : memref<1000x128xf32, #tpu.memory_space<vmem>>, vector<1000x128xf32>
    tpu.vector_store %arg4[%swap3A, %swap3A_10], %dot_general3A_9 {strides = array<i32>} : memref<1000x128xf32, #tpu.memory_space<vmem>>, vector<1000x128xf32>,
    %get3A_12 = arith.constant 0 : index
    %get3A_13 = arith.constant 0 : index
    %get3A_14 = vector.load %arg3[%get3A_12, %get3A_13] : memref<128x128xf32, #tpu.memory_space<vmem>>, vector<128x128xf32>
    %dot_general3A_15 = arith.constant dense<0.000000e+00> : vector<1000x128xf32>
    %dot_general3A_16 = tpu.matmul %dot_general3A_9, %get3A_14, %dot_general3A_15 {dimension_numbers = #tpu.dot_dimension_numbers<[1], [0], [0], [1], [0, 0, 1, 1], [], []>, precision = #tpu.contract_precision<fp32>, transpose_lhs_hint = false} : vector<1000x128xf32>, vector<128x128xf32>, vector<1000x128xf32> -> vector<1000x128xf32>
    %swap3A_17 = arith.constant 0 : index
    %swap3A_18 = arith.constant 0 : index
    %swap3A_19 = vector.load %arg5[%swap3A_17, %swap3A_18] : memref<1000x128xf32, #tpu.memory_space<vmem>>, vector<1000x128xf32>
    tpu.vector_store %arg5[%swap3A_17, %swap3A_18], %dot_general3A_16 {strides = array<i32>} : memref<1000x128xf32, #tpu.memory_space<vmem>>, vector<1000x128xf32>,
    return
  }
  func.func @transform_0(%arg0: i32) -> (i32, i32, i32) {
    %c0_i32 = arith.constant 0 : i32
    %c0_i32_0 = arith.constant 0 : i32
    %c0_i32_1 = arith.constant 0 : i32
    return %arg0, %c0_i32, %c0_i32_0 : i32, i32, i32
  }
  func.func @transform_1(%arg0: i32) -> (i32, i32) {
    %c0_i32 = arith.constant 0 : i32
    %c0_i32_0 = arith.constant 0 : i32
    %c0_i32_1 = arith.constant 0 : i32
    return %c0_i32, %c0_i32_0 : i32, i32
  }
  func.func @transform_2(%arg0: i32) -> (i32, i32) {
    %c0_i32 = arith.constant 0 : i32
    %c0_i32_0 = arith.constant 0 : i32
    %c0_i32_1 = arith.constant 0 : i32
    return %c0_i32, %c0_i32_0 : i32, i32
  }
  func.func @transform_3(%arg0: i32) -> (i32, i32) {
    %c0_i32 = arith.constant 0 : i32
    %c0_i32_0 = arith.constant 0 : i32
    return %arg0, %c0_i32 : i32, i32
  }
  func.func @transform_4(%arg0: i32) -> (i32, i32) {
    %c0_i32 = arith.constant 0 : i32
    %c0_i32_0 = arith.constant 0 : i32
    return %arg0, %c0_i32 : i32, i32
  }
}

module attributes {stable_mosaic.version = 14 : i64} {
  func.func @_wij_body(%arg0: i32, %arg1: memref<4000x3xf32, #tpu.memory_space<vmem>>, %arg2: memref<20x128xf32, #tpu.memory_space<vmem>>, %arg3: memref<1x128xf32, #tpu.memory_space<vmem>>, %arg4: memref<128x128xf32, #tpu.memory_space<vmem>>, %arg5: memref<1x128xf32, #tpu.memory_space<vmem>>, %arg6: memref<4000x128xf32, #tpu.memory_space<vmem>>) attributes {dimension_semantics = [#tpu.dimension_semantics<parallel>], iteration_bounds = array<i64: 80>, scalar_prefetch = 0 : i64, scratch_operands = 0 : i64, tpu.core_type = #tpu.core_type<tc>, window_params = [{transform_indices = @transform_0, window_bounds = array<i64: 4000, 3>}, {pipeline_mode = #tpu.pipeline_mode<synchronous>, transform_indices = @transform_1, window_bounds = array<i64: 20, 128>}, {pipeline_mode = #tpu.pipeline_mode<synchronous>, transform_indices = @transform_2, window_bounds = array<i64: 1, 128>}, {pipeline_mode = #tpu.pipeline_mode<synchronous>, transform_indices = @transform_3, window_bounds = array<i64: 128, 128>}, {pipeline_mode = #tpu.pipeline_mode<synchronous>, transform_indices = @transform_4, window_bounds = array<i64: 1, 128>}, {transform_indices = @transform_5, window_bounds = array<i64: 4000, 128>}]} {
    %get3A = arith.constant 0 : index
    %get3A_0 = arith.constant 0 : index
    %get3A_1 = vector.load %arg1[%get3A, %get3A_0] : memref<4000x3xf32, #tpu.memory_space<vmem>>, vector<4000x3xf32>
    %mul3A = arith.mulf %get3A_1, %get3A_1 : vector<4000x3xf32>
    %reduce_sum3A = arith.constant dense<0.000000e+00> : vector<4000xf32>
    %reduce_sum3A_2 = vector.multi_reduction <add>, %mul3A, %reduce_sum3A [1] : vector<4000x3xf32> to vector<4000xf32>
    %broadcast_in_dim3A = vector.shape_cast %reduce_sum3A_2 : vector<4000xf32> to vector<4000x1xf32>
    %sqrt3A = math.sqrt %broadcast_in_dim3A : vector<4000x1xf32>
    %iota3A = tpu.iota {dimensions = array<i32: 1>} : vector<1x20xi32>
    %convert_element_type3A = arith.sitofp %iota3A : vector<1x20xi32> to vector<1x20xf32>
    %mul3A_3 = arith.constant 0.263157904 : f32
    %mul3A_4 = vector.broadcast %mul3A_3 : f32 to vector<1x20xf32>
    %mul3A_5 = arith.mulf %convert_element_type3A, %mul3A_4 : vector<1x20xf32>
    %sub3A = vector.broadcast %sqrt3A : vector<4000x1xf32> to vector<4000x20xf32>
    %sub3A_6 = vector.broadcast %mul3A_5 : vector<1x20xf32> to vector<4000x20xf32>
    %sub3A_7 = arith.subf %sub3A, %sub3A_6 : vector<4000x20xf32>
    %integer_pow3A = arith.mulf %sub3A_7, %sub3A_7 : vector<4000x20xf32>
    %mul3A_8 = arith.constant -7.220000e+00 : f32
    %mul3A_9 = vector.broadcast %mul3A_8 : f32 to vector<4000x20xf32>
    %mul3A_10 = arith.mulf %mul3A_9, %integer_pow3A : vector<4000x20xf32>
    %exp3A = math.exp %mul3A_10 : vector<4000x20xf32>
    %get3A_11 = arith.constant 0 : index
    %get3A_12 = arith.constant 0 : index
    %get3A_13 = vector.load %arg2[%get3A_11, %get3A_12] : memref<20x128xf32, #tpu.memory_space<vmem>>, vector<20x128xf32>
    %dot_general3A = arith.constant dense<0.000000e+00> : vector<4000x128xf32>
    %dot_general3A_14 = tpu.matmul %exp3A, %get3A_13, %dot_general3A {dimension_numbers = #tpu.dot_dimension_numbers<[1], [0], [0], [1], [0, 0, 1, 1], [], []>, transpose_lhs_hint = false} : vector<4000x20xf32>, vector<20x128xf32>, vector<4000x128xf32> -> vector<4000x128xf32>
    %get3A_15 = arith.constant 0 : index
    %get3A_16 = arith.constant 0 : index
    %get3A_17 = vector.load %arg3[%get3A_15, %get3A_16] : memref<1x128xf32, #tpu.memory_space<vmem>>, vector<1x128xf32>
    %add3A = vector.broadcast %get3A_17 : vector<1x128xf32> to vector<4000x128xf32>
    %add3A_18 = arith.addf %dot_general3A_14, %add3A : vector<4000x128xf32>
    %max3A = arith.constant 0.000000e+00 : f32
    %max3A_19 = vector.broadcast %max3A : f32 to vector<4000x128xf32>
    %max3A_20 = arith.maximumf %add3A_18, %max3A_19 : vector<4000x128xf32>
    %abs3A = math.absf %add3A_18 : vector<4000x128xf32>
    %neg3A = arith.constant 0.000000e+00 : f32
    %neg3A_21 = vector.broadcast %neg3A : f32 to vector<4000x128xf32>
    %neg3A_22 = arith.subf %neg3A_21, %abs3A : vector<4000x128xf32>
    %exp3A_23 = math.exp %neg3A_22 : vector<4000x128xf32>
    %add3A_24 = arith.constant 1.000000e+00 : f32
    %add3A_25 = vector.broadcast %add3A_24 : f32 to vector<4000x128xf32>
    %add3A_26 = arith.addf %add3A_25, %exp3A_23 : vector<4000x128xf32>
    %log3A = math.log %add3A_26 : vector<4000x128xf32>
    %add3A_27 = arith.addf %max3A_20, %log3A : vector<4000x128xf32>
    %sub3A_28 = arith.constant 0.693147182 : f32
    %sub3A_29 = vector.broadcast %sub3A_28 : f32 to vector<4000x128xf32>
    %sub3A_30 = arith.subf %add3A_27, %sub3A_29 : vector<4000x128xf32>
    %get3A_31 = arith.constant 0 : index
    %get3A_32 = arith.constant 0 : index
    %get3A_33 = vector.load %arg4[%get3A_31, %get3A_32] : memref<128x128xf32, #tpu.memory_space<vmem>>, vector<128x128xf32>
    %dot_general3A_34 = arith.constant dense<0.000000e+00> : vector<4000x128xf32>
    %dot_general3A_35 = tpu.matmul %sub3A_30, %get3A_33, %dot_general3A_34 {dimension_numbers = #tpu.dot_dimension_numbers<[1], [0], [0], [1], [0, 0, 1, 1], [], []>, transpose_lhs_hint = false} : vector<4000x128xf32>, vector<128x128xf32>, vector<4000x128xf32> -> vector<4000x128xf32>
    %get3A_36 = arith.constant 0 : index
    %get3A_37 = arith.constant 0 : index
    %get3A_38 = vector.load %arg5[%get3A_36, %get3A_37] : memref<1x128xf32, #tpu.memory_space<vmem>>, vector<1x128xf32>
    %add3A_39 = vector.broadcast %get3A_38 : vector<1x128xf32> to vector<4000x128xf32>
    %add3A_40 = arith.addf %dot_general3A_35, %add3A_39 : vector<4000x128xf32>
    %mul3A_41 = arith.constant 4.000000e-02 : f32
    %mul3A_42 = vector.broadcast %mul3A_41 : f32 to vector<4000x1xf32>
    %mul3A_43 = arith.mulf %broadcast_in_dim3A, %mul3A_42 : vector<4000x1xf32>
    %broadcast_in_dim3A_44 = arith.constant 0.00159391074 : f32
    %broadcast_in_dim3A_45 = vector.broadcast %broadcast_in_dim3A_44 : f32 to vector<4000x1xf32>
    %mul3A_46 = arith.mulf %broadcast_in_dim3A_45, %mul3A_43 : vector<4000x1xf32>
    %add3A_47 = arith.constant -0.0253589842 : f32
    %add3A_48 = vector.broadcast %add3A_47 : f32 to vector<4000x1xf32>
    %add3A_49 = arith.addf %mul3A_46, %add3A_48 : vector<4000x1xf32>
    %mul3A_50 = arith.mulf %add3A_49, %mul3A_43 : vector<4000x1xf32>
    %add3A_51 = arith.constant 0.235029802 : f32
    %add3A_52 = vector.broadcast %add3A_51 : f32 to vector<4000x1xf32>
    %add3A_53 = arith.addf %mul3A_50, %add3A_52 : vector<4000x1xf32>
    %mul3A_54 = arith.mulf %add3A_53, %mul3A_43 : vector<4000x1xf32>
    %add3A_55 = arith.constant -1.33515847 : f32
    %add3A_56 = vector.broadcast %add3A_55 : f32 to vector<4000x1xf32>
    %add3A_57 = arith.addf %mul3A_54, %add3A_56 : vector<4000x1xf32>
    %mul3A_58 = arith.mulf %add3A_57, %mul3A_43 : vector<4000x1xf32>
    %add3A_59 = arith.constant 4.05869484 : f32
    %add3A_60 = vector.broadcast %add3A_59 : f32 to vector<4000x1xf32>
    %add3A_61 = arith.addf %mul3A_58, %add3A_60 : vector<4000x1xf32>
    %mul3A_62 = arith.mulf %add3A_61, %mul3A_43 : vector<4000x1xf32>
    %add3A_63 = arith.constant -4.9348011 : f32
    %add3A_64 = vector.broadcast %add3A_63 : f32 to vector<4000x1xf32>
    %add3A_65 = arith.addf %mul3A_62, %add3A_64 : vector<4000x1xf32>
    %mul3A_66 = arith.mulf %add3A_65, %mul3A_43 : vector<4000x1xf32>
    %add3A_67 = arith.constant 1.000000e+00 : f32
    %add3A_68 = vector.broadcast %add3A_67 : f32 to vector<4000x1xf32>
    %add3A_69 = arith.addf %mul3A_66, %add3A_68 : vector<4000x1xf32>
    %add3A_70 = arith.constant 1.000000e+00 : f32
    %add3A_71 = vector.broadcast %add3A_70 : f32 to vector<4000x1xf32>
    %add3A_72 = arith.addf %add3A_69, %add3A_71 : vector<4000x1xf32>
    %mul3A_73 = arith.constant 5.000000e-01 : f32
    %mul3A_74 = vector.broadcast %mul3A_73 : f32 to vector<4000x1xf32>
    %mul3A_75 = arith.mulf %mul3A_74, %add3A_72 : vector<4000x1xf32>
    %lt3A = arith.constant 1.000000e+00 : f32
    %lt3A_76 = vector.broadcast %lt3A : f32 to vector<4000x1xf32>
    %lt3A_77 = arith.cmpf olt, %mul3A_43, %lt3A_76 : vector<4000x1xf32>
    %convert_element_type3A_78 = arith.extui %lt3A_77 : vector<4000x1xi1> to vector<4000x1xi32>
    %convert_element_type3A_79 = arith.sitofp %convert_element_type3A_78 : vector<4000x1xi32> to vector<4000x1xf32>
    %mul3A_80 = arith.mulf %mul3A_75, %convert_element_type3A_79 : vector<4000x1xf32>
    %mul3A_81 = vector.broadcast %mul3A_80 : vector<4000x1xf32> to vector<4000x128xf32>
    %mul3A_82 = arith.mulf %add3A_40, %mul3A_81 : vector<4000x128xf32>
    %swap3A = arith.constant 0 : index
    %swap3A_83 = arith.constant 0 : index
    %swap3A_84 = vector.load %arg6[%swap3A, %swap3A_83] : memref<4000x128xf32, #tpu.memory_space<vmem>>, vector<4000x128xf32>
    tpu.vector_store %arg6[%swap3A, %swap3A_83], %mul3A_82 {strides = array<i32>} : memref<4000x128xf32, #tpu.memory_space<vmem>>, vector<4000x128xf32>,
    return
  }
  func.func @transform_0(%arg0: i32) -> (i32, i32) {
    %c0_i32 = arith.constant 0 : i32
    %c0_i32_0 = arith.constant 0 : i32
    return %arg0, %c0_i32 : i32, i32
  }
  func.func @transform_1(%arg0: i32) -> (i32, i32) {
    %c0_i32 = arith.constant 0 : i32
    %c0_i32_0 = arith.constant 0 : i32
    %c0_i32_1 = arith.constant 0 : i32
    return %c0_i32, %c0_i32_0 : i32, i32
  }
  func.func @transform_2(%arg0: i32) -> (i32, i32) {
    %c0_i32 = arith.constant 0 : i32
    %c0_i32_0 = arith.constant 0 : i32
    %c0_i32_1 = arith.constant 0 : i32
    return %c0_i32, %c0_i32_0 : i32, i32
  }
  func.func @transform_3(%arg0: i32) -> (i32, i32) {
    %c0_i32 = arith.constant 0 : i32
    %c0_i32_0 = arith.constant 0 : i32
    %c0_i32_1 = arith.constant 0 : i32
    return %c0_i32, %c0_i32_0 : i32, i32
  }
  func.func @transform_4(%arg0: i32) -> (i32, i32) {
    %c0_i32 = arith.constant 0 : i32
    %c0_i32_0 = arith.constant 0 : i32
    %c0_i32_1 = arith.constant 0 : i32
    return %c0_i32, %c0_i32_0 : i32, i32
  }
  func.func @transform_5(%arg0: i32) -> (i32, i32) {
    %c0_i32 = arith.constant 0 : i32
    %c0_i32_0 = arith.constant 0 : i32
    return %arg0, %c0_i32 : i32, i32
  }
}

module attributes {stable_mosaic.version = 14 : i64} {
  func.func @_out_body(%arg0: i32, %arg1: memref<2x1000x128xf32, #tpu.memory_space<vmem>>, %arg2: memref<1000x128xf32, #tpu.memory_space<vmem>>, %arg3: memref<128x128xf32, #tpu.memory_space<vmem>>, %arg4: memref<1x128xf32, #tpu.memory_space<vmem>>, %arg5: memref<128x128xf32, #tpu.memory_space<vmem>>, %arg6: memref<1x128xf32, #tpu.memory_space<vmem>>, %arg7: memref<128x128xf32, #tpu.memory_space<vmem>>, %arg8: memref<1000x128xf32, #tpu.memory_space<vmem>>, %arg9: memref<1000x128xf32, #tpu.memory_space<vmem>>) attributes {dimension_semantics = [#tpu.dimension_semantics<parallel>], iteration_bounds = array<i64: 10>, scalar_prefetch = 0 : i64, scratch_operands = 0 : i64, tpu.core_type = #tpu.core_type<tc>, window_params = [{transform_indices = @transform_0, window_bounds = array<i64: 2, 1000, 128>}, {transform_indices = @transform_1, window_bounds = array<i64: 1000, 128>}, {pipeline_mode = #tpu.pipeline_mode<synchronous>, transform_indices = @transform_2, window_bounds = array<i64: 128, 128>}, {pipeline_mode = #tpu.pipeline_mode<synchronous>, transform_indices = @transform_3, window_bounds = array<i64: 1, 128>}, {pipeline_mode = #tpu.pipeline_mode<synchronous>, transform_indices = @transform_4, window_bounds = array<i64: 128, 128>}, {pipeline_mode = #tpu.pipeline_mode<synchronous>, transform_indices = @transform_5, window_bounds = array<i64: 1, 128>}, {pipeline_mode = #tpu.pipeline_mode<synchronous>, transform_indices = @transform_6, window_bounds = array<i64: 128, 128>}, {transform_indices = @transform_7, window_bounds = array<i64: 1000, 128>}, {transform_indices = @transform_8, window_bounds = array<i64: 1000, 128>}]} {
    %get3A = arith.constant 0 : index
    %get3A_0 = arith.constant 0 : index
    %get3A_1 = arith.constant 0 : index
    %get3A_2 = vector.load %arg1[%get3A, %get3A_0, %get3A_1] : memref<2x1000x128xf32, #tpu.memory_space<vmem>>, vector<1x1000x128xf32>
    %get3A_3 = vector.shape_cast %get3A_2 : vector<1x1000x128xf32> to vector<1000x128xf32>
    %get3A_4 = arith.constant 1 : index
    %get3A_5 = arith.constant 0 : index
    %get3A_6 = arith.constant 0 : index
    %get3A_7 = vector.load %arg1[%get3A_4, %get3A_5, %get3A_6] : memref<2x1000x128xf32, #tpu.memory_space<vmem>>, vector<1x1000x128xf32>
    %get3A_8 = vector.shape_cast %get3A_7 : vector<1x1000x128xf32> to vector<1000x128xf32>
    %add3A = arith.addf %get3A_3, %get3A_8 : vector<1000x128xf32>
    %get3A_9 = arith.constant 0 : index
    %get3A_10 = arith.constant 0 : index
    %get3A_11 = vector.load %arg3[%get3A_9, %get3A_10] : memref<128x128xf32, #tpu.memory_space<vmem>>, vector<128x128xf32>
    %dot_general3A = arith.constant dense<0.000000e+00> : vector<1000x128xf32>
    %dot_general3A_12 = tpu.matmul %add3A, %get3A_11, %dot_general3A {dimension_numbers = #tpu.dot_dimension_numbers<[1], [0], [0], [1], [0, 0, 1, 1], [], []>, precision = #tpu.contract_precision<fp32>, transpose_lhs_hint = false} : vector<1000x128xf32>, vector<128x128xf32>, vector<1000x128xf32> -> vector<1000x128xf32>
    %get3A_13 = arith.constant 0 : index
    %get3A_14 = arith.constant 0 : index
    %get3A_15 = vector.load %arg4[%get3A_13, %get3A_14] : memref<1x128xf32, #tpu.memory_space<vmem>>, vector<1x128xf32>
    %add3A_16 = vector.broadcast %get3A_15 : vector<1x128xf32> to vector<1000x128xf32>
    %add3A_17 = arith.addf %dot_general3A_12, %add3A_16 : vector<1000x128xf32>
    %max3A = arith.constant 0.000000e+00 : f32
    %max3A_18 = vector.broadcast %max3A : f32 to vector<1000x128xf32>
    %max3A_19 = arith.maximumf %add3A_17, %max3A_18 : vector<1000x128xf32>
    %abs3A = math.absf %add3A_17 : vector<1000x128xf32>
    %neg3A = arith.constant 0.000000e+00 : f32
    %neg3A_20 = vector.broadcast %neg3A : f32 to vector<1000x128xf32>
    %neg3A_21 = arith.subf %neg3A_20, %abs3A : vector<1000x128xf32>
    %exp3A = math.exp %neg3A_21 : vector<1000x128xf32>
    %add3A_22 = arith.constant 1.000000e+00 : f32
    %add3A_23 = vector.broadcast %add3A_22 : f32 to vector<1000x128xf32>
    %add3A_24 = arith.addf %add3A_23, %exp3A : vector<1000x128xf32>
    %log3A = math.log %add3A_24 : vector<1000x128xf32>
    %add3A_25 = arith.addf %max3A_19, %log3A : vector<1000x128xf32>
    %sub3A = arith.constant 0.693147182 : f32
    %sub3A_26 = vector.broadcast %sub3A : f32 to vector<1000x128xf32>
    %sub3A_27 = arith.subf %add3A_25, %sub3A_26 : vector<1000x128xf32>
    %get3A_28 = arith.constant 0 : index
    %get3A_29 = arith.constant 0 : index
    %get3A_30 = vector.load %arg5[%get3A_28, %get3A_29] : memref<128x128xf32, #tpu.memory_space<vmem>>, vector<128x128xf32>
    %dot_general3A_31 = arith.constant dense<0.000000e+00> : vector<1000x128xf32>
    %dot_general3A_32 = tpu.matmul %sub3A_27, %get3A_30, %dot_general3A_31 {dimension_numbers = #tpu.dot_dimension_numbers<[1], [0], [0], [1], [0, 0, 1, 1], [], []>, precision = #tpu.contract_precision<fp32>, transpose_lhs_hint = false} : vector<1000x128xf32>, vector<128x128xf32>, vector<1000x128xf32> -> vector<1000x128xf32>
    %get3A_33 = arith.constant 0 : index
    %get3A_34 = arith.constant 0 : index
    %get3A_35 = vector.load %arg6[%get3A_33, %get3A_34] : memref<1x128xf32, #tpu.memory_space<vmem>>, vector<1x128xf32>
    %add3A_36 = vector.broadcast %get3A_35 : vector<1x128xf32> to vector<1000x128xf32>
    %add3A_37 = arith.addf %dot_general3A_32, %add3A_36 : vector<1000x128xf32>
    %get3A_38 = arith.constant 0 : index
    %get3A_39 = arith.constant 0 : index
    %get3A_40 = vector.load %arg2[%get3A_38, %get3A_39] : memref<1000x128xf32, #tpu.memory_space<vmem>>, vector<1000x128xf32>
    %add3A_41 = arith.addf %get3A_40, %add3A_37 : vector<1000x128xf32>
    %swap3A = arith.constant 0 : index
    %swap3A_42 = arith.constant 0 : index
    %swap3A_43 = vector.load %arg8[%swap3A, %swap3A_42] : memref<1000x128xf32, #tpu.memory_space<vmem>>, vector<1000x128xf32>
    tpu.vector_store %arg8[%swap3A, %swap3A_42], %add3A_41 {strides = array<i32>} : memref<1000x128xf32, #tpu.memory_space<vmem>>, vector<1000x128xf32>,
    %get3A_44 = arith.constant 0 : index
    %get3A_45 = arith.constant 0 : index
    %get3A_46 = vector.load %arg7[%get3A_44, %get3A_45] : memref<128x128xf32, #tpu.memory_space<vmem>>, vector<128x128xf32>
    %dot_general3A_47 = arith.constant dense<0.000000e+00> : vector<1000x128xf32>
    %dot_general3A_48 = tpu.matmul %add3A_41, %get3A_46, %dot_general3A_47 {dimension_numbers = #tpu.dot_dimension_numbers<[1], [0], [0], [1], [0, 0, 1, 1], [], []>, precision = #tpu.contract_precision<fp32>, transpose_lhs_hint = false} : vector<1000x128xf32>, vector<128x128xf32>, vector<1000x128xf32> -> vector<1000x128xf32>
    %swap3A_49 = arith.constant 0 : index
    %swap3A_50 = arith.constant 0 : index
    %swap3A_51 = vector.load %arg9[%swap3A_49, %swap3A_50] : memref<1000x128xf32, #tpu.memory_space<vmem>>, vector<1000x128xf32>
    tpu.vector_store %arg9[%swap3A_49, %swap3A_50], %dot_general3A_48 {strides = array<i32>} : memref<1000x128xf32, #tpu.memory_space<vmem>>, vector<1000x128xf32>,
    return
  }
  func.func @transform_0(%arg0: i32) -> (i32, i32, i32) {
    %c0_i32 = arith.constant 0 : i32
    %c0_i32_0 = arith.constant 0 : i32
    %c0_i32_1 = arith.constant 0 : i32
    return %c0_i32, %arg0, %c0_i32_0 : i32, i32, i32
  }
  func.func @transform_1(%arg0: i32) -> (i32, i32) {
    %c0_i32 = arith.constant 0 : i32
    %c0_i32_0 = arith.constant 0 : i32
    return %arg0, %c0_i32 : i32, i32
  }
  func.func @transform_2(%arg0: i32) -> (i32, i32) {
    %c0_i32 = arith.constant 0 : i32
    %c0_i32_0 = arith.constant 0 : i32
    %c0_i32_1 = arith.constant 0 : i32
    return %c0_i32, %c0_i32_0 : i32, i32
  }
  func.func @transform_3(%arg0: i32) -> (i32, i32) {
    %c0_i32 = arith.constant 0 : i32
    %c0_i32_0 = arith.constant 0 : i32
    %c0_i32_1 = arith.constant 0 : i32
    return %c0_i32, %c0_i32_0 : i32, i32
  }
  func.func @transform_4(%arg0: i32) -> (i32, i32) {
    %c0_i32 = arith.constant 0 : i32
    %c0_i32_0 = arith.constant 0 : i32
    %c0_i32_1 = arith.constant 0 : i32
    return %c0_i32, %c0_i32_0 : i32, i32
  }
  func.func @transform_5(%arg0: i32) -> (i32, i32) {
    %c0_i32 = arith.constant 0 : i32
    %c0_i32_0 = arith.constant 0 : i32
    %c0_i32_1 = arith.constant 0 : i32
    return %c0_i32, %c0_i32_0 : i32, i32
  }
  func.func @transform_6(%arg0: i32) -> (i32, i32) {
    %c0_i32 = arith.constant 0 : i32
    %c0_i32_0 = arith.constant 0 : i32
    %c0_i32_1 = arith.constant 0 : i32
    return %c0_i32, %c0_i32_0 : i32, i32
  }
  func.func @transform_7(%arg0: i32) -> (i32, i32) {
    %c0_i32 = arith.constant 0 : i32
    %c0_i32_0 = arith.constant 0 : i32
    return %arg0, %c0_i32 : i32, i32
  }
  func.func @transform_8(%arg0: i32) -> (i32, i32) {
    %c0_i32 = arith.constant 0 : i32
    %c0_i32_0 = arith.constant 0 : i32
    return %arg0, %c0_i32 : i32, i32
  }
}

module attributes {stable_mosaic.version = 14 : i64} {
  func.func @_out_last_body(%arg0: i32, %arg1: memref<2x1000x128xf32, #tpu.memory_space<vmem>>, %arg2: memref<1000x128xf32, #tpu.memory_space<vmem>>, %arg3: memref<128x128xf32, #tpu.memory_space<vmem>>, %arg4: memref<1x128xf32, #tpu.memory_space<vmem>>, %arg5: memref<128x128xf32, #tpu.memory_space<vmem>>, %arg6: memref<1x128xf32, #tpu.memory_space<vmem>>, %arg7: memref<1000x128xf32, #tpu.memory_space<vmem>>) attributes {dimension_semantics = [#tpu.dimension_semantics<parallel>], iteration_bounds = array<i64: 10>, scalar_prefetch = 0 : i64, scratch_operands = 0 : i64, tpu.core_type = #tpu.core_type<tc>, window_params = [{transform_indices = @transform_0, window_bounds = array<i64: 2, 1000, 128>}, {transform_indices = @transform_1, window_bounds = array<i64: 1000, 128>}, {pipeline_mode = #tpu.pipeline_mode<synchronous>, transform_indices = @transform_2, window_bounds = array<i64: 128, 128>}, {pipeline_mode = #tpu.pipeline_mode<synchronous>, transform_indices = @transform_3, window_bounds = array<i64: 1, 128>}, {pipeline_mode = #tpu.pipeline_mode<synchronous>, transform_indices = @transform_4, window_bounds = array<i64: 128, 128>}, {pipeline_mode = #tpu.pipeline_mode<synchronous>, transform_indices = @transform_5, window_bounds = array<i64: 1, 128>}, {transform_indices = @transform_6, window_bounds = array<i64: 1000, 128>}]} {
    %get3A = arith.constant 0 : index
    %get3A_0 = arith.constant 0 : index
    %get3A_1 = arith.constant 0 : index
    %get3A_2 = vector.load %arg1[%get3A, %get3A_0, %get3A_1] : memref<2x1000x128xf32, #tpu.memory_space<vmem>>, vector<1x1000x128xf32>
    %get3A_3 = vector.shape_cast %get3A_2 : vector<1x1000x128xf32> to vector<1000x128xf32>
    %get3A_4 = arith.constant 1 : index
    %get3A_5 = arith.constant 0 : index
    %get3A_6 = arith.constant 0 : index
    %get3A_7 = vector.load %arg1[%get3A_4, %get3A_5, %get3A_6] : memref<2x1000x128xf32, #tpu.memory_space<vmem>>, vector<1x1000x128xf32>
    %get3A_8 = vector.shape_cast %get3A_7 : vector<1x1000x128xf32> to vector<1000x128xf32>
    %add3A = arith.addf %get3A_3, %get3A_8 : vector<1000x128xf32>
    %get3A_9 = arith.constant 0 : index
    %get3A_10 = arith.constant 0 : index
    %get3A_11 = vector.load %arg3[%get3A_9, %get3A_10] : memref<128x128xf32, #tpu.memory_space<vmem>>, vector<128x128xf32>
    %dot_general3A = arith.constant dense<0.000000e+00> : vector<1000x128xf32>
    %dot_general3A_12 = tpu.matmul %add3A, %get3A_11, %dot_general3A {dimension_numbers = #tpu.dot_dimension_numbers<[1], [0], [0], [1], [0, 0, 1, 1], [], []>, precision = #tpu.contract_precision<fp32>, transpose_lhs_hint = false} : vector<1000x128xf32>, vector<128x128xf32>, vector<1000x128xf32> -> vector<1000x128xf32>
    %get3A_13 = arith.constant 0 : index
    %get3A_14 = arith.constant 0 : index
    %get3A_15 = vector.load %arg4[%get3A_13, %get3A_14] : memref<1x128xf32, #tpu.memory_space<vmem>>, vector<1x128xf32>
    %add3A_16 = vector.broadcast %get3A_15 : vector<1x128xf32> to vector<1000x128xf32>
    %add3A_17 = arith.addf %dot_general3A_12, %add3A_16 : vector<1000x128xf32>
    %max3A = arith.constant 0.000000e+00 : f32
    %max3A_18 = vector.broadcast %max3A : f32 to vector<1000x128xf32>
    %max3A_19 = arith.maximumf %add3A_17, %max3A_18 : vector<1000x128xf32>
    %abs3A = math.absf %add3A_17 : vector<1000x128xf32>
    %neg3A = arith.constant 0.000000e+00 : f32
    %neg3A_20 = vector.broadcast %neg3A : f32 to vector<1000x128xf32>
    %neg3A_21 = arith.subf %neg3A_20, %abs3A : vector<1000x128xf32>
    %exp3A = math.exp %neg3A_21 : vector<1000x128xf32>
    %add3A_22 = arith.constant 1.000000e+00 : f32
    %add3A_23 = vector.broadcast %add3A_22 : f32 to vector<1000x128xf32>
    %add3A_24 = arith.addf %add3A_23, %exp3A : vector<1000x128xf32>
    %log3A = math.log %add3A_24 : vector<1000x128xf32>
    %add3A_25 = arith.addf %max3A_19, %log3A : vector<1000x128xf32>
    %sub3A = arith.constant 0.693147182 : f32
    %sub3A_26 = vector.broadcast %sub3A : f32 to vector<1000x128xf32>
    %sub3A_27 = arith.subf %add3A_25, %sub3A_26 : vector<1000x128xf32>
    %get3A_28 = arith.constant 0 : index
    %get3A_29 = arith.constant 0 : index
    %get3A_30 = vector.load %arg5[%get3A_28, %get3A_29] : memref<128x128xf32, #tpu.memory_space<vmem>>, vector<128x128xf32>
    %dot_general3A_31 = arith.constant dense<0.000000e+00> : vector<1000x128xf32>
    %dot_general3A_32 = tpu.matmul %sub3A_27, %get3A_30, %dot_general3A_31 {dimension_numbers = #tpu.dot_dimension_numbers<[1], [0], [0], [1], [0, 0, 1, 1], [], []>, precision = #tpu.contract_precision<fp32>, transpose_lhs_hint = false} : vector<1000x128xf32>, vector<128x128xf32>, vector<1000x128xf32> -> vector<1000x128xf32>
    %get3A_33 = arith.constant 0 : index
    %get3A_34 = arith.constant 0 : index
    %get3A_35 = vector.load %arg6[%get3A_33, %get3A_34] : memref<1x128xf32, #tpu.memory_space<vmem>>, vector<1x128xf32>
    %add3A_36 = vector.broadcast %get3A_35 : vector<1x128xf32> to vector<1000x128xf32>
    %add3A_37 = arith.addf %dot_general3A_32, %add3A_36 : vector<1000x128xf32>
    %get3A_38 = arith.constant 0 : index
    %get3A_39 = arith.constant 0 : index
    %get3A_40 = vector.load %arg2[%get3A_38, %get3A_39] : memref<1000x128xf32, #tpu.memory_space<vmem>>, vector<1000x128xf32>
    %add3A_41 = arith.addf %get3A_40, %add3A_37 : vector<1000x128xf32>
    %swap3A = arith.constant 0 : index
    %swap3A_42 = arith.constant 0 : index
    %swap3A_43 = vector.load %arg7[%swap3A, %swap3A_42] : memref<1000x128xf32, #tpu.memory_space<vmem>>, vector<1000x128xf32>
    tpu.vector_store %arg7[%swap3A, %swap3A_42], %add3A_41 {strides = array<i32>} : memref<1000x128xf32, #tpu.memory_space<vmem>>, vector<1000x128xf32>,
    return
  }
  func.func @transform_0(%arg0: i32) -> (i32, i32, i32) {
    %c0_i32 = arith.constant 0 : i32
    %c0_i32_0 = arith.constant 0 : i32
    %c0_i32_1 = arith.constant 0 : i32
    return %c0_i32, %arg0, %c0_i32_0 : i32, i32, i32
  }
  func.func @transform_1(%arg0: i32) -> (i32, i32) {
    %c0_i32 = arith.constant 0 : i32
    %c0_i32_0 = arith.constant 0 : i32
    return %arg0, %c0_i32 : i32, i32
  }
  func.func @transform_2(%arg0: i32) -> (i32, i32) {
    %c0_i32 = arith.constant 0 : i32
    %c0_i32_0 = arith.constant 0 : i32
    %c0_i32_1 = arith.constant 0 : i32
    return %c0_i32, %c0_i32_0 : i32, i32
  }
  func.func @transform_3(%arg0: i32) -> (i32, i32) {
    %c0_i32 = arith.constant 0 : i32
    %c0_i32_0 = arith.constant 0 : i32
    %c0_i32_1 = arith.constant 0 : i32
    return %c0_i32, %c0_i32_0 : i32, i32
  }
  func.func @transform_4(%arg0: i32) -> (i32, i32) {
    %c0_i32 = arith.constant 0 : i32
    %c0_i32_0 = arith.constant 0 : i32
    %c0_i32_1 = arith.constant 0 : i32
    return %c0_i32, %c0_i32_0 : i32, i32
  }
  func.func @transform_5(%arg0: i32) -> (i32, i32) {
    %c0_i32 = arith.constant 0 : i32
    %c0_i32_0 = arith.constant 0 : i32
    %c0_i32_1 = arith.constant 0 : i32
    return %c0_i32, %c0_i32_0 : i32, i32
  }
  func.func @transform_6(%arg0: i32) -> (i32, i32) {
    %c0_i32 = arith.constant 0 : i32
    %c0_i32_0 = arith.constant 0 : i32
    return %arg0, %c0_i32 : i32, i32
  }
}

</mosaic_0001>

<sc_bundles>
// kernel: kernel.12.cloned.1.call-start
scs
__scs_entry_jumppad:
0x0: {  	(pc) =	sbr.rel $0x88, $3  }
0x1: {  	(tag) =	ssettag $0x0;
	lr =	simm.s32 $0x1  }
0x2: {  	[smem:$0x3F93] =	sst lr;
	_ =	strace $0xD0000000  }
0x3: {  	_ = 	snop  }
0x4: {  	_ = 	snop  }
0x5: {  	_ = 	snop  }
0x6: {  	_ = 	snop  }
0x7: {  	_ = 	snop  }
__scs_overlays_trampoline_lowered:
0x8: {  	[smem:$0x3FA2] =	sst s0  }
0x9: {  	[smem:$0x3FA3] =	sst s1  }
0xa: {  	[smem:$0x3FA4] =	sst s2  }
0xb: {  	[smem:$0x3FA5] =	sst s3  }
0xc: {  	[smem:$0x3FA6] =	sst s4  }
0xd: {  	[smem:$0x3FA7] =	sst s5  }
0xe: {  	[smem:$0x3FA8] =	sst s6  }
0xf: {  	[smem:$0x3FA9] =	sst s7  }
0x10: {  	[smem:$0x3FAA] =	sst s8  }
0x11: {  	[smem:$0x3FAB] =	sst s9;
	s0 =	simm.s32 @!p0 $0x0  }
0x12: {  	s1 =	sld [smem:$0x3F91];
	s0 =	simm.s32 @p0 $0x1  }
0x13: {  	[smem:$0x3FAC] =	sst s0;
	s0 =	simm.s32 @!p1 $0x0  }
0x14: {  	s2 =	sld [smem:$0x3F90];
	s0 =	simm.s32 @p1 $0x1  }
0x15: {  	[smem:$0x3FAD] =	sst s0;
	s0 =	simm.s32 @!p2 $0x0  }
0x16: {  	s3 =	sld [smem:$0x3FDB];
	s0 =	simm.s32 @p2 $0x1  }
0x17: {  	s4 =	simm.s32 $0x1BF5;
	[smem:$0x3FAF] =	sst s0  }
0x18: {  	s0 =	sld [smem:$0x3F92];
	_ =	swait.ge [sflag:s4], $0x0  }
0x19: {  	s7 =	sld [smem:$0x3F93]  }
0x1a: {  	s8 =	sadd.s32 $0xFFFFE003, lr  }
0x1b: {  	s9 =	sadd.s32 $0xFFFFFEF7, lr;
	s5 =	simm.s32 $0xFFFFFFFF;
	p2 =	slt.u32 s8, $0xFFFFF086  }
0x1c: {  	p1 =	slt.u32 s9, $0xF7A;
	s5 =	simm.s32 @!p2 $0x0  }
0x1d: {  	s5 =	simm.s32 @p1 $0x1;
	p0 =	seq.s32 s7, s2  }
0x1e: {  	s7 =	smul.u32 @!p0 $0xF7A, s2;
	p2 =	seq.s32 @!p0 s5, $0x0  }
0x1f: {  	s9 =	smul.u32 $0xF7A, s1;
	s8 =	simm.s32 @!p0 $0x1BF5;
	p2 =	por !p2, p0  }
0x20: {  	[sflag:s8] =	ssyncset.s32 @!p0 $0xFFFFF086;
	s6 =	sadd.s32 @!p0 s3, s7;
	s7 =	simm.s32 @!p0 $0x108  }
0x21: {  	s3 =	sadd.s32 s3, s9;
	s6 =	sadd.s32 @!p0 $0x88, s6;
	s7 =	simm.s32 @p2 $0x1082  }
0x22: {  	[simem:s7], [sflag:s8] =	dma.local @!p0 [hbm:s6], $0xF7A  }
0x23: {  	s9 =	sor.u32 $0xD0000000, s2;
	s6 =	simm.s32 $0x108;
	_ =	swait.ge @!p0 [sflag:s8], $0x0  }
0x24: {  	s3 =	sadd.s32 $0x88, s3;
	s6 =	simm.s32 @!p1 $0x1082;
	[sflag:s4] =	ssyncset.s32 $0xFFFFF086  }
0x25: {  	[simem:s6], [sflag:s4] =	dma.local [hbm:s3], $0xF7A  }
0x26: {  	[smem:$0x3F93] =	sst s1;
	(tag) =	ssettag s2;
	_ =	strace s9  }
0x27: {  	s1 =	sld [smem:$0x3FA3]  }
0x28: {  	s2 =	sld [smem:$0x3FA4]  }
0x29: {  	s4 =	sld [smem:$0x3FA6]  }
0x2a: {  	p0 =	seq.s32 s5, $0x0;
	s5 =	sld [smem:$0x3FA7]  }
0x2b: {  	s6 =	sld [smem:$0x3FA8]  }
0x2c: {  	s7 =	sld [smem:$0x3FA9]  }
0x2d: {  	s3 =	simm.s32 $0x108;
	s8 =	sld [smem:$0x3FAA]  }
0x2e: {  	s3 =	simm.s32 @!p0 $0x1082;
	s9 =	sld [smem:$0x3FAB]  }
0x2f: {  	lr =	sadd.s32 s0, s3;
	s0 =	sld [smem:$0x3FA2]  }
0x30: {  	s3 =	sld [smem:$0x3FA5]  }
0x31: {  	[smem:$0x3FAE] =	sst s10  }
0x32: {  	s10 =	sld [smem:$0x3FAC];
	_ =	sdelay $0x3  }
0x33: {  	p0 =	seq.s32 s10, $0x1;
	s10 =	sld [smem:$0x3FAE];
	_ =	sdelay $0x3  }
0x34: {  	[smem:$0x3FAE] =	sst s10  }
0x35: {  	s10 =	sld [smem:$0x3FAD];
	_ =	sdelay $0x3  }
0x36: {  	p1 =	seq.s32 s10, $0x1;
	s10 =	sld [smem:$0x3FAE];
	_ =	sdelay $0x3  }
0x37: {  	[smem:$0x3FAE] =	sst s10  }
0x38: {  	s10 =	sld [smem:$0x3FAF]  }
0x39: {  	_ = 	snop;
	(pc) =	sbr.ind lr, $3  }
0x3a: {  	_ = 	snop  }
0x3b: {  	_ = 	snop  }
0x3c: {  	p2 =	seq.s32 s10, $0x1;
	s10 =	sld [smem:$0x3FAE]  }
0x3d: {  	_ =	shalt  }
0x3e: {  	_ =	shalt  }
0x3f: {  	_ =	shalt  }
0x40: {  	_ =	shalt  }
0x41: {  	_ =	shalt  }
0x42: {  	_ =	shalt  }
0x43: {  	_ =	shalt  }
0x44: {  	_ =	shalt  }
0x45: {  	_ =	shalt  }
0x46: {  	_ =	shalt  }
0x47: {  	_ =	shalt  }
0x48: {  	_ =	shalt  }
0x49: {  	_ =	shalt  }
0x4a: {  	_ =	shalt  }
0x4b: {  	_ =	shalt  }
0x4c: {  	_ =	shalt  }
0x4d: {  	_ =	shalt  }
0x4e: {  	_ =	shalt  }
0x4f: {  	_ =	shalt  }
0x50: {  	_ =	shalt  }
0x51: {  	_ =	shalt  }
0x52: {  	_ =	shalt  }
0x53: {  	_ =	shalt  }
0x54: {  	_ =	shalt  }
0x55: {  	_ =	shalt  }
0x56: {  	_ =	shalt  }
0x57: {  	_ =	shalt  }
0x58: {  	_ =	shalt  }
0x59: {  	_ =	shalt  }
0x5a: {  	_ =	shalt  }
0x5b: {  	_ =	shalt  }
0x5c: {  	_ =	shalt  }
0x5d: {  	_ =	shalt  }
0x5e: {  	_ =	shalt  }
0x5f: {  	_ =	shalt  }
0x60: {  	_ =	shalt  }
0x61: {  	_ =	shalt  }
0x62: {  	_ =	shalt  }
0x63: {  	_ =	shalt  }
0x64: {  	_ =	shalt  }
0x65: {  	_ =	shalt  }
0x66: {  	_ =	shalt  }
0x67: {  	_ =	shalt  }
0x68: {  	_ =	shalt  }
0x69: {  	_ =	shalt  }
0x6a: {  	_ =	shalt  }
0x6b: {  	_ =	shalt  }
0x6c: {  	_ =	shalt  }
0x6d: {  	_ =	shalt  }
0x6e: {  	_ =	shalt  }
0x6f: {  	_ =	shalt  }
0x70: {  	_ =	shalt  }
0x71: {  	_ =	shalt  }
0x72: {  	_ =	shalt  }
0x73: {  	_ =	shalt  }
0x74: {  	_ =	shalt  }
0x75: {  	_ =	shalt  }
0x76: {  	_ =	shalt  }
0x77: {  	_ =	shalt  }
0x78: {  	_ =	shalt  }
0x79: {  	_ =	shalt  }
0x7a: {  	_ =	shalt  }
0x7b: {  	_ =	shalt  }
0x7c: {  	_ =	shalt  }
0x7d: {  	_ =	shalt  }
0x7e: {  	_ =	shalt  }
0x7f: {  	_ =	shalt  }
0x80: {  	_ =	shalt  }
0x81: {  	_ =	shalt  }
0x82: {  	_ =	shalt  }
0x83: {  	_ =	shalt  }
0x84: {  	_ =	shalt  }
0x85: {  	_ =	shalt  }
0x86: {  	_ =	shalt  }
0x87: {  	_ =	shalt  }
.Lfunc_end0:
.L_simem_size_0:
called_computation_lowered:
.L_overlay_start_0:
0x88: {  	s2 =	sld [smem:$0x3FD9]  }
0x89: {  	s3 =	sld [smem:$0x3FFE];
	_ =	sdelay $0x1  }
0x8a: {  	s1 =	srdreg.scid  }
0x8b: {  	s0 =	sand.u32 $0x1, s1  }
0x8c: {  	s17 =	sshll.u32 s0, $0xA;
	s2 =	sadd.s32 s3, s2  }
0x8d: {  	s2 =	sadd.s32 s2, s17  }
0x8e: {  	[smem:$0x3FBA] =	sst s2  }
0x8f: {  	_ = 	snop  }
0x90: {  	s2 =	sld [smem:$0x3FD0];
	(tm) =	ssettm $0x1  }
0x91: {  	s18 =	sld [smem:$0x3FFB];
	_ =	sdelay $0x3  }
0x92: {  	_ =	strace s18  }
0x93: {  	s3 =	sld [smem:$0x3FFC];
	_ =	sdelay $0x3  }
0x94: {  	_ =	strace s3  }
0x95: {  	s3 =	sld [smem:$0x3FFD];
	_ =	sdelay $0x3  }
0x96: {  	_ =	strace s3  }
0x97: {  	_ =	strace $0x8FFFFFFF  }
0x98: {  	s19 =	sld [smem:$0x3FDB];
	_ =	sdelay $0x1  }
0x99: {  	s4 =	simm.s32 $_scs_section_size  }
0x9a: {  	s5 =	simm.s32 $_size__tile_overlayer_lowered;
	s6 =	simm.s32 $_tile_overlayer_lowered  }
0x9b: {  	s22 =	simm.s32 $0x1BFF;
	s21 =	sshll.u32 s6, $0x1;
	s3 =	sadd.s32 s4, s19  }
0x9c: {  	s7 =	simm.s32 $0x0;
	s20 =	sshll.u32 s5, $0x1;
	s5 =	sadd.s32 s21, s3  }
0x9d: {  	[timem:s7], [sflag:s22] =	dma.local [hbm:s5], s20  }
0x9e: {  	_ =	swait.ge [sflag:s22], s20  }
0x9f: {  	s4 =	ssub.s32 $0x0, s20;
	[sflag:s22] =	ssyncset.done $0x0  }
0xa0: {  	[sflag:s22] =	ssyncadd.s32 s4;
	_ =	sdelay $0x1  }
0xa1: {  	s23 =	simm.s32 $0x1B8B  }
0xa2: {  	_ =	swait.ge [sflag:s23], $0x1  }
0xa3: {  	[sflag:s23] =	ssyncset.done $0x0  }
0xa4: {  	s25 =	simm.s32 $0x1B8E;
	s24 =	sld [smem:$0x3FFE];
	[sflag:s23] =	ssyncadd.s32 $0xFFFFFFFF  }
0xa5: {  	s26 =	simm.s32 $execute0_lowered;
	[smem:$0x3FD2] =	sst s25  }
0xa6: {  	s5 =	sshll.u32 s26, $0x1;
	_ =	strace $0x80000046;
	[dreg:$0x1] =	wrdreg $0xFFFFFFFF  }
0xa7: {  	s28 =	simm.s32 $_size_execute0_lowered;
	s3 =	sadd.s32 s3, s5;
	[dreg:$0x0] =	wrdreg $0x0  }
0xa8: {  	s5 =	sshll.u32 s28, $0x1;
	[dreg:$0x2] =	wrdreg s3  }
0xa9: {  	[dreg:$0x3] =	wrdreg s5  }
0xaa: {  	[dreg:$0x4] =	wrdreg $0xC0  }
0xab: {  	_ =	task [dreg:s7], $0x5FFFF  }
0xac: {  	[dreg:$0x1] =	wrdreg $0xFFFFFFFF  }
0xad: {  	[dreg:$0x0] =	wrdreg $0x60  }
0xae: {  	[dreg:$0x2] =	wrdreg s2  }
0xaf: {  	[dreg:$0x3] =	wrdreg s24  }
0xb0: {  	[dreg:$0x4] =	wrdreg $0x0  }
0xb1: {  	[dreg:$0x5] =	wrdreg $0x9  }
0xb2: {  	_ =	task.clear_ibuf [dreg:s7], $0x6FFFF;
	_ =	strace $0x90000046  }
0xb3: {  	s29 =	simm.s32 $0x9;
	_ =	strace $0x80000048  }
0xb4: {  	_ =	swait.ge [sflag:s29], $0x1  }
0xb5: {  	[sflag:s29] =	ssyncadd.s32 $0xFFFFFFFF  }
0xb6: {  	_ =	strace $0x90000048  }
0xb7: {  	_ =	sfence  }
0xb8: {  	s30 =	sld [smem:$0x0];
	_ =	sdelay $0x2  }
0xb9: {  	s31 =	sshll.u32 s1, $0xD;
	s1 =	sshrl.u32 s1, $0x2  }
0xba: {  	s3 =	sand.u32 $0x4000, s31;
	s1 =	sadd.s32 s1, s30  }
0xbb: {  	s0 =	sor.u32 s3, s0;
	s1 =	sshll.u32 s1, $0x11  }
0xbc: {  	s0 =	sor.u32 s1, s0  }
0xbd: {  	s0 =	sadd.s32 $0x8F2B, s0  }
0xbe: {  	[sflag:s0] =	ssyncadd.remote.s32 $0x1  }
0xbf: {  	_ =	sfence.sel $0xFFFF  }
0xc0: {  	[dreg:$0x0] =	wrdreg $0xFFFFFFFF;
	(pc) =	sbr.abs _section_cstart, $3  }
0xc1: {  	[dreg:$0x1] =	wrdreg $0xFFFFFFFF  }
0xc2: {  	_ =	task.clear_ibuf [dreg:s7], $0x2FFFF;
	_ =	strace $0x9FFFFFFF  }
0xc3: {  	(tm) =	ssettm $0x7FFFFFFF  }
tec
execute0_lowered:
.L_overlay_start_1:
0x0: {  	(tag) =	ssettag $0x1  }
0x1: {  	s1 =	rddreg [dreg:$0x0]  }
0x2: {  	s0 =	rddreg [dreg:$0x1]  }
0x3: {  	s2 =	rddreg [dreg:$0x2]  }
0x4: {  	s3 =	simm.s32 $0x0;
	s4 =	srdreg.scid;
	s17 =	stileid.u32  }
0x5: {  	s28 =	simm.s32 $0x13A00;
	s30 =	simm.s32 $0x50;
	s31 =	simm.s32 $0x13A80  }
0x6: {  	s29 =	simm.s32 $0x5;
	s5 =	sadd.s32 $0x532E00, s0;
	s6 =	sadd.s32 $0x4EB400, s0  }
0x7: {  	[smem:$0x7FF] =	sst s3;
	s8 =	smul.u32 $0x4E000, s17;
	s7 =	sadd.s32 $0x4FB400, s0  }
0x8: {  	s4 =	sand.u32 $0x1, s4;
	s9 =	sadd.s32 $0xA14E00, s0;
	s0 =	sadd.s32 $0xA17600, s0  }
0x9: {  	s14 =	sshll.u32 s17, $0x6;
	s12 =	sshll.u32 s17, $0xE;
	s15 =	smul.u32 $0x138800, s17  }
0xa: {  	s16 =	sadd.s32 $0x138000, s2;
	p0 =	sne.s32 s17, $0xF;
	_ =	strace $0x80000047  }
0xb: {  	[dreg:$0x4] =	wrdreg s9;
	s13 =	ssub.s32 $0x2, s4;
	s11 =	sshll.u32 s4, $0x12  }
0xc: {  	s20 =	sor.u32 $0x1C07, s14;
	[dreg:$0x6] =	wrdreg s16;
	s16 =	smul.u32 $0x13800, s17  }
0xd: {  	s17 =	simm.s32 $0x4;
	s10 =	sshrl.u32 s13, $0x1;
	s8 =	sshrl.u32 s8, $0x2  }
0xe: {  	[dreg:$0x5] =	wrdreg s20;
	s9 =	ssub.s32 s13, s10;
	s10 =	sor.u32 s12, s11  }
0xf: {  	s8 =	sadd.s32 s8, s2;
	s13 =	smul.u32 $0x1388000, s4;
	s18 =	sshrl.u32 s10, $0x3  }
0x10: {  	s4 =	smul.u32 $0x138800, s4;
	s26 =	smax.u32 s9, $0x1;
	s14 =	sadd.s32 s6, s18  }
0x11: {  	s19 =	sor.u32 $0x10, s18;
	s12 =	sadd.s32 s7, s18;
	s15 =	sadd.s32 s15, s13  }
0x12: {  	s24 =	sadd.s32 s16, s4;
	s4 =	sshrl.u32 s4, $0x3;
	[dreg:$0xe] =	wrdreg s26  }
0x13: {  	s26 =	simm.s32 $0x13900;
	s13 =	simm.s32 $0x1;
	[dreg:$0x7] =	wrdreg s14  }
0x14: {  	s16 =	simm.s32 $0x2;
	[dreg:$0x8] =	wrdreg s12;
	s21 =	sadd.s32 s6, s19  }
0x15: {  	s22 =	sadd.s32 s7, s19;
	s23 =	sshrl.u32 s15, $0x3;
	s25 =	sshrl.u32 s24, $0x3  }
0x16: {  	s18 =	sadd.s32 $0x2800, s15;
	s24 =	simm.s32 $0x13880;
	s12 =	simm.s32 $0x1B280  }
0x17: {  	s14 =	simm.s32 $0x3;
	s19 =	simm.s32 $0x0;
	[dreg:$0x9] =	wrdreg s21  }
0x18: {  	[dreg:$0xa] =	wrdreg s22;
	s11 =	sadd.s32 s5, s23;
	s21 =	sshrl.u32 s8, $0x3  }
0x19: {  	s23 =	simm.s32 $0x7;
	[dreg:$0xb] =	wrdreg s11;
	s11 =	sadd.s32 s0, s25  }
0x1a: {  	s0 =	sadd.s32 s0, s4;
	s25 =	simm.s32 $0x13980;
	[dreg:$0xf] =	wrdreg s21  }
0x1b: {  	s4 =	simm.s32 $0x6;
	[dreg:$0xc] =	wrdreg s11;
	s0 =	sadd.s32 $0x27000, s0  }
0x1c: {  	s11 =	simm.s32 $0x16280;
	[dreg:$0xd] =	wrdreg s0;
	s0 =	simm.s32 $0x18A80  }
.LBB2_1:
0x1d: {  	s8 =	rddreg [dreg:$0x4]  }
0x1e: {  	[spmem:s21], [sflag:s20] =	dma.local [hbm:s8], $0x2700  }
0x1f: {  	_ =	swait.ge [sflag:s23], $0x2700  }
0x20: {  	s9 =	rddreg [dreg:$0x6]  }
0x21: {  	[sflag:s23] =	ssyncset.done $0x0;
	s9 =	sshrl.u32 @!p0 s9, $0x3  }
0x22: {  	[sflag:s23] =	ssyncadd.s32 $0xFFFFD900;
	[dreg:$0x10] =	wrdreg s9  }
0x23: {  	[spmem:s9], [sflag:s20] =	dma.local @!p0 [hbm:s8], $0x100  }
0x24: {  	s8 =	simm.s32 @!p0 $0x7  }
0x25: {  	_ =	swait.ge @!p0 [sflag:s8], $0x100  }
0x26: {  	[sflag:s8] =	ssyncset.done @!p0 $0x0  }
0x27: {  	[sflag:s8] =	ssyncadd.s32 @!p0 $0xFFFFFF00  }
0x28: {  	[bflag:$0x0] =	sbarrier.arrive $0xFFFF  }
0x29: {  	s22 =	rddreg [dreg:$0x7]  }
0x2a: {  	[tilespmem:s24], [sflag:$0x5] =	stream.linear.gather [hbm4b:s22+s3], $0x80, $0x38;
	[tilespmem:$0x1DA80] =	vst v63  }
0x2b: {  	s9 =	rddreg [dreg:$0x8]  }
0x2c: {  	[tilespmem:s25], [sflag:$0x5] =	stream.linear.gather [hbm4b:s9+s3], $0x80, $0x38;
	[tilespmem:$0x1DA80] =	vst v63  }
0x2d: {  	s20 =	rddreg [dreg:$0x9]  }
0x2e: {  	[tilespmem:s26], [sflag:$0x6] =	stream.linear.gather [hbm4b:s20+s3], $0x80, $0x38;
	[tilespmem:$0x1DA80] =	vst v63  }
0x2f: {  	s21 =	rddreg [dreg:$0xa]  }
0x30: {  	[tilespmem:s28], [sflag:$0x6] =	stream.linear.gather [hbm4b:s21+s3], $0x80, $0x38;
	[tilespmem:$0x1DA80] =	vst v63  }
0x31: {  	_ =	swait.ge [sflag:s29], $0x80  }
0x32: {  	[sflag:s29] =	ssyncset.done $0x0  }
0x33: {  	[sflag:s29] =	ssyncadd.s32 $0xFFFFFF80  }
0x34: {  	_ =	swait.ge [sflag:s29], $0x80  }
0x35: {  	[sflag:s29] =	ssyncset.done $0x0  }
0x36: {  	[sflag:s29] =	ssyncadd.s32 $0xFFFFFF80  }
0x37: {  	[tilespmem:s31], [sflag:$0x1] =	stream.indirect.gather [hbm4b:s1+s30], $0x80, s25, s30, $0xb8;
	[tilespmem:$0x1DA80] =	vst v63  }
0x38: {  	s21 =	simm.s32 $0x0;
	s22 =	rddreg [dreg:$0xb]  }
0x39: {  	[tilespmem:s0], [sflag:$0x3] =	stream.linear.gather [hbm4b:s22+s3], $0x2800, $0x38;
	[tilespmem:$0x1DA80] =	vst v63  }
.LBB2_2:
0x3a: {  	_ =	swait.ge [sflag:s4], $0x80  }
0x3b: {  	[sflag:s4] =	ssyncset.done $0x0  }
0x3c: {  	s8 =	smul.u32 $0x5000, s21;
	[sflag:s4] =	ssyncadd.s32 $0xFFFFFF80  }
0x3d: {  	_ =	swait.ge [sflag:s4], $0x80  }
0x3e: {  	s8 =	sadd.s32 s8, s18;
	[sflag:s4] =	ssyncset.done $0x0  }
0x3f: {  	s8 =	sshrl.u32 s8, $0x3;
	[sflag:s4] =	ssyncadd.s32 $0xFFFFFF80  }
0x40: {  	[tilespmem:s11], [sflag:$0x2] =	stream.indirect.gather [hbm4b:s1+s30], $0x80, s28, s30, $0xb8;
	[tilespmem:$0x1DA80] =	vst v63  }
0x41: {  	s8 =	sadd.s32 s5, s8  }
0x42: {  	[tilespmem:s12], [sflag:$0x4] =	stream.linear.gather [hbm4b:s8+s3], $0x2800, $0x38;
	[tilespmem:$0x1DA80] =	vst v63  }
0x43: {  	_ =	swait.ge [sflag:s13], $0x2800  }
0x44: {  	[sflag:s13] =	ssyncset.done $0x0  }
0x45: {  	[sflag:s13] =	ssyncadd.s32 $0xFFFFD800  }
0x46: {  	_ =	swait.ge [sflag:s14], $0x2800  }
0x47: {  	[sflag:s14] =	ssyncset.done $0x0  }
0x48: {  	s8 =	simm.s32 $0x13B80;
	[sflag:s14] =	ssyncadd.s32 $0xFFFFD800  }
0x49: {  	s22 =	simm.s32 $0x18B80;
	v0 =	vld [tilespmem:s8+$0x80]  }
0x4a: {  	v1 =	vld [tilespmem:s22+$0x80]  }
0x4b: {  	v2 =	vld [tilespmem:s8+$0xFFFFFF80]  }
0x4c: {  	v3 =	vld [tilespmem:s22+$0xFFFFFF80]  }
0x4d: {  	v4 =	vld [tilespmem:s8+$0x0]  }
0x4e: {  	v5 =	vld [tilespmem:s22+$0x0]  }
0x4f: {  	v6 =	vld [tilespmem:s8+$0xFFFFFF00];
	v0 =	vmul.f32 v1, v0  }
0x50: {  	v1 =	vld [tilespmem:s22+$0xFFFFFF00]  }
0x51: {  	[tilespmem:s8+$0x80] =	vst v0;
	v0 =	vld [tilespmem:s8+$0x90]  }
0x52: {  	v2 =	vmul.f32 v3, v2;
	v3 =	vld [tilespmem:s22+$0x90]  }
0x53: {  	v7 =	vld [tilespmem:s8+$0xFFFFFF10]  }
0x54: {  	[tilespmem:s8+$0xFFFFFF80] =	vst v2;
	v2 =	vmul.f32 v5, v4;
	v4 =	vld [tilespmem:s8+$0xFFFFFF90]  }
0x55: {  	v5 =	vld [tilespmem:s22+$0xFFFFFF90];
	v1 =	vmul.f32 v1, v6  }
0x56: {  	[tilespmem:s8+$0x0] =	vst v2;
	v2 =	vld [tilespmem:s8+$0x10]  }
0x57: {  	v6 =	vld [tilespmem:s22+$0x10];
	[tilespmem:s8+$0xFFFFFF00] =	vst v1;
	v0 =	vmul.f32 v3, v0  }
0x58: {  	v1 =	vld [tilespmem:s22+$0xFFFFFF10]  }
0x59: {  	[tilespmem:s8+$0x90] =	vst v0;
	v0 =	vld [tilespmem:s8+$0xA0]  }
0x5a: {  	v3 =	vmul.f32 v5, v4;
	v4 =	vld [tilespmem:s22+$0xA0]  }
0x5b: {  	v5 =	vld [tilespmem:s8+$0xFFFFFF20]  }
0x5c: {  	[tilespmem:s8+$0xFFFFFF90] =	vst v3;
	v2 =	vmul.f32 v6, v2;
	v3 =	vld [tilespmem:s8+$0xFFFFFFA0]  }
0x5d: {  	v6 =	vld [tilespmem:s22+$0xFFFFFFA0];
	v1 =	vmul.f32 v1, v7  }
0x5e: {  	[tilespmem:s8+$0x10] =	vst v2;
	v2 =	vld [tilespmem:s8+$0x20]  }
0x5f: {  	v7 =	vld [tilespmem:s22+$0x20];
	[tilespmem:s8+$0xFFFFFF10] =	vst v1;
	v0 =	vmul.f32 v4, v0  }
0x60: {  	v1 =	vld [tilespmem:s22+$0xFFFFFF20]  }
0x61: {  	[tilespmem:s8+$0xA0] =	vst v0;
	v0 =	vld [tilespmem:s8+$0xB0]  }
0x62: {  	v3 =	vmul.f32 v6, v3;
	v4 =	vld [tilespmem:s22+$0xB0]  }
0x63: {  	v6 =	vld [tilespmem:s8+$0xFFFFFF30]  }
0x64: {  	[tilespmem:s8+$0xFFFFFFA0] =	vst v3;
	v2 =	vmul.f32 v7, v2;
	v3 =	vld [tilespmem:s8+$0xFFFFFFB0]  }
0x65: {  	v7 =	vld [tilespmem:s22+$0xFFFFFFB0];
	v1 =	vmul.f32 v1, v5  }
0x66: {  	[tilespmem:s8+$0x20] =	vst v2;
	v2 =	vld [tilespmem:s8+$0x30]  }
0x67: {  	v5 =	vld [tilespmem:s22+$0x30];
	[tilespmem:s8+$0xFFFFFF20] =	vst v1;
	v0 =	vmul.f32 v4, v0  }
0x68: {  	v1 =	vld [tilespmem:s22+$0xFFFFFF30]  }
0x69: {  	[tilespmem:s8+$0xB0] =	vst v0;
	v0 =	vld [tilespmem:s8+$0xC0]  }
0x6a: {  	v3 =	vmul.f32 v7, v3;
	v4 =	vld [tilespmem:s22+$0xC0]  }
0x6b: {  	v7 =	vld [tilespmem:s8+$0xFFFFFF40]  }
0x6c: {  	[tilespmem:s8+$0xFFFFFFB0] =	vst v3;
	v2 =	vmul.f32 v5, v2;
	v3 =	vld [tilespmem:s8+$0xFFFFFFC0]  }
0x6d: {  	v5 =	vld [tilespmem:s22+$0xFFFFFFC0];
	v1 =	vmul.f32 v1, v6  }
0x6e: {  	[tilespmem:s8+$0x30] =	vst v2;
	v2 =	vld [tilespmem:s8+$0x40]  }
0x6f: {  	v6 =	vld [tilespmem:s22+$0x40];
	[tilespmem:s8+$0xFFFFFF30] =	vst v1;
	v0 =	vmul.f32 v4, v0  }
0x70: {  	v1 =	vld [tilespmem:s22+$0xFFFFFF40]  }
0x71: {  	[tilespmem:s8+$0xC0] =	vst v0;
	v0 =	vld [tilespmem:s8+$0xD0]  }
0x72: {  	v3 =	vmul.f32 v5, v3;
	v4 =	vld [tilespmem:s22+$0xD0]  }
0x73: {  	v5 =	vld [tilespmem:s8+$0xFFFFFF50]  }
0x74: {  	[tilespmem:s8+$0xFFFFFFC0] =	vst v3;
	v2 =	vmul.f32 v6, v2;
	v3 =	vld [tilespmem:s8+$0xFFFFFFD0]  }
0x75: {  	v6 =	vld [tilespmem:s22+$0xFFFFFFD0];
	v1 =	vmul.f32 v1, v7  }
0x76: {  	[tilespmem:s8+$0x40] =	vst v2;
	v2 =	vld [tilespmem:s8+$0x50]  }
0x77: {  	v7 =	vld [tilespmem:s22+$0x50];
	[tilespmem:s8+$0xFFFFFF40] =	vst v1;
	v0 =	vmul.f32 v4, v0  }
0x78: {  	v1 =	vld [tilespmem:s22+$0xFFFFFF50]  }
0x79: {  	[tilespmem:s8+$0xD0] =	vst v0;
	v0 =	vld [tilespmem:s8+$0xE0]  }
0x7a: {  	v3 =	vmul.f32 v6, v3;
	v4 =	vld [tilespmem:s22+$0xE0]  }
0x7b: {  	v6 =	vld [tilespmem:s8+$0xFFFFFF60]  }
0x7c: {  	[tilespmem:s8+$0xFFFFFFD0] =	vst v3;
	v2 =	vmul.f32 v7, v2;
	v3 =	vld [tilespmem:s8+$0xFFFFFFE0]  }
0x7d: {  	v7 =	vld [tilespmem:s22+$0xFFFFFFE0];
	v1 =	vmul.f32 v1, v5  }
0x7e: {  	[tilespmem:s8+$0x50] =	vst v2;
	v2 =	vld [tilespmem:s8+$0x60]  }
0x7f: {  	v5 =	vld [tilespmem:s22+$0x60];
	[tilespmem:s8+$0xFFFFFF50] =	vst v1;
	v0 =	vmul.f32 v4, v0  }
0x80: {  	v4 =	vld [tilespmem:s22+$0xFFFFFF60]  }
0x81: {  	v8 =	vld [tilespmem:s8+$0xF0];
	[tilespmem:s8+$0xE0] =	vst v0  }
0x82: {  	v1 =	vmul.f32 v7, v3;
	v7 =	vld [tilespmem:s22+$0xF0]  }
0x83: {  	v0 =	vld [tilespmem:s8+$0xFFFFFF70]  }
0x84: {  	[tilespmem:s8+$0xFFFFFFE0] =	vst v1;
	v2 =	vmul.f32 v5, v2;
	v1 =	vld [tilespmem:s8+$0xFFFFFFF0]  }
0x85: {  	v3 =	vld [tilespmem:s22+$0xFFFFFFF0];
	v4 =	vmul.f32 v4, v6  }
0x86: {  	[tilespmem:s8+$0x60] =	vst v2;
	v2 =	vld [tilespmem:s8+$0x70]  }
0x87: {  	[tilespmem:s8+$0xFFFFFF60] =	vst v4;
	v4 =	vld [tilespmem:s22+$0x70];
	v6 =	vmul.f32 v7, v8  }
0x88: {  	s20 =	simm.s32 $0x0;
	s9 =	simm.s32 $0x13D80;
	v5 =	vld [tilespmem:s22+$0xFFFFFF70]  }
.LBB2_3:
0x89: {  	v7 =	vld [tilespmem:s9+$0x80];
	[tilespmem:s8+$0xF0] =	vst v6;
	s22 =	sadd.s32 $0x200, s22  }
0x8a: {  	s20 =	sadd.s32 $0x4, s20;
	v6 =	vld [tilespmem:s22+$0x80];
	v1 =	vmul.f32 v3, v1  }
0x8b: {  	p1 =	slt.u32 s20, $0x4C;
	v3 =	vld [tilespmem:s22+$0xFFFFFF00]  }
0x8c: {  	v8 =	vld [tilespmem:s9+$0xFFFFFF80];
	[tilespmem:s8+$0xFFFFFFF0] =	vst v1;
	v1 =	vmul.f32 v4, v2  }
0x8d: {  	v2 =	vld [tilespmem:s22+$0xFFFFFF80];
	v0 =	vmul.f32 v5, v0  }
0x8e: {  	v4 =	vld [tilespmem:s9+$0x0];
	[tilespmem:s8+$0x70] =	vst v1  }
0x8f: {  	v1 =	vld [tilespmem:s22+$0x0];
	v5 =	vmul.f32 v6, v7;
	[tilespmem:s8+$0xFFFFFF70] =	vst v0;
	s8 =	smov.u32 s9  }
0x90: {  	v0 =	vld [tilespmem:s9+$0xFFFFFF00]  }
0x91: {  	[tilespmem:s9+$0x80] =	vst v5;
	v5 =	vld [tilespmem:s9+$0x90]  }
0x92: {  	v2 =	vmul.f32 v2, v8;
	v6 =	vld [tilespmem:s22+$0x90]  }
0x93: {  	v7 =	vld [tilespmem:s9+$0xFFFFFF10]  }
0x94: {  	[tilespmem:s9+$0xFFFFFF80] =	vst v2;
	v2 =	vld [tilespmem:s9+$0xFFFFFF90];
	v1 =	vmul.f32 v1, v4  }
0x95: {  	v0 =	vmul.f32 v3, v0;
	v3 =	vld [tilespmem:s22+$0xFFFFFF90]  }
0x96: {  	[tilespmem:s9+$0x0] =	vst v1;
	v1 =	vld [tilespmem:s9+$0x10]  }
0x97: {  	[tilespmem:s9+$0xFFFFFF00] =	vst v0;
	v0 =	vld [tilespmem:s22+$0x10];
	v4 =	vmul.f32 v6, v5  }
0x98: {  	v5 =	vld [tilespmem:s22+$0xFFFFFF10]  }
0x99: {  	[tilespmem:s9+$0x90] =	vst v4;
	v4 =	vld [tilespmem:s9+$0xA0]  }
0x9a: {  	v2 =	vmul.f32 v3, v2;
	v3 =	vld [tilespmem:s22+$0xA0]  }
0x9b: {  	v6 =	vld [tilespmem:s9+$0xFFFFFF20]  }
0x9c: {  	[tilespmem:s9+$0xFFFFFF90] =	vst v2;
	v2 =	vld [tilespmem:s9+$0xFFFFFFA0];
	v0 =	vmul.f32 v0, v1  }
0x9d: {  	v1 =	vmul.f32 v5, v7;
	v5 =	vld [tilespmem:s22+$0xFFFFFFA0]  }
0x9e: {  	[tilespmem:s9+$0x10] =	vst v0;
	v0 =	vld [tilespmem:s9+$0x20]  }
0x9f: {  	[tilespmem:s9+$0xFFFFFF10] =	vst v1;
	v1 =	vld [tilespmem:s22+$0x20];
	v3 =	vmul.f32 v3, v4  }
0xa0: {  	v4 =	vld [tilespmem:s22+$0xFFFFFF20]  }
0xa1: {  	[tilespmem:s9+$0xA0] =	vst v3;
	v3 =	vld [tilespmem:s9+$0xB0]  }
0xa2: {  	v2 =	vmul.f32 v5, v2;
	v5 =	vld [tilespmem:s22+$0xB0]  }
0xa3: {  	v7 =	vld [tilespmem:s9+$0xFFFFFF30]  }
0xa4: {  	[tilespmem:s9+$0xFFFFFFA0] =	vst v2;
	v2 =	vld [tilespmem:s9+$0xFFFFFFB0];
	v0 =	vmul.f32 v1, v0  }
0xa5: {  	v1 =	vmul.f32 v4, v6;
	v4 =	vld [tilespmem:s22+$0xFFFFFFB0]  }
0xa6: {  	[tilespmem:s9+$0x20] =	vst v0;
	v0 =	vld [tilespmem:s9+$0x30]  }
0xa7: {  	[tilespmem:s9+$0xFFFFFF20] =	vst v1;
	v1 =	vld [tilespmem:s22+$0x30];
	v3 =	vmul.f32 v5, v3  }
0xa8: {  	v5 =	vld [tilespmem:s22+$0xFFFFFF30]  }
0xa9: {  	[tilespmem:s9+$0xB0] =	vst v3;
	v3 =	vld [tilespmem:s9+$0xC0]  }
0xaa: {  	v2 =	vmul.f32 v4, v2;
	v4 =	vld [tilespmem:s22+$0xC0]  }
0xab: {  	v6 =	vld [tilespmem:s9+$0xFFFFFF40]  }
0xac: {  	[tilespmem:s9+$0xFFFFFFB0] =	vst v2;
	v2 =	vld [tilespmem:s9+$0xFFFFFFC0];
	v0 =	vmul.f32 v1, v0  }
0xad: {  	v1 =	vmul.f32 v5, v7;
	v5 =	vld [tilespmem:s22+$0xFFFFFFC0]  }
0xae: {  	[tilespmem:s9+$0x30] =	vst v0;
	v0 =	vld [tilespmem:s9+$0x40]  }
0xaf: {  	[tilespmem:s9+$0xFFFFFF30] =	vst v1;
	v1 =	vld [tilespmem:s22+$0x40];
	v3 =	vmul.f32 v4, v3  }
0xb0: {  	v4 =	vld [tilespmem:s22+$0xFFFFFF40]  }
0xb1: {  	[tilespmem:s9+$0xC0] =	vst v3;
	v3 =	vld [tilespmem:s9+$0xD0]  }
0xb2: {  	v2 =	vmul.f32 v5, v2;
	v5 =	vld [tilespmem:s22+$0xD0]  }
0xb3: {  	v7 =	vld [tilespmem:s9+$0xFFFFFF50]  }
0xb4: {  	[tilespmem:s9+$0xFFFFFFC0] =	vst v2;
	v2 =	vld [tilespmem:s9+$0xFFFFFFD0];
	v0 =	vmul.f32 v1, v0  }
0xb5: {  	v1 =	vmul.f32 v4, v6;
	v4 =	vld [tilespmem:s22+$0xFFFFFFD0]  }
0xb6: {  	[tilespmem:s9+$0x40] =	vst v0;
	v0 =	vld [tilespmem:s9+$0x50]  }
0xb7: {  	[tilespmem:s9+$0xFFFFFF40] =	vst v1;
	v1 =	vld [tilespmem:s22+$0x50];
	v3 =	vmul.f32 v5, v3  }
0xb8: {  	v5 =	vld [tilespmem:s22+$0xFFFFFF50]  }
0xb9: {  	[tilespmem:s9+$0xD0] =	vst v3;
	v3 =	vld [tilespmem:s9+$0xE0]  }
0xba: {  	v2 =	vmul.f32 v4, v2;
	v4 =	vld [tilespmem:s22+$0xE0]  }
0xbb: {  	v6 =	vld [tilespmem:s9+$0xFFFFFF60]  }
0xbc: {  	[tilespmem:s9+$0xFFFFFFD0] =	vst v2;
	v2 =	vld [tilespmem:s9+$0xFFFFFFE0];
	v0 =	vmul.f32 v1, v0  }
0xbd: {  	v1 =	vmul.f32 v5, v7;
	v5 =	vld [tilespmem:s22+$0xFFFFFFE0]  }
0xbe: {  	[tilespmem:s9+$0x50] =	vst v0;
	v7 =	vld [tilespmem:s9+$0x60]  }
0xbf: {  	[tilespmem:s9+$0xFFFFFF50] =	vst v1;
	v8 =	vld [tilespmem:s22+$0x60];
	v0 =	vmul.f32 v4, v3  }
0xc0: {  	v3 =	vld [tilespmem:s22+$0xFFFFFF60]  }
0xc1: {  	[tilespmem:s9+$0xE0] =	vst v0;
	v9 =	vld [tilespmem:s9+$0xF0]  }
0xc2: {  	v1 =	vmul.f32 v5, v2;
	v5 =	vld [tilespmem:s22+$0xF0]  }
0xc3: {  	v0 =	vld [tilespmem:s9+$0xFFFFFF70]  }
.Ltmp0:
0xc4: {  	[tilespmem:s9+$0xFFFFFFE0] =	vst v1;
	v1 =	vld [tilespmem:s9+$0xFFFFFFF0];
	v2 =	vmul.f32 v8, v7;
	(pc) =	sbr.rel @p1 .LBB2_3-.Ltmp0, $4  }
0xc5: {  	v4 =	vmul.f32 v3, v6;
	v3 =	vld [tilespmem:s22+$0xFFFFFFF0]  }
0xc6: {  	[tilespmem:s9+$0x60] =	vst v2;
	v2 =	vld [tilespmem:s9+$0x70]  }
0xc7: {  	[tilespmem:s9+$0xFFFFFF60] =	vst v4;
	v4 =	vld [tilespmem:s22+$0x70];
	v6 =	vmul.f32 v5, v9  }
0xc8: {  	s9 =	sadd.s32 $0x200, s9;
	v5 =	vld [tilespmem:s22+$0xFFFFFF70]  }
0xc9: {  	_ =	sdelay $0x1  }
0xca: {  	v1 =	vmul.f32 v3, v1  }
0xcb: {  	[tilespmem:s8+$0xF0] =	vst v6;
	v2 =	vmul.f32 v4, v2  }
0xcc: {  	[tilespmem:s8+$0xFFFFFFF0] =	vst v1;
	v0 =	vmul.f32 v5, v0  }
0xcd: {  	s20 =	sshll.u32 s21, $0x1;
	[tilespmem:s8+$0x70] =	vst v2  }
0xce: {  	[tilespmem:s8+$0xFFFFFF70] =	vst v0;
	s8 =	sadd.s32 $0x2, s20  }
0xcf: {  	[spmem:s2] =	stream.indirect.scatter.add.f32 [tilespmem:s31], [sflag:$0x7], $0x80, s24, s30, $0xb8;
	[tilespmem:$0x1DA80] =	vst v63  }
0xd0: {  	s9 =	sshll.u32 s8, $0x7  }
0xd1: {  	s20 =	sand.u32 $0x7C00, s9  }
0xd2: {  	s9 =	sand.u32 $0x300, s9;
	s20 =	sadd.s32 s10, s20  }
0xd3: {  	_ =	swait.ge [sflag:s23], $0x2800;
	s9 =	sor.u32 s9, s20  }
0xd4: {  	[sflag:s23] =	ssyncset.done $0x0;
	s9 =	sshrl.u32 s9, $0x3  }
0xd5: {  	[sflag:s23] =	ssyncadd.s32 $0xFFFFD800;
	s22 =	sadd.s32 s6, s9  }
0xd6: {  	[tilespmem:s24], [sflag:$0x5] =	stream.linear.gather [hbm4b:s22+s3], $0x80, $0x38;
	[tilespmem:$0x1DA80] =	vst v63  }
0xd7: {  	s9 =	sadd.s32 s7, s9  }
0xd8: {  	[tilespmem:s25], [sflag:$0x5] =	stream.linear.gather [hbm4b:s9+s3], $0x80, $0x38;
	[tilespmem:$0x1DA80] =	vst v63  }
0xd9: {  	_ =	swait.ge [sflag:s29], $0x80  }
0xda: {  	[sflag:s29] =	ssyncset.done $0x0  }
0xdb: {  	s8 =	smul.u32 $0x2800, s8;
	[sflag:s29] =	ssyncadd.s32 $0xFFFFFF80  }
0xdc: {  	_ =	swait.ge [sflag:s29], $0x80  }
0xdd: {  	s8 =	sadd.s32 s15, s8;
	[sflag:s29] =	ssyncset.done $0x0  }
0xde: {  	s8 =	sshrl.u32 s8, $0x3;
	[sflag:s29] =	ssyncadd.s32 $0xFFFFFF80  }
0xdf: {  	[tilespmem:s31], [sflag:$0x1] =	stream.indirect.gather [hbm4b:s1+s30], $0x80, s25, s30, $0xb8;
	[tilespmem:$0x1DA80] =	vst v63  }
0xe0: {  	s8 =	sadd.s32 s5, s8  }
0xe1: {  	[tilespmem:s0], [sflag:$0x3] =	stream.linear.gather [hbm4b:s8+s3], $0x2800, $0x38;
	[tilespmem:$0x1DA80] =	vst v63  }
0xe2: {  	_ =	swait.ge [sflag:s16], $0x2800  }
0xe3: {  	[sflag:s16] =	ssyncset.done $0x0  }
0xe4: {  	[sflag:s16] =	ssyncadd.s32 $0xFFFFD800  }
0xe5: {  	_ =	swait.ge [sflag:s17], $0x2800  }
0xe6: {  	[sflag:s17] =	ssyncset.done $0x0  }
0xe7: {  	s8 =	simm.s32 $0x16380;
	[sflag:s17] =	ssyncadd.s32 $0xFFFFD800  }
0xe8: {  	s22 =	simm.s32 $0x1B380;
	v0 =	vld [tilespmem:s8+$0x80]  }
0xe9: {  	v1 =	vld [tilespmem:s22+$0x80]  }
0xea: {  	v2 =	vld [tilespmem:s8+$0xFFFFFF80]  }
0xeb: {  	v3 =	vld [tilespmem:s22+$0xFFFFFF80]  }
0xec: {  	v4 =	vld [tilespmem:s8+$0x0]  }
0xed: {  	v5 =	vld [tilespmem:s22+$0x0]  }
0xee: {  	v6 =	vld [tilespmem:s8+$0xFFFFFF00];
	v0 =	vmul.f32 v1, v0  }
0xef: {  	v1 =	vld [tilespmem:s22+$0xFFFFFF00]  }
0xf0: {  	[tilespmem:s8+$0x80] =	vst v0;
	v0 =	vld [tilespmem:s8+$0x90]  }
0xf1: {  	v2 =	vmul.f32 v3, v2;
	v3 =	vld [tilespmem:s22+$0x90]  }
0xf2: {  	v7 =	vld [tilespmem:s8+$0xFFFFFF10]  }
0xf3: {  	[tilespmem:s8+$0xFFFFFF80] =	vst v2;
	v2 =	vmul.f32 v5, v4;
	v4 =	vld [tilespmem:s8+$0xFFFFFF90]  }
0xf4: {  	v5 =	vld [tilespmem:s22+$0xFFFFFF90];
	v1 =	vmul.f32 v1, v6  }
0xf5: {  	[tilespmem:s8+$0x0] =	vst v2;
	v2 =	vld [tilespmem:s8+$0x10]  }
0xf6: {  	v6 =	vld [tilespmem:s22+$0x10];
	[tilespmem:s8+$0xFFFFFF00] =	vst v1;
	v0 =	vmul.f32 v3, v0  }
0xf7: {  	v1 =	vld [tilespmem:s22+$0xFFFFFF10]  }
0xf8: {  	[tilespmem:s8+$0x90] =	vst v0;
	v0 =	vld [tilespmem:s8+$0xA0]  }
0xf9: {  	v3 =	vmul.f32 v5, v4;
	v4 =	vld [tilespmem:s22+$0xA0]  }
0xfa: {  	v5 =	vld [tilespmem:s8+$0xFFFFFF20]  }
0xfb: {  	[tilespmem:s8+$0xFFFFFF90] =	vst v3;
	v2 =	vmul.f32 v6, v2;
	v3 =	vld [tilespmem:s8+$0xFFFFFFA0]  }
0xfc: {  	v6 =	vld [tilespmem:s22+$0xFFFFFFA0];
	v1 =	vmul.f32 v1, v7  }
0xfd: {  	[tilespmem:s8+$0x10] =	vst v2;
	v2 =	vld [tilespmem:s8+$0x20]  }
0xfe: {  	v7 =	vld [tilespmem:s22+$0x20];
	[tilespmem:s8+$0xFFFFFF10] =	vst v1;
	v0 =	vmul.f32 v4, v0  }
0xff: {  	v1 =	vld [tilespmem:s22+$0xFFFFFF20]  }
0x100: {  	[tilespmem:s8+$0xA0] =	vst v0;
	v0 =	vld [tilespmem:s8+$0xB0]  }
0x101: {  	v3 =	vmul.f32 v6, v3;
	v4 =	vld [tilespmem:s22+$0xB0]  }
0x102: {  	v6 =	vld [tilespmem:s8+$0xFFFFFF30]  }
0x103: {  	[tilespmem:s8+$0xFFFFFFA0] =	vst v3;
	v2 =	vmul.f32 v7, v2;
	v3 =	vld [tilespmem:s8+$0xFFFFFFB0]  }
0x104: {  	v7 =	vld [tilespmem:s22+$0xFFFFFFB0];
	v1 =	vmul.f32 v1, v5  }
0x105: {  	[tilespmem:s8+$0x20] =	vst v2;
	v2 =	vld [tilespmem:s8+$0x30]  }
0x106: {  	v5 =	vld [tilespmem:s22+$0x30];
	[tilespmem:s8+$0xFFFFFF20] =	vst v1;
	v0 =	vmul.f32 v4, v0  }
0x107: {  	v1 =	vld [tilespmem:s22+$0xFFFFFF30]  }
0x108: {  	[tilespmem:s8+$0xB0] =	vst v0;
	v0 =	vld [tilespmem:s8+$0xC0]  }
0x109: {  	v3 =	vmul.f32 v7, v3;
	v4 =	vld [tilespmem:s22+$0xC0]  }
0x10a: {  	v7 =	vld [tilespmem:s8+$0xFFFFFF40]  }
0x10b: {  	[tilespmem:s8+$0xFFFFFFB0] =	vst v3;
	v2 =	vmul.f32 v5, v2;
	v3 =	vld [tilespmem:s8+$0xFFFFFFC0]  }
0x10c: {  	v5 =	vld [tilespmem:s22+$0xFFFFFFC0];
	v1 =	vmul.f32 v1, v6  }
0x10d: {  	[tilespmem:s8+$0x30] =	vst v2;
	v2 =	vld [tilespmem:s8+$0x40]  }
0x10e: {  	v6 =	vld [tilespmem:s22+$0x40];
	[tilespmem:s8+$0xFFFFFF30] =	vst v1;
	v0 =	vmul.f32 v4, v0  }
0x10f: {  	v1 =	vld [tilespmem:s22+$0xFFFFFF40]  }
0x110: {  	[tilespmem:s8+$0xC0] =	vst v0;
	v0 =	vld [tilespmem:s8+$0xD0]  }
0x111: {  	v3 =	vmul.f32 v5, v3;
	v4 =	vld [tilespmem:s22+$0xD0]  }
0x112: {  	v5 =	vld [tilespmem:s8+$0xFFFFFF50]  }
0x113: {  	[tilespmem:s8+$0xFFFFFFC0] =	vst v3;
	v2 =	vmul.f32 v6, v2;
	v3 =	vld [tilespmem:s8+$0xFFFFFFD0]  }
0x114: {  	v6 =	vld [tilespmem:s22+$0xFFFFFFD0];
	v1 =	vmul.f32 v1, v7  }
0x115: {  	[tilespmem:s8+$0x40] =	vst v2;
	v2 =	vld [tilespmem:s8+$0x50]  }
0x116: {  	v7 =	vld [tilespmem:s22+$0x50];
	[tilespmem:s8+$0xFFFFFF40] =	vst v1;
	v0 =	vmul.f32 v4, v0  }
0x117: {  	v1 =	vld [tilespmem:s22+$0xFFFFFF50]  }
0x118: {  	[tilespmem:s8+$0xD0] =	vst v0;
	v0 =	vld [tilespmem:s8+$0xE0]  }
0x119: {  	v3 =	vmul.f32 v6, v3;
	v4 =	vld [tilespmem:s22+$0xE0]  }
0x11a: {  	v6 =	vld [tilespmem:s8+$0xFFFFFF60]  }
0x11b: {  	[tilespmem:s8+$0xFFFFFFD0] =	vst v3;
	v2 =	vmul.f32 v7, v2;
	v3 =	vld [tilespmem:s8+$0xFFFFFFE0]  }
0x11c: {  	v7 =	vld [tilespmem:s22+$0xFFFFFFE0];
	v1 =	vmul.f32 v1, v5  }
0x11d: {  	[tilespmem:s8+$0x50] =	vst v2;
	v2 =	vld [tilespmem:s8+$0x60]  }
0x11e: {  	v5 =	vld [tilespmem:s22+$0x60];
	[tilespmem:s8+$0xFFFFFF50] =	vst v1;
	v0 =	vmul.f32 v4, v0  }
0x11f: {  	v4 =	vld [tilespmem:s22+$0xFFFFFF60]  }
0x120: {  	v8 =	vld [tilespmem:s8+$0xF0];
	[tilespmem:s8+$0xE0] =	vst v0  }
0x121: {  	v1 =	vmul.f32 v7, v3;
	v7 =	vld [tilespmem:s22+$0xF0]  }
0x122: {  	v0 =	vld [tilespmem:s8+$0xFFFFFF70]  }
0x123: {  	[tilespmem:s8+$0xFFFFFFE0] =	vst v1;
	v2 =	vmul.f32 v5, v2;
	v1 =	vld [tilespmem:s8+$0xFFFFFFF0]  }
0x124: {  	v3 =	vld [tilespmem:s22+$0xFFFFFFF0];
	v4 =	vmul.f32 v4, v6  }
0x125: {  	[tilespmem:s8+$0x60] =	vst v2;
	v2 =	vld [tilespmem:s8+$0x70]  }
0x126: {  	[tilespmem:s8+$0xFFFFFF60] =	vst v4;
	v4 =	vld [tilespmem:s22+$0x70];
	v6 =	vmul.f32 v7, v8  }
0x127: {  	s20 =	simm.s32 $0x0;
	s9 =	simm.s32 $0x16580;
	v5 =	vld [tilespmem:s22+$0xFFFFFF70]  }
.LBB2_5:
0x128: {  	v7 =	vld [tilespmem:s9+$0x80];
	[tilespmem:s8+$0xF0] =	vst v6;
	s22 =	sadd.s32 $0x200, s22  }
0x129: {  	s20 =	sadd.s32 $0x4, s20;
	v6 =	vld [tilespmem:s22+$0x80];
	v1 =	vmul.f32 v3, v1  }
0x12a: {  	p1 =	slt.u32 s20, $0x4C;
	v3 =	vld [tilespmem:s22+$0xFFFFFF00]  }
0x12b: {  	v8 =	vld [tilespmem:s9+$0xFFFFFF80];
	[tilespmem:s8+$0xFFFFFFF0] =	vst v1;
	v1 =	vmul.f32 v4, v2  }
0x12c: {  	v2 =	vld [tilespmem:s22+$0xFFFFFF80];
	v0 =	vmul.f32 v5, v0  }
0x12d: {  	v4 =	vld [tilespmem:s9+$0x0];
	[tilespmem:s8+$0x70] =	vst v1  }
0x12e: {  	v1 =	vld [tilespmem:s22+$0x0];
	v5 =	vmul.f32 v6, v7;
	[tilespmem:s8+$0xFFFFFF70] =	vst v0;
	s8 =	smov.u32 s9  }
0x12f: {  	v0 =	vld [tilespmem:s9+$0xFFFFFF00]  }
0x130: {  	[tilespmem:s9+$0x80] =	vst v5;
	v5 =	vld [tilespmem:s9+$0x90]  }
0x131: {  	v2 =	vmul.f32 v2, v8;
	v6 =	vld [tilespmem:s22+$0x90]  }
0x132: {  	v7 =	vld [tilespmem:s9+$0xFFFFFF10]  }
0x133: {  	[tilespmem:s9+$0xFFFFFF80] =	vst v2;
	v2 =	vld [tilespmem:s9+$0xFFFFFF90];
	v1 =	vmul.f32 v1, v4  }
0x134: {  	v0 =	vmul.f32 v3, v0;
	v3 =	vld [tilespmem:s22+$0xFFFFFF90]  }
0x135: {  	[tilespmem:s9+$0x0] =	vst v1;
	v1 =	vld [tilespmem:s9+$0x10]  }
0x136: {  	[tilespmem:s9+$0xFFFFFF00] =	vst v0;
	v0 =	vld [tilespmem:s22+$0x10];
	v4 =	vmul.f32 v6, v5  }
0x137: {  	v5 =	vld [tilespmem:s22+$0xFFFFFF10]  }
0x138: {  	[tilespmem:s9+$0x90] =	vst v4;
	v4 =	vld [tilespmem:s9+$0xA0]  }
0x139: {  	v2 =	vmul.f32 v3, v2;
	v3 =	vld [tilespmem:s22+$0xA0]  }
0x13a: {  	v6 =	vld [tilespmem:s9+$0xFFFFFF20]  }
0x13b: {  	[tilespmem:s9+$0xFFFFFF90] =	vst v2;
	v2 =	vld [tilespmem:s9+$0xFFFFFFA0];
	v0 =	vmul.f32 v0, v1  }
0x13c: {  	v1 =	vmul.f32 v5, v7;
	v5 =	vld [tilespmem:s22+$0xFFFFFFA0]  }
0x13d: {  	[tilespmem:s9+$0x10] =	vst v0;
	v0 =	vld [tilespmem:s9+$0x20]  }
0x13e: {  	[tilespmem:s9+$0xFFFFFF10] =	vst v1;
	v1 =	vld [tilespmem:s22+$0x20];
	v3 =	vmul.f32 v3, v4  }
0x13f: {  	v4 =	vld [tilespmem:s22+$0xFFFFFF20]  }
0x140: {  	[tilespmem:s9+$0xA0] =	vst v3;
	v3 =	vld [tilespmem:s9+$0xB0]  }
0x141: {  	v2 =	vmul.f32 v5, v2;
	v5 =	vld [tilespmem:s22+$0xB0]  }
0x142: {  	v7 =	vld [tilespmem:s9+$0xFFFFFF30]  }
0x143: {  	[tilespmem:s9+$0xFFFFFFA0] =	vst v2;
	v2 =	vld [tilespmem:s9+$0xFFFFFFB0];
	v0 =	vmul.f32 v1, v0  }
0x144: {  	v1 =	vmul.f32 v4, v6;
	v4 =	vld [tilespmem:s22+$0xFFFFFFB0]  }
0x145: {  	[tilespmem:s9+$0x20] =	vst v0;
	v0 =	vld [tilespmem:s9+$0x30]  }
0x146: {  	[tilespmem:s9+$0xFFFFFF20] =	vst v1;
	v1 =	vld [tilespmem:s22+$0x30];
	v3 =	vmul.f32 v5, v3  }
0x147: {  	v5 =	vld [tilespmem:s22+$0xFFFFFF30]  }
0x148: {  	[tilespmem:s9+$0xB0] =	vst v3;
	v3 =	vld [tilespmem:s9+$0xC0]  }
0x149: {  	v2 =	vmul.f32 v4, v2;
	v4 =	vld [tilespmem:s22+$0xC0]  }
0x14a: {  	v6 =	vld [tilespmem:s9+$0xFFFFFF40]  }
0x14b: {  	[tilespmem:s9+$0xFFFFFFB0] =	vst v2;
	v2 =	vld [tilespmem:s9+$0xFFFFFFC0];
	v0 =	vmul.f32 v1, v0  }
0x14c: {  	v1 =	vmul.f32 v5, v7;
	v5 =	vld [tilespmem:s22+$0xFFFFFFC0]  }
0x14d: {  	[tilespmem:s9+$0x30] =	vst v0;
	v0 =	vld [tilespmem:s9+$0x40]  }
0x14e: {  	[tilespmem:s9+$0xFFFFFF30] =	vst v1;
	v1 =	vld [tilespmem:s22+$0x40];
	v3 =	vmul.f32 v4, v3  }
0x14f: {  	v4 =	vld [tilespmem:s22+$0xFFFFFF40]  }
0x150: {  	[tilespmem:s9+$0xC0] =	vst v3;
	v3 =	vld [tilespmem:s9+$0xD0]  }
0x151: {  	v2 =	vmul.f32 v5, v2;
	v5 =	vld [tilespmem:s22+$0xD0]  }
0x152: {  	v7 =	vld [tilespmem:s9+$0xFFFFFF50]  }
0x153: {  	[tilespmem:s9+$0xFFFFFFC0] =	vst v2;
	v2 =	vld [tilespmem:s9+$0xFFFFFFD0];
	v0 =	vmul.f32 v1, v0  }
0x154: {  	v1 =	vmul.f32 v4, v6;
	v4 =	vld [tilespmem:s22+$0xFFFFFFD0]  }
0x155: {  	[tilespmem:s9+$0x40] =	vst v0;
	v0 =	vld [tilespmem:s9+$0x50]  }
0x156: {  	[tilespmem:s9+$0xFFFFFF40] =	vst v1;
	v1 =	vld [tilespmem:s22+$0x50];
	v3 =	vmul.f32 v5, v3  }
0x157: {  	v5 =	vld [tilespmem:s22+$0xFFFFFF50]  }
0x158: {  	[tilespmem:s9+$0xD0] =	vst v3;
	v3 =	vld [tilespmem:s9+$0xE0]  }
0x159: {  	v2 =	vmul.f32 v4, v2;
	v4 =	vld [tilespmem:s22+$0xE0]  }
0x15a: {  	v6 =	vld [tilespmem:s9+$0xFFFFFF60]  }
0x15b: {  	[tilespmem:s9+$0xFFFFFFD0] =	vst v2;
	v2 =	vld [tilespmem:s9+$0xFFFFFFE0];
	v0 =	vmul.f32 v1, v0  }
0x15c: {  	v1 =	vmul.f32 v5, v7;
	v5 =	vld [tilespmem:s22+$0xFFFFFFE0]  }
0x15d: {  	[tilespmem:s9+$0x50] =	vst v0;
	v7 =	vld [tilespmem:s9+$0x60]  }
0x15e: {  	[tilespmem:s9+$0xFFFFFF50] =	vst v1;
	v8 =	vld [tilespmem:s22+$0x60];
	v0 =	vmul.f32 v4, v3  }
0x15f: {  	v3 =	vld [tilespmem:s22+$0xFFFFFF60]  }
0x160: {  	[tilespmem:s9+$0xE0] =	vst v0;
	v9 =	vld [tilespmem:s9+$0xF0]  }
0x161: {  	v1 =	vmul.f32 v5, v2;
	v5 =	vld [tilespmem:s22+$0xF0]  }
0x162: {  	v0 =	vld [tilespmem:s9+$0xFFFFFF70]  }
.Ltmp1:
0x163: {  	[tilespmem:s9+$0xFFFFFFE0] =	vst v1;
	v1 =	vld [tilespmem:s9+$0xFFFFFFF0];
	v2 =	vmul.f32 v8, v7;
	(pc) =	sbr.rel @p1 .LBB2_5-.Ltmp1, $4  }
0x164: {  	v4 =	vmul.f32 v3, v6;
	v3 =	vld [tilespmem:s22+$0xFFFFFFF0]  }
0x165: {  	[tilespmem:s9+$0x60] =	vst v2;
	v2 =	vld [tilespmem:s9+$0x70]  }
0x166: {  	[tilespmem:s9+$0xFFFFFF60] =	vst v4;
	v4 =	vld [tilespmem:s22+$0x70];
	v6 =	vmul.f32 v5, v9  }
0x167: {  	s9 =	sadd.s32 $0x200, s9;
	v5 =	vld [tilespmem:s22+$0xFFFFFF70]  }
0x168: {  	_ =	sdelay $0x1  }
0x169: {  	v1 =	vmul.f32 v3, v1  }
0x16a: {  	[tilespmem:s8+$0xF0] =	vst v6;
	v2 =	vmul.f32 v4, v2  }
0x16b: {  	[tilespmem:s8+$0xFFFFFFF0] =	vst v1;
	v0 =	vmul.f32 v5, v0  }
0x16c: {  	p1 =	seq.s32 s21, $0x3D;
	[tilespmem:s8+$0x70] =	vst v2  }
.Ltmp2:
0x16d: {  	[tilespmem:s8+$0xFFFFFF70] =	vst v0;
	(pc) =	sbr.rel @p1 .LBB2_8-.Ltmp2, $4  }
0x16e: {  	[spmem:s2] =	stream.indirect.scatter.add.f32 [tilespmem:s11], [sflag:$0x7], $0x80, s26, s30, $0xb8;
	[tilespmem:$0x1DA80] =	vst v63  }
0x16f: {  	_ =	swait.ge [sflag:s23], $0x2800  }
0x170: {  	[sflag:s23] =	ssyncset.done $0x0  }
0x171: {  	[sflag:s23] =	ssyncadd.s32 $0xFFFFD800  }
0x172: {  	s8 =	sshll.u32 s21, $0x8  }
0x173: {  	s8 =	sadd.s32 $0x180, s8  }
0x174: {  	s9 =	sand.u32 $0x7C00, s8  }
0x175: {  	s8 =	sand.u32 $0x380, s8;
	s9 =	sadd.s32 s10, s9  }
0x176: {  	s8 =	sor.u32 s8, s9  }
.Ltmp3:
0x177: {  	s8 =	sshrl.u32 s8, $0x3;
	(pc) =	sbr.rel .LBB2_2-.Ltmp3, $4  }
0x178: {  	s22 =	sadd.s32 s6, s8  }
0x179: {  	[tilespmem:s26], [sflag:$0x6] =	stream.linear.gather [hbm4b:s22+s3], $0x80, $0x38;
	[tilespmem:$0x1DA80] =	vst v63  }
0x17a: {  	s21 =	sadd.s32 $0x1, s21;
	s8 =	sadd.s32 s7, s8  }
0x17b: {  	[tilespmem:s28], [sflag:$0x6] =	stream.linear.gather [hbm4b:s8+s3], $0x80, $0x38;
	[tilespmem:$0x1DA80] =	vst v63  }
.LBB2_8:
0x17c: {  	_ =	swait.ge [sflag:s13], $0x2800  }
0x17d: {  	[sflag:s13] =	ssyncset.done $0x0  }
0x17e: {  	[sflag:s13] =	ssyncadd.s32 $0xFFFFD800  }
0x17f: {  	_ =	swait.ge [sflag:s14], $0x2800  }
0x180: {  	[sflag:s14] =	ssyncset.done $0x0  }
0x181: {  	s8 =	simm.s32 $0x13B80;
	[sflag:s14] =	ssyncadd.s32 $0xFFFFD800  }
0x182: {  	s21 =	simm.s32 $0x18B80;
	v0 =	vld [tilespmem:s8+$0x80]  }
0x183: {  	v1 =	vld [tilespmem:s21+$0x80]  }
0x184: {  	v2 =	vld [tilespmem:s8+$0xFFFFFF80]  }
0x185: {  	v3 =	vld [tilespmem:s21+$0xFFFFFF80]  }
0x186: {  	v4 =	vld [tilespmem:s8+$0x0]  }
0x187: {  	v5 =	vld [tilespmem:s21+$0x0]  }
0x188: {  	v6 =	vld [tilespmem:s8+$0xFFFFFF00];
	v0 =	vmul.f32 v1, v0  }
0x189: {  	v1 =	vld [tilespmem:s21+$0xFFFFFF00]  }
0x18a: {  	[tilespmem:s8+$0x80] =	vst v0;
	v0 =	vld [tilespmem:s8+$0x90]  }
0x18b: {  	v2 =	vmul.f32 v3, v2;
	v3 =	vld [tilespmem:s21+$0x90]  }
0x18c: {  	v7 =	vld [tilespmem:s8+$0xFFFFFF10]  }
0x18d: {  	[tilespmem:s8+$0xFFFFFF80] =	vst v2;
	v2 =	vmul.f32 v5, v4;
	v4 =	vld [tilespmem:s8+$0xFFFFFF90]  }
0x18e: {  	v5 =	vld [tilespmem:s21+$0xFFFFFF90];
	v1 =	vmul.f32 v1, v6  }
0x18f: {  	[tilespmem:s8+$0x0] =	vst v2;
	v2 =	vld [tilespmem:s8+$0x10]  }
0x190: {  	v6 =	vld [tilespmem:s21+$0x10];
	[tilespmem:s8+$0xFFFFFF00] =	vst v1;
	v0 =	vmul.f32 v3, v0  }
0x191: {  	v1 =	vld [tilespmem:s21+$0xFFFFFF10]  }
0x192: {  	[tilespmem:s8+$0x90] =	vst v0;
	v0 =	vld [tilespmem:s8+$0xA0]  }
0x193: {  	v3 =	vmul.f32 v5, v4;
	v4 =	vld [tilespmem:s21+$0xA0]  }
0x194: {  	v5 =	vld [tilespmem:s8+$0xFFFFFF20]  }
0x195: {  	[tilespmem:s8+$0xFFFFFF90] =	vst v3;
	v2 =	vmul.f32 v6, v2;
	v3 =	vld [tilespmem:s8+$0xFFFFFFA0]  }
0x196: {  	v6 =	vld [tilespmem:s21+$0xFFFFFFA0];
	v1 =	vmul.f32 v1, v7  }
0x197: {  	[tilespmem:s8+$0x10] =	vst v2;
	v2 =	vld [tilespmem:s8+$0x20]  }
0x198: {  	v7 =	vld [tilespmem:s21+$0x20];
	[tilespmem:s8+$0xFFFFFF10] =	vst v1;
	v0 =	vmul.f32 v4, v0  }
0x199: {  	v1 =	vld [tilespmem:s21+$0xFFFFFF20]  }
0x19a: {  	[tilespmem:s8+$0xA0] =	vst v0;
	v0 =	vld [tilespmem:s8+$0xB0]  }
0x19b: {  	v3 =	vmul.f32 v6, v3;
	v4 =	vld [tilespmem:s21+$0xB0]  }
0x19c: {  	v6 =	vld [tilespmem:s8+$0xFFFFFF30]  }
0x19d: {  	[tilespmem:s8+$0xFFFFFFA0] =	vst v3;
	v2 =	vmul.f32 v7, v2;
	v3 =	vld [tilespmem:s8+$0xFFFFFFB0]  }
0x19e: {  	v7 =	vld [tilespmem:s21+$0xFFFFFFB0];
	v1 =	vmul.f32 v1, v5  }
0x19f: {  	[tilespmem:s8+$0x20] =	vst v2;
	v2 =	vld [tilespmem:s8+$0x30]  }
0x1a0: {  	v5 =	vld [tilespmem:s21+$0x30];
	[tilespmem:s8+$0xFFFFFF20] =	vst v1;
	v0 =	vmul.f32 v4, v0  }
0x1a1: {  	v1 =	vld [tilespmem:s21+$0xFFFFFF30]  }
0x1a2: {  	[tilespmem:s8+$0xB0] =	vst v0;
	v0 =	vld [tilespmem:s8+$0xC0]  }
0x1a3: {  	v3 =	vmul.f32 v7, v3;
	v4 =	vld [tilespmem:s21+$0xC0]  }
0x1a4: {  	v7 =	vld [tilespmem:s8+$0xFFFFFF40]  }
0x1a5: {  	[tilespmem:s8+$0xFFFFFFB0] =	vst v3;
	v2 =	vmul.f32 v5, v2;
	v3 =	vld [tilespmem:s8+$0xFFFFFFC0]  }
0x1a6: {  	v5 =	vld [tilespmem:s21+$0xFFFFFFC0];
	v1 =	vmul.f32 v1, v6  }
0x1a7: {  	[tilespmem:s8+$0x30] =	vst v2;
	v2 =	vld [tilespmem:s8+$0x40]  }
0x1a8: {  	v6 =	vld [tilespmem:s21+$0x40];
	[tilespmem:s8+$0xFFFFFF30] =	vst v1;
	v0 =	vmul.f32 v4, v0  }
0x1a9: {  	v1 =	vld [tilespmem:s21+$0xFFFFFF40]  }
0x1aa: {  	[tilespmem:s8+$0xC0] =	vst v0;
	v0 =	vld [tilespmem:s8+$0xD0]  }
0x1ab: {  	v3 =	vmul.f32 v5, v3;
	v4 =	vld [tilespmem:s21+$0xD0]  }
0x1ac: {  	v5 =	vld [tilespmem:s8+$0xFFFFFF50]  }
0x1ad: {  	[tilespmem:s8+$0xFFFFFFC0] =	vst v3;
	v2 =	vmul.f32 v6, v2;
	v3 =	vld [tilespmem:s8+$0xFFFFFFD0]  }
0x1ae: {  	v6 =	vld [tilespmem:s21+$0xFFFFFFD0];
	v1 =	vmul.f32 v1, v7  }
0x1af: {  	[tilespmem:s8+$0x40] =	vst v2;
	v2 =	vld [tilespmem:s8+$0x50]  }
0x1b0: {  	v7 =	vld [tilespmem:s21+$0x50];
	[tilespmem:s8+$0xFFFFFF40] =	vst v1;
	v0 =	vmul.f32 v4, v0  }
0x1b1: {  	v1 =	vld [tilespmem:s21+$0xFFFFFF50]  }
0x1b2: {  	[tilespmem:s8+$0xD0] =	vst v0;
	v0 =	vld [tilespmem:s8+$0xE0]  }
0x1b3: {  	v3 =	vmul.f32 v6, v3;
	v4 =	vld [tilespmem:s21+$0xE0]  }
0x1b4: {  	v6 =	vld [tilespmem:s8+$0xFFFFFF60]  }
0x1b5: {  	[tilespmem:s8+$0xFFFFFFD0] =	vst v3;
	v2 =	vmul.f32 v7, v2;
	v3 =	vld [tilespmem:s8+$0xFFFFFFE0]  }
0x1b6: {  	v7 =	vld [tilespmem:s21+$0xFFFFFFE0];
	v1 =	vmul.f32 v1, v5  }
0x1b7: {  	[tilespmem:s8+$0x50] =	vst v2;
	v2 =	vld [tilespmem:s8+$0x60]  }
0x1b8: {  	v5 =	vld [tilespmem:s21+$0x60];
	[tilespmem:s8+$0xFFFFFF50] =	vst v1;
	v0 =	vmul.f32 v4, v0  }
0x1b9: {  	v4 =	vld [tilespmem:s21+$0xFFFFFF60]  }
0x1ba: {  	v8 =	vld [tilespmem:s8+$0xF0];
	[tilespmem:s8+$0xE0] =	vst v0  }
0x1bb: {  	v1 =	vmul.f32 v7, v3;
	v7 =	vld [tilespmem:s21+$0xF0]  }
0x1bc: {  	v0 =	vld [tilespmem:s8+$0xFFFFFF70]  }
0x1bd: {  	[tilespmem:s8+$0xFFFFFFE0] =	vst v1;
	v2 =	vmul.f32 v5, v2;
	v1 =	vld [tilespmem:s8+$0xFFFFFFF0]  }
0x1be: {  	v3 =	vld [tilespmem:s21+$0xFFFFFFF0];
	v4 =	vmul.f32 v4, v6  }
0x1bf: {  	[tilespmem:s8+$0x60] =	vst v2;
	v2 =	vld [tilespmem:s8+$0x70]  }
0x1c0: {  	[tilespmem:s8+$0xFFFFFF60] =	vst v4;
	v4 =	vld [tilespmem:s21+$0x70];
	v6 =	vmul.f32 v7, v8  }
0x1c1: {  	s20 =	simm.s32 $0x0;
	s9 =	simm.s32 $0x13D80;
	v5 =	vld [tilespmem:s21+$0xFFFFFF70]  }
.LBB2_9:
0x1c2: {  	v7 =	vld [tilespmem:s9+$0x80];
	[tilespmem:s8+$0xF0] =	vst v6;
	s21 =	sadd.s32 $0x200, s21  }
0x1c3: {  	s20 =	sadd.s32 $0x4, s20;
	v6 =	vld [tilespmem:s21+$0x80];
	v1 =	vmul.f32 v3, v1  }
0x1c4: {  	p1 =	slt.u32 s20, $0x4C;
	v3 =	vld [tilespmem:s21+$0xFFFFFF00]  }
0x1c5: {  	v8 =	vld [tilespmem:s9+$0xFFFFFF80];
	[tilespmem:s8+$0xFFFFFFF0] =	vst v1;
	v1 =	vmul.f32 v4, v2  }
0x1c6: {  	v2 =	vld [tilespmem:s21+$0xFFFFFF80];
	v0 =	vmul.f32 v5, v0  }
0x1c7: {  	v4 =	vld [tilespmem:s9+$0x0];
	[tilespmem:s8+$0x70] =	vst v1  }
0x1c8: {  	v1 =	vld [tilespmem:s21+$0x0];
	v5 =	vmul.f32 v6, v7;
	[tilespmem:s8+$0xFFFFFF70] =	vst v0;
	s8 =	smov.u32 s9  }
0x1c9: {  	v0 =	vld [tilespmem:s9+$0xFFFFFF00]  }
0x1ca: {  	[tilespmem:s9+$0x80] =	vst v5;
	v5 =	vld [tilespmem:s9+$0x90]  }
0x1cb: {  	v2 =	vmul.f32 v2, v8;
	v6 =	vld [tilespmem:s21+$0x90]  }
0x1cc: {  	v7 =	vld [tilespmem:s9+$0xFFFFFF10]  }
0x1cd: {  	[tilespmem:s9+$0xFFFFFF80] =	vst v2;
	v2 =	vld [tilespmem:s9+$0xFFFFFF90];
	v1 =	vmul.f32 v1, v4  }
0x1ce: {  	v0 =	vmul.f32 v3, v0;
	v3 =	vld [tilespmem:s21+$0xFFFFFF90]  }
0x1cf: {  	[tilespmem:s9+$0x0] =	vst v1;
	v1 =	vld [tilespmem:s9+$0x10]  }
0x1d0: {  	[tilespmem:s9+$0xFFFFFF00] =	vst v0;
	v0 =	vld [tilespmem:s21+$0x10];
	v4 =	vmul.f32 v6, v5  }
0x1d1: {  	v5 =	vld [tilespmem:s21+$0xFFFFFF10]  }
0x1d2: {  	[tilespmem:s9+$0x90] =	vst v4;
	v4 =	vld [tilespmem:s9+$0xA0]  }
0x1d3: {  	v2 =	vmul.f32 v3, v2;
	v3 =	vld [tilespmem:s21+$0xA0]  }
0x1d4: {  	v6 =	vld [tilespmem:s9+$0xFFFFFF20]  }
0x1d5: {  	[tilespmem:s9+$0xFFFFFF90] =	vst v2;
	v2 =	vld [tilespmem:s9+$0xFFFFFFA0];
	v0 =	vmul.f32 v0, v1  }
0x1d6: {  	v1 =	vmul.f32 v5, v7;
	v5 =	vld [tilespmem:s21+$0xFFFFFFA0]  }
0x1d7: {  	[tilespmem:s9+$0x10] =	vst v0;
	v0 =	vld [tilespmem:s9+$0x20]  }
0x1d8: {  	[tilespmem:s9+$0xFFFFFF10] =	vst v1;
	v1 =	vld [tilespmem:s21+$0x20];
	v3 =	vmul.f32 v3, v4  }
0x1d9: {  	v4 =	vld [tilespmem:s21+$0xFFFFFF20]  }
0x1da: {  	[tilespmem:s9+$0xA0] =	vst v3;
	v3 =	vld [tilespmem:s9+$0xB0]  }
0x1db: {  	v2 =	vmul.f32 v5, v2;
	v5 =	vld [tilespmem:s21+$0xB0]  }
0x1dc: {  	v7 =	vld [tilespmem:s9+$0xFFFFFF30]  }
0x1dd: {  	[tilespmem:s9+$0xFFFFFFA0] =	vst v2;
	v2 =	vld [tilespmem:s9+$0xFFFFFFB0];
	v0 =	vmul.f32 v1, v0  }
0x1de: {  	v1 =	vmul.f32 v4, v6;
	v4 =	vld [tilespmem:s21+$0xFFFFFFB0]  }
0x1df: {  	[tilespmem:s9+$0x20] =	vst v0;
	v0 =	vld [tilespmem:s9+$0x30]  }
0x1e0: {  	[tilespmem:s9+$0xFFFFFF20] =	vst v1;
	v1 =	vld [tilespmem:s21+$0x30];
	v3 =	vmul.f32 v5, v3  }
0x1e1: {  	v5 =	vld [tilespmem:s21+$0xFFFFFF30]  }
0x1e2: {  	[tilespmem:s9+$0xB0] =	vst v3;
	v3 =	vld [tilespmem:s9+$0xC0]  }
0x1e3: {  	v2 =	vmul.f32 v4, v2;
	v4 =	vld [tilespmem:s21+$0xC0]  }
0x1e4: {  	v6 =	vld [tilespmem:s9+$0xFFFFFF40]  }
0x1e5: {  	[tilespmem:s9+$0xFFFFFFB0] =	vst v2;
	v2 =	vld [tilespmem:s9+$0xFFFFFFC0];
	v0 =	vmul.f32 v1, v0  }
0x1e6: {  	v1 =	vmul.f32 v5, v7;
	v5 =	vld [tilespmem:s21+$0xFFFFFFC0]  }
0x1e7: {  	[tilespmem:s9+$0x30] =	vst v0;
	v0 =	vld [tilespmem:s9+$0x40]  }
0x1e8: {  	[tilespmem:s9+$0xFFFFFF30] =	vst v1;
	v1 =	vld [tilespmem:s21+$0x40];
	v3 =	vmul.f32 v4, v3  }
0x1e9: {  	v4 =	vld [tilespmem:s21+$0xFFFFFF40]  }
0x1ea: {  	[tilespmem:s9+$0xC0] =	vst v3;
	v3 =	vld [tilespmem:s9+$0xD0]  }
0x1eb: {  	v2 =	vmul.f32 v5, v2;
	v5 =	vld [tilespmem:s21+$0xD0]  }
0x1ec: {  	v7 =	vld [tilespmem:s9+$0xFFFFFF50]  }
0x1ed: {  	[tilespmem:s9+$0xFFFFFFC0] =	vst v2;
	v2 =	vld [tilespmem:s9+$0xFFFFFFD0];
	v0 =	vmul.f32 v1, v0  }
0x1ee: {  	v1 =	vmul.f32 v4, v6;
	v4 =	vld [tilespmem:s21+$0xFFFFFFD0]  }
0x1ef: {  	[tilespmem:s9+$0x40] =	vst v0;
	v0 =	vld [tilespmem:s9+$0x50]  }
0x1f0: {  	[tilespmem:s9+$0xFFFFFF40] =	vst v1;
	v1 =	vld [tilespmem:s21+$0x50];
	v3 =	vmul.f32 v5, v3  }
0x1f1: {  	v5 =	vld [tilespmem:s21+$0xFFFFFF50]  }
0x1f2: {  	[tilespmem:s9+$0xD0] =	vst v3;
	v3 =	vld [tilespmem:s9+$0xE0]  }
0x1f3: {  	v2 =	vmul.f32 v4, v2;
	v4 =	vld [tilespmem:s21+$0xE0]  }
0x1f4: {  	v6 =	vld [tilespmem:s9+$0xFFFFFF60]  }
0x1f5: {  	[tilespmem:s9+$0xFFFFFFD0] =	vst v2;
	v2 =	vld [tilespmem:s9+$0xFFFFFFE0];
	v0 =	vmul.f32 v1, v0  }
0x1f6: {  	v1 =	vmul.f32 v5, v7;
	v5 =	vld [tilespmem:s21+$0xFFFFFFE0]  }
0x1f7: {  	[tilespmem:s9+$0x50] =	vst v0;
	v7 =	vld [tilespmem:s9+$0x60]  }
0x1f8: {  	[tilespmem:s9+$0xFFFFFF50] =	vst v1;
	v8 =	vld [tilespmem:s21+$0x60];
	v0 =	vmul.f32 v4, v3  }
0x1f9: {  	v3 =	vld [tilespmem:s21+$0xFFFFFF60]  }
0x1fa: {  	[tilespmem:s9+$0xE0] =	vst v0;
	v9 =	vld [tilespmem:s9+$0xF0]  }
0x1fb: {  	v1 =	vmul.f32 v5, v2;
	v5 =	vld [tilespmem:s21+$0xF0]  }
0x1fc: {  	v0 =	vld [tilespmem:s9+$0xFFFFFF70]  }
.Ltmp4:
0x1fd: {  	[tilespmem:s9+$0xFFFFFFE0] =	vst v1;
	v1 =	vld [tilespmem:s9+$0xFFFFFFF0];
	v2 =	vmul.f32 v8, v7;
	(pc) =	sbr.rel @p1 .LBB2_9-.Ltmp4, $4  }
0x1fe: {  	v4 =	vmul.f32 v3, v6;
	v3 =	vld [tilespmem:s21+$0xFFFFFFF0]  }
0x1ff: {  	[tilespmem:s9+$0x60] =	vst v2;
	v2 =	vld [tilespmem:s9+$0x70]  }
0x200: {  	[tilespmem:s9+$0xFFFFFF60] =	vst v4;
	v4 =	vld [tilespmem:s21+$0x70];
	v6 =	vmul.f32 v5, v9  }
0x201: {  	s9 =	sadd.s32 $0x200, s9;
	v5 =	vld [tilespmem:s21+$0xFFFFFF70]  }
0x202: {  	_ =	sdelay $0x1  }
0x203: {  	v1 =	vmul.f32 v3, v1  }
0x204: {  	[tilespmem:s8+$0xF0] =	vst v6;
	v2 =	vmul.f32 v4, v2  }
0x205: {  	[tilespmem:s8+$0xFFFFFFF0] =	vst v1;
	v0 =	vmul.f32 v5, v0  }
0x206: {  	[tilespmem:s8+$0x70] =	vst v2  }
0x207: {  	[tilespmem:s8+$0xFFFFFF70] =	vst v0  }
0x208: {  	[spmem:s2] =	stream.indirect.scatter.add.f32 [tilespmem:s31], [sflag:$0x7], $0x80, s24, s30, $0xb8;
	[tilespmem:$0x1DA80] =	vst v63  }
0x209: {  	_ =	swait.ge [sflag:s23], $0x2800  }
0x20a: {  	[sflag:s23] =	ssyncset.done $0x0  }
0x20b: {  	[sflag:s23] =	ssyncadd.s32 $0xFFFFD800  }
0x20c: {  	[bflag:$0x0] =	sbarrier.arrive $0xFFFF  }
0x20d: {  	s20 =	rddreg [dreg:$0x5]  }
0x20e: {  	s9 =	rddreg [dreg:$0xc]  }
0x20f: {  	s21 =	rddreg [dreg:$0xf]  }
0x210: {  	[hbm:s9], [sflag:s20] =	dma.local [spmem:s21], $0x2700  }
0x211: {  	_ =	swait.ge [sflag:s23], $0x2700  }
0x212: {  	[sflag:s23] =	ssyncset.done $0x0;
	s8 =	rddreg [dreg:$0xd]  }
0x213: {  	s9 =	rddreg [dreg:$0x10];
	[sflag:s23] =	ssyncadd.s32 $0xFFFFD900  }
0x214: {  	[hbm:s8], [sflag:s20] =	dma.local @!p0 [spmem:s9], $0x100  }
0x215: {  	s8 =	simm.s32 @!p0 $0x7  }
0x216: {  	_ =	swait.ge @!p0 [sflag:s8], $0x100  }
0x217: {  	s19 =	sadd.s32 $0x1, s19;
	s22 =	rddreg [dreg:$0xe]  }
0x218: {  	p1 =	sne.s32 s19, s22  }
.Ltmp5:
0x219: {  	_ = 	snop;
	(pc) =	sbr.rel @p1 .LBB2_1-.Ltmp5, $3  }
0x21a: {  	_ =	sdelay $0x1  }
0x21b: {  	[sflag:s8] =	ssyncset.done @!p0 $0x0  }
0x21c: {  	[sflag:s8] =	ssyncadd.s32 @!p0 $0xFFFFFF00  }
0x21d: {  	_ =	sfence.sel $0x180000  }
0x21e: {  	[bflag:$0x0] =	sbarrier.arrive $0xFFFF  }
0x21f: {  	_ =	strace $0x90000047  }
0x220: {  	s0 =	stileid.u32;
	[bflag:$0x2] =	sbarrier.arrive $0xFFFF  }
0x221: {  	p0 =	sne.s32 s0, $0x0;
	s0 =	rddreg [dreg:$0x3]  }
0x222: {  	s0 =	sadd.s32 @!p0 $0x100000, s0  }
0x223: {  	[sflag:s0] =	ssyncadd.tile.s32 @!p0 $0x1;
	_ =	shalt  }
.Lfunc_end2:
_tile_overlayer_lowered:
.L_overlay_start_2:
0x224: {  	(tag) =	ssettag $0x2  }
0x225: {  	s0 =	rddreg [dreg:$0x0];
	s2 =	stileid.u32  }
0x226: {  	s1 =	rddreg [dreg:$0x1];
	p0 =	sne.s32 s2, $0x0  }
0x227: {  	s3 =	rddreg [dreg:$0x2];
	[bflag:$0x3] =	sbarrier.arrive $0xFFFF;
	s2 =	simm.s32 @!p0 $0x1C07  }
0x228: {  	[timem:s3], [sflag:s2] =	dma.local @!p0 [hbm:s0], s1  }
0x229: {  	s0 =	simm.s32 @!p0 $0x7  }
0x22a: {  	_ =	swait.ge @!p0 [sflag:s0], s1  }
0x22b: {  	s1 =	ssub.s32 @!p0 $0x0, s1;
	[sflag:s0] =	ssyncset.done @!p0 $0x0  }
0x22c: {  	[sflag:s0] =	ssyncadd.s32 @!p0 s1  }
0x22d: {  	[bflag:$0x3] =	sbarrier.arrive $0xFFFF  }
0x22e: {  	_ =	shalt  }

// kernel: kernel.15.cloned.1.call-start
scs
__scs_entry_jumppad:
0x0: {  	(pc) =	sbr.rel $0x88, $3  }
0x1: {  	(tag) =	ssettag $0x0;
	lr =	simm.s32 $0x1  }
0x2: {  	[smem:$0x3F93] =	sst lr;
	_ =	strace $0xD0000000  }
0x3: {  	_ = 	snop  }
0x4: {  	_ = 	snop  }
0x5: {  	_ = 	snop  }
0x6: {  	_ = 	snop  }
0x7: {  	_ = 	snop  }
__scs_overlays_trampoline_lowered:
0x8: {  	[smem:$0x3FA2] =	sst s0  }
0x9: {  	[smem:$0x3FA3] =	sst s1  }
0xa: {  	[smem:$0x3FA4] =	sst s2  }
0xb: {  	[smem:$0x3FA5] =	sst s3  }
0xc: {  	[smem:$0x3FA6] =	sst s4  }
0xd: {  	[smem:$0x3FA7] =	sst s5  }
0xe: {  	[smem:$0x3FA8] =	sst s6  }
0xf: {  	[smem:$0x3FA9] =	sst s7  }
0x10: {  	[smem:$0x3FAA] =	sst s8  }
0x11: {  	[smem:$0x3FAB] =	sst s9;
	s0 =	simm.s32 @!p0 $0x0  }
0x12: {  	s1 =	sld [smem:$0x3F91];
	s0 =	simm.s32 @p0 $0x1  }
0x13: {  	[smem:$0x3FAC] =	sst s0;
	s0 =	simm.s32 @!p1 $0x0  }
0x14: {  	s2 =	sld [smem:$0x3F90];
	s0 =	simm.s32 @p1 $0x1  }
0x15: {  	[smem:$0x3FAD] =	sst s0;
	s0 =	simm.s32 @!p2 $0x0  }
0x16: {  	s3 =	sld [smem:$0x3FDB];
	s0 =	simm.s32 @p2 $0x1  }
0x17: {  	s4 =	simm.s32 $0x1BF5;
	[smem:$0x3FAF] =	sst s0  }
0x18: {  	s0 =	sld [smem:$0x3F92];
	_ =	swait.ge [sflag:s4], $0x0  }
0x19: {  	s7 =	sld [smem:$0x3F93]  }
0x1a: {  	s8 =	sadd.s32 $0xFFFFE003, lr  }
0x1b: {  	s9 =	sadd.s32 $0xFFFFFEF7, lr;
	s5 =	simm.s32 $0xFFFFFFFF;
	p2 =	slt.u32 s8, $0xFFFFF086  }
0x1c: {  	p1 =	slt.u32 s9, $0xF7A;
	s5 =	simm.s32 @!p2 $0x0  }
0x1d: {  	s5 =	simm.s32 @p1 $0x1;
	p0 =	seq.s32 s7, s2  }
0x1e: {  	s7 =	smul.u32 @!p0 $0xF7A, s2;
	p2 =	seq.s32 @!p0 s5, $0x0  }
0x1f: {  	s9 =	smul.u32 $0xF7A, s1;
	s8 =	simm.s32 @!p0 $0x1BF5;
	p2 =	por !p2, p0  }
0x20: {  	[sflag:s8] =	ssyncset.s32 @!p0 $0xFFFFF086;
	s6 =	sadd.s32 @!p0 s3, s7;
	s7 =	simm.s32 @!p0 $0x108  }
0x21: {  	s3 =	sadd.s32 s3, s9;
	s6 =	sadd.s32 @!p0 $0x88, s6;
	s7 =	simm.s32 @p2 $0x1082  }
0x22: {  	[simem:s7], [sflag:s8] =	dma.local @!p0 [hbm:s6], $0xF7A  }
0x23: {  	s9 =	sor.u32 $0xD0000000, s2;
	s6 =	simm.s32 $0x108;
	_ =	swait.ge @!p0 [sflag:s8], $0x0  }
0x24: {  	s3 =	sadd.s32 $0x88, s3;
	s6 =	simm.s32 @!p1 $0x1082;
	[sflag:s4] =	ssyncset.s32 $0xFFFFF086  }
0x25: {  	[simem:s6], [sflag:s4] =	dma.local [hbm:s3], $0xF7A  }
0x26: {  	[smem:$0x3F93] =	sst s1;
	(tag) =	ssettag s2;
	_ =	strace s9  }
0x27: {  	s1 =	sld [smem:$0x3FA3]  }
0x28: {  	s2 =	sld [smem:$0x3FA4]  }
0x29: {  	s4 =	sld [smem:$0x3FA6]  }
0x2a: {  	p0 =	seq.s32 s5, $0x0;
	s5 =	sld [smem:$0x3FA7]  }
0x2b: {  	s6 =	sld [smem:$0x3FA8]  }
0x2c: {  	s7 =	sld [smem:$0x3FA9]  }
0x2d: {  	s3 =	simm.s32 $0x108;
	s8 =	sld [smem:$0x3FAA]  }
0x2e: {  	s3 =	simm.s32 @!p0 $0x1082;
	s9 =	sld [smem:$0x3FAB]  }
0x2f: {  	lr =	sadd.s32 s0, s3;
	s0 =	sld [smem:$0x3FA2]  }
0x30: {  	s3 =	sld [smem:$0x3FA5]  }
0x31: {  	[smem:$0x3FAE] =	sst s10  }
0x32: {  	s10 =	sld [smem:$0x3FAC];
	_ =	sdelay $0x3  }
0x33: {  	p0 =	seq.s32 s10, $0x1;
	s10 =	sld [smem:$0x3FAE];
	_ =	sdelay $0x3  }
0x34: {  	[smem:$0x3FAE] =	sst s10  }
0x35: {  	s10 =	sld [smem:$0x3FAD];
	_ =	sdelay $0x3  }
0x36: {  	p1 =	seq.s32 s10, $0x1;
	s10 =	sld [smem:$0x3FAE];
	_ =	sdelay $0x3  }
0x37: {  	[smem:$0x3FAE] =	sst s10  }
0x38: {  	s10 =	sld [smem:$0x3FAF]  }
0x39: {  	_ = 	snop;
	(pc) =	sbr.ind lr, $3  }
0x3a: {  	_ = 	snop  }
0x3b: {  	_ = 	snop  }
0x3c: {  	p2 =	seq.s32 s10, $0x1;
	s10 =	sld [smem:$0x3FAE]  }
0x3d: {  	_ =	shalt  }
0x3e: {  	_ =	shalt  }
0x3f: {  	_ =	shalt  }
0x40: {  	_ =	shalt  }
0x41: {  	_ =	shalt  }
0x42: {  	_ =	shalt  }
0x43: {  	_ =	shalt  }
0x44: {  	_ =	shalt  }
0x45: {  	_ =	shalt  }
0x46: {  	_ =	shalt  }
0x47: {  	_ =	shalt  }
0x48: {  	_ =	shalt  }
0x49: {  	_ =	shalt  }
0x4a: {  	_ =	shalt  }
0x4b: {  	_ =	shalt  }
0x4c: {  	_ =	shalt  }
0x4d: {  	_ =	shalt  }
0x4e: {  	_ =	shalt  }
0x4f: {  	_ =	shalt  }
0x50: {  	_ =	shalt  }
0x51: {  	_ =	shalt  }
0x52: {  	_ =	shalt  }
0x53: {  	_ =	shalt  }
0x54: {  	_ =	shalt  }
0x55: {  	_ =	shalt  }
0x56: {  	_ =	shalt  }
0x57: {  	_ =	shalt  }
0x58: {  	_ =	shalt  }
0x59: {  	_ =	shalt  }
0x5a: {  	_ =	shalt  }
0x5b: {  	_ =	shalt  }
0x5c: {  	_ =	shalt  }
0x5d: {  	_ =	shalt  }
0x5e: {  	_ =	shalt  }
0x5f: {  	_ =	shalt  }
0x60: {  	_ =	shalt  }
0x61: {  	_ =	shalt  }
0x62: {  	_ =	shalt  }
0x63: {  	_ =	shalt  }
0x64: {  	_ =	shalt  }
0x65: {  	_ =	shalt  }
0x66: {  	_ =	shalt  }
0x67: {  	_ =	shalt  }
0x68: {  	_ =	shalt  }
0x69: {  	_ =	shalt  }
0x6a: {  	_ =	shalt  }
0x6b: {  	_ =	shalt  }
0x6c: {  	_ =	shalt  }
0x6d: {  	_ =	shalt  }
0x6e: {  	_ =	shalt  }
0x6f: {  	_ =	shalt  }
0x70: {  	_ =	shalt  }
0x71: {  	_ =	shalt  }
0x72: {  	_ =	shalt  }
0x73: {  	_ =	shalt  }
0x74: {  	_ =	shalt  }
0x75: {  	_ =	shalt  }
0x76: {  	_ =	shalt  }
0x77: {  	_ =	shalt  }
0x78: {  	_ =	shalt  }
0x79: {  	_ =	shalt  }
0x7a: {  	_ =	shalt  }
0x7b: {  	_ =	shalt  }
0x7c: {  	_ =	shalt  }
0x7d: {  	_ =	shalt  }
0x7e: {  	_ =	shalt  }
0x7f: {  	_ =	shalt  }
0x80: {  	_ =	shalt  }
0x81: {  	_ =	shalt  }
0x82: {  	_ =	shalt  }
0x83: {  	_ =	shalt  }
0x84: {  	_ =	shalt  }
0x85: {  	_ =	shalt  }
0x86: {  	_ =	shalt  }
0x87: {  	_ =	shalt  }
.Lfunc_end0:
.L_simem_size_0:
called_computation.1_lowered:
.L_overlay_start_0:
0x88: {  	s2 =	sld [smem:$0x3FD9]  }
0x89: {  	s3 =	sld [smem:$0x3FFE];
	_ =	sdelay $0x1  }
0x8a: {  	s1 =	srdreg.scid  }
0x8b: {  	s0 =	sand.u32 $0x1, s1  }
0x8c: {  	s17 =	sshll.u32 s0, $0xA;
	s2 =	sadd.s32 s3, s2  }
0x8d: {  	s2 =	sadd.s32 s2, s17  }
0x8e: {  	[smem:$0x3FBA] =	sst s2  }
0x8f: {  	_ = 	snop  }
0x90: {  	s2 =	sld [smem:$0x3FD0];
	(tm) =	ssettm $0x1  }
0x91: {  	s18 =	sld [smem:$0x3FFB];
	_ =	sdelay $0x3  }
0x92: {  	_ =	strace s18  }
0x93: {  	s3 =	sld [smem:$0x3FFC];
	_ =	sdelay $0x3  }
0x94: {  	_ =	strace s3  }
0x95: {  	s3 =	sld [smem:$0x3FFD];
	_ =	sdelay $0x3  }
0x96: {  	_ =	strace s3  }
0x97: {  	_ =	strace $0x8FFFFFFF  }
0x98: {  	s19 =	sld [smem:$0x3FDB];
	_ =	sdelay $0x1  }
0x99: {  	s4 =	simm.s32 $_scs_section_size  }
0x9a: {  	s5 =	simm.s32 $_size__tile_overlayer_lowered;
	s6 =	simm.s32 $_tile_overlayer_lowered  }
0x9b: {  	s22 =	simm.s32 $0x1BFF;
	s21 =	sshll.u32 s6, $0x1;
	s3 =	sadd.s32 s4, s19  }
0x9c: {  	s7 =	simm.s32 $0x0;
	s20 =	sshll.u32 s5, $0x1;
	s5 =	sadd.s32 s21, s3  }
0x9d: {  	[timem:s7], [sflag:s22] =	dma.local [hbm:s5], s20  }
0x9e: {  	_ =	swait.ge [sflag:s22], s20  }
0x9f: {  	s4 =	ssub.s32 $0x0, s20;
	[sflag:s22] =	ssyncset.done $0x0  }
0xa0: {  	[sflag:s22] =	ssyncadd.s32 s4;
	_ =	sdelay $0x1  }
0xa1: {  	s23 =	simm.s32 $0x1B8B  }
0xa2: {  	_ =	swait.ge [sflag:s23], $0x1  }
0xa3: {  	[sflag:s23] =	ssyncset.done $0x0  }
0xa4: {  	s25 =	simm.s32 $0x1B8E;
	s24 =	sld [smem:$0x3FFE];
	[sflag:s23] =	ssyncadd.s32 $0xFFFFFFFF  }
0xa5: {  	s26 =	simm.s32 $execute0_lowered;
	[smem:$0x3FD2] =	sst s25  }
0xa6: {  	s5 =	sshll.u32 s26, $0x1;
	_ =	strace $0x80000049;
	[dreg:$0x1] =	wrdreg $0xFFFFFFFF  }
0xa7: {  	s28 =	simm.s32 $_size_execute0_lowered;
	s3 =	sadd.s32 s3, s5;
	[dreg:$0x0] =	wrdreg $0x0  }
0xa8: {  	s5 =	sshll.u32 s28, $0x1;
	[dreg:$0x2] =	wrdreg s3  }
0xa9: {  	[dreg:$0x3] =	wrdreg s5  }
0xaa: {  	[dreg:$0x4] =	wrdreg $0xC0  }
0xab: {  	_ =	task [dreg:s7], $0x5FFFF  }
0xac: {  	[dreg:$0x1] =	wrdreg $0xFFFFFFFF  }
0xad: {  	[dreg:$0x0] =	wrdreg $0x60  }
0xae: {  	[dreg:$0x2] =	wrdreg s2  }
0xaf: {  	[dreg:$0x3] =	wrdreg s24  }
0xb0: {  	[dreg:$0x4] =	wrdreg $0x0  }
0xb1: {  	[dreg:$0x5] =	wrdreg $0x9  }
0xb2: {  	_ =	task.clear_ibuf [dreg:s7], $0x6FFFF;
	_ =	strace $0x90000049  }
0xb3: {  	s29 =	simm.s32 $0x9;
	_ =	strace $0x8000004B  }
0xb4: {  	_ =	swait.ge [sflag:s29], $0x1  }
0xb5: {  	[sflag:s29] =	ssyncadd.s32 $0xFFFFFFFF  }
0xb6: {  	_ =	strace $0x9000004B  }
0xb7: {  	_ =	sfence  }
0xb8: {  	s30 =	sld [smem:$0x0];
	_ =	sdelay $0x2  }
0xb9: {  	s31 =	sshll.u32 s1, $0xD;
	s1 =	sshrl.u32 s1, $0x2  }
0xba: {  	s3 =	sand.u32 $0x4000, s31;
	s1 =	sadd.s32 s1, s30  }
0xbb: {  	s0 =	sor.u32 s3, s0;
	s1 =	sshll.u32 s1, $0x11  }
0xbc: {  	s0 =	sor.u32 s1, s0  }
0xbd: {  	s0 =	sadd.s32 $0x8F2B, s0  }
0xbe: {  	[sflag:s0] =	ssyncadd.remote.s32 $0x1  }
0xbf: {  	_ =	sfence.sel $0xFFFF  }
0xc0: {  	[dreg:$0x0] =	wrdreg $0xFFFFFFFF;
	(pc) =	sbr.abs _section_cstart, $3  }
0xc1: {  	[dreg:$0x1] =	wrdreg $0xFFFFFFFF  }
0xc2: {  	_ =	task.clear_ibuf [dreg:s7], $0x2FFFF;
	_ =	strace $0x9FFFFFFF  }
0xc3: {  	(tm) =	ssettm $0x7FFFFFFF  }
tec
execute0_lowered:
.L_overlay_start_1:
0x0: {  	(tag) =	ssettag $0x1  }
0x1: {  	s1 =	rddreg [dreg:$0x0]  }
0x2: {  	s0 =	rddreg [dreg:$0x1]  }
0x3: {  	s2 =	rddreg [dreg:$0x2]  }
0x4: {  	s3 =	simm.s32 $0x0;
	s4 =	srdreg.scid;
	s17 =	stileid.u32  }
0x5: {  	s28 =	simm.s32 $0x13A00;
	s30 =	simm.s32 $0x50;
	s31 =	simm.s32 $0x13A80  }
0x6: {  	s29 =	simm.s32 $0x5;
	s5 =	sadd.s32 $0xA65800, s0;
	s6 =	sadd.s32 $0x4EB400, s0  }
0x7: {  	[smem:$0x7FF] =	sst s3;
	s8 =	smul.u32 $0x4E000, s17;
	s7 =	sadd.s32 $0x4FB400, s0  }
0x8: {  	s4 =	sand.u32 $0x1, s4;
	s9 =	sadd.s32 $0xA14E00, s0;
	s0 =	sadd.s32 $0x50BC00, s0  }
0x9: {  	s14 =	sshll.u32 s17, $0x6;
	s12 =	sshll.u32 s17, $0xE;
	s15 =	smul.u32 $0x138800, s17  }
0xa: {  	s16 =	sadd.s32 $0x138000, s2;
	p0 =	sne.s32 s17, $0xF;
	_ =	strace $0x8000004A  }
0xb: {  	[dreg:$0x4] =	wrdreg s9;
	s13 =	ssub.s32 $0x2, s4;
	s11 =	sshll.u32 s4, $0x12  }
0xc: {  	s20 =	sor.u32 $0x1C07, s14;
	[dreg:$0x6] =	wrdreg s16;
	s16 =	smul.u32 $0x13800, s17  }
0xd: {  	s17 =	simm.s32 $0x4;
	s10 =	sshrl.u32 s13, $0x1;
	s8 =	sshrl.u32 s8, $0x2  }
0xe: {  	[dreg:$0x5] =	wrdreg s20;
	s9 =	ssub.s32 s13, s10;
	s10 =	sor.u32 s12, s11  }
0xf: {  	s8 =	sadd.s32 s8, s2;
	s13 =	smul.u32 $0x1388000, s4;
	s18 =	sshrl.u32 s10, $0x3  }
0x10: {  	s4 =	smul.u32 $0x138800, s4;
	s26 =	smax.u32 s9, $0x1;
	s14 =	sadd.s32 s6, s18  }
0x11: {  	s19 =	sor.u32 $0x10, s18;
	s12 =	sadd.s32 s7, s18;
	s15 =	sadd.s32 s15, s13  }
0x12: {  	s24 =	sadd.s32 s16, s4;
	s4 =	sshrl.u32 s4, $0x3;
	[dreg:$0xe] =	wrdreg s26  }
0x13: {  	s26 =	simm.s32 $0x13900;
	s13 =	simm.s32 $0x1;
	[dreg:$0x7] =	wrdreg s14  }
0x14: {  	s16 =	simm.s32 $0x2;
	[dreg:$0x8] =	wrdreg s12;
	s21 =	sadd.s32 s6, s19  }
0x15: {  	s22 =	sadd.s32 s7, s19;
	s23 =	sshrl.u32 s15, $0x3;
	s25 =	sshrl.u32 s24, $0x3  }
0x16: {  	s18 =	sadd.s32 $0x2800, s15;
	s24 =	simm.s32 $0x13880;
	s12 =	simm.s32 $0x1B280  }
0x17: {  	s14 =	simm.s32 $0x3;
	s19 =	simm.s32 $0x0;
	[dreg:$0x9] =	wrdreg s21  }
0x18: {  	[dreg:$0xa] =	wrdreg s22;
	s11 =	sadd.s32 s5, s23;
	s21 =	sshrl.u32 s8, $0x3  }
0x19: {  	s23 =	simm.s32 $0x7;
	[dreg:$0xb] =	wrdreg s11;
	s11 =	sadd.s32 s0, s25  }
0x1a: {  	s0 =	sadd.s32 s0, s4;
	s25 =	simm.s32 $0x13980;
	[dreg:$0xf] =	wrdreg s21  }
0x1b: {  	s4 =	simm.s32 $0x6;
	[dreg:$0xc] =	wrdreg s11;
	s0 =	sadd.s32 $0x27000, s0  }
0x1c: {  	s11 =	simm.s32 $0x16280;
	[dreg:$0xd] =	wrdreg s0;
	s0 =	simm.s32 $0x18A80  }
.LBB2_1:
0x1d: {  	s8 =	rddreg [dreg:$0x4]  }
0x1e: {  	[spmem:s21], [sflag:s20] =	dma.local [hbm:s8], $0x2700  }
0x1f: {  	_ =	swait.ge [sflag:s23], $0x2700  }
0x20: {  	s9 =	rddreg [dreg:$0x6]  }
0x21: {  	[sflag:s23] =	ssyncset.done $0x0;
	s9 =	sshrl.u32 @!p0 s9, $0x3  }
0x22: {  	[sflag:s23] =	ssyncadd.s32 $0xFFFFD900;
	[dreg:$0x10] =	wrdreg s9  }
0x23: {  	[spmem:s9], [sflag:s20] =	dma.local @!p0 [hbm:s8], $0x100  }
0x24: {  	s8 =	simm.s32 @!p0 $0x7  }
0x25: {  	_ =	swait.ge @!p0 [sflag:s8], $0x100  }
0x26: {  	[sflag:s8] =	ssyncset.done @!p0 $0x0  }
0x27: {  	[sflag:s8] =	ssyncadd.s32 @!p0 $0xFFFFFF00  }
0x28: {  	[bflag:$0x0] =	sbarrier.arrive $0xFFFF  }
0x29: {  	s22 =	rddreg [dreg:$0x7]  }
0x2a: {  	[tilespmem:s24], [sflag:$0x5] =	stream.linear.gather [hbm4b:s22+s3], $0x80, $0x38;
	[tilespmem:$0x1DA80] =	vst v63  }
0x2b: {  	s9 =	rddreg [dreg:$0x8]  }
0x2c: {  	[tilespmem:s25], [sflag:$0x5] =	stream.linear.gather [hbm4b:s9+s3], $0x80, $0x38;
	[tilespmem:$0x1DA80] =	vst v63  }
0x2d: {  	s20 =	rddreg [dreg:$0x9]  }
0x2e: {  	[tilespmem:s26], [sflag:$0x6] =	stream.linear.gather [hbm4b:s20+s3], $0x80, $0x38;
	[tilespmem:$0x1DA80] =	vst v63  }
0x2f: {  	s21 =	rddreg [dreg:$0xa]  }
0x30: {  	[tilespmem:s28], [sflag:$0x6] =	stream.linear.gather [hbm4b:s21+s3], $0x80, $0x38;
	[tilespmem:$0x1DA80] =	vst v63  }
0x31: {  	_ =	swait.ge [sflag:s29], $0x80  }
0x32: {  	[sflag:s29] =	ssyncset.done $0x0  }
0x33: {  	[sflag:s29] =	ssyncadd.s32 $0xFFFFFF80  }
0x34: {  	_ =	swait.ge [sflag:s29], $0x80  }
0x35: {  	[sflag:s29] =	ssyncset.done $0x0  }
0x36: {  	[sflag:s29] =	ssyncadd.s32 $0xFFFFFF80  }
0x37: {  	[tilespmem:s31], [sflag:$0x1] =	stream.indirect.gather [hbm4b:s1+s30], $0x80, s25, s30, $0xb8;
	[tilespmem:$0x1DA80] =	vst v63  }
0x38: {  	s21 =	simm.s32 $0x0;
	s22 =	rddreg [dreg:$0xb]  }
0x39: {  	[tilespmem:s0], [sflag:$0x3] =	stream.linear.gather [hbm4b:s22+s3], $0x2800, $0x38;
	[tilespmem:$0x1DA80] =	vst v63  }
.LBB2_2:
0x3a: {  	_ =	swait.ge [sflag:s4], $0x80  }
0x3b: {  	[sflag:s4] =	ssyncset.done $0x0  }
0x3c: {  	s8 =	smul.u32 $0x5000, s21;
	[sflag:s4] =	ssyncadd.s32 $0xFFFFFF80  }
0x3d: {  	_ =	swait.ge [sflag:s4], $0x80  }
0x3e: {  	s8 =	sadd.s32 s8, s18;
	[sflag:s4] =	ssyncset.done $0x0  }
0x3f: {  	s8 =	sshrl.u32 s8, $0x3;
	[sflag:s4] =	ssyncadd.s32 $0xFFFFFF80  }
0x40: {  	[tilespmem:s11], [sflag:$0x2] =	stream.indirect.gather [hbm4b:s1+s30], $0x80, s28, s30, $0xb8;
	[tilespmem:$0x1DA80] =	vst v63  }
0x41: {  	s8 =	sadd.s32 s5, s8  }
0x42: {  	[tilespmem:s12], [sflag:$0x4] =	stream.linear.gather [hbm4b:s8+s3], $0x2800, $0x38;
	[tilespmem:$0x1DA80] =	vst v63  }
0x43: {  	_ =	swait.ge [sflag:s13], $0x2800  }
0x44: {  	[sflag:s13] =	ssyncset.done $0x0  }
0x45: {  	[sflag:s13] =	ssyncadd.s32 $0xFFFFD800  }
0x46: {  	_ =	swait.ge [sflag:s14], $0x2800  }
0x47: {  	[sflag:s14] =	ssyncset.done $0x0  }
0x48: {  	s8 =	simm.s32 $0x13B80;
	[sflag:s14] =	ssyncadd.s32 $0xFFFFD800  }
0x49: {  	s22 =	simm.s32 $0x18B80;
	v0 =	vld [tilespmem:s8+$0x80]  }
0x4a: {  	v1 =	vld [tilespmem:s22+$0x80]  }
0x4b: {  	v2 =	vld [tilespmem:s8+$0xFFFFFF80]  }
0x4c: {  	v3 =	vld [tilespmem:s22+$0xFFFFFF80]  }
0x4d: {  	v4 =	vld [tilespmem:s8+$0x0]  }
0x4e: {  	v5 =	vld [tilespmem:s22+$0x0]  }
0x4f: {  	v6 =	vld [tilespmem:s8+$0xFFFFFF00];
	v0 =	vmul.f32 v1, v0  }
0x50: {  	v1 =	vld [tilespmem:s22+$0xFFFFFF00]  }
0x51: {  	[tilespmem:s8+$0x80] =	vst v0;
	v0 =	vld [tilespmem:s8+$0x90]  }
0x52: {  	v2 =	vmul.f32 v3, v2;
	v3 =	vld [tilespmem:s22+$0x90]  }
0x53: {  	v7 =	vld [tilespmem:s8+$0xFFFFFF10]  }
0x54: {  	[tilespmem:s8+$0xFFFFFF80] =	vst v2;
	v2 =	vmul.f32 v5, v4;
	v4 =	vld [tilespmem:s8+$0xFFFFFF90]  }
0x55: {  	v5 =	vld [tilespmem:s22+$0xFFFFFF90];
	v1 =	vmul.f32 v1, v6  }
0x56: {  	[tilespmem:s8+$0x0] =	vst v2;
	v2 =	vld [tilespmem:s8+$0x10]  }
0x57: {  	v6 =	vld [tilespmem:s22+$0x10];
	[tilespmem:s8+$0xFFFFFF00] =	vst v1;
	v0 =	vmul.f32 v3, v0  }
0x58: {  	v1 =	vld [tilespmem:s22+$0xFFFFFF10]  }
0x59: {  	[tilespmem:s8+$0x90] =	vst v0;
	v0 =	vld [tilespmem:s8+$0xA0]  }
0x5a: {  	v3 =	vmul.f32 v5, v4;
	v4 =	vld [tilespmem:s22+$0xA0]  }
0x5b: {  	v5 =	vld [tilespmem:s8+$0xFFFFFF20]  }
0x5c: {  	[tilespmem:s8+$0xFFFFFF90] =	vst v3;
	v2 =	vmul.f32 v6, v2;
	v3 =	vld [tilespmem:s8+$0xFFFFFFA0]  }
0x5d: {  	v6 =	vld [tilespmem:s22+$0xFFFFFFA0];
	v1 =	vmul.f32 v1, v7  }
0x5e: {  	[tilespmem:s8+$0x10] =	vst v2;
	v2 =	vld [tilespmem:s8+$0x20]  }
0x5f: {  	v7 =	vld [tilespmem:s22+$0x20];
	[tilespmem:s8+$0xFFFFFF10] =	vst v1;
	v0 =	vmul.f32 v4, v0  }
0x60: {  	v1 =	vld [tilespmem:s22+$0xFFFFFF20]  }
0x61: {  	[tilespmem:s8+$0xA0] =	vst v0;
	v0 =	vld [tilespmem:s8+$0xB0]  }
0x62: {  	v3 =	vmul.f32 v6, v3;
	v4 =	vld [tilespmem:s22+$0xB0]  }
0x63: {  	v6 =	vld [tilespmem:s8+$0xFFFFFF30]  }
0x64: {  	[tilespmem:s8+$0xFFFFFFA0] =	vst v3;
	v2 =	vmul.f32 v7, v2;
	v3 =	vld [tilespmem:s8+$0xFFFFFFB0]  }
0x65: {  	v7 =	vld [tilespmem:s22+$0xFFFFFFB0];
	v1 =	vmul.f32 v1, v5  }
0x66: {  	[tilespmem:s8+$0x20] =	vst v2;
	v2 =	vld [tilespmem:s8+$0x30]  }
0x67: {  	v5 =	vld [tilespmem:s22+$0x30];
	[tilespmem:s8+$0xFFFFFF20] =	vst v1;
	v0 =	vmul.f32 v4, v0  }
0x68: {  	v1 =	vld [tilespmem:s22+$0xFFFFFF30]  }
0x69: {  	[tilespmem:s8+$0xB0] =	vst v0;
	v0 =	vld [tilespmem:s8+$0xC0]  }
0x6a: {  	v3 =	vmul.f32 v7, v3;
	v4 =	vld [tilespmem:s22+$0xC0]  }
0x6b: {  	v7 =	vld [tilespmem:s8+$0xFFFFFF40]  }
0x6c: {  	[tilespmem:s8+$0xFFFFFFB0] =	vst v3;
	v2 =	vmul.f32 v5, v2;
	v3 =	vld [tilespmem:s8+$0xFFFFFFC0]  }
0x6d: {  	v5 =	vld [tilespmem:s22+$0xFFFFFFC0];
	v1 =	vmul.f32 v1, v6  }
0x6e: {  	[tilespmem:s8+$0x30] =	vst v2;
	v2 =	vld [tilespmem:s8+$0x40]  }
0x6f: {  	v6 =	vld [tilespmem:s22+$0x40];
	[tilespmem:s8+$0xFFFFFF30] =	vst v1;
	v0 =	vmul.f32 v4, v0  }
0x70: {  	v1 =	vld [tilespmem:s22+$0xFFFFFF40]  }
0x71: {  	[tilespmem:s8+$0xC0] =	vst v0;
	v0 =	vld [tilespmem:s8+$0xD0]  }
0x72: {  	v3 =	vmul.f32 v5, v3;
	v4 =	vld [tilespmem:s22+$0xD0]  }
0x73: {  	v5 =	vld [tilespmem:s8+$0xFFFFFF50]  }
0x74: {  	[tilespmem:s8+$0xFFFFFFC0] =	vst v3;
	v2 =	vmul.f32 v6, v2;
	v3 =	vld [tilespmem:s8+$0xFFFFFFD0]  }
0x75: {  	v6 =	vld [tilespmem:s22+$0xFFFFFFD0];
	v1 =	vmul.f32 v1, v7  }
0x76: {  	[tilespmem:s8+$0x40] =	vst v2;
	v2 =	vld [tilespmem:s8+$0x50]  }
0x77: {  	v7 =	vld [tilespmem:s22+$0x50];
	[tilespmem:s8+$0xFFFFFF40] =	vst v1;
	v0 =	vmul.f32 v4, v0  }
0x78: {  	v1 =	vld [tilespmem:s22+$0xFFFFFF50]  }
0x79: {  	[tilespmem:s8+$0xD0] =	vst v0;
	v0 =	vld [tilespmem:s8+$0xE0]  }
0x7a: {  	v3 =	vmul.f32 v6, v3;
	v4 =	vld [tilespmem:s22+$0xE0]  }
0x7b: {  	v6 =	vld [tilespmem:s8+$0xFFFFFF60]  }
0x7c: {  	[tilespmem:s8+$0xFFFFFFD0] =	vst v3;
	v2 =	vmul.f32 v7, v2;
	v3 =	vld [tilespmem:s8+$0xFFFFFFE0]  }
0x7d: {  	v7 =	vld [tilespmem:s22+$0xFFFFFFE0];
	v1 =	vmul.f32 v1, v5  }
0x7e: {  	[tilespmem:s8+$0x50] =	vst v2;
	v2 =	vld [tilespmem:s8+$0x60]  }
0x7f: {  	v5 =	vld [tilespmem:s22+$0x60];
	[tilespmem:s8+$0xFFFFFF50] =	vst v1;
	v0 =	vmul.f32 v4, v0  }
0x80: {  	v4 =	vld [tilespmem:s22+$0xFFFFFF60]  }
0x81: {  	v8 =	vld [tilespmem:s8+$0xF0];
	[tilespmem:s8+$0xE0] =	vst v0  }
0x82: {  	v1 =	vmul.f32 v7, v3;
	v7 =	vld [tilespmem:s22+$0xF0]  }
0x83: {  	v0 =	vld [tilespmem:s8+$0xFFFFFF70]  }
0x84: {  	[tilespmem:s8+$0xFFFFFFE0] =	vst v1;
	v2 =	vmul.f32 v5, v2;
	v1 =	vld [tilespmem:s8+$0xFFFFFFF0]  }
0x85: {  	v3 =	vld [tilespmem:s22+$0xFFFFFFF0];
	v4 =	vmul.f32 v4, v6  }
0x86: {  	[tilespmem:s8+$0x60] =	vst v2;
	v2 =	vld [tilespmem:s8+$0x70]  }
0x87: {  	[tilespmem:s8+$0xFFFFFF60] =	vst v4;
	v4 =	vld [tilespmem:s22+$0x70];
	v6 =	vmul.f32 v7, v8  }
0x88: {  	s20 =	simm.s32 $0x0;
	s9 =	simm.s32 $0x13D80;
	v5 =	vld [tilespmem:s22+$0xFFFFFF70]  }
.LBB2_3:
0x89: {  	v7 =	vld [tilespmem:s9+$0x80];
	[tilespmem:s8+$0xF0] =	vst v6;
	s22 =	sadd.s32 $0x200, s22  }
0x8a: {  	s20 =	sadd.s32 $0x4, s20;
	v6 =	vld [tilespmem:s22+$0x80];
	v1 =	vmul.f32 v3, v1  }
0x8b: {  	p1 =	slt.u32 s20, $0x4C;
	v3 =	vld [tilespmem:s22+$0xFFFFFF00]  }
0x8c: {  	v8 =	vld [tilespmem:s9+$0xFFFFFF80];
	[tilespmem:s8+$0xFFFFFFF0] =	vst v1;
	v1 =	vmul.f32 v4, v2  }
0x8d: {  	v2 =	vld [tilespmem:s22+$0xFFFFFF80];
	v0 =	vmul.f32 v5, v0  }
0x8e: {  	v4 =	vld [tilespmem:s9+$0x0];
	[tilespmem:s8+$0x70] =	vst v1  }
0x8f: {  	v1 =	vld [tilespmem:s22+$0x0];
	v5 =	vmul.f32 v6, v7;
	[tilespmem:s8+$0xFFFFFF70] =	vst v0;
	s8 =	smov.u32 s9  }
0x90: {  	v0 =	vld [tilespmem:s9+$0xFFFFFF00]  }
0x91: {  	[tilespmem:s9+$0x80] =	vst v5;
	v5 =	vld [tilespmem:s9+$0x90]  }
0x92: {  	v2 =	vmul.f32 v2, v8;
	v6 =	vld [tilespmem:s22+$0x90]  }
0x93: {  	v7 =	vld [tilespmem:s9+$0xFFFFFF10]  }
0x94: {  	[tilespmem:s9+$0xFFFFFF80] =	vst v2;
	v2 =	vld [tilespmem:s9+$0xFFFFFF90];
	v1 =	vmul.f32 v1, v4  }
0x95: {  	v0 =	vmul.f32 v3, v0;
	v3 =	vld [tilespmem:s22+$0xFFFFFF90]  }
0x96: {  	[tilespmem:s9+$0x0] =	vst v1;
	v1 =	vld [tilespmem:s9+$0x10]  }
0x97: {  	[tilespmem:s9+$0xFFFFFF00] =	vst v0;
	v0 =	vld [tilespmem:s22+$0x10];
	v4 =	vmul.f32 v6, v5  }
0x98: {  	v5 =	vld [tilespmem:s22+$0xFFFFFF10]  }
0x99: {  	[tilespmem:s9+$0x90] =	vst v4;
	v4 =	vld [tilespmem:s9+$0xA0]  }
0x9a: {  	v2 =	vmul.f32 v3, v2;
	v3 =	vld [tilespmem:s22+$0xA0]  }
0x9b: {  	v6 =	vld [tilespmem:s9+$0xFFFFFF20]  }
0x9c: {  	[tilespmem:s9+$0xFFFFFF90] =	vst v2;
	v2 =	vld [tilespmem:s9+$0xFFFFFFA0];
	v0 =	vmul.f32 v0, v1  }
0x9d: {  	v1 =	vmul.f32 v5, v7;
	v5 =	vld [tilespmem:s22+$0xFFFFFFA0]  }
0x9e: {  	[tilespmem:s9+$0x10] =	vst v0;
	v0 =	vld [tilespmem:s9+$0x20]  }
0x9f: {  	[tilespmem:s9+$0xFFFFFF10] =	vst v1;
	v1 =	vld [tilespmem:s22+$0x20];
	v3 =	vmul.f32 v3, v4  }
0xa0: {  	v4 =	vld [tilespmem:s22+$0xFFFFFF20]  }
0xa1: {  	[tilespmem:s9+$0xA0] =	vst v3;
	v3 =	vld [tilespmem:s9+$0xB0]  }
0xa2: {  	v2 =	vmul.f32 v5, v2;
	v5 =	vld [tilespmem:s22+$0xB0]  }
0xa3: {  	v7 =	vld [tilespmem:s9+$0xFFFFFF30]  }
0xa4: {  	[tilespmem:s9+$0xFFFFFFA0] =	vst v2;
	v2 =	vld [tilespmem:s9+$0xFFFFFFB0];
	v0 =	vmul.f32 v1, v0  }
0xa5: {  	v1 =	vmul.f32 v4, v6;
	v4 =	vld [tilespmem:s22+$0xFFFFFFB0]  }
0xa6: {  	[tilespmem:s9+$0x20] =	vst v0;
	v0 =	vld [tilespmem:s9+$0x30]  }
0xa7: {  	[tilespmem:s9+$0xFFFFFF20] =	vst v1;
	v1 =	vld [tilespmem:s22+$0x30];
	v3 =	vmul.f32 v5, v3  }
0xa8: {  	v5 =	vld [tilespmem:s22+$0xFFFFFF30]  }
0xa9: {  	[tilespmem:s9+$0xB0] =	vst v3;
	v3 =	vld [tilespmem:s9+$0xC0]  }
0xaa: {  	v2 =	vmul.f32 v4, v2;
	v4 =	vld [tilespmem:s22+$0xC0]  }
0xab: {  	v6 =	vld [tilespmem:s9+$0xFFFFFF40]  }
0xac: {  	[tilespmem:s9+$0xFFFFFFB0] =	vst v2;
	v2 =	vld [tilespmem:s9+$0xFFFFFFC0];
	v0 =	vmul.f32 v1, v0  }
0xad: {  	v1 =	vmul.f32 v5, v7;
	v5 =	vld [tilespmem:s22+$0xFFFFFFC0]  }
0xae: {  	[tilespmem:s9+$0x30] =	vst v0;
	v0 =	vld [tilespmem:s9+$0x40]  }
0xaf: {  	[tilespmem:s9+$0xFFFFFF30] =	vst v1;
	v1 =	vld [tilespmem:s22+$0x40];
	v3 =	vmul.f32 v4, v3  }
0xb0: {  	v4 =	vld [tilespmem:s22+$0xFFFFFF40]  }
0xb1: {  	[tilespmem:s9+$0xC0] =	vst v3;
	v3 =	vld [tilespmem:s9+$0xD0]  }
0xb2: {  	v2 =	vmul.f32 v5, v2;
	v5 =	vld [tilespmem:s22+$0xD0]  }
0xb3: {  	v7 =	vld [tilespmem:s9+$0xFFFFFF50]  }
0xb4: {  	[tilespmem:s9+$0xFFFFFFC0] =	vst v2;
	v2 =	vld [tilespmem:s9+$0xFFFFFFD0];
	v0 =	vmul.f32 v1, v0  }
0xb5: {  	v1 =	vmul.f32 v4, v6;
	v4 =	vld [tilespmem:s22+$0xFFFFFFD0]  }
0xb6: {  	[tilespmem:s9+$0x40] =	vst v0;
	v0 =	vld [tilespmem:s9+$0x50]  }
0xb7: {  	[tilespmem:s9+$0xFFFFFF40] =	vst v1;
	v1 =	vld [tilespmem:s22+$0x50];
	v3 =	vmul.f32 v5, v3  }
0xb8: {  	v5 =	vld [tilespmem:s22+$0xFFFFFF50]  }
0xb9: {  	[tilespmem:s9+$0xD0] =	vst v3;
	v3 =	vld [tilespmem:s9+$0xE0]  }
0xba: {  	v2 =	vmul.f32 v4, v2;
	v4 =	vld [tilespmem:s22+$0xE0]  }
0xbb: {  	v6 =	vld [tilespmem:s9+$0xFFFFFF60]  }
0xbc: {  	[tilespmem:s9+$0xFFFFFFD0] =	vst v2;
	v2 =	vld [tilespmem:s9+$0xFFFFFFE0];
	v0 =	vmul.f32 v1, v0  }
0xbd: {  	v1 =	vmul.f32 v5, v7;
	v5 =	vld [tilespmem:s22+$0xFFFFFFE0]  }
0xbe: {  	[tilespmem:s9+$0x50] =	vst v0;
	v7 =	vld [tilespmem:s9+$0x60]  }
0xbf: {  	[tilespmem:s9+$0xFFFFFF50] =	vst v1;
	v8 =	vld [tilespmem:s22+$0x60];
	v0 =	vmul.f32 v4, v3  }
0xc0: {  	v3 =	vld [tilespmem:s22+$0xFFFFFF60]  }
0xc1: {  	[tilespmem:s9+$0xE0] =	vst v0;
	v9 =	vld [tilespmem:s9+$0xF0]  }
0xc2: {  	v1 =	vmul.f32 v5, v2;
	v5 =	vld [tilespmem:s22+$0xF0]  }
0xc3: {  	v0 =	vld [tilespmem:s9+$0xFFFFFF70]  }
.Ltmp0:
0xc4: {  	[tilespmem:s9+$0xFFFFFFE0] =	vst v1;
	v1 =	vld [tilespmem:s9+$0xFFFFFFF0];
	v2 =	vmul.f32 v8, v7;
	(pc) =	sbr.rel @p1 .LBB2_3-.Ltmp0, $4  }
0xc5: {  	v4 =	vmul.f32 v3, v6;
	v3 =	vld [tilespmem:s22+$0xFFFFFFF0]  }
0xc6: {  	[tilespmem:s9+$0x60] =	vst v2;
	v2 =	vld [tilespmem:s9+$0x70]  }
0xc7: {  	[tilespmem:s9+$0xFFFFFF60] =	vst v4;
	v4 =	vld [tilespmem:s22+$0x70];
	v6 =	vmul.f32 v5, v9  }
0xc8: {  	s9 =	sadd.s32 $0x200, s9;
	v5 =	vld [tilespmem:s22+$0xFFFFFF70]  }
0xc9: {  	_ =	sdelay $0x1  }
0xca: {  	v1 =	vmul.f32 v3, v1  }
0xcb: {  	[tilespmem:s8+$0xF0] =	vst v6;
	v2 =	vmul.f32 v4, v2  }
0xcc: {  	[tilespmem:s8+$0xFFFFFFF0] =	vst v1;
	v0 =	vmul.f32 v5, v0  }
0xcd: {  	s20 =	sshll.u32 s21, $0x1;
	[tilespmem:s8+$0x70] =	vst v2  }
0xce: {  	[tilespmem:s8+$0xFFFFFF70] =	vst v0;
	s8 =	sadd.s32 $0x2, s20  }
0xcf: {  	[spmem:s2] =	stream.indirect.scatter.add.f32 [tilespmem:s31], [sflag:$0x7], $0x80, s24, s30, $0xb8;
	[tilespmem:$0x1DA80] =	vst v63  }
0xd0: {  	s9 =	sshll.u32 s8, $0x7  }
0xd1: {  	s20 =	sand.u32 $0x7C00, s9  }
0xd2: {  	s9 =	sand.u32 $0x300, s9;
	s20 =	sadd.s32 s10, s20  }
0xd3: {  	_ =	swait.ge [sflag:s23], $0x2800;
	s9 =	sor.u32 s9, s20  }
0xd4: {  	[sflag:s23] =	ssyncset.done $0x0;
	s9 =	sshrl.u32 s9, $0x3  }
0xd5: {  	[sflag:s23] =	ssyncadd.s32 $0xFFFFD800;
	s22 =	sadd.s32 s6, s9  }
0xd6: {  	[tilespmem:s24], [sflag:$0x5] =	stream.linear.gather [hbm4b:s22+s3], $0x80, $0x38;
	[tilespmem:$0x1DA80] =	vst v63  }
0xd7: {  	s9 =	sadd.s32 s7, s9  }
0xd8: {  	[tilespmem:s25], [sflag:$0x5] =	stream.linear.gather [hbm4b:s9+s3], $0x80, $0x38;
	[tilespmem:$0x1DA80] =	vst v63  }
0xd9: {  	_ =	swait.ge [sflag:s29], $0x80  }
0xda: {  	[sflag:s29] =	ssyncset.done $0x0  }
0xdb: {  	s8 =	smul.u32 $0x2800, s8;
	[sflag:s29] =	ssyncadd.s32 $0xFFFFFF80  }
0xdc: {  	_ =	swait.ge [sflag:s29], $0x80  }
0xdd: {  	s8 =	sadd.s32 s15, s8;
	[sflag:s29] =	ssyncset.done $0x0  }
0xde: {  	s8 =	sshrl.u32 s8, $0x3;
	[sflag:s29] =	ssyncadd.s32 $0xFFFFFF80  }
0xdf: {  	[tilespmem:s31], [sflag:$0x1] =	stream.indirect.gather [hbm4b:s1+s30], $0x80, s25, s30, $0xb8;
	[tilespmem:$0x1DA80] =	vst v63  }
0xe0: {  	s8 =	sadd.s32 s5, s8  }
0xe1: {  	[tilespmem:s0], [sflag:$0x3] =	stream.linear.gather [hbm4b:s8+s3], $0x2800, $0x38;
	[tilespmem:$0x1DA80] =	vst v63  }
0xe2: {  	_ =	swait.ge [sflag:s16], $0x2800  }
0xe3: {  	[sflag:s16] =	ssyncset.done $0x0  }
0xe4: {  	[sflag:s16] =	ssyncadd.s32 $0xFFFFD800  }
0xe5: {  	_ =	swait.ge [sflag:s17], $0x2800  }
0xe6: {  	[sflag:s17] =	ssyncset.done $0x0  }
0xe7: {  	s8 =	simm.s32 $0x16380;
	[sflag:s17] =	ssyncadd.s32 $0xFFFFD800  }
0xe8: {  	s22 =	simm.s32 $0x1B380;
	v0 =	vld [tilespmem:s8+$0x80]  }
0xe9: {  	v1 =	vld [tilespmem:s22+$0x80]  }
0xea: {  	v2 =	vld [tilespmem:s8+$0xFFFFFF80]  }
0xeb: {  	v3 =	vld [tilespmem:s22+$0xFFFFFF80]  }
0xec: {  	v4 =	vld [tilespmem:s8+$0x0]  }
0xed: {  	v5 =	vld [tilespmem:s22+$0x0]  }
0xee: {  	v6 =	vld [tilespmem:s8+$0xFFFFFF00];
	v0 =	vmul.f32 v1, v0  }
0xef: {  	v1 =	vld [tilespmem:s22+$0xFFFFFF00]  }
0xf0: {  	[tilespmem:s8+$0x80] =	vst v0;
	v0 =	vld [tilespmem:s8+$0x90]  }
0xf1: {  	v2 =	vmul.f32 v3, v2;
	v3 =	vld [tilespmem:s22+$0x90]  }
0xf2: {  	v7 =	vld [tilespmem:s8+$0xFFFFFF10]  }
0xf3: {  	[tilespmem:s8+$0xFFFFFF80] =	vst v2;
	v2 =	vmul.f32 v5, v4;
	v4 =	vld [tilespmem:s8+$0xFFFFFF90]  }
0xf4: {  	v5 =	vld [tilespmem:s22+$0xFFFFFF90];
	v1 =	vmul.f32 v1, v6  }
0xf5: {  	[tilespmem:s8+$0x0] =	vst v2;
	v2 =	vld [tilespmem:s8+$0x10]  }
0xf6: {  	v6 =	vld [tilespmem:s22+$0x10];
	[tilespmem:s8+$0xFFFFFF00] =	vst v1;
	v0 =	vmul.f32 v3, v0  }
0xf7: {  	v1 =	vld [tilespmem:s22+$0xFFFFFF10]  }
0xf8: {  	[tilespmem:s8+$0x90] =	vst v0;
	v0 =	vld [tilespmem:s8+$0xA0]  }
0xf9: {  	v3 =	vmul.f32 v5, v4;
	v4 =	vld [tilespmem:s22+$0xA0]  }
0xfa: {  	v5 =	vld [tilespmem:s8+$0xFFFFFF20]  }
0xfb: {  	[tilespmem:s8+$0xFFFFFF90] =	vst v3;
	v2 =	vmul.f32 v6, v2;
	v3 =	vld [tilespmem:s8+$0xFFFFFFA0]  }
0xfc: {  	v6 =	vld [tilespmem:s22+$0xFFFFFFA0];
	v1 =	vmul.f32 v1, v7  }
0xfd: {  	[tilespmem:s8+$0x10] =	vst v2;
	v2 =	vld [tilespmem:s8+$0x20]  }
0xfe: {  	v7 =	vld [tilespmem:s22+$0x20];
	[tilespmem:s8+$0xFFFFFF10] =	vst v1;
	v0 =	vmul.f32 v4, v0  }
0xff: {  	v1 =	vld [tilespmem:s22+$0xFFFFFF20]  }
0x100: {  	[tilespmem:s8+$0xA0] =	vst v0;
	v0 =	vld [tilespmem:s8+$0xB0]  }
0x101: {  	v3 =	vmul.f32 v6, v3;
	v4 =	vld [tilespmem:s22+$0xB0]  }
0x102: {  	v6 =	vld [tilespmem:s8+$0xFFFFFF30]  }
0x103: {  	[tilespmem:s8+$0xFFFFFFA0] =	vst v3;
	v2 =	vmul.f32 v7, v2;
	v3 =	vld [tilespmem:s8+$0xFFFFFFB0]  }
0x104: {  	v7 =	vld [tilespmem:s22+$0xFFFFFFB0];
	v1 =	vmul.f32 v1, v5  }
0x105: {  	[tilespmem:s8+$0x20] =	vst v2;
	v2 =	vld [tilespmem:s8+$0x30]  }
0x106: {  	v5 =	vld [tilespmem:s22+$0x30];
	[tilespmem:s8+$0xFFFFFF20] =	vst v1;
	v0 =	vmul.f32 v4, v0  }
0x107: {  	v1 =	vld [tilespmem:s22+$0xFFFFFF30]  }
0x108: {  	[tilespmem:s8+$0xB0] =	vst v0;
	v0 =	vld [tilespmem:s8+$0xC0]  }
0x109: {  	v3 =	vmul.f32 v7, v3;
	v4 =	vld [tilespmem:s22+$0xC0]  }
0x10a: {  	v7 =	vld [tilespmem:s8+$0xFFFFFF40]  }
0x10b: {  	[tilespmem:s8+$0xFFFFFFB0] =	vst v3;
	v2 =	vmul.f32 v5, v2;
	v3 =	vld [tilespmem:s8+$0xFFFFFFC0]  }
0x10c: {  	v5 =	vld [tilespmem:s22+$0xFFFFFFC0];
	v1 =	vmul.f32 v1, v6  }
0x10d: {  	[tilespmem:s8+$0x30] =	vst v2;
	v2 =	vld [tilespmem:s8+$0x40]  }
0x10e: {  	v6 =	vld [tilespmem:s22+$0x40];
	[tilespmem:s8+$0xFFFFFF30] =	vst v1;
	v0 =	vmul.f32 v4, v0  }
0x10f: {  	v1 =	vld [tilespmem:s22+$0xFFFFFF40]  }
0x110: {  	[tilespmem:s8+$0xC0] =	vst v0;
	v0 =	vld [tilespmem:s8+$0xD0]  }
0x111: {  	v3 =	vmul.f32 v5, v3;
	v4 =	vld [tilespmem:s22+$0xD0]  }
0x112: {  	v5 =	vld [tilespmem:s8+$0xFFFFFF50]  }
0x113: {  	[tilespmem:s8+$0xFFFFFFC0] =	vst v3;
	v2 =	vmul.f32 v6, v2;
	v3 =	vld [tilespmem:s8+$0xFFFFFFD0]  }
0x114: {  	v6 =	vld [tilespmem:s22+$0xFFFFFFD0];
	v1 =	vmul.f32 v1, v7  }
0x115: {  	[tilespmem:s8+$0x40] =	vst v2;
	v2 =	vld [tilespmem:s8+$0x50]  }
0x116: {  	v7 =	vld [tilespmem:s22+$0x50];
	[tilespmem:s8+$0xFFFFFF40] =	vst v1;
	v0 =	vmul.f32 v4, v0  }
0x117: {  	v1 =	vld [tilespmem:s22+$0xFFFFFF50]  }
0x118: {  	[tilespmem:s8+$0xD0] =	vst v0;
	v0 =	vld [tilespmem:s8+$0xE0]  }
0x119: {  	v3 =	vmul.f32 v6, v3;
	v4 =	vld [tilespmem:s22+$0xE0]  }
0x11a: {  	v6 =	vld [tilespmem:s8+$0xFFFFFF60]  }
0x11b: {  	[tilespmem:s8+$0xFFFFFFD0] =	vst v3;
	v2 =	vmul.f32 v7, v2;
	v3 =	vld [tilespmem:s8+$0xFFFFFFE0]  }
0x11c: {  	v7 =	vld [tilespmem:s22+$0xFFFFFFE0];
	v1 =	vmul.f32 v1, v5  }
0x11d: {  	[tilespmem:s8+$0x50] =	vst v2;
	v2 =	vld [tilespmem:s8+$0x60]  }
0x11e: {  	v5 =	vld [tilespmem:s22+$0x60];
	[tilespmem:s8+$0xFFFFFF50] =	vst v1;
	v0 =	vmul.f32 v4, v0  }
0x11f: {  	v4 =	vld [tilespmem:s22+$0xFFFFFF60]  }
0x120: {  	v8 =	vld [tilespmem:s8+$0xF0];
	[tilespmem:s8+$0xE0] =	vst v0  }
0x121: {  	v1 =	vmul.f32 v7, v3;
	v7 =	vld [tilespmem:s22+$0xF0]  }
0x122: {  	v0 =	vld [tilespmem:s8+$0xFFFFFF70]  }
0x123: {  	[tilespmem:s8+$0xFFFFFFE0] =	vst v1;
	v2 =	vmul.f32 v5, v2;
	v1 =	vld [tilespmem:s8+$0xFFFFFFF0]  }
0x124: {  	v3 =	vld [tilespmem:s22+$0xFFFFFFF0];
	v4 =	vmul.f32 v4, v6  }
0x125: {  	[tilespmem:s8+$0x60] =	vst v2;
	v2 =	vld [tilespmem:s8+$0x70]  }
0x126: {  	[tilespmem:s8+$0xFFFFFF60] =	vst v4;
	v4 =	vld [tilespmem:s22+$0x70];
	v6 =	vmul.f32 v7, v8  }
0x127: {  	s20 =	simm.s32 $0x0;
	s9 =	simm.s32 $0x16580;
	v5 =	vld [tilespmem:s22+$0xFFFFFF70]  }
.LBB2_5:
0x128: {  	v7 =	vld [tilespmem:s9+$0x80];
	[tilespmem:s8+$0xF0] =	vst v6;
	s22 =	sadd.s32 $0x200, s22  }
0x129: {  	s20 =	sadd.s32 $0x4, s20;
	v6 =	vld [tilespmem:s22+$0x80];
	v1 =	vmul.f32 v3, v1  }
0x12a: {  	p1 =	slt.u32 s20, $0x4C;
	v3 =	vld [tilespmem:s22+$0xFFFFFF00]  }
0x12b: {  	v8 =	vld [tilespmem:s9+$0xFFFFFF80];
	[tilespmem:s8+$0xFFFFFFF0] =	vst v1;
	v1 =	vmul.f32 v4, v2  }
0x12c: {  	v2 =	vld [tilespmem:s22+$0xFFFFFF80];
	v0 =	vmul.f32 v5, v0  }
0x12d: {  	v4 =	vld [tilespmem:s9+$0x0];
	[tilespmem:s8+$0x70] =	vst v1  }
0x12e: {  	v1 =	vld [tilespmem:s22+$0x0];
	v5 =	vmul.f32 v6, v7;
	[tilespmem:s8+$0xFFFFFF70] =	vst v0;
	s8 =	smov.u32 s9  }
0x12f: {  	v0 =	vld [tilespmem:s9+$0xFFFFFF00]  }
0x130: {  	[tilespmem:s9+$0x80] =	vst v5;
	v5 =	vld [tilespmem:s9+$0x90]  }
0x131: {  	v2 =	vmul.f32 v2, v8;
	v6 =	vld [tilespmem:s22+$0x90]  }
0x132: {  	v7 =	vld [tilespmem:s9+$0xFFFFFF10]  }
0x133: {  	[tilespmem:s9+$0xFFFFFF80] =	vst v2;
	v2 =	vld [tilespmem:s9+$0xFFFFFF90];
	v1 =	vmul.f32 v1, v4  }
0x134: {  	v0 =	vmul.f32 v3, v0;
	v3 =	vld [tilespmem:s22+$0xFFFFFF90]  }
0x135: {  	[tilespmem:s9+$0x0] =	vst v1;
	v1 =	vld [tilespmem:s9+$0x10]  }
0x136: {  	[tilespmem:s9+$0xFFFFFF00] =	vst v0;
	v0 =	vld [tilespmem:s22+$0x10];
	v4 =	vmul.f32 v6, v5  }
0x137: {  	v5 =	vld [tilespmem:s22+$0xFFFFFF10]  }
0x138: {  	[tilespmem:s9+$0x90] =	vst v4;
	v4 =	vld [tilespmem:s9+$0xA0]  }
0x139: {  	v2 =	vmul.f32 v3, v2;
	v3 =	vld [tilespmem:s22+$0xA0]  }
0x13a: {  	v6 =	vld [tilespmem:s9+$0xFFFFFF20]  }
0x13b: {  	[tilespmem:s9+$0xFFFFFF90] =	vst v2;
	v2 =	vld [tilespmem:s9+$0xFFFFFFA0];
	v0 =	vmul.f32 v0, v1  }
0x13c: {  	v1 =	vmul.f32 v5, v7;
	v5 =	vld [tilespmem:s22+$0xFFFFFFA0]  }
0x13d: {  	[tilespmem:s9+$0x10] =	vst v0;
	v0 =	vld [tilespmem:s9+$0x20]  }
0x13e: {  	[tilespmem:s9+$0xFFFFFF10] =	vst v1;
	v1 =	vld [tilespmem:s22+$0x20];
	v3 =	vmul.f32 v3, v4  }
0x13f: {  	v4 =	vld [tilespmem:s22+$0xFFFFFF20]  }
0x140: {  	[tilespmem:s9+$0xA0] =	vst v3;
	v3 =	vld [tilespmem:s9+$0xB0]  }
0x141: {  	v2 =	vmul.f32 v5, v2;
	v5 =	vld [tilespmem:s22+$0xB0]  }
0x142: {  	v7 =	vld [tilespmem:s9+$0xFFFFFF30]  }
0x143: {  	[tilespmem:s9+$0xFFFFFFA0] =	vst v2;
	v2 =	vld [tilespmem:s9+$0xFFFFFFB0];
	v0 =	vmul.f32 v1, v0  }
0x144: {  	v1 =	vmul.f32 v4, v6;
	v4 =	vld [tilespmem:s22+$0xFFFFFFB0]  }
0x145: {  	[tilespmem:s9+$0x20] =	vst v0;
	v0 =	vld [tilespmem:s9+$0x30]  }
0x146: {  	[tilespmem:s9+$0xFFFFFF20] =	vst v1;
	v1 =	vld [tilespmem:s22+$0x30];
	v3 =	vmul.f32 v5, v3  }
0x147: {  	v5 =	vld [tilespmem:s22+$0xFFFFFF30]  }
0x148: {  	[tilespmem:s9+$0xB0] =	vst v3;
	v3 =	vld [tilespmem:s9+$0xC0]  }
0x149: {  	v2 =	vmul.f32 v4, v2;
	v4 =	vld [tilespmem:s22+$0xC0]  }
0x14a: {  	v6 =	vld [tilespmem:s9+$0xFFFFFF40]  }
0x14b: {  	[tilespmem:s9+$0xFFFFFFB0] =	vst v2;
	v2 =	vld [tilespmem:s9+$0xFFFFFFC0];
	v0 =	vmul.f32 v1, v0  }
0x14c: {  	v1 =	vmul.f32 v5, v7;
	v5 =	vld [tilespmem:s22+$0xFFFFFFC0]  }
0x14d: {  	[tilespmem:s9+$0x30] =	vst v0;
	v0 =	vld [tilespmem:s9+$0x40]  }
0x14e: {  	[tilespmem:s9+$0xFFFFFF30] =	vst v1;
	v1 =	vld [tilespmem:s22+$0x40];
	v3 =	vmul.f32 v4, v3  }
0x14f: {  	v4 =	vld [tilespmem:s22+$0xFFFFFF40]  }
0x150: {  	[tilespmem:s9+$0xC0] =	vst v3;
	v3 =	vld [tilespmem:s9+$0xD0]  }
0x151: {  	v2 =	vmul.f32 v5, v2;
	v5 =	vld [tilespmem:s22+$0xD0]  }
0x152: {  	v7 =	vld [tilespmem:s9+$0xFFFFFF50]  }
0x153: {  	[tilespmem:s9+$0xFFFFFFC0] =	vst v2;
	v2 =	vld [tilespmem:s9+$0xFFFFFFD0];
	v0 =	vmul.f32 v1, v0  }
0x154: {  	v1 =	vmul.f32 v4, v6;
	v4 =	vld [tilespmem:s22+$0xFFFFFFD0]  }
0x155: {  	[tilespmem:s9+$0x40] =	vst v0;
	v0 =	vld [tilespmem:s9+$0x50]  }
0x156: {  	[tilespmem:s9+$0xFFFFFF40] =	vst v1;
	v1 =	vld [tilespmem:s22+$0x50];
	v3 =	vmul.f32 v5, v3  }
0x157: {  	v5 =	vld [tilespmem:s22+$0xFFFFFF50]  }
0x158: {  	[tilespmem:s9+$0xD0] =	vst v3;
	v3 =	vld [tilespmem:s9+$0xE0]  }
0x159: {  	v2 =	vmul.f32 v4, v2;
	v4 =	vld [tilespmem:s22+$0xE0]  }
0x15a: {  	v6 =	vld [tilespmem:s9+$0xFFFFFF60]  }
0x15b: {  	[tilespmem:s9+$0xFFFFFFD0] =	vst v2;
	v2 =	vld [tilespmem:s9+$0xFFFFFFE0];
	v0 =	vmul.f32 v1, v0  }
0x15c: {  	v1 =	vmul.f32 v5, v7;
	v5 =	vld [tilespmem:s22+$0xFFFFFFE0]  }
0x15d: {  	[tilespmem:s9+$0x50] =	vst v0;
	v7 =	vld [tilespmem:s9+$0x60]  }
0x15e: {  	[tilespmem:s9+$0xFFFFFF50] =	vst v1;
	v8 =	vld [tilespmem:s22+$0x60];
	v0 =	vmul.f32 v4, v3  }
0x15f: {  	v3 =	vld [tilespmem:s22+$0xFFFFFF60]  }
0x160: {  	[tilespmem:s9+$0xE0] =	vst v0;
	v9 =	vld [tilespmem:s9+$0xF0]  }
0x161: {  	v1 =	vmul.f32 v5, v2;
	v5 =	vld [tilespmem:s22+$0xF0]  }
0x162: {  	v0 =	vld [tilespmem:s9+$0xFFFFFF70]  }
.Ltmp1:
0x163: {  	[tilespmem:s9+$0xFFFFFFE0] =	vst v1;
	v1 =	vld [tilespmem:s9+$0xFFFFFFF0];
	v2 =	vmul.f32 v8, v7;
	(pc) =	sbr.rel @p1 .LBB2_5-.Ltmp1, $4  }
0x164: {  	v4 =	vmul.f32 v3, v6;
	v3 =	vld [tilespmem:s22+$0xFFFFFFF0]  }
0x165: {  	[tilespmem:s9+$0x60] =	vst v2;
	v2 =	vld [tilespmem:s9+$0x70]  }
0x166: {  	[tilespmem:s9+$0xFFFFFF60] =	vst v4;
	v4 =	vld [tilespmem:s22+$0x70];
	v6 =	vmul.f32 v5, v9  }
0x167: {  	s9 =	sadd.s32 $0x200, s9;
	v5 =	vld [tilespmem:s22+$0xFFFFFF70]  }
0x168: {  	_ =	sdelay $0x1  }
0x169: {  	v1 =	vmul.f32 v3, v1  }
0x16a: {  	[tilespmem:s8+$0xF0] =	vst v6;
	v2 =	vmul.f32 v4, v2  }
0x16b: {  	[tilespmem:s8+$0xFFFFFFF0] =	vst v1;
	v0 =	vmul.f32 v5, v0  }
0x16c: {  	p1 =	seq.s32 s21, $0x3D;
	[tilespmem:s8+$0x70] =	vst v2  }
.Ltmp2:
0x16d: {  	[tilespmem:s8+$0xFFFFFF70] =	vst v0;
	(pc) =	sbr.rel @p1 .LBB2_8-.Ltmp2, $4  }
0x16e: {  	[spmem:s2] =	stream.indirect.scatter.add.f32 [tilespmem:s11], [sflag:$0x7], $0x80, s26, s30, $0xb8;
	[tilespmem:$0x1DA80] =	vst v63  }
0x16f: {  	_ =	swait.ge [sflag:s23], $0x2800  }
0x170: {  	[sflag:s23] =	ssyncset.done $0x0  }
0x171: {  	[sflag:s23] =	ssyncadd.s32 $0xFFFFD800  }
0x172: {  	s8 =	sshll.u32 s21, $0x8  }
0x173: {  	s8 =	sadd.s32 $0x180, s8  }
0x174: {  	s9 =	sand.u32 $0x7C00, s8  }
0x175: {  	s8 =	sand.u32 $0x380, s8;
	s9 =	sadd.s32 s10, s9  }
0x176: {  	s8 =	sor.u32 s8, s9  }
.Ltmp3:
0x177: {  	s8 =	sshrl.u32 s8, $0x3;
	(pc) =	sbr.rel .LBB2_2-.Ltmp3, $4  }
0x178: {  	s22 =	sadd.s32 s6, s8  }
0x179: {  	[tilespmem:s26], [sflag:$0x6] =	stream.linear.gather [hbm4b:s22+s3], $0x80, $0x38;
	[tilespmem:$0x1DA80] =	vst v63  }
0x17a: {  	s21 =	sadd.s32 $0x1, s21;
	s8 =	sadd.s32 s7, s8  }
0x17b: {  	[tilespmem:s28], [sflag:$0x6] =	stream.linear.gather [hbm4b:s8+s3], $0x80, $0x38;
	[tilespmem:$0x1DA80] =	vst v63  }
.LBB2_8:
0x17c: {  	_ =	swait.ge [sflag:s13], $0x2800  }
0x17d: {  	[sflag:s13] =	ssyncset.done $0x0  }
0x17e: {  	[sflag:s13] =	ssyncadd.s32 $0xFFFFD800  }
0x17f: {  	_ =	swait.ge [sflag:s14], $0x2800  }
0x180: {  	[sflag:s14] =	ssyncset.done $0x0  }
0x181: {  	s8 =	simm.s32 $0x13B80;
	[sflag:s14] =	ssyncadd.s32 $0xFFFFD800  }
0x182: {  	s21 =	simm.s32 $0x18B80;
	v0 =	vld [tilespmem:s8+$0x80]  }
0x183: {  	v1 =	vld [tilespmem:s21+$0x80]  }
0x184: {  	v2 =	vld [tilespmem:s8+$0xFFFFFF80]  }
0x185: {  	v3 =	vld [tilespmem:s21+$0xFFFFFF80]  }
0x186: {  	v4 =	vld [tilespmem:s8+$0x0]  }
0x187: {  	v5 =	vld [tilespmem:s21+$0x0]  }
0x188: {  	v6 =	vld [tilespmem:s8+$0xFFFFFF00];
	v0 =	vmul.f32 v1, v0  }
0x189: {  	v1 =	vld [tilespmem:s21+$0xFFFFFF00]  }
0x18a: {  	[tilespmem:s8+$0x80] =	vst v0;
	v0 =	vld [tilespmem:s8+$0x90]  }
0x18b: {  	v2 =	vmul.f32 v3, v2;
	v3 =	vld [tilespmem:s21+$0x90]  }
0x18c: {  	v7 =	vld [tilespmem:s8+$0xFFFFFF10]  }
0x18d: {  	[tilespmem:s8+$0xFFFFFF80] =	vst v2;
	v2 =	vmul.f32 v5, v4;
	v4 =	vld [tilespmem:s8+$0xFFFFFF90]  }
0x18e: {  	v5 =	vld [tilespmem:s21+$0xFFFFFF90];
	v1 =	vmul.f32 v1, v6  }
0x18f: {  	[tilespmem:s8+$0x0] =	vst v2;
	v2 =	vld [tilespmem:s8+$0x10]  }
0x190: {  	v6 =	vld [tilespmem:s21+$0x10];
	[tilespmem:s8+$0xFFFFFF00] =	vst v1;
	v0 =	vmul.f32 v3, v0  }
0x191: {  	v1 =	vld [tilespmem:s21+$0xFFFFFF10]  }
0x192: {  	[tilespmem:s8+$0x90] =	vst v0;
	v0 =	vld [tilespmem:s8+$0xA0]  }
0x193: {  	v3 =	vmul.f32 v5, v4;
	v4 =	vld [tilespmem:s21+$0xA0]  }
0x194: {  	v5 =	vld [tilespmem:s8+$0xFFFFFF20]  }
0x195: {  	[tilespmem:s8+$0xFFFFFF90] =	vst v3;
	v2 =	vmul.f32 v6, v2;
	v3 =	vld [tilespmem:s8+$0xFFFFFFA0]  }
0x196: {  	v6 =	vld [tilespmem:s21+$0xFFFFFFA0];
	v1 =	vmul.f32 v1, v7  }
0x197: {  	[tilespmem:s8+$0x10] =	vst v2;
	v2 =	vld [tilespmem:s8+$0x20]  }
0x198: {  	v7 =	vld [tilespmem:s21+$0x20];
	[tilespmem:s8+$0xFFFFFF10] =	vst v1;
	v0 =	vmul.f32 v4, v0  }
0x199: {  	v1 =	vld [tilespmem:s21+$0xFFFFFF20]  }
0x19a: {  	[tilespmem:s8+$0xA0] =	vst v0;
	v0 =	vld [tilespmem:s8+$0xB0]  }
0x19b: {  	v3 =	vmul.f32 v6, v3;
	v4 =	vld [tilespmem:s21+$0xB0]  }
0x19c: {  	v6 =	vld [tilespmem:s8+$0xFFFFFF30]  }
0x19d: {  	[tilespmem:s8+$0xFFFFFFA0] =	vst v3;
	v2 =	vmul.f32 v7, v2;
	v3 =	vld [tilespmem:s8+$0xFFFFFFB0]  }
0x19e: {  	v7 =	vld [tilespmem:s21+$0xFFFFFFB0];
	v1 =	vmul.f32 v1, v5  }
0x19f: {  	[tilespmem:s8+$0x20] =	vst v2;
	v2 =	vld [tilespmem:s8+$0x30]  }
0x1a0: {  	v5 =	vld [tilespmem:s21+$0x30];
	[tilespmem:s8+$0xFFFFFF20] =	vst v1;
	v0 =	vmul.f32 v4, v0  }
0x1a1: {  	v1 =	vld [tilespmem:s21+$0xFFFFFF30]  }
0x1a2: {  	[tilespmem:s8+$0xB0] =	vst v0;
	v0 =	vld [tilespmem:s8+$0xC0]  }
0x1a3: {  	v3 =	vmul.f32 v7, v3;
	v4 =	vld [tilespmem:s21+$0xC0]  }
0x1a4: {  	v7 =	vld [tilespmem:s8+$0xFFFFFF40]  }
0x1a5: {  	[tilespmem:s8+$0xFFFFFFB0] =	vst v3;
	v2 =	vmul.f32 v5, v2;
	v3 =	vld [tilespmem:s8+$0xFFFFFFC0]  }
0x1a6: {  	v5 =	vld [tilespmem:s21+$0xFFFFFFC0];
	v1 =	vmul.f32 v1, v6  }
0x1a7: {  	[tilespmem:s8+$0x30] =	vst v2;
	v2 =	vld [tilespmem:s8+$0x40]  }
0x1a8: {  	v6 =	vld [tilespmem:s21+$0x40];
	[tilespmem:s8+$0xFFFFFF30] =	vst v1;
	v0 =	vmul.f32 v4, v0  }
0x1a9: {  	v1 =	vld [tilespmem:s21+$0xFFFFFF40]  }
0x1aa: {  	[tilespmem:s8+$0xC0] =	vst v0;
	v0 =	vld [tilespmem:s8+$0xD0]  }
0x1ab: {  	v3 =	vmul.f32 v5, v3;
	v4 =	vld [tilespmem:s21+$0xD0]  }
0x1ac: {  	v5 =	vld [tilespmem:s8+$0xFFFFFF50]  }
0x1ad: {  	[tilespmem:s8+$0xFFFFFFC0] =	vst v3;
	v2 =	vmul.f32 v6, v2;
	v3 =	vld [tilespmem:s8+$0xFFFFFFD0]  }
0x1ae: {  	v6 =	vld [tilespmem:s21+$0xFFFFFFD0];
	v1 =	vmul.f32 v1, v7  }
0x1af: {  	[tilespmem:s8+$0x40] =	vst v2;
	v2 =	vld [tilespmem:s8+$0x50]  }
0x1b0: {  	v7 =	vld [tilespmem:s21+$0x50];
	[tilespmem:s8+$0xFFFFFF40] =	vst v1;
	v0 =	vmul.f32 v4, v0  }
0x1b1: {  	v1 =	vld [tilespmem:s21+$0xFFFFFF50]  }
0x1b2: {  	[tilespmem:s8+$0xD0] =	vst v0;
	v0 =	vld [tilespmem:s8+$0xE0]  }
0x1b3: {  	v3 =	vmul.f32 v6, v3;
	v4 =	vld [tilespmem:s21+$0xE0]  }
0x1b4: {  	v6 =	vld [tilespmem:s8+$0xFFFFFF60]  }
0x1b5: {  	[tilespmem:s8+$0xFFFFFFD0] =	vst v3;
	v2 =	vmul.f32 v7, v2;
	v3 =	vld [tilespmem:s8+$0xFFFFFFE0]  }
0x1b6: {  	v7 =	vld [tilespmem:s21+$0xFFFFFFE0];
	v1 =	vmul.f32 v1, v5  }
0x1b7: {  	[tilespmem:s8+$0x50] =	vst v2;
	v2 =	vld [tilespmem:s8+$0x60]  }
0x1b8: {  	v5 =	vld [tilespmem:s21+$0x60];
	[tilespmem:s8+$0xFFFFFF50] =	vst v1;
	v0 =	vmul.f32 v4, v0  }
0x1b9: {  	v4 =	vld [tilespmem:s21+$0xFFFFFF60]  }
0x1ba: {  	v8 =	vld [tilespmem:s8+$0xF0];
	[tilespmem:s8+$0xE0] =	vst v0  }
0x1bb: {  	v1 =	vmul.f32 v7, v3;
	v7 =	vld [tilespmem:s21+$0xF0]  }
0x1bc: {  	v0 =	vld [tilespmem:s8+$0xFFFFFF70]  }
0x1bd: {  	[tilespmem:s8+$0xFFFFFFE0] =	vst v1;
	v2 =	vmul.f32 v5, v2;
	v1 =	vld [tilespmem:s8+$0xFFFFFFF0]  }
0x1be: {  	v3 =	vld [tilespmem:s21+$0xFFFFFFF0];
	v4 =	vmul.f32 v4, v6  }
0x1bf: {  	[tilespmem:s8+$0x60] =	vst v2;
	v2 =	vld [tilespmem:s8+$0x70]  }
0x1c0: {  	[tilespmem:s8+$0xFFFFFF60] =	vst v4;
	v4 =	vld [tilespmem:s21+$0x70];
	v6 =	vmul.f32 v7, v8  }
0x1c1: {  	s20 =	simm.s32 $0x0;
	s9 =	simm.s32 $0x13D80;
	v5 =	vld [tilespmem:s21+$0xFFFFFF70]  }
.LBB2_9:
0x1c2: {  	v7 =	vld [tilespmem:s9+$0x80];
	[tilespmem:s8+$0xF0] =	vst v6;
	s21 =	sadd.s32 $0x200, s21  }
0x1c3: {  	s20 =	sadd.s32 $0x4, s20;
	v6 =	vld [tilespmem:s21+$0x80];
	v1 =	vmul.f32 v3, v1  }
0x1c4: {  	p1 =	slt.u32 s20, $0x4C;
	v3 =	vld [tilespmem:s21+$0xFFFFFF00]  }
0x1c5: {  	v8 =	vld [tilespmem:s9+$0xFFFFFF80];
	[tilespmem:s8+$0xFFFFFFF0] =	vst v1;
	v1 =	vmul.f32 v4, v2  }
0x1c6: {  	v2 =	vld [tilespmem:s21+$0xFFFFFF80];
	v0 =	vmul.f32 v5, v0  }
0x1c7: {  	v4 =	vld [tilespmem:s9+$0x0];
	[tilespmem:s8+$0x70] =	vst v1  }
0x1c8: {  	v1 =	vld [tilespmem:s21+$0x0];
	v5 =	vmul.f32 v6, v7;
	[tilespmem:s8+$0xFFFFFF70] =	vst v0;
	s8 =	smov.u32 s9  }
0x1c9: {  	v0 =	vld [tilespmem:s9+$0xFFFFFF00]  }
0x1ca: {  	[tilespmem:s9+$0x80] =	vst v5;
	v5 =	vld [tilespmem:s9+$0x90]  }
0x1cb: {  	v2 =	vmul.f32 v2, v8;
	v6 =	vld [tilespmem:s21+$0x90]  }
0x1cc: {  	v7 =	vld [tilespmem:s9+$0xFFFFFF10]  }
0x1cd: {  	[tilespmem:s9+$0xFFFFFF80] =	vst v2;
	v2 =	vld [tilespmem:s9+$0xFFFFFF90];
	v1 =	vmul.f32 v1, v4  }
0x1ce: {  	v0 =	vmul.f32 v3, v0;
	v3 =	vld [tilespmem:s21+$0xFFFFFF90]  }
0x1cf: {  	[tilespmem:s9+$0x0] =	vst v1;
	v1 =	vld [tilespmem:s9+$0x10]  }
0x1d0: {  	[tilespmem:s9+$0xFFFFFF00] =	vst v0;
	v0 =	vld [tilespmem:s21+$0x10];
	v4 =	vmul.f32 v6, v5  }
0x1d1: {  	v5 =	vld [tilespmem:s21+$0xFFFFFF10]  }
0x1d2: {  	[tilespmem:s9+$0x90] =	vst v4;
	v4 =	vld [tilespmem:s9+$0xA0]  }
0x1d3: {  	v2 =	vmul.f32 v3, v2;
	v3 =	vld [tilespmem:s21+$0xA0]  }
0x1d4: {  	v6 =	vld [tilespmem:s9+$0xFFFFFF20]  }
0x1d5: {  	[tilespmem:s9+$0xFFFFFF90] =	vst v2;
	v2 =	vld [tilespmem:s9+$0xFFFFFFA0];
	v0 =	vmul.f32 v0, v1  }
0x1d6: {  	v1 =	vmul.f32 v5, v7;
	v5 =	vld [tilespmem:s21+$0xFFFFFFA0]  }
0x1d7: {  	[tilespmem:s9+$0x10] =	vst v0;
	v0 =	vld [tilespmem:s9+$0x20]  }
0x1d8: {  	[tilespmem:s9+$0xFFFFFF10] =	vst v1;
	v1 =	vld [tilespmem:s21+$0x20];
	v3 =	vmul.f32 v3, v4  }
0x1d9: {  	v4 =	vld [tilespmem:s21+$0xFFFFFF20]  }
0x1da: {  	[tilespmem:s9+$0xA0] =	vst v3;
	v3 =	vld [tilespmem:s9+$0xB0]  }
0x1db: {  	v2 =	vmul.f32 v5, v2;
	v5 =	vld [tilespmem:s21+$0xB0]  }
0x1dc: {  	v7 =	vld [tilespmem:s9+$0xFFFFFF30]  }
0x1dd: {  	[tilespmem:s9+$0xFFFFFFA0] =	vst v2;
	v2 =	vld [tilespmem:s9+$0xFFFFFFB0];
	v0 =	vmul.f32 v1, v0  }
0x1de: {  	v1 =	vmul.f32 v4, v6;
	v4 =	vld [tilespmem:s21+$0xFFFFFFB0]  }
0x1df: {  	[tilespmem:s9+$0x20] =	vst v0;
	v0 =	vld [tilespmem:s9+$0x30]  }
0x1e0: {  	[tilespmem:s9+$0xFFFFFF20] =	vst v1;
	v1 =	vld [tilespmem:s21+$0x30];
	v3 =	vmul.f32 v5, v3  }
0x1e1: {  	v5 =	vld [tilespmem:s21+$0xFFFFFF30]  }
0x1e2: {  	[tilespmem:s9+$0xB0] =	vst v3;
	v3 =	vld [tilespmem:s9+$0xC0]  }
0x1e3: {  	v2 =	vmul.f32 v4, v2;
	v4 =	vld [tilespmem:s21+$0xC0]  }
0x1e4: {  	v6 =	vld [tilespmem:s9+$0xFFFFFF40]  }
0x1e5: {  	[tilespmem:s9+$0xFFFFFFB0] =	vst v2;
	v2 =	vld [tilespmem:s9+$0xFFFFFFC0];
	v0 =	vmul.f32 v1, v0  }
0x1e6: {  	v1 =	vmul.f32 v5, v7;
	v5 =	vld [tilespmem:s21+$0xFFFFFFC0]  }
0x1e7: {  	[tilespmem:s9+$0x30] =	vst v0;
	v0 =	vld [tilespmem:s9+$0x40]  }
0x1e8: {  	[tilespmem:s9+$0xFFFFFF30] =	vst v1;
	v1 =	vld [tilespmem:s21+$0x40];
	v3 =	vmul.f32 v4, v3  }
0x1e9: {  	v4 =	vld [tilespmem:s21+$0xFFFFFF40]  }
0x1ea: {  	[tilespmem:s9+$0xC0] =	vst v3;
	v3 =	vld [tilespmem:s9+$0xD0]  }
0x1eb: {  	v2 =	vmul.f32 v5, v2;
	v5 =	vld [tilespmem:s21+$0xD0]  }
0x1ec: {  	v7 =	vld [tilespmem:s9+$0xFFFFFF50]  }
0x1ed: {  	[tilespmem:s9+$0xFFFFFFC0] =	vst v2;
	v2 =	vld [tilespmem:s9+$0xFFFFFFD0];
	v0 =	vmul.f32 v1, v0  }
0x1ee: {  	v1 =	vmul.f32 v4, v6;
	v4 =	vld [tilespmem:s21+$0xFFFFFFD0]  }
0x1ef: {  	[tilespmem:s9+$0x40] =	vst v0;
	v0 =	vld [tilespmem:s9+$0x50]  }
0x1f0: {  	[tilespmem:s9+$0xFFFFFF40] =	vst v1;
	v1 =	vld [tilespmem:s21+$0x50];
	v3 =	vmul.f32 v5, v3  }
0x1f1: {  	v5 =	vld [tilespmem:s21+$0xFFFFFF50]  }
0x1f2: {  	[tilespmem:s9+$0xD0] =	vst v3;
	v3 =	vld [tilespmem:s9+$0xE0]  }
0x1f3: {  	v2 =	vmul.f32 v4, v2;
	v4 =	vld [tilespmem:s21+$0xE0]  }
0x1f4: {  	v6 =	vld [tilespmem:s9+$0xFFFFFF60]  }
0x1f5: {  	[tilespmem:s9+$0xFFFFFFD0] =	vst v2;
	v2 =	vld [tilespmem:s9+$0xFFFFFFE0];
	v0 =	vmul.f32 v1, v0  }
0x1f6: {  	v1 =	vmul.f32 v5, v7;
	v5 =	vld [tilespmem:s21+$0xFFFFFFE0]  }
0x1f7: {  	[tilespmem:s9+$0x50] =	vst v0;
	v7 =	vld [tilespmem:s9+$0x60]  }
0x1f8: {  	[tilespmem:s9+$0xFFFFFF50] =	vst v1;
	v8 =	vld [tilespmem:s21+$0x60];
	v0 =	vmul.f32 v4, v3  }
0x1f9: {  	v3 =	vld [tilespmem:s21+$0xFFFFFF60]  }
0x1fa: {  	[tilespmem:s9+$0xE0] =	vst v0;
	v9 =	vld [tilespmem:s9+$0xF0]  }
0x1fb: {  	v1 =	vmul.f32 v5, v2;
	v5 =	vld [tilespmem:s21+$0xF0]  }
0x1fc: {  	v0 =	vld [tilespmem:s9+$0xFFFFFF70]  }
.Ltmp4:
0x1fd: {  	[tilespmem:s9+$0xFFFFFFE0] =	vst v1;
	v1 =	vld [tilespmem:s9+$0xFFFFFFF0];
	v2 =	vmul.f32 v8, v7;
	(pc) =	sbr.rel @p1 .LBB2_9-.Ltmp4, $4  }
0x1fe: {  	v4 =	vmul.f32 v3, v6;
	v3 =	vld [tilespmem:s21+$0xFFFFFFF0]  }
0x1ff: {  	[tilespmem:s9+$0x60] =	vst v2;
	v2 =	vld [tilespmem:s9+$0x70]  }
0x200: {  	[tilespmem:s9+$0xFFFFFF60] =	vst v4;
	v4 =	vld [tilespmem:s21+$0x70];
	v6 =	vmul.f32 v5, v9  }
0x201: {  	s9 =	sadd.s32 $0x200, s9;
	v5 =	vld [tilespmem:s21+$0xFFFFFF70]  }
0x202: {  	_ =	sdelay $0x1  }
0x203: {  	v1 =	vmul.f32 v3, v1  }
0x204: {  	[tilespmem:s8+$0xF0] =	vst v6;
	v2 =	vmul.f32 v4, v2  }
0x205: {  	[tilespmem:s8+$0xFFFFFFF0] =	vst v1;
	v0 =	vmul.f32 v5, v0  }
0x206: {  	[tilespmem:s8+$0x70] =	vst v2  }
0x207: {  	[tilespmem:s8+$0xFFFFFF70] =	vst v0  }
0x208: {  	[spmem:s2] =	stream.indirect.scatter.add.f32 [tilespmem:s31], [sflag:$0x7], $0x80, s24, s30, $0xb8;
	[tilespmem:$0x1DA80] =	vst v63  }
0x209: {  	_ =	swait.ge [sflag:s23], $0x2800  }
0x20a: {  	[sflag:s23] =	ssyncset.done $0x0  }
0x20b: {  	[sflag:s23] =	ssyncadd.s32 $0xFFFFD800  }
0x20c: {  	[bflag:$0x0] =	sbarrier.arrive $0xFFFF  }
0x20d: {  	s20 =	rddreg [dreg:$0x5]  }
0x20e: {  	s9 =	rddreg [dreg:$0xc]  }
0x20f: {  	s21 =	rddreg [dreg:$0xf]  }
0x210: {  	[hbm:s9], [sflag:s20] =	dma.local [spmem:s21], $0x2700  }
0x211: {  	_ =	swait.ge [sflag:s23], $0x2700  }
0x212: {  	[sflag:s23] =	ssyncset.done $0x0;
	s8 =	rddreg [dreg:$0xd]  }
0x213: {  	s9 =	rddreg [dreg:$0x10];
	[sflag:s23] =	ssyncadd.s32 $0xFFFFD900  }
0x214: {  	[hbm:s8], [sflag:s20] =	dma.local @!p0 [spmem:s9], $0x100  }
0x215: {  	s8 =	simm.s32 @!p0 $0x7  }
0x216: {  	_ =	swait.ge @!p0 [sflag:s8], $0x100  }
0x217: {  	s19 =	sadd.s32 $0x1, s19;
	s22 =	rddreg [dreg:$0xe]  }
0x218: {  	p1 =	sne.s32 s19, s22  }
.Ltmp5:
0x219: {  	_ = 	snop;
	(pc) =	sbr.rel @p1 .LBB2_1-.Ltmp5, $3  }
0x21a: {  	_ =	sdelay $0x1  }
0x21b: {  	[sflag:s8] =	ssyncset.done @!p0 $0x0  }
0x21c: {  	[sflag:s8] =	ssyncadd.s32 @!p0 $0xFFFFFF00  }
0x21d: {  	_ =	sfence.sel $0x180000  }
0x21e: {  	[bflag:$0x0] =	sbarrier.arrive $0xFFFF  }
0x21f: {  	_ =	strace $0x9000004A  }
0x220: {  	s0 =	stileid.u32;
	[bflag:$0x2] =	sbarrier.arrive $0xFFFF  }
0x221: {  	p0 =	sne.s32 s0, $0x0;
	s0 =	rddreg [dreg:$0x3]  }
0x222: {  	s0 =	sadd.s32 @!p0 $0x100000, s0  }
0x223: {  	[sflag:s0] =	ssyncadd.tile.s32 @!p0 $0x1;
	_ =	shalt  }
.Lfunc_end2:
_tile_overlayer_lowered:
.L_overlay_start_2:
0x224: {  	(tag) =	ssettag $0x2  }
0x225: {  	s0 =	rddreg [dreg:$0x0];
	s2 =	stileid.u32  }
0x226: {  	s1 =	rddreg [dreg:$0x1];
	p0 =	sne.s32 s2, $0x0  }
0x227: {  	s3 =	rddreg [dreg:$0x2];
	[bflag:$0x3] =	sbarrier.arrive $0xFFFF;
	s2 =	simm.s32 @!p0 $0x1C07  }
0x228: {  	[timem:s3], [sflag:s2] =	dma.local @!p0 [hbm:s0], s1  }
0x229: {  	s0 =	simm.s32 @!p0 $0x7  }
0x22a: {  	_ =	swait.ge @!p0 [sflag:s0], s1  }
0x22b: {  	s1 =	ssub.s32 @!p0 $0x0, s1;
	[sflag:s0] =	ssyncset.done @!p0 $0x0  }
0x22c: {  	[sflag:s0] =	ssyncadd.s32 @!p0 s1  }
0x22d: {  	[bflag:$0x3] =	sbarrier.arrive $0xFFFF  }
0x22e: {  	_ =	shalt  }

// kernel: kernel.18.cloned.1.call-start
scs
__scs_entry_jumppad:
0x0: {  	(pc) =	sbr.rel $0x88, $3  }
0x1: {  	(tag) =	ssettag $0x0;
	lr =	simm.s32 $0x1  }
0x2: {  	[smem:$0x3F93] =	sst lr;
	_ =	strace $0xD0000000  }
0x3: {  	_ = 	snop  }
0x4: {  	_ = 	snop  }
0x5: {  	_ = 	snop  }
0x6: {  	_ = 	snop  }
0x7: {  	_ = 	snop  }
__scs_overlays_trampoline_lowered:
0x8: {  	[smem:$0x3FA2] =	sst s0  }
0x9: {  	[smem:$0x3FA3] =	sst s1  }
0xa: {  	[smem:$0x3FA4] =	sst s2  }
0xb: {  	[smem:$0x3FA5] =	sst s3  }
0xc: {  	[smem:$0x3FA6] =	sst s4  }
0xd: {  	[smem:$0x3FA7] =	sst s5  }
0xe: {  	[smem:$0x3FA8] =	sst s6  }
0xf: {  	[smem:$0x3FA9] =	sst s7  }
0x10: {  	[smem:$0x3FAA] =	sst s8  }
0x11: {  	[smem:$0x3FAB] =	sst s9;
	s0 =	simm.s32 @!p0 $0x0  }
0x12: {  	s1 =	sld [smem:$0x3F91];
	s0 =	simm.s32 @p0 $0x1  }
0x13: {  	[smem:$0x3FAC] =	sst s0;
	s0 =	simm.s32 @!p1 $0x0  }
0x14: {  	s2 =	sld [smem:$0x3F90];
	s0 =	simm.s32 @p1 $0x1  }
0x15: {  	[smem:$0x3FAD] =	sst s0;
	s0 =	simm.s32 @!p2 $0x0  }
0x16: {  	s3 =	sld [smem:$0x3FDB];
	s0 =	simm.s32 @p2 $0x1  }
0x17: {  	s4 =	simm.s32 $0x1BF5;
	[smem:$0x3FAF] =	sst s0  }
0x18: {  	s0 =	sld [smem:$0x3F92];
	_ =	swait.ge [sflag:s4], $0x0  }
0x19: {  	s7 =	sld [smem:$0x3F93]  }
0x1a: {  	s8 =	sadd.s32 $0xFFFFE003, lr  }
0x1b: {  	s9 =	sadd.s32 $0xFFFFFEF7, lr;
	s5 =	simm.s32 $0xFFFFFFFF;
	p2 =	slt.u32 s8, $0xFFFFF086  }
0x1c: {  	p1 =	slt.u32 s9, $0xF7A;
	s5 =	simm.s32 @!p2 $0x0  }
0x1d: {  	s5 =	simm.s32 @p1 $0x1;
	p0 =	seq.s32 s7, s2  }
0x1e: {  	s7 =	smul.u32 @!p0 $0xF7A, s2;
	p2 =	seq.s32 @!p0 s5, $0x0  }
0x1f: {  	s9 =	smul.u32 $0xF7A, s1;
	s8 =	simm.s32 @!p0 $0x1BF5;
	p2 =	por !p2, p0  }
0x20: {  	[sflag:s8] =	ssyncset.s32 @!p0 $0xFFFFF086;
	s6 =	sadd.s32 @!p0 s3, s7;
	s7 =	simm.s32 @!p0 $0x108  }
0x21: {  	s3 =	sadd.s32 s3, s9;
	s6 =	sadd.s32 @!p0 $0x88, s6;
	s7 =	simm.s32 @p2 $0x1082  }
0x22: {  	[simem:s7], [sflag:s8] =	dma.local @!p0 [hbm:s6], $0xF7A  }
0x23: {  	s9 =	sor.u32 $0xD0000000, s2;
	s6 =	simm.s32 $0x108;
	_ =	swait.ge @!p0 [sflag:s8], $0x0  }
0x24: {  	s3 =	sadd.s32 $0x88, s3;
	s6 =	simm.s32 @!p1 $0x1082;
	[sflag:s4] =	ssyncset.s32 $0xFFFFF086  }
0x25: {  	[simem:s6], [sflag:s4] =	dma.local [hbm:s3], $0xF7A  }
0x26: {  	[smem:$0x3F93] =	sst s1;
	(tag) =	ssettag s2;
	_ =	strace s9  }
0x27: {  	s1 =	sld [smem:$0x3FA3]  }
0x28: {  	s2 =	sld [smem:$0x3FA4]  }
0x29: {  	s4 =	sld [smem:$0x3FA6]  }
0x2a: {  	p0 =	seq.s32 s5, $0x0;
	s5 =	sld [smem:$0x3FA7]  }
0x2b: {  	s6 =	sld [smem:$0x3FA8]  }
0x2c: {  	s7 =	sld [smem:$0x3FA9]  }
0x2d: {  	s3 =	simm.s32 $0x108;
	s8 =	sld [smem:$0x3FAA]  }
0x2e: {  	s3 =	simm.s32 @!p0 $0x1082;
	s9 =	sld [smem:$0x3FAB]  }
0x2f: {  	lr =	sadd.s32 s0, s3;
	s0 =	sld [smem:$0x3FA2]  }
0x30: {  	s3 =	sld [smem:$0x3FA5]  }
0x31: {  	[smem:$0x3FAE] =	sst s10  }
0x32: {  	s10 =	sld [smem:$0x3FAC];
	_ =	sdelay $0x3  }
0x33: {  	p0 =	seq.s32 s10, $0x1;
	s10 =	sld [smem:$0x3FAE];
	_ =	sdelay $0x3  }
0x34: {  	[smem:$0x3FAE] =	sst s10  }
0x35: {  	s10 =	sld [smem:$0x3FAD];
	_ =	sdelay $0x3  }
0x36: {  	p1 =	seq.s32 s10, $0x1;
	s10 =	sld [smem:$0x3FAE];
	_ =	sdelay $0x3  }
0x37: {  	[smem:$0x3FAE] =	sst s10  }
0x38: {  	s10 =	sld [smem:$0x3FAF]  }
0x39: {  	_ = 	snop;
	(pc) =	sbr.ind lr, $3  }
0x3a: {  	_ = 	snop  }
0x3b: {  	_ = 	snop  }
0x3c: {  	p2 =	seq.s32 s10, $0x1;
	s10 =	sld [smem:$0x3FAE]  }
0x3d: {  	_ =	shalt  }
0x3e: {  	_ =	shalt  }
0x3f: {  	_ =	shalt  }
0x40: {  	_ =	shalt  }
0x41: {  	_ =	shalt  }
0x42: {  	_ =	shalt  }
0x43: {  	_ =	shalt  }
0x44: {  	_ =	shalt  }
0x45: {  	_ =	shalt  }
0x46: {  	_ =	shalt  }
0x47: {  	_ =	shalt  }
0x48: {  	_ =	shalt  }
0x49: {  	_ =	shalt  }
0x4a: {  	_ =	shalt  }
0x4b: {  	_ =	shalt  }
0x4c: {  	_ =	shalt  }
0x4d: {  	_ =	shalt  }
0x4e: {  	_ =	shalt  }
0x4f: {  	_ =	shalt  }
0x50: {  	_ =	shalt  }
0x51: {  	_ =	shalt  }
0x52: {  	_ =	shalt  }
0x53: {  	_ =	shalt  }
0x54: {  	_ =	shalt  }
0x55: {  	_ =	shalt  }
0x56: {  	_ =	shalt  }
0x57: {  	_ =	shalt  }
0x58: {  	_ =	shalt  }
0x59: {  	_ =	shalt  }
0x5a: {  	_ =	shalt  }
0x5b: {  	_ =	shalt  }
0x5c: {  	_ =	shalt  }
0x5d: {  	_ =	shalt  }
0x5e: {  	_ =	shalt  }
0x5f: {  	_ =	shalt  }
0x60: {  	_ =	shalt  }
0x61: {  	_ =	shalt  }
0x62: {  	_ =	shalt  }
0x63: {  	_ =	shalt  }
0x64: {  	_ =	shalt  }
0x65: {  	_ =	shalt  }
0x66: {  	_ =	shalt  }
0x67: {  	_ =	shalt  }
0x68: {  	_ =	shalt  }
0x69: {  	_ =	shalt  }
0x6a: {  	_ =	shalt  }
0x6b: {  	_ =	shalt  }
0x6c: {  	_ =	shalt  }
0x6d: {  	_ =	shalt  }
0x6e: {  	_ =	shalt  }
0x6f: {  	_ =	shalt  }
0x70: {  	_ =	shalt  }
0x71: {  	_ =	shalt  }
0x72: {  	_ =	shalt  }
0x73: {  	_ =	shalt  }
0x74: {  	_ =	shalt  }
0x75: {  	_ =	shalt  }
0x76: {  	_ =	shalt  }
0x77: {  	_ =	shalt  }
0x78: {  	_ =	shalt  }
0x79: {  	_ =	shalt  }
0x7a: {  	_ =	shalt  }
0x7b: {  	_ =	shalt  }
0x7c: {  	_ =	shalt  }
0x7d: {  	_ =	shalt  }
0x7e: {  	_ =	shalt  }
0x7f: {  	_ =	shalt  }
0x80: {  	_ =	shalt  }
0x81: {  	_ =	shalt  }
0x82: {  	_ =	shalt  }
0x83: {  	_ =	shalt  }
0x84: {  	_ =	shalt  }
0x85: {  	_ =	shalt  }
0x86: {  	_ =	shalt  }
0x87: {  	_ =	shalt  }
.Lfunc_end0:
.L_simem_size_0:
called_computation.2_lowered:
.L_overlay_start_0:
0x88: {  	s2 =	sld [smem:$0x3FD9]  }
0x89: {  	s3 =	sld [smem:$0x3FFE];
	_ =	sdelay $0x1  }
0x8a: {  	s1 =	srdreg.scid  }
0x8b: {  	s0 =	sand.u32 $0x1, s1  }
0x8c: {  	s17 =	sshll.u32 s0, $0xA;
	s2 =	sadd.s32 s3, s2  }
0x8d: {  	s2 =	sadd.s32 s2, s17  }
0x8e: {  	[smem:$0x3FBA] =	sst s2  }
0x8f: {  	_ = 	snop  }
0x90: {  	s2 =	sld [smem:$0x3FD0];
	(tm) =	ssettm $0x1  }
0x91: {  	s18 =	sld [smem:$0x3FFB];
	_ =	sdelay $0x3  }
0x92: {  	_ =	strace s18  }
0x93: {  	s3 =	sld [smem:$0x3FFC];
	_ =	sdelay $0x3  }
0x94: {  	_ =	strace s3  }
0x95: {  	s3 =	sld [smem:$0x3FFD];
	_ =	sdelay $0x3  }
0x96: {  	_ =	strace s3  }
0x97: {  	_ =	strace $0x8FFFFFFF  }
0x98: {  	s19 =	sld [smem:$0x3FDB];
	_ =	sdelay $0x1  }
0x99: {  	s4 =	simm.s32 $_scs_section_size  }
0x9a: {  	s5 =	simm.s32 $_size__tile_overlayer_lowered;
	s6 =	simm.s32 $_tile_overlayer_lowered  }
0x9b: {  	s22 =	simm.s32 $0x1BFF;
	s21 =	sshll.u32 s6, $0x1;
	s3 =	sadd.s32 s4, s19  }
0x9c: {  	s7 =	simm.s32 $0x0;
	s20 =	sshll.u32 s5, $0x1;
	s5 =	sadd.s32 s21, s3  }
0x9d: {  	[timem:s7], [sflag:s22] =	dma.local [hbm:s5], s20  }
0x9e: {  	_ =	swait.ge [sflag:s22], s20  }
0x9f: {  	s4 =	ssub.s32 $0x0, s20;
	[sflag:s22] =	ssyncset.done $0x0  }
0xa0: {  	[sflag:s22] =	ssyncadd.s32 s4;
	_ =	sdelay $0x1  }
0xa1: {  	s23 =	simm.s32 $0x1B8B  }
0xa2: {  	_ =	swait.ge [sflag:s23], $0x1  }
0xa3: {  	[sflag:s23] =	ssyncset.done $0x0  }
0xa4: {  	s25 =	simm.s32 $0x1B8E;
	s24 =	sld [smem:$0x3FFE];
	[sflag:s23] =	ssyncadd.s32 $0xFFFFFFFF  }
0xa5: {  	s26 =	simm.s32 $execute0_lowered;
	[smem:$0x3FD2] =	sst s25  }
0xa6: {  	s5 =	sshll.u32 s26, $0x1;
	_ =	strace $0x8000004C;
	[dreg:$0x1] =	wrdreg $0xFFFFFFFF  }
0xa7: {  	s28 =	simm.s32 $_size_execute0_lowered;
	s3 =	sadd.s32 s3, s5;
	[dreg:$0x0] =	wrdreg $0x0  }
0xa8: {  	s5 =	sshll.u32 s28, $0x1;
	[dreg:$0x2] =	wrdreg s3  }
0xa9: {  	[dreg:$0x3] =	wrdreg s5  }
0xaa: {  	[dreg:$0x4] =	wrdreg $0xC0  }
0xab: {  	_ =	task [dreg:s7], $0x5FFFF  }
0xac: {  	[dreg:$0x1] =	wrdreg $0xFFFFFFFF  }
0xad: {  	[dreg:$0x0] =	wrdreg $0x60  }
0xae: {  	[dreg:$0x2] =	wrdreg s2  }
0xaf: {  	[dreg:$0x3] =	wrdreg s24  }
0xb0: {  	[dreg:$0x4] =	wrdreg $0x0  }
0xb1: {  	[dreg:$0x5] =	wrdreg $0x9  }
0xb2: {  	_ =	task.clear_ibuf [dreg:s7], $0x6FFFF;
	_ =	strace $0x9000004C  }
0xb3: {  	s29 =	simm.s32 $0x9;
	_ =	strace $0x8000004E  }
0xb4: {  	_ =	swait.ge [sflag:s29], $0x1  }
0xb5: {  	[sflag:s29] =	ssyncadd.s32 $0xFFFFFFFF  }
0xb6: {  	_ =	strace $0x9000004E  }
0xb7: {  	_ =	sfence  }
0xb8: {  	s30 =	sld [smem:$0x0];
	_ =	sdelay $0x2  }
0xb9: {  	s31 =	sshll.u32 s1, $0xD;
	s1 =	sshrl.u32 s1, $0x2  }
0xba: {  	s3 =	sand.u32 $0x4000, s31;
	s1 =	sadd.s32 s1, s30  }
0xbb: {  	s0 =	sor.u32 s3, s0;
	s1 =	sshll.u32 s1, $0x11  }
0xbc: {  	s0 =	sor.u32 s1, s0  }
0xbd: {  	s0 =	sadd.s32 $0x8F2B, s0  }
0xbe: {  	[sflag:s0] =	ssyncadd.remote.s32 $0x1  }
0xbf: {  	_ =	sfence.sel $0xFFFF  }
0xc0: {  	[dreg:$0x0] =	wrdreg $0xFFFFFFFF;
	(pc) =	sbr.abs _section_cstart, $3  }
0xc1: {  	[dreg:$0x1] =	wrdreg $0xFFFFFFFF  }
0xc2: {  	_ =	task.clear_ibuf [dreg:s7], $0x2FFFF;
	_ =	strace $0x9FFFFFFF  }
0xc3: {  	(tm) =	ssettm $0x7FFFFFFF  }
tec
execute0_lowered:
.L_overlay_start_1:
0x0: {  	(tag) =	ssettag $0x1  }
0x1: {  	s1 =	rddreg [dreg:$0x0]  }
0x2: {  	s0 =	rddreg [dreg:$0x1]  }
0x3: {  	s2 =	rddreg [dreg:$0x2]  }
0x4: {  	s3 =	simm.s32 $0x0;
	s4 =	srdreg.scid;
	s17 =	stileid.u32  }
0x5: {  	s28 =	simm.s32 $0x13A00;
	s29 =	simm.s32 $0x5;
	s30 =	simm.s32 $0x50  }
0x6: {  	s31 =	simm.s32 $0x13A80;
	[smem:$0x7FF] =	sst s3;
	s5 =	sadd.s32 $0xF49800, s0  }
0x7: {  	s6 =	sadd.s32 $0x4EB400, s0;
	s4 =	sand.u32 $0x1, s4;
	s7 =	sadd.s32 $0x4FB400, s0  }
0x8: {  	s8 =	smul.u32 $0x4E000, s17;
	s9 =	sadd.s32 $0xA14E00, s0;
	s0 =	sadd.s32 $0x2E200, s0  }
0x9: {  	s14 =	sshll.u32 s17, $0x6;
	s12 =	sshll.u32 s17, $0xE;
	s15 =	smul.u32 $0x138800, s17  }
0xa: {  	s16 =	sadd.s32 $0x138000, s2;
	p0 =	sne.s32 s17, $0xF;
	_ =	strace $0x8000004D  }
0xb: {  	[dreg:$0x4] =	wrdreg s9;
	s13 =	ssub.s32 $0x2, s4;
	s11 =	sshll.u32 s4, $0x12  }
0xc: {  	s20 =	sor.u32 $0x1C07, s14;
	[dreg:$0x6] =	wrdreg s16;
	s16 =	smul.u32 $0x13800, s17  }
0xd: {  	s17 =	simm.s32 $0x4;
	s10 =	sshrl.u32 s13, $0x1;
	s8 =	sshrl.u32 s8, $0x2  }
0xe: {  	[dreg:$0x5] =	wrdreg s20;
	s9 =	ssub.s32 s13, s10;
	s10 =	sor.u32 s12, s11  }
0xf: {  	s8 =	sadd.s32 s8, s2;
	s13 =	smul.u32 $0x1388000, s4;
	s18 =	sshrl.u32 s10, $0x3  }
0x10: {  	s4 =	smul.u32 $0x138800, s4;
	s26 =	smax.u32 s9, $0x1;
	s14 =	sadd.s32 s6, s18  }
0x11: {  	s19 =	sor.u32 $0x10, s18;
	s12 =	sadd.s32 s7, s18;
	s15 =	sadd.s32 s15, s13  }
0x12: {  	s24 =	sadd.s32 s16, s4;
	s4 =	sshrl.u32 s4, $0x3;
	[dreg:$0xe] =	wrdreg s26  }
0x13: {  	s26 =	simm.s32 $0x13900;
	s13 =	simm.s32 $0x1;
	[dreg:$0x7] =	wrdreg s14  }
0x14: {  	s16 =	simm.s32 $0x2;
	[dreg:$0x8] =	wrdreg s12;
	s21 =	sadd.s32 s6, s19  }
0x15: {  	s22 =	sadd.s32 s7, s19;
	s23 =	sshrl.u32 s15, $0x3;
	s25 =	sshrl.u32 s24, $0x3  }
0x16: {  	s18 =	sadd.s32 $0x2800, s15;
	s24 =	simm.s32 $0x13880;
	s12 =	simm.s32 $0x1B280  }
0x17: {  	s14 =	simm.s32 $0x3;
	s19 =	simm.s32 $0x0;
	[dreg:$0x9] =	wrdreg s21  }
0x18: {  	[dreg:$0xa] =	wrdreg s22;
	s11 =	sadd.s32 s5, s23;
	s21 =	sshrl.u32 s8, $0x3  }
0x19: {  	s23 =	simm.s32 $0x7;
	[dreg:$0xb] =	wrdreg s11;
	s11 =	sadd.s32 s0, s25  }
0x1a: {  	s0 =	sadd.s32 s0, s4;
	s25 =	simm.s32 $0x13980;
	[dreg:$0xf] =	wrdreg s21  }
0x1b: {  	s4 =	simm.s32 $0x6;
	[dreg:$0xc] =	wrdreg s11;
	s0 =	sadd.s32 $0x27000, s0  }
0x1c: {  	s11 =	simm.s32 $0x16280;
	[dreg:$0xd] =	wrdreg s0;
	s0 =	simm.s32 $0x18A80  }
.LBB2_1:
0x1d: {  	s8 =	rddreg [dreg:$0x4]  }
0x1e: {  	[spmem:s21], [sflag:s20] =	dma.local [hbm:s8], $0x2700  }
0x1f: {  	_ =	swait.ge [sflag:s23], $0x2700  }
0x20: {  	s9 =	rddreg [dreg:$0x6]  }
0x21: {  	[sflag:s23] =	ssyncset.done $0x0;
	s9 =	sshrl.u32 @!p0 s9, $0x3  }
0x22: {  	[sflag:s23] =	ssyncadd.s32 $0xFFFFD900;
	[dreg:$0x10] =	wrdreg s9  }
0x23: {  	[spmem:s9], [sflag:s20] =	dma.local @!p0 [hbm:s8], $0x100  }
0x24: {  	s8 =	simm.s32 @!p0 $0x7  }
0x25: {  	_ =	swait.ge @!p0 [sflag:s8], $0x100  }
0x26: {  	[sflag:s8] =	ssyncset.done @!p0 $0x0  }
0x27: {  	[sflag:s8] =	ssyncadd.s32 @!p0 $0xFFFFFF00  }
0x28: {  	[bflag:$0x0] =	sbarrier.arrive $0xFFFF  }
0x29: {  	s22 =	rddreg [dreg:$0x7]  }
0x2a: {  	[tilespmem:s24], [sflag:$0x5] =	stream.linear.gather [hbm4b:s22+s3], $0x80, $0x38;
	[tilespmem:$0x1DA80] =	vst v63  }
0x2b: {  	s9 =	rddreg [dreg:$0x8]  }
0x2c: {  	[tilespmem:s25], [sflag:$0x5] =	stream.linear.gather [hbm4b:s9+s3], $0x80, $0x38;
	[tilespmem:$0x1DA80] =	vst v63  }
0x2d: {  	s20 =	rddreg [dreg:$0x9]  }
0x2e: {  	[tilespmem:s26], [sflag:$0x6] =	stream.linear.gather [hbm4b:s20+s3], $0x80, $0x38;
	[tilespmem:$0x1DA80] =	vst v63  }
0x2f: {  	s21 =	rddreg [dreg:$0xa]  }
0x30: {  	[tilespmem:s28], [sflag:$0x6] =	stream.linear.gather [hbm4b:s21+s3], $0x80, $0x38;
	[tilespmem:$0x1DA80] =	vst v63  }
0x31: {  	_ =	swait.ge [sflag:s29], $0x80  }
0x32: {  	[sflag:s29] =	ssyncset.done $0x0  }
0x33: {  	[sflag:s29] =	ssyncadd.s32 $0xFFFFFF80  }
0x34: {  	_ =	swait.ge [sflag:s29], $0x80  }
0x35: {  	[sflag:s29] =	ssyncset.done $0x0  }
0x36: {  	[sflag:s29] =	ssyncadd.s32 $0xFFFFFF80  }
0x37: {  	[tilespmem:s31], [sflag:$0x1] =	stream.indirect.gather [hbm4b:s1+s30], $0x80, s25, s30, $0xb8;
	[tilespmem:$0x1DA80] =	vst v63  }
0x38: {  	s21 =	simm.s32 $0x0;
	s22 =	rddreg [dreg:$0xb]  }
0x39: {  	[tilespmem:s0], [sflag:$0x3] =	stream.linear.gather [hbm4b:s22+s3], $0x2800, $0x38;
	[tilespmem:$0x1DA80] =	vst v63  }
.LBB2_2:
0x3a: {  	_ =	swait.ge [sflag:s4], $0x80  }
0x3b: {  	[sflag:s4] =	ssyncset.done $0x0  }
0x3c: {  	s8 =	smul.u32 $0x5000, s21;
	[sflag:s4] =	ssyncadd.s32 $0xFFFFFF80  }
0x3d: {  	_ =	swait.ge [sflag:s4], $0x80  }
0x3e: {  	s8 =	sadd.s32 s8, s18;
	[sflag:s4] =	ssyncset.done $0x0  }
0x3f: {  	s8 =	sshrl.u32 s8, $0x3;
	[sflag:s4] =	ssyncadd.s32 $0xFFFFFF80  }
0x40: {  	[tilespmem:s11], [sflag:$0x2] =	stream.indirect.gather [hbm4b:s1+s30], $0x80, s28, s30, $0xb8;
	[tilespmem:$0x1DA80] =	vst v63  }
0x41: {  	s8 =	sadd.s32 s5, s8  }
0x42: {  	[tilespmem:s12], [sflag:$0x4] =	stream.linear.gather [hbm4b:s8+s3], $0x2800, $0x38;
	[tilespmem:$0x1DA80] =	vst v63  }
0x43: {  	_ =	swait.ge [sflag:s13], $0x2800  }
0x44: {  	[sflag:s13] =	ssyncset.done $0x0  }
0x45: {  	[sflag:s13] =	ssyncadd.s32 $0xFFFFD800  }
0x46: {  	_ =	swait.ge [sflag:s14], $0x2800  }
0x47: {  	[sflag:s14] =	ssyncset.done $0x0  }
0x48: {  	s8 =	simm.s32 $0x13B80;
	[sflag:s14] =	ssyncadd.s32 $0xFFFFD800  }
0x49: {  	s22 =	simm.s32 $0x18B80;
	v0 =	vld [tilespmem:s8+$0x80]  }
0x4a: {  	v1 =	vld [tilespmem:s22+$0x80]  }
0x4b: {  	v2 =	vld [tilespmem:s8+$0xFFFFFF80]  }
0x4c: {  	v3 =	vld [tilespmem:s22+$0xFFFFFF80]  }
0x4d: {  	v4 =	vld [tilespmem:s8+$0x0]  }
0x4e: {  	v5 =	vld [tilespmem:s22+$0x0]  }
0x4f: {  	v6 =	vld [tilespmem:s8+$0xFFFFFF00];
	v0 =	vmul.f32 v1, v0  }
0x50: {  	v1 =	vld [tilespmem:s22+$0xFFFFFF00]  }
0x51: {  	[tilespmem:s8+$0x80] =	vst v0;
	v0 =	vld [tilespmem:s8+$0x90]  }
0x52: {  	v2 =	vmul.f32 v3, v2;
	v3 =	vld [tilespmem:s22+$0x90]  }
0x53: {  	v7 =	vld [tilespmem:s8+$0xFFFFFF10]  }
0x54: {  	[tilespmem:s8+$0xFFFFFF80] =	vst v2;
	v2 =	vmul.f32 v5, v4;
	v4 =	vld [tilespmem:s8+$0xFFFFFF90]  }
0x55: {  	v5 =	vld [tilespmem:s22+$0xFFFFFF90];
	v1 =	vmul.f32 v1, v6  }
0x56: {  	[tilespmem:s8+$0x0] =	vst v2;
	v2 =	vld [tilespmem:s8+$0x10]  }
0x57: {  	v6 =	vld [tilespmem:s22+$0x10];
	[tilespmem:s8+$0xFFFFFF00] =	vst v1;
	v0 =	vmul.f32 v3, v0  }
0x58: {  	v1 =	vld [tilespmem:s22+$0xFFFFFF10]  }
0x59: {  	[tilespmem:s8+$0x90] =	vst v0;
	v0 =	vld [tilespmem:s8+$0xA0]  }
0x5a: {  	v3 =	vmul.f32 v5, v4;
	v4 =	vld [tilespmem:s22+$0xA0]  }
0x5b: {  	v5 =	vld [tilespmem:s8+$0xFFFFFF20]  }
0x5c: {  	[tilespmem:s8+$0xFFFFFF90] =	vst v3;
	v2 =	vmul.f32 v6, v2;
	v3 =	vld [tilespmem:s8+$0xFFFFFFA0]  }
0x5d: {  	v6 =	vld [tilespmem:s22+$0xFFFFFFA0];
	v1 =	vmul.f32 v1, v7  }
0x5e: {  	[tilespmem:s8+$0x10] =	vst v2;
	v2 =	vld [tilespmem:s8+$0x20]  }
0x5f: {  	v7 =	vld [tilespmem:s22+$0x20];
	[tilespmem:s8+$0xFFFFFF10] =	vst v1;
	v0 =	vmul.f32 v4, v0  }
0x60: {  	v1 =	vld [tilespmem:s22+$0xFFFFFF20]  }
0x61: {  	[tilespmem:s8+$0xA0] =	vst v0;
	v0 =	vld [tilespmem:s8+$0xB0]  }
0x62: {  	v3 =	vmul.f32 v6, v3;
	v4 =	vld [tilespmem:s22+$0xB0]  }
0x63: {  	v6 =	vld [tilespmem:s8+$0xFFFFFF30]  }
0x64: {  	[tilespmem:s8+$0xFFFFFFA0] =	vst v3;
	v2 =	vmul.f32 v7, v2;
	v3 =	vld [tilespmem:s8+$0xFFFFFFB0]  }
0x65: {  	v7 =	vld [tilespmem:s22+$0xFFFFFFB0];
	v1 =	vmul.f32 v1, v5  }
0x66: {  	[tilespmem:s8+$0x20] =	vst v2;
	v2 =	vld [tilespmem:s8+$0x30]  }
0x67: {  	v5 =	vld [tilespmem:s22+$0x30];
	[tilespmem:s8+$0xFFFFFF20] =	vst v1;
	v0 =	vmul.f32 v4, v0  }
0x68: {  	v1 =	vld [tilespmem:s22+$0xFFFFFF30]  }
0x69: {  	[tilespmem:s8+$0xB0] =	vst v0;
	v0 =	vld [tilespmem:s8+$0xC0]  }
0x6a: {  	v3 =	vmul.f32 v7, v3;
	v4 =	vld [tilespmem:s22+$0xC0]  }
0x6b: {  	v7 =	vld [tilespmem:s8+$0xFFFFFF40]  }
0x6c: {  	[tilespmem:s8+$0xFFFFFFB0] =	vst v3;
	v2 =	vmul.f32 v5, v2;
	v3 =	vld [tilespmem:s8+$0xFFFFFFC0]  }
0x6d: {  	v5 =	vld [tilespmem:s22+$0xFFFFFFC0];
	v1 =	vmul.f32 v1, v6  }
0x6e: {  	[tilespmem:s8+$0x30] =	vst v2;
	v2 =	vld [tilespmem:s8+$0x40]  }
0x6f: {  	v6 =	vld [tilespmem:s22+$0x40];
	[tilespmem:s8+$0xFFFFFF30] =	vst v1;
	v0 =	vmul.f32 v4, v0  }
0x70: {  	v1 =	vld [tilespmem:s22+$0xFFFFFF40]  }
0x71: {  	[tilespmem:s8+$0xC0] =	vst v0;
	v0 =	vld [tilespmem:s8+$0xD0]  }
0x72: {  	v3 =	vmul.f32 v5, v3;
	v4 =	vld [tilespmem:s22+$0xD0]  }
0x73: {  	v5 =	vld [tilespmem:s8+$0xFFFFFF50]  }
0x74: {  	[tilespmem:s8+$0xFFFFFFC0] =	vst v3;
	v2 =	vmul.f32 v6, v2;
	v3 =	vld [tilespmem:s8+$0xFFFFFFD0]  }
0x75: {  	v6 =	vld [tilespmem:s22+$0xFFFFFFD0];
	v1 =	vmul.f32 v1, v7  }
0x76: {  	[tilespmem:s8+$0x40] =	vst v2;
	v2 =	vld [tilespmem:s8+$0x50]  }
0x77: {  	v7 =	vld [tilespmem:s22+$0x50];
	[tilespmem:s8+$0xFFFFFF40] =	vst v1;
	v0 =	vmul.f32 v4, v0  }
0x78: {  	v1 =	vld [tilespmem:s22+$0xFFFFFF50]  }
0x79: {  	[tilespmem:s8+$0xD0] =	vst v0;
	v0 =	vld [tilespmem:s8+$0xE0]  }
0x7a: {  	v3 =	vmul.f32 v6, v3;
	v4 =	vld [tilespmem:s22+$0xE0]  }
0x7b: {  	v6 =	vld [tilespmem:s8+$0xFFFFFF60]  }
0x7c: {  	[tilespmem:s8+$0xFFFFFFD0] =	vst v3;
	v2 =	vmul.f32 v7, v2;
	v3 =	vld [tilespmem:s8+$0xFFFFFFE0]  }
0x7d: {  	v7 =	vld [tilespmem:s22+$0xFFFFFFE0];
	v1 =	vmul.f32 v1, v5  }
0x7e: {  	[tilespmem:s8+$0x50] =	vst v2;
	v2 =	vld [tilespmem:s8+$0x60]  }
0x7f: {  	v5 =	vld [tilespmem:s22+$0x60];
	[tilespmem:s8+$0xFFFFFF50] =	vst v1;
	v0 =	vmul.f32 v4, v0  }
0x80: {  	v4 =	vld [tilespmem:s22+$0xFFFFFF60]  }
0x81: {  	v8 =	vld [tilespmem:s8+$0xF0];
	[tilespmem:s8+$0xE0] =	vst v0  }
0x82: {  	v1 =	vmul.f32 v7, v3;
	v7 =	vld [tilespmem:s22+$0xF0]  }
0x83: {  	v0 =	vld [tilespmem:s8+$0xFFFFFF70]  }
0x84: {  	[tilespmem:s8+$0xFFFFFFE0] =	vst v1;
	v2 =	vmul.f32 v5, v2;
	v1 =	vld [tilespmem:s8+$0xFFFFFFF0]  }
0x85: {  	v3 =	vld [tilespmem:s22+$0xFFFFFFF0];
	v4 =	vmul.f32 v4, v6  }
0x86: {  	[tilespmem:s8+$0x60] =	vst v2;
	v2 =	vld [tilespmem:s8+$0x70]  }
0x87: {  	[tilespmem:s8+$0xFFFFFF60] =	vst v4;
	v4 =	vld [tilespmem:s22+$0x70];
	v6 =	vmul.f32 v7, v8  }
0x88: {  	s20 =	simm.s32 $0x0;
	s9 =	simm.s32 $0x13D80;
	v5 =	vld [tilespmem:s22+$0xFFFFFF70]  }
.LBB2_3:
0x89: {  	v7 =	vld [tilespmem:s9+$0x80];
	[tilespmem:s8+$0xF0] =	vst v6;
	s22 =	sadd.s32 $0x200, s22  }
0x8a: {  	s20 =	sadd.s32 $0x4, s20;
	v6 =	vld [tilespmem:s22+$0x80];
	v1 =	vmul.f32 v3, v1  }
0x8b: {  	p1 =	slt.u32 s20, $0x4C;
	v3 =	vld [tilespmem:s22+$0xFFFFFF00]  }
0x8c: {  	v8 =	vld [tilespmem:s9+$0xFFFFFF80];
	[tilespmem:s8+$0xFFFFFFF0] =	vst v1;
	v1 =	vmul.f32 v4, v2  }
0x8d: {  	v2 =	vld [tilespmem:s22+$0xFFFFFF80];
	v0 =	vmul.f32 v5, v0  }
0x8e: {  	v4 =	vld [tilespmem:s9+$0x0];
	[tilespmem:s8+$0x70] =	vst v1  }
0x8f: {  	v1 =	vld [tilespmem:s22+$0x0];
	v5 =	vmul.f32 v6, v7;
	[tilespmem:s8+$0xFFFFFF70] =	vst v0;
	s8 =	smov.u32 s9  }
0x90: {  	v0 =	vld [tilespmem:s9+$0xFFFFFF00]  }
0x91: {  	[tilespmem:s9+$0x80] =	vst v5;
	v5 =	vld [tilespmem:s9+$0x90]  }
0x92: {  	v2 =	vmul.f32 v2, v8;
	v6 =	vld [tilespmem:s22+$0x90]  }
0x93: {  	v7 =	vld [tilespmem:s9+$0xFFFFFF10]  }
0x94: {  	[tilespmem:s9+$0xFFFFFF80] =	vst v2;
	v2 =	vld [tilespmem:s9+$0xFFFFFF90];
	v1 =	vmul.f32 v1, v4  }
0x95: {  	v0 =	vmul.f32 v3, v0;
	v3 =	vld [tilespmem:s22+$0xFFFFFF90]  }
0x96: {  	[tilespmem:s9+$0x0] =	vst v1;
	v1 =	vld [tilespmem:s9+$0x10]  }
0x97: {  	[tilespmem:s9+$0xFFFFFF00] =	vst v0;
	v0 =	vld [tilespmem:s22+$0x10];
	v4 =	vmul.f32 v6, v5  }
0x98: {  	v5 =	vld [tilespmem:s22+$0xFFFFFF10]  }
0x99: {  	[tilespmem:s9+$0x90] =	vst v4;
	v4 =	vld [tilespmem:s9+$0xA0]  }
0x9a: {  	v2 =	vmul.f32 v3, v2;
	v3 =	vld [tilespmem:s22+$0xA0]  }
0x9b: {  	v6 =	vld [tilespmem:s9+$0xFFFFFF20]  }
0x9c: {  	[tilespmem:s9+$0xFFFFFF90] =	vst v2;
	v2 =	vld [tilespmem:s9+$0xFFFFFFA0];
	v0 =	vmul.f32 v0, v1  }
0x9d: {  	v1 =	vmul.f32 v5, v7;
	v5 =	vld [tilespmem:s22+$0xFFFFFFA0]  }
0x9e: {  	[tilespmem:s9+$0x10] =	vst v0;
	v0 =	vld [tilespmem:s9+$0x20]  }
0x9f: {  	[tilespmem:s9+$0xFFFFFF10] =	vst v1;
	v1 =	vld [tilespmem:s22+$0x20];
	v3 =	vmul.f32 v3, v4  }
0xa0: {  	v4 =	vld [tilespmem:s22+$0xFFFFFF20]  }
0xa1: {  	[tilespmem:s9+$0xA0] =	vst v3;
	v3 =	vld [tilespmem:s9+$0xB0]  }
0xa2: {  	v2 =	vmul.f32 v5, v2;
	v5 =	vld [tilespmem:s22+$0xB0]  }
0xa3: {  	v7 =	vld [tilespmem:s9+$0xFFFFFF30]  }
0xa4: {  	[tilespmem:s9+$0xFFFFFFA0] =	vst v2;
	v2 =	vld [tilespmem:s9+$0xFFFFFFB0];
	v0 =	vmul.f32 v1, v0  }
0xa5: {  	v1 =	vmul.f32 v4, v6;
	v4 =	vld [tilespmem:s22+$0xFFFFFFB0]  }
0xa6: {  	[tilespmem:s9+$0x20] =	vst v0;
	v0 =	vld [tilespmem:s9+$0x30]  }
0xa7: {  	[tilespmem:s9+$0xFFFFFF20] =	vst v1;
	v1 =	vld [tilespmem:s22+$0x30];
	v3 =	vmul.f32 v5, v3  }
0xa8: {  	v5 =	vld [tilespmem:s22+$0xFFFFFF30]  }
0xa9: {  	[tilespmem:s9+$0xB0] =	vst v3;
	v3 =	vld [tilespmem:s9+$0xC0]  }
0xaa: {  	v2 =	vmul.f32 v4, v2;
	v4 =	vld [tilespmem:s22+$0xC0]  }
0xab: {  	v6 =	vld [tilespmem:s9+$0xFFFFFF40]  }
0xac: {  	[tilespmem:s9+$0xFFFFFFB0] =	vst v2;
	v2 =	vld [tilespmem:s9+$0xFFFFFFC0];
	v0 =	vmul.f32 v1, v0  }
0xad: {  	v1 =	vmul.f32 v5, v7;
	v5 =	vld [tilespmem:s22+$0xFFFFFFC0]  }
0xae: {  	[tilespmem:s9+$0x30] =	vst v0;
	v0 =	vld [tilespmem:s9+$0x40]  }
0xaf: {  	[tilespmem:s9+$0xFFFFFF30] =	vst v1;
	v1 =	vld [tilespmem:s22+$0x40];
	v3 =	vmul.f32 v4, v3  }
0xb0: {  	v4 =	vld [tilespmem:s22+$0xFFFFFF40]  }
0xb1: {  	[tilespmem:s9+$0xC0] =	vst v3;
	v3 =	vld [tilespmem:s9+$0xD0]  }
0xb2: {  	v2 =	vmul.f32 v5, v2;
	v5 =	vld [tilespmem:s22+$0xD0]  }
0xb3: {  	v7 =	vld [tilespmem:s9+$0xFFFFFF50]  }
0xb4: {  	[tilespmem:s9+$0xFFFFFFC0] =	vst v2;
	v2 =	vld [tilespmem:s9+$0xFFFFFFD0];
	v0 =	vmul.f32 v1, v0  }
0xb5: {  	v1 =	vmul.f32 v4, v6;
	v4 =	vld [tilespmem:s22+$0xFFFFFFD0]  }
0xb6: {  	[tilespmem:s9+$0x40] =	vst v0;
	v0 =	vld [tilespmem:s9+$0x50]  }
0xb7: {  	[tilespmem:s9+$0xFFFFFF40] =	vst v1;
	v1 =	vld [tilespmem:s22+$0x50];
	v3 =	vmul.f32 v5, v3  }
0xb8: {  	v5 =	vld [tilespmem:s22+$0xFFFFFF50]  }
0xb9: {  	[tilespmem:s9+$0xD0] =	vst v3;
	v3 =	vld [tilespmem:s9+$0xE0]  }
0xba: {  	v2 =	vmul.f32 v4, v2;
	v4 =	vld [tilespmem:s22+$0xE0]  }
0xbb: {  	v6 =	vld [tilespmem:s9+$0xFFFFFF60]  }
0xbc: {  	[tilespmem:s9+$0xFFFFFFD0] =	vst v2;
	v2 =	vld [tilespmem:s9+$0xFFFFFFE0];
	v0 =	vmul.f32 v1, v0  }
0xbd: {  	v1 =	vmul.f32 v5, v7;
	v5 =	vld [tilespmem:s22+$0xFFFFFFE0]  }
0xbe: {  	[tilespmem:s9+$0x50] =	vst v0;
	v7 =	vld [tilespmem:s9+$0x60]  }
0xbf: {  	[tilespmem:s9+$0xFFFFFF50] =	vst v1;
	v8 =	vld [tilespmem:s22+$0x60];
	v0 =	vmul.f32 v4, v3  }
0xc0: {  	v3 =	vld [tilespmem:s22+$0xFFFFFF60]  }
0xc1: {  	[tilespmem:s9+$0xE0] =	vst v0;
	v9 =	vld [tilespmem:s9+$0xF0]  }
0xc2: {  	v1 =	vmul.f32 v5, v2;
	v5 =	vld [tilespmem:s22+$0xF0]  }
0xc3: {  	v0 =	vld [tilespmem:s9+$0xFFFFFF70]  }
.Ltmp0:
0xc4: {  	[tilespmem:s9+$0xFFFFFFE0] =	vst v1;
	v1 =	vld [tilespmem:s9+$0xFFFFFFF0];
	v2 =	vmul.f32 v8, v7;
	(pc) =	sbr.rel @p1 .LBB2_3-.Ltmp0, $4  }
0xc5: {  	v4 =	vmul.f32 v3, v6;
	v3 =	vld [tilespmem:s22+$0xFFFFFFF0]  }
0xc6: {  	[tilespmem:s9+$0x60] =	vst v2;
	v2 =	vld [tilespmem:s9+$0x70]  }
0xc7: {  	[tilespmem:s9+$0xFFFFFF60] =	vst v4;
	v4 =	vld [tilespmem:s22+$0x70];
	v6 =	vmul.f32 v5, v9  }
0xc8: {  	s9 =	sadd.s32 $0x200, s9;
	v5 =	vld [tilespmem:s22+$0xFFFFFF70]  }
0xc9: {  	_ =	sdelay $0x1  }
0xca: {  	v1 =	vmul.f32 v3, v1  }
0xcb: {  	[tilespmem:s8+$0xF0] =	vst v6;
	v2 =	vmul.f32 v4, v2  }
0xcc: {  	[tilespmem:s8+$0xFFFFFFF0] =	vst v1;
	v0 =	vmul.f32 v5, v0  }
0xcd: {  	s20 =	sshll.u32 s21, $0x1;
	[tilespmem:s8+$0x70] =	vst v2  }
0xce: {  	[tilespmem:s8+$0xFFFFFF70] =	vst v0;
	s8 =	sadd.s32 $0x2, s20  }
0xcf: {  	[spmem:s2] =	stream.indirect.scatter.add.f32 [tilespmem:s31], [sflag:$0x7], $0x80, s24, s30, $0xb8;
	[tilespmem:$0x1DA80] =	vst v63  }
0xd0: {  	s9 =	sshll.u32 s8, $0x7  }
0xd1: {  	s20 =	sand.u32 $0x7C00, s9  }
0xd2: {  	s9 =	sand.u32 $0x300, s9;
	s20 =	sadd.s32 s10, s20  }
0xd3: {  	_ =	swait.ge [sflag:s23], $0x2800;
	s9 =	sor.u32 s9, s20  }
0xd4: {  	[sflag:s23] =	ssyncset.done $0x0;
	s9 =	sshrl.u32 s9, $0x3  }
0xd5: {  	[sflag:s23] =	ssyncadd.s32 $0xFFFFD800;
	s22 =	sadd.s32 s6, s9  }
0xd6: {  	[tilespmem:s24], [sflag:$0x5] =	stream.linear.gather [hbm4b:s22+s3], $0x80, $0x38;
	[tilespmem:$0x1DA80] =	vst v63  }
0xd7: {  	s9 =	sadd.s32 s7, s9  }
0xd8: {  	[tilespmem:s25], [sflag:$0x5] =	stream.linear.gather [hbm4b:s9+s3], $0x80, $0x38;
	[tilespmem:$0x1DA80] =	vst v63  }
0xd9: {  	_ =	swait.ge [sflag:s29], $0x80  }
0xda: {  	[sflag:s29] =	ssyncset.done $0x0  }
0xdb: {  	s8 =	smul.u32 $0x2800, s8;
	[sflag:s29] =	ssyncadd.s32 $0xFFFFFF80  }
0xdc: {  	_ =	swait.ge [sflag:s29], $0x80  }
0xdd: {  	s8 =	sadd.s32 s15, s8;
	[sflag:s29] =	ssyncset.done $0x0  }
0xde: {  	s8 =	sshrl.u32 s8, $0x3;
	[sflag:s29] =	ssyncadd.s32 $0xFFFFFF80  }
0xdf: {  	[tilespmem:s31], [sflag:$0x1] =	stream.indirect.gather [hbm4b:s1+s30], $0x80, s25, s30, $0xb8;
	[tilespmem:$0x1DA80] =	vst v63  }
0xe0: {  	s8 =	sadd.s32 s5, s8  }
0xe1: {  	[tilespmem:s0], [sflag:$0x3] =	stream.linear.gather [hbm4b:s8+s3], $0x2800, $0x38;
	[tilespmem:$0x1DA80] =	vst v63  }
0xe2: {  	_ =	swait.ge [sflag:s16], $0x2800  }
0xe3: {  	[sflag:s16] =	ssyncset.done $0x0  }
0xe4: {  	[sflag:s16] =	ssyncadd.s32 $0xFFFFD800  }
0xe5: {  	_ =	swait.ge [sflag:s17], $0x2800  }
0xe6: {  	[sflag:s17] =	ssyncset.done $0x0  }
0xe7: {  	s8 =	simm.s32 $0x16380;
	[sflag:s17] =	ssyncadd.s32 $0xFFFFD800  }
0xe8: {  	s22 =	simm.s32 $0x1B380;
	v0 =	vld [tilespmem:s8+$0x80]  }
0xe9: {  	v1 =	vld [tilespmem:s22+$0x80]  }
0xea: {  	v2 =	vld [tilespmem:s8+$0xFFFFFF80]  }
0xeb: {  	v3 =	vld [tilespmem:s22+$0xFFFFFF80]  }
0xec: {  	v4 =	vld [tilespmem:s8+$0x0]  }
0xed: {  	v5 =	vld [tilespmem:s22+$0x0]  }
0xee: {  	v6 =	vld [tilespmem:s8+$0xFFFFFF00];
	v0 =	vmul.f32 v1, v0  }
0xef: {  	v1 =	vld [tilespmem:s22+$0xFFFFFF00]  }
0xf0: {  	[tilespmem:s8+$0x80] =	vst v0;
	v0 =	vld [tilespmem:s8+$0x90]  }
0xf1: {  	v2 =	vmul.f32 v3, v2;
	v3 =	vld [tilespmem:s22+$0x90]  }
0xf2: {  	v7 =	vld [tilespmem:s8+$0xFFFFFF10]  }
0xf3: {  	[tilespmem:s8+$0xFFFFFF80] =	vst v2;
	v2 =	vmul.f32 v5, v4;
	v4 =	vld [tilespmem:s8+$0xFFFFFF90]  }
0xf4: {  	v5 =	vld [tilespmem:s22+$0xFFFFFF90];
	v1 =	vmul.f32 v1, v6  }
0xf5: {  	[tilespmem:s8+$0x0] =	vst v2;
	v2 =	vld [tilespmem:s8+$0x10]  }
0xf6: {  	v6 =	vld [tilespmem:s22+$0x10];
	[tilespmem:s8+$0xFFFFFF00] =	vst v1;
	v0 =	vmul.f32 v3, v0  }
0xf7: {  	v1 =	vld [tilespmem:s22+$0xFFFFFF10]  }
0xf8: {  	[tilespmem:s8+$0x90] =	vst v0;
	v0 =	vld [tilespmem:s8+$0xA0]  }
0xf9: {  	v3 =	vmul.f32 v5, v4;
	v4 =	vld [tilespmem:s22+$0xA0]  }
0xfa: {  	v5 =	vld [tilespmem:s8+$0xFFFFFF20]  }
0xfb: {  	[tilespmem:s8+$0xFFFFFF90] =	vst v3;
	v2 =	vmul.f32 v6, v2;
	v3 =	vld [tilespmem:s8+$0xFFFFFFA0]  }
0xfc: {  	v6 =	vld [tilespmem:s22+$0xFFFFFFA0];
	v1 =	vmul.f32 v1, v7  }
0xfd: {  	[tilespmem:s8+$0x10] =	vst v2;
	v2 =	vld [tilespmem:s8+$0x20]  }
0xfe: {  	v7 =	vld [tilespmem:s22+$0x20];
	[tilespmem:s8+$0xFFFFFF10] =	vst v1;
	v0 =	vmul.f32 v4, v0  }
0xff: {  	v1 =	vld [tilespmem:s22+$0xFFFFFF20]  }
0x100: {  	[tilespmem:s8+$0xA0] =	vst v0;
	v0 =	vld [tilespmem:s8+$0xB0]  }
0x101: {  	v3 =	vmul.f32 v6, v3;
	v4 =	vld [tilespmem:s22+$0xB0]  }
0x102: {  	v6 =	vld [tilespmem:s8+$0xFFFFFF30]  }
0x103: {  	[tilespmem:s8+$0xFFFFFFA0] =	vst v3;
	v2 =	vmul.f32 v7, v2;
	v3 =	vld [tilespmem:s8+$0xFFFFFFB0]  }
0x104: {  	v7 =	vld [tilespmem:s22+$0xFFFFFFB0];
	v1 =	vmul.f32 v1, v5  }
0x105: {  	[tilespmem:s8+$0x20] =	vst v2;
	v2 =	vld [tilespmem:s8+$0x30]  }
0x106: {  	v5 =	vld [tilespmem:s22+$0x30];
	[tilespmem:s8+$0xFFFFFF20] =	vst v1;
	v0 =	vmul.f32 v4, v0  }
0x107: {  	v1 =	vld [tilespmem:s22+$0xFFFFFF30]  }
0x108: {  	[tilespmem:s8+$0xB0] =	vst v0;
	v0 =	vld [tilespmem:s8+$0xC0]  }
0x109: {  	v3 =	vmul.f32 v7, v3;
	v4 =	vld [tilespmem:s22+$0xC0]  }
0x10a: {  	v7 =	vld [tilespmem:s8+$0xFFFFFF40]  }
0x10b: {  	[tilespmem:s8+$0xFFFFFFB0] =	vst v3;
	v2 =	vmul.f32 v5, v2;
	v3 =	vld [tilespmem:s8+$0xFFFFFFC0]  }
0x10c: {  	v5 =	vld [tilespmem:s22+$0xFFFFFFC0];
	v1 =	vmul.f32 v1, v6  }
0x10d: {  	[tilespmem:s8+$0x30] =	vst v2;
	v2 =	vld [tilespmem:s8+$0x40]  }
0x10e: {  	v6 =	vld [tilespmem:s22+$0x40];
	[tilespmem:s8+$0xFFFFFF30] =	vst v1;
	v0 =	vmul.f32 v4, v0  }
0x10f: {  	v1 =	vld [tilespmem:s22+$0xFFFFFF40]  }
0x110: {  	[tilespmem:s8+$0xC0] =	vst v0;
	v0 =	vld [tilespmem:s8+$0xD0]  }
0x111: {  	v3 =	vmul.f32 v5, v3;
	v4 =	vld [tilespmem:s22+$0xD0]  }
0x112: {  	v5 =	vld [tilespmem:s8+$0xFFFFFF50]  }
0x113: {  	[tilespmem:s8+$0xFFFFFFC0] =	vst v3;
	v2 =	vmul.f32 v6, v2;
	v3 =	vld [tilespmem:s8+$0xFFFFFFD0]  }
0x114: {  	v6 =	vld [tilespmem:s22+$0xFFFFFFD0];
	v1 =	vmul.f32 v1, v7  }
0x115: {  	[tilespmem:s8+$0x40] =	vst v2;
	v2 =	vld [tilespmem:s8+$0x50]  }
0x116: {  	v7 =	vld [tilespmem:s22+$0x50];
	[tilespmem:s8+$0xFFFFFF40] =	vst v1;
	v0 =	vmul.f32 v4, v0  }
0x117: {  	v1 =	vld [tilespmem:s22+$0xFFFFFF50]  }
0x118: {  	[tilespmem:s8+$0xD0] =	vst v0;
	v0 =	vld [tilespmem:s8+$0xE0]  }
0x119: {  	v3 =	vmul.f32 v6, v3;
	v4 =	vld [tilespmem:s22+$0xE0]  }
0x11a: {  	v6 =	vld [tilespmem:s8+$0xFFFFFF60]  }
0x11b: {  	[tilespmem:s8+$0xFFFFFFD0] =	vst v3;
	v2 =	vmul.f32 v7, v2;
	v3 =	vld [tilespmem:s8+$0xFFFFFFE0]  }
0x11c: {  	v7 =	vld [tilespmem:s22+$0xFFFFFFE0];
	v1 =	vmul.f32 v1, v5  }
0x11d: {  	[tilespmem:s8+$0x50] =	vst v2;
	v2 =	vld [tilespmem:s8+$0x60]  }
0x11e: {  	v5 =	vld [tilespmem:s22+$0x60];
	[tilespmem:s8+$0xFFFFFF50] =	vst v1;
	v0 =	vmul.f32 v4, v0  }
0x11f: {  	v4 =	vld [tilespmem:s22+$0xFFFFFF60]  }
0x120: {  	v8 =	vld [tilespmem:s8+$0xF0];
	[tilespmem:s8+$0xE0] =	vst v0  }
0x121: {  	v1 =	vmul.f32 v7, v3;
	v7 =	vld [tilespmem:s22+$0xF0]  }
0x122: {  	v0 =	vld [tilespmem:s8+$0xFFFFFF70]  }
0x123: {  	[tilespmem:s8+$0xFFFFFFE0] =	vst v1;
	v2 =	vmul.f32 v5, v2;
	v1 =	vld [tilespmem:s8+$0xFFFFFFF0]  }
0x124: {  	v3 =	vld [tilespmem:s22+$0xFFFFFFF0];
	v4 =	vmul.f32 v4, v6  }
0x125: {  	[tilespmem:s8+$0x60] =	vst v2;
	v2 =	vld [tilespmem:s8+$0x70]  }
0x126: {  	[tilespmem:s8+$0xFFFFFF60] =	vst v4;
	v4 =	vld [tilespmem:s22+$0x70];
	v6 =	vmul.f32 v7, v8  }
0x127: {  	s20 =	simm.s32 $0x0;
	s9 =	simm.s32 $0x16580;
	v5 =	vld [tilespmem:s22+$0xFFFFFF70]  }
.LBB2_5:
0x128: {  	v7 =	vld [tilespmem:s9+$0x80];
	[tilespmem:s8+$0xF0] =	vst v6;
	s22 =	sadd.s32 $0x200, s22  }
0x129: {  	s20 =	sadd.s32 $0x4, s20;
	v6 =	vld [tilespmem:s22+$0x80];
	v1 =	vmul.f32 v3, v1  }
0x12a: {  	p1 =	slt.u32 s20, $0x4C;
	v3 =	vld [tilespmem:s22+$0xFFFFFF00]  }
0x12b: {  	v8 =	vld [tilespmem:s9+$0xFFFFFF80];
	[tilespmem:s8+$0xFFFFFFF0] =	vst v1;
	v1 =	vmul.f32 v4, v2  }
0x12c: {  	v2 =	vld [tilespmem:s22+$0xFFFFFF80];
	v0 =	vmul.f32 v5, v0  }
0x12d: {  	v4 =	vld [tilespmem:s9+$0x0];
	[tilespmem:s8+$0x70] =	vst v1  }
0x12e: {  	v1 =	vld [tilespmem:s22+$0x0];
	v5 =	vmul.f32 v6, v7;
	[tilespmem:s8+$0xFFFFFF70] =	vst v0;
	s8 =	smov.u32 s9  }
0x12f: {  	v0 =	vld [tilespmem:s9+$0xFFFFFF00]  }
0x130: {  	[tilespmem:s9+$0x80] =	vst v5;
	v5 =	vld [tilespmem:s9+$0x90]  }
0x131: {  	v2 =	vmul.f32 v2, v8;
	v6 =	vld [tilespmem:s22+$0x90]  }
0x132: {  	v7 =	vld [tilespmem:s9+$0xFFFFFF10]  }
0x133: {  	[tilespmem:s9+$0xFFFFFF80] =	vst v2;
	v2 =	vld [tilespmem:s9+$0xFFFFFF90];
	v1 =	vmul.f32 v1, v4  }
0x134: {  	v0 =	vmul.f32 v3, v0;
	v3 =	vld [tilespmem:s22+$0xFFFFFF90]  }
0x135: {  	[tilespmem:s9+$0x0] =	vst v1;
	v1 =	vld [tilespmem:s9+$0x10]  }
0x136: {  	[tilespmem:s9+$0xFFFFFF00] =	vst v0;
	v0 =	vld [tilespmem:s22+$0x10];
	v4 =	vmul.f32 v6, v5  }
0x137: {  	v5 =	vld [tilespmem:s22+$0xFFFFFF10]  }
0x138: {  	[tilespmem:s9+$0x90] =	vst v4;
	v4 =	vld [tilespmem:s9+$0xA0]  }
0x139: {  	v2 =	vmul.f32 v3, v2;
	v3 =	vld [tilespmem:s22+$0xA0]  }
0x13a: {  	v6 =	vld [tilespmem:s9+$0xFFFFFF20]  }
0x13b: {  	[tilespmem:s9+$0xFFFFFF90] =	vst v2;
	v2 =	vld [tilespmem:s9+$0xFFFFFFA0];
	v0 =	vmul.f32 v0, v1  }
0x13c: {  	v1 =	vmul.f32 v5, v7;
	v5 =	vld [tilespmem:s22+$0xFFFFFFA0]  }
0x13d: {  	[tilespmem:s9+$0x10] =	vst v0;
	v0 =	vld [tilespmem:s9+$0x20]  }
0x13e: {  	[tilespmem:s9+$0xFFFFFF10] =	vst v1;
	v1 =	vld [tilespmem:s22+$0x20];
	v3 =	vmul.f32 v3, v4  }
0x13f: {  	v4 =	vld [tilespmem:s22+$0xFFFFFF20]  }
0x140: {  	[tilespmem:s9+$0xA0] =	vst v3;
	v3 =	vld [tilespmem:s9+$0xB0]  }
0x141: {  	v2 =	vmul.f32 v5, v2;
	v5 =	vld [tilespmem:s22+$0xB0]  }
0x142: {  	v7 =	vld [tilespmem:s9+$0xFFFFFF30]  }
0x143: {  	[tilespmem:s9+$0xFFFFFFA0] =	vst v2;
	v2 =	vld [tilespmem:s9+$0xFFFFFFB0];
	v0 =	vmul.f32 v1, v0  }
0x144: {  	v1 =	vmul.f32 v4, v6;
	v4 =	vld [tilespmem:s22+$0xFFFFFFB0]  }
0x145: {  	[tilespmem:s9+$0x20] =	vst v0;
	v0 =	vld [tilespmem:s9+$0x30]  }
0x146: {  	[tilespmem:s9+$0xFFFFFF20] =	vst v1;
	v1 =	vld [tilespmem:s22+$0x30];
	v3 =	vmul.f32 v5, v3  }
0x147: {  	v5 =	vld [tilespmem:s22+$0xFFFFFF30]  }
0x148: {  	[tilespmem:s9+$0xB0] =	vst v3;
	v3 =	vld [tilespmem:s9+$0xC0]  }
0x149: {  	v2 =	vmul.f32 v4, v2;
	v4 =	vld [tilespmem:s22+$0xC0]  }
0x14a: {  	v6 =	vld [tilespmem:s9+$0xFFFFFF40]  }
0x14b: {  	[tilespmem:s9+$0xFFFFFFB0] =	vst v2;
	v2 =	vld [tilespmem:s9+$0xFFFFFFC0];
	v0 =	vmul.f32 v1, v0  }
0x14c: {  	v1 =	vmul.f32 v5, v7;
	v5 =	vld [tilespmem:s22+$0xFFFFFFC0]  }
0x14d: {  	[tilespmem:s9+$0x30] =	vst v0;
	v0 =	vld [tilespmem:s9+$0x40]  }
0x14e: {  	[tilespmem:s9+$0xFFFFFF30] =	vst v1;
	v1 =	vld [tilespmem:s22+$0x40];
	v3 =	vmul.f32 v4, v3  }
0x14f: {  	v4 =	vld [tilespmem:s22+$0xFFFFFF40]  }
0x150: {  	[tilespmem:s9+$0xC0] =	vst v3;
	v3 =	vld [tilespmem:s9+$0xD0]  }
0x151: {  	v2 =	vmul.f32 v5, v2;
	v5 =	vld [tilespmem:s22+$0xD0]  }
0x152: {  	v7 =	vld [tilespmem:s9+$0xFFFFFF50]  }
0x153: {  	[tilespmem:s9+$0xFFFFFFC0] =	vst v2;
	v2 =	vld [tilespmem:s9+$0xFFFFFFD0];
	v0 =	vmul.f32 v1, v0  }
0x154: {  	v1 =	vmul.f32 v4, v6;
	v4 =	vld [tilespmem:s22+$0xFFFFFFD0]  }
0x155: {  	[tilespmem:s9+$0x40] =	vst v0;
	v0 =	vld [tilespmem:s9+$0x50]  }
0x156: {  	[tilespmem:s9+$0xFFFFFF40] =	vst v1;
	v1 =	vld [tilespmem:s22+$0x50];
	v3 =	vmul.f32 v5, v3  }
0x157: {  	v5 =	vld [tilespmem:s22+$0xFFFFFF50]  }
0x158: {  	[tilespmem:s9+$0xD0] =	vst v3;
	v3 =	vld [tilespmem:s9+$0xE0]  }
0x159: {  	v2 =	vmul.f32 v4, v2;
	v4 =	vld [tilespmem:s22+$0xE0]  }
0x15a: {  	v6 =	vld [tilespmem:s9+$0xFFFFFF60]  }
0x15b: {  	[tilespmem:s9+$0xFFFFFFD0] =	vst v2;
	v2 =	vld [tilespmem:s9+$0xFFFFFFE0];
	v0 =	vmul.f32 v1, v0  }
0x15c: {  	v1 =	vmul.f32 v5, v7;
	v5 =	vld [tilespmem:s22+$0xFFFFFFE0]  }
0x15d: {  	[tilespmem:s9+$0x50] =	vst v0;
	v7 =	vld [tilespmem:s9+$0x60]  }
0x15e: {  	[tilespmem:s9+$0xFFFFFF50] =	vst v1;
	v8 =	vld [tilespmem:s22+$0x60];
	v0 =	vmul.f32 v4, v3  }
0x15f: {  	v3 =	vld [tilespmem:s22+$0xFFFFFF60]  }
0x160: {  	[tilespmem:s9+$0xE0] =	vst v0;
	v9 =	vld [tilespmem:s9+$0xF0]  }
0x161: {  	v1 =	vmul.f32 v5, v2;
	v5 =	vld [tilespmem:s22+$0xF0]  }
0x162: {  	v0 =	vld [tilespmem:s9+$0xFFFFFF70]  }
.Ltmp1:
0x163: {  	[tilespmem:s9+$0xFFFFFFE0] =	vst v1;
	v1 =	vld [tilespmem:s9+$0xFFFFFFF0];
	v2 =	vmul.f32 v8, v7;
	(pc) =	sbr.rel @p1 .LBB2_5-.Ltmp1, $4  }
0x164: {  	v4 =	vmul.f32 v3, v6;
	v3 =	vld [tilespmem:s22+$0xFFFFFFF0]  }
0x165: {  	[tilespmem:s9+$0x60] =	vst v2;
	v2 =	vld [tilespmem:s9+$0x70]  }
0x166: {  	[tilespmem:s9+$0xFFFFFF60] =	vst v4;
	v4 =	vld [tilespmem:s22+$0x70];
	v6 =	vmul.f32 v5, v9  }
0x167: {  	s9 =	sadd.s32 $0x200, s9;
	v5 =	vld [tilespmem:s22+$0xFFFFFF70]  }
0x168: {  	_ =	sdelay $0x1  }
0x169: {  	v1 =	vmul.f32 v3, v1  }
0x16a: {  	[tilespmem:s8+$0xF0] =	vst v6;
	v2 =	vmul.f32 v4, v2  }
0x16b: {  	[tilespmem:s8+$0xFFFFFFF0] =	vst v1;
	v0 =	vmul.f32 v5, v0  }
0x16c: {  	p1 =	seq.s32 s21, $0x3D;
	[tilespmem:s8+$0x70] =	vst v2  }
.Ltmp2:
0x16d: {  	[tilespmem:s8+$0xFFFFFF70] =	vst v0;
	(pc) =	sbr.rel @p1 .LBB2_8-.Ltmp2, $4  }
0x16e: {  	[spmem:s2] =	stream.indirect.scatter.add.f32 [tilespmem:s11], [sflag:$0x7], $0x80, s26, s30, $0xb8;
	[tilespmem:$0x1DA80] =	vst v63  }
0x16f: {  	_ =	swait.ge [sflag:s23], $0x2800  }
0x170: {  	[sflag:s23] =	ssyncset.done $0x0  }
0x171: {  	[sflag:s23] =	ssyncadd.s32 $0xFFFFD800  }
0x172: {  	s8 =	sshll.u32 s21, $0x8  }
0x173: {  	s8 =	sadd.s32 $0x180, s8  }
0x174: {  	s9 =	sand.u32 $0x7C00, s8  }
0x175: {  	s8 =	sand.u32 $0x380, s8;
	s9 =	sadd.s32 s10, s9  }
0x176: {  	s8 =	sor.u32 s8, s9  }
.Ltmp3:
0x177: {  	s8 =	sshrl.u32 s8, $0x3;
	(pc) =	sbr.rel .LBB2_2-.Ltmp3, $4  }
0x178: {  	s22 =	sadd.s32 s6, s8  }
0x179: {  	[tilespmem:s26], [sflag:$0x6] =	stream.linear.gather [hbm4b:s22+s3], $0x80, $0x38;
	[tilespmem:$0x1DA80] =	vst v63  }
0x17a: {  	s21 =	sadd.s32 $0x1, s21;
	s8 =	sadd.s32 s7, s8  }
0x17b: {  	[tilespmem:s28], [sflag:$0x6] =	stream.linear.gather [hbm4b:s8+s3], $0x80, $0x38;
	[tilespmem:$0x1DA80] =	vst v63  }
.LBB2_8:
0x17c: {  	_ =	swait.ge [sflag:s13], $0x2800  }
0x17d: {  	[sflag:s13] =	ssyncset.done $0x0  }
0x17e: {  	[sflag:s13] =	ssyncadd.s32 $0xFFFFD800  }
0x17f: {  	_ =	swait.ge [sflag:s14], $0x2800  }
0x180: {  	[sflag:s14] =	ssyncset.done $0x0  }
0x181: {  	s8 =	simm.s32 $0x13B80;
	[sflag:s14] =	ssyncadd.s32 $0xFFFFD800  }
0x182: {  	s21 =	simm.s32 $0x18B80;
	v0 =	vld [tilespmem:s8+$0x80]  }
0x183: {  	v1 =	vld [tilespmem:s21+$0x80]  }
0x184: {  	v2 =	vld [tilespmem:s8+$0xFFFFFF80]  }
0x185: {  	v3 =	vld [tilespmem:s21+$0xFFFFFF80]  }
0x186: {  	v4 =	vld [tilespmem:s8+$0x0]  }
0x187: {  	v5 =	vld [tilespmem:s21+$0x0]  }
0x188: {  	v6 =	vld [tilespmem:s8+$0xFFFFFF00];
	v0 =	vmul.f32 v1, v0  }
0x189: {  	v1 =	vld [tilespmem:s21+$0xFFFFFF00]  }
0x18a: {  	[tilespmem:s8+$0x80] =	vst v0;
	v0 =	vld [tilespmem:s8+$0x90]  }
0x18b: {  	v2 =	vmul.f32 v3, v2;
	v3 =	vld [tilespmem:s21+$0x90]  }
0x18c: {  	v7 =	vld [tilespmem:s8+$0xFFFFFF10]  }
0x18d: {  	[tilespmem:s8+$0xFFFFFF80] =	vst v2;
	v2 =	vmul.f32 v5, v4;
	v4 =	vld [tilespmem:s8+$0xFFFFFF90]  }
0x18e: {  	v5 =	vld [tilespmem:s21+$0xFFFFFF90];
	v1 =	vmul.f32 v1, v6  }
0x18f: {  	[tilespmem:s8+$0x0] =	vst v2;
	v2 =	vld [tilespmem:s8+$0x10]  }
0x190: {  	v6 =	vld [tilespmem:s21+$0x10];
	[tilespmem:s8+$0xFFFFFF00] =	vst v1;
	v0 =	vmul.f32 v3, v0  }
0x191: {  	v1 =	vld [tilespmem:s21+$0xFFFFFF10]  }
0x192: {  	[tilespmem:s8+$0x90] =	vst v0;
	v0 =	vld [tilespmem:s8+$0xA0]  }
0x193: {  	v3 =	vmul.f32 v5, v4;
	v4 =	vld [tilespmem:s21+$0xA0]  }
0x194: {  	v5 =	vld [tilespmem:s8+$0xFFFFFF20]  }
0x195: {  	[tilespmem:s8+$0xFFFFFF90] =	vst v3;
	v2 =	vmul.f32 v6, v2;
	v3 =	vld [tilespmem:s8+$0xFFFFFFA0]  }
0x196: {  	v6 =	vld [tilespmem:s21+$0xFFFFFFA0];
	v1 =	vmul.f32 v1, v7  }
0x197: {  	[tilespmem:s8+$0x10] =	vst v2;
	v2 =	vld [tilespmem:s8+$0x20]  }
0x198: {  	v7 =	vld [tilespmem:s21+$0x20];
	[tilespmem:s8+$0xFFFFFF10] =	vst v1;
	v0 =	vmul.f32 v4, v0  }
0x199: {  	v1 =	vld [tilespmem:s21+$0xFFFFFF20]  }
0x19a: {  	[tilespmem:s8+$0xA0] =	vst v0;
	v0 =	vld [tilespmem:s8+$0xB0]  }
0x19b: {  	v3 =	vmul.f32 v6, v3;
	v4 =	vld [tilespmem:s21+$0xB0]  }
0x19c: {  	v6 =	vld [tilespmem:s8+$0xFFFFFF30]  }
0x19d: {  	[tilespmem:s8+$0xFFFFFFA0] =	vst v3;
	v2 =	vmul.f32 v7, v2;
	v3 =	vld [tilespmem:s8+$0xFFFFFFB0]  }
0x19e: {  	v7 =	vld [tilespmem:s21+$0xFFFFFFB0];
	v1 =	vmul.f32 v1, v5  }
0x19f: {  	[tilespmem:s8+$0x20] =	vst v2;
	v2 =	vld [tilespmem:s8+$0x30]  }
0x1a0: {  	v5 =	vld [tilespmem:s21+$0x30];
	[tilespmem:s8+$0xFFFFFF20] =	vst v1;
	v0 =	vmul.f32 v4, v0  }
0x1a1: {  	v1 =	vld [tilespmem:s21+$0xFFFFFF30]  }
0x1a2: {  	[tilespmem:s8+$0xB0] =	vst v0;
	v0 =	vld [tilespmem:s8+$0xC0]  }
0x1a3: {  	v3 =	vmul.f32 v7, v3;
	v4 =	vld [tilespmem:s21+$0xC0]  }
0x1a4: {  	v7 =	vld [tilespmem:s8+$0xFFFFFF40]  }
0x1a5: {  	[tilespmem:s8+$0xFFFFFFB0] =	vst v3;
	v2 =	vmul.f32 v5, v2;
	v3 =	vld [tilespmem:s8+$0xFFFFFFC0]  }
0x1a6: {  	v5 =	vld [tilespmem:s21+$0xFFFFFFC0];
	v1 =	vmul.f32 v1, v6  }
0x1a7: {  	[tilespmem:s8+$0x30] =	vst v2;
	v2 =	vld [tilespmem:s8+$0x40]  }
0x1a8: {  	v6 =	vld [tilespmem:s21+$0x40];
	[tilespmem:s8+$0xFFFFFF30] =	vst v1;
	v0 =	vmul.f32 v4, v0  }
0x1a9: {  	v1 =	vld [tilespmem:s21+$0xFFFFFF40]  }
0x1aa: {  	[tilespmem:s8+$0xC0] =	vst v0;
	v0 =	vld [tilespmem:s8+$0xD0]  }
0x1ab: {  	v3 =	vmul.f32 v5, v3;
	v4 =	vld [tilespmem:s21+$0xD0]  }
0x1ac: {  	v5 =	vld [tilespmem:s8+$0xFFFFFF50]  }
0x1ad: {  	[tilespmem:s8+$0xFFFFFFC0] =	vst v3;
	v2 =	vmul.f32 v6, v2;
	v3 =	vld [tilespmem:s8+$0xFFFFFFD0]  }
0x1ae: {  	v6 =	vld [tilespmem:s21+$0xFFFFFFD0];
	v1 =	vmul.f32 v1, v7  }
0x1af: {  	[tilespmem:s8+$0x40] =	vst v2;
	v2 =	vld [tilespmem:s8+$0x50]  }
0x1b0: {  	v7 =	vld [tilespmem:s21+$0x50];
	[tilespmem:s8+$0xFFFFFF40] =	vst v1;
	v0 =	vmul.f32 v4, v0  }
0x1b1: {  	v1 =	vld [tilespmem:s21+$0xFFFFFF50]  }
0x1b2: {  	[tilespmem:s8+$0xD0] =	vst v0;
	v0 =	vld [tilespmem:s8+$0xE0]  }
0x1b3: {  	v3 =	vmul.f32 v6, v3;
	v4 =	vld [tilespmem:s21+$0xE0]  }
0x1b4: {  	v6 =	vld [tilespmem:s8+$0xFFFFFF60]  }
0x1b5: {  	[tilespmem:s8+$0xFFFFFFD0] =	vst v3;
	v2 =	vmul.f32 v7, v2;
	v3 =	vld [tilespmem:s8+$0xFFFFFFE0]  }
0x1b6: {  	v7 =	vld [tilespmem:s21+$0xFFFFFFE0];
	v1 =	vmul.f32 v1, v5  }
0x1b7: {  	[tilespmem:s8+$0x50] =	vst v2;
	v2 =	vld [tilespmem:s8+$0x60]  }
0x1b8: {  	v5 =	vld [tilespmem:s21+$0x60];
	[tilespmem:s8+$0xFFFFFF50] =	vst v1;
	v0 =	vmul.f32 v4, v0  }
0x1b9: {  	v4 =	vld [tilespmem:s21+$0xFFFFFF60]  }
0x1ba: {  	v8 =	vld [tilespmem:s8+$0xF0];
	[tilespmem:s8+$0xE0] =	vst v0  }
0x1bb: {  	v1 =	vmul.f32 v7, v3;
	v7 =	vld [tilespmem:s21+$0xF0]  }
0x1bc: {  	v0 =	vld [tilespmem:s8+$0xFFFFFF70]  }
0x1bd: {  	[tilespmem:s8+$0xFFFFFFE0] =	vst v1;
	v2 =	vmul.f32 v5, v2;
	v1 =	vld [tilespmem:s8+$0xFFFFFFF0]  }
0x1be: {  	v3 =	vld [tilespmem:s21+$0xFFFFFFF0];
	v4 =	vmul.f32 v4, v6  }
0x1bf: {  	[tilespmem:s8+$0x60] =	vst v2;
	v2 =	vld [tilespmem:s8+$0x70]  }
0x1c0: {  	[tilespmem:s8+$0xFFFFFF60] =	vst v4;
	v4 =	vld [tilespmem:s21+$0x70];
	v6 =	vmul.f32 v7, v8  }
0x1c1: {  	s20 =	simm.s32 $0x0;
	s9 =	simm.s32 $0x13D80;
	v5 =	vld [tilespmem:s21+$0xFFFFFF70]  }
.LBB2_9:
0x1c2: {  	v7 =	vld [tilespmem:s9+$0x80];
	[tilespmem:s8+$0xF0] =	vst v6;
	s21 =	sadd.s32 $0x200, s21  }
0x1c3: {  	s20 =	sadd.s32 $0x4, s20;
	v6 =	vld [tilespmem:s21+$0x80];
	v1 =	vmul.f32 v3, v1  }
0x1c4: {  	p1 =	slt.u32 s20, $0x4C;
	v3 =	vld [tilespmem:s21+$0xFFFFFF00]  }
0x1c5: {  	v8 =	vld [tilespmem:s9+$0xFFFFFF80];
	[tilespmem:s8+$0xFFFFFFF0] =	vst v1;
	v1 =	vmul.f32 v4, v2  }
0x1c6: {  	v2 =	vld [tilespmem:s21+$0xFFFFFF80];
	v0 =	vmul.f32 v5, v0  }
0x1c7: {  	v4 =	vld [tilespmem:s9+$0x0];
	[tilespmem:s8+$0x70] =	vst v1  }
0x1c8: {  	v1 =	vld [tilespmem:s21+$0x0];
	v5 =	vmul.f32 v6, v7;
	[tilespmem:s8+$0xFFFFFF70] =	vst v0;
	s8 =	smov.u32 s9  }
0x1c9: {  	v0 =	vld [tilespmem:s9+$0xFFFFFF00]  }
0x1ca: {  	[tilespmem:s9+$0x80] =	vst v5;
	v5 =	vld [tilespmem:s9+$0x90]  }
0x1cb: {  	v2 =	vmul.f32 v2, v8;
	v6 =	vld [tilespmem:s21+$0x90]  }
0x1cc: {  	v7 =	vld [tilespmem:s9+$0xFFFFFF10]  }
0x1cd: {  	[tilespmem:s9+$0xFFFFFF80] =	vst v2;
	v2 =	vld [tilespmem:s9+$0xFFFFFF90];
	v1 =	vmul.f32 v1, v4  }
0x1ce: {  	v0 =	vmul.f32 v3, v0;
	v3 =	vld [tilespmem:s21+$0xFFFFFF90]  }
0x1cf: {  	[tilespmem:s9+$0x0] =	vst v1;
	v1 =	vld [tilespmem:s9+$0x10]  }
0x1d0: {  	[tilespmem:s9+$0xFFFFFF00] =	vst v0;
	v0 =	vld [tilespmem:s21+$0x10];
	v4 =	vmul.f32 v6, v5  }
0x1d1: {  	v5 =	vld [tilespmem:s21+$0xFFFFFF10]  }
0x1d2: {  	[tilespmem:s9+$0x90] =	vst v4;
	v4 =	vld [tilespmem:s9+$0xA0]  }
0x1d3: {  	v2 =	vmul.f32 v3, v2;
	v3 =	vld [tilespmem:s21+$0xA0]  }
0x1d4: {  	v6 =	vld [tilespmem:s9+$0xFFFFFF20]  }
0x1d5: {  	[tilespmem:s9+$0xFFFFFF90] =	vst v2;
	v2 =	vld [tilespmem:s9+$0xFFFFFFA0];
	v0 =	vmul.f32 v0, v1  }
0x1d6: {  	v1 =	vmul.f32 v5, v7;
	v5 =	vld [tilespmem:s21+$0xFFFFFFA0]  }
0x1d7: {  	[tilespmem:s9+$0x10] =	vst v0;
	v0 =	vld [tilespmem:s9+$0x20]  }
0x1d8: {  	[tilespmem:s9+$0xFFFFFF10] =	vst v1;
	v1 =	vld [tilespmem:s21+$0x20];
	v3 =	vmul.f32 v3, v4  }
0x1d9: {  	v4 =	vld [tilespmem:s21+$0xFFFFFF20]  }
0x1da: {  	[tilespmem:s9+$0xA0] =	vst v3;
	v3 =	vld [tilespmem:s9+$0xB0]  }
0x1db: {  	v2 =	vmul.f32 v5, v2;
	v5 =	vld [tilespmem:s21+$0xB0]  }
0x1dc: {  	v7 =	vld [tilespmem:s9+$0xFFFFFF30]  }
0x1dd: {  	[tilespmem:s9+$0xFFFFFFA0] =	vst v2;
	v2 =	vld [tilespmem:s9+$0xFFFFFFB0];
	v0 =	vmul.f32 v1, v0  }
0x1de: {  	v1 =	vmul.f32 v4, v6;
	v4 =	vld [tilespmem:s21+$0xFFFFFFB0]  }
0x1df: {  	[tilespmem:s9+$0x20] =	vst v0;
	v0 =	vld [tilespmem:s9+$0x30]  }
0x1e0: {  	[tilespmem:s9+$0xFFFFFF20] =	vst v1;
	v1 =	vld [tilespmem:s21+$0x30];
	v3 =	vmul.f32 v5, v3  }
0x1e1: {  	v5 =	vld [tilespmem:s21+$0xFFFFFF30]  }
0x1e2: {  	[tilespmem:s9+$0xB0] =	vst v3;
	v3 =	vld [tilespmem:s9+$0xC0]  }
0x1e3: {  	v2 =	vmul.f32 v4, v2;
	v4 =	vld [tilespmem:s21+$0xC0]  }
0x1e4: {  	v6 =	vld [tilespmem:s9+$0xFFFFFF40]  }
0x1e5: {  	[tilespmem:s9+$0xFFFFFFB0] =	vst v2;
	v2 =	vld [tilespmem:s9+$0xFFFFFFC0];
	v0 =	vmul.f32 v1, v0  }
0x1e6: {  	v1 =	vmul.f32 v5, v7;
	v5 =	vld [tilespmem:s21+$0xFFFFFFC0]  }
0x1e7: {  	[tilespmem:s9+$0x30] =	vst v0;
	v0 =	vld [tilespmem:s9+$0x40]  }
0x1e8: {  	[tilespmem:s9+$0xFFFFFF30] =	vst v1;
	v1 =	vld [tilespmem:s21+$0x40];
	v3 =	vmul.f32 v4, v3  }
0x1e9: {  	v4 =	vld [tilespmem:s21+$0xFFFFFF40]  }
0x1ea: {  	[tilespmem:s9+$0xC0] =	vst v3;
	v3 =	vld [tilespmem:s9+$0xD0]  }
0x1eb: {  	v2 =	vmul.f32 v5, v2;
	v5 =	vld [tilespmem:s21+$0xD0]  }
0x1ec: {  	v7 =	vld [tilespmem:s9+$0xFFFFFF50]  }
0x1ed: {  	[tilespmem:s9+$0xFFFFFFC0] =	vst v2;
	v2 =	vld [tilespmem:s9+$0xFFFFFFD0];
	v0 =	vmul.f32 v1, v0  }
0x1ee: {  	v1 =	vmul.f32 v4, v6;
	v4 =	vld [tilespmem:s21+$0xFFFFFFD0]  }
0x1ef: {  	[tilespmem:s9+$0x40] =	vst v0;
	v0 =	vld [tilespmem:s9+$0x50]  }
0x1f0: {  	[tilespmem:s9+$0xFFFFFF40] =	vst v1;
	v1 =	vld [tilespmem:s21+$0x50];
	v3 =	vmul.f32 v5, v3  }
0x1f1: {  	v5 =	vld [tilespmem:s21+$0xFFFFFF50]  }
0x1f2: {  	[tilespmem:s9+$0xD0] =	vst v3;
	v3 =	vld [tilespmem:s9+$0xE0]  }
0x1f3: {  	v2 =	vmul.f32 v4, v2;
	v4 =	vld [tilespmem:s21+$0xE0]  }
0x1f4: {  	v6 =	vld [tilespmem:s9+$0xFFFFFF60]  }
0x1f5: {  	[tilespmem:s9+$0xFFFFFFD0] =	vst v2;
	v2 =	vld [tilespmem:s9+$0xFFFFFFE0];
	v0 =	vmul.f32 v1, v0  }
0x1f6: {  	v1 =	vmul.f32 v5, v7;
	v5 =	vld [tilespmem:s21+$0xFFFFFFE0]  }
0x1f7: {  	[tilespmem:s9+$0x50] =	vst v0;
	v7 =	vld [tilespmem:s9+$0x60]  }
0x1f8: {  	[tilespmem:s9+$0xFFFFFF50] =	vst v1;
	v8 =	vld [tilespmem:s21+$0x60];
	v0 =	vmul.f32 v4, v3  }
0x1f9: {  	v3 =	vld [tilespmem:s21+$0xFFFFFF60]  }
0x1fa: {  	[tilespmem:s9+$0xE0] =	vst v0;
	v9 =	vld [tilespmem:s9+$0xF0]  }
0x1fb: {  	v1 =	vmul.f32 v5, v2;
	v5 =	vld [tilespmem:s21+$0xF0]  }
0x1fc: {  	v0 =	vld [tilespmem:s9+$0xFFFFFF70]  }
.Ltmp4:
0x1fd: {  	[tilespmem:s9+$0xFFFFFFE0] =	vst v1;
	v1 =	vld [tilespmem:s9+$0xFFFFFFF0];
	v2 =	vmul.f32 v8, v7;
	(pc) =	sbr.rel @p1 .LBB2_9-.Ltmp4, $4  }
0x1fe: {  	v4 =	vmul.f32 v3, v6;
	v3 =	vld [tilespmem:s21+$0xFFFFFFF0]  }
0x1ff: {  	[tilespmem:s9+$0x60] =	vst v2;
	v2 =	vld [tilespmem:s9+$0x70]  }
0x200: {  	[tilespmem:s9+$0xFFFFFF60] =	vst v4;
	v4 =	vld [tilespmem:s21+$0x70];
	v6 =	vmul.f32 v5, v9  }
0x201: {  	s9 =	sadd.s32 $0x200, s9;
	v5 =	vld [tilespmem:s21+$0xFFFFFF70]  }
0x202: {  	_ =	sdelay $0x1  }
0x203: {  	v1 =	vmul.f32 v3, v1  }
0x204: {  	[tilespmem:s8+$0xF0] =	vst v6;
	v2 =	vmul.f32 v4, v2  }
0x205: {  	[tilespmem:s8+$0xFFFFFFF0] =	vst v1;
	v0 =	vmul.f32 v5, v0  }
0x206: {  	[tilespmem:s8+$0x70] =	vst v2  }
0x207: {  	[tilespmem:s8+$0xFFFFFF70] =	vst v0  }
0x208: {  	[spmem:s2] =	stream.indirect.scatter.add.f32 [tilespmem:s31], [sflag:$0x7], $0x80, s24, s30, $0xb8;
	[tilespmem:$0x1DA80] =	vst v63  }
0x209: {  	_ =	swait.ge [sflag:s23], $0x2800  }
0x20a: {  	[sflag:s23] =	ssyncset.done $0x0  }
0x20b: {  	[sflag:s23] =	ssyncadd.s32 $0xFFFFD800  }
0x20c: {  	[bflag:$0x0] =	sbarrier.arrive $0xFFFF  }
0x20d: {  	s20 =	rddreg [dreg:$0x5]  }
0x20e: {  	s9 =	rddreg [dreg:$0xc]  }
0x20f: {  	s21 =	rddreg [dreg:$0xf]  }
0x210: {  	[hbm:s9], [sflag:s20] =	dma.local [spmem:s21], $0x2700  }
0x211: {  	_ =	swait.ge [sflag:s23], $0x2700  }
0x212: {  	[sflag:s23] =	ssyncset.done $0x0;
	s8 =	rddreg [dreg:$0xd]  }
0x213: {  	s9 =	rddreg [dreg:$0x10];
	[sflag:s23] =	ssyncadd.s32 $0xFFFFD900  }
0x214: {  	[hbm:s8], [sflag:s20] =	dma.local @!p0 [spmem:s9], $0x100  }
0x215: {  	s8 =	simm.s32 @!p0 $0x7  }
0x216: {  	_ =	swait.ge @!p0 [sflag:s8], $0x100  }
0x217: {  	s19 =	sadd.s32 $0x1, s19;
	s22 =	rddreg [dreg:$0xe]  }
0x218: {  	p1 =	sne.s32 s19, s22  }
.Ltmp5:
0x219: {  	_ = 	snop;
	(pc) =	sbr.rel @p1 .LBB2_1-.Ltmp5, $3  }
0x21a: {  	_ =	sdelay $0x1  }
0x21b: {  	[sflag:s8] =	ssyncset.done @!p0 $0x0  }
0x21c: {  	[sflag:s8] =	ssyncadd.s32 @!p0 $0xFFFFFF00  }
0x21d: {  	_ =	sfence.sel $0x180000  }
0x21e: {  	[bflag:$0x0] =	sbarrier.arrive $0xFFFF  }
0x21f: {  	_ =	strace $0x9000004D  }
0x220: {  	s0 =	stileid.u32;
	[bflag:$0x2] =	sbarrier.arrive $0xFFFF  }
0x221: {  	p0 =	sne.s32 s0, $0x0;
	s0 =	rddreg [dreg:$0x3]  }
0x222: {  	s0 =	sadd.s32 @!p0 $0x100000, s0  }
0x223: {  	[sflag:s0] =	ssyncadd.tile.s32 @!p0 $0x1;
	_ =	shalt  }
.Lfunc_end2:
_tile_overlayer_lowered:
.L_overlay_start_2:
0x224: {  	(tag) =	ssettag $0x2  }
0x225: {  	s0 =	rddreg [dreg:$0x0];
	s2 =	stileid.u32  }
0x226: {  	s1 =	rddreg [dreg:$0x1];
	p0 =	sne.s32 s2, $0x0  }
0x227: {  	s3 =	rddreg [dreg:$0x2];
	[bflag:$0x3] =	sbarrier.arrive $0xFFFF;
	s2 =	simm.s32 @!p0 $0x1C07  }
0x228: {  	[timem:s3], [sflag:s2] =	dma.local @!p0 [hbm:s0], s1  }
0x229: {  	s0 =	simm.s32 @!p0 $0x7  }
0x22a: {  	_ =	swait.ge @!p0 [sflag:s0], s1  }
0x22b: {  	s1 =	ssub.s32 @!p0 $0x0, s1;
	[sflag:s0] =	ssyncset.done @!p0 $0x0  }
0x22c: {  	[sflag:s0] =	ssyncadd.s32 @!p0 s1  }
0x22d: {  	[bflag:$0x3] =	sbarrier.arrive $0xFFFF  }
0x22e: {  	_ =	shalt  }

</sc_bundles>
